<compile_context>
chip_gen: v7x
topology: tpu7x:2x2x1
jax: 0.10.2.dev20260603
libtpu: 0.0.44.dev20260713+nightly
codegen_flags: <defaults>
</compile_context>

<pallas_src>
import functools

import jax
import jax.numpy as jnp
import numpy as np
from jax import lax
from jax.experimental import pallas as pl
from jax.experimental.pallas import tpu as pltpu
from jax.experimental.pallas import tpu_sc as plsc

BN_EPS = 1e-5
SQ = float(np.sqrt(np.float32(1.0 + BN_EPS)))
F32 = jnp.float32
I32 = jnp.int32
HI = jax.lax.Precision.HIGHEST


def _wbs(layers):
    out = []
    for p in layers:
        out.append((p['W'], p['b'].reshape(1, -1), p['gamma'].reshape(1, -1),
                    p['beta'].reshape(1, -1)))
    return out


def _apply_layer(h, w, b, g, beta):
    h = jnp.dot(h, w, preferred_element_type=F32) + b
    h = h * g / SQ + beta
    return jnp.maximum(h, 0.0)


def _flatten(wbs):
    flat = []
    for t in wbs:
        flat.extend(t)
    return flat



def _fps_body(xt_ref, idx_ref, p2_ref, *, npoint, B, N):
    x = xt_ref[0:B, :]
    y = xt_ref[B:2 * B, :]
    z = xt_ref[2 * B:3 * B, :]
    p2_ref[...] = (x * x + y * y) + z * z
    iota = lax.broadcasted_iota(I32, (B, N), 1)
    siota = lax.broadcasted_iota(I32, (B, npoint), 1)
    biota = lax.broadcasted_iota(I32, (B, npoint), 0)

    def step(t, carry):
        dist, far, acc = carry
        acc = jnp.where(siota == t, far, acc)
        oh = iota == far
        cx = jnp.sum(jnp.where(oh, x, 0.0), axis=1, keepdims=True)
        cy = jnp.sum(jnp.where(oh, y, 0.0), axis=1, keepdims=True)
        cz = jnp.sum(jnp.where(oh, z, 0.0), axis=1, keepdims=True)
        dx = x - cx
        dy = y - cy
        dz = z - cz
        d = (dx * dx + dy * dy) + dz * dz
        dist = jnp.minimum(dist, d)
        m = jnp.max(dist, axis=1, keepdims=True)
        far = jnp.min(jnp.where(dist == m, iota, N), axis=1, keepdims=True)
        return dist, far, acc

    _, _, acc = lax.fori_loop(
        0, npoint, step,
        (jnp.full((B, N), 1e10, F32), jnp.zeros((B, 1), I32),
         jnp.minimum(siota + biota, 0)))
    idx_ref[...] = acc


def _fps(xt, npoint):
    B3, N = xt.shape
    B = B3 // 3
    return pl.pallas_call(
        functools.partial(_fps_body, npoint=npoint, B=B, N=N),
        out_shape=(jax.ShapeDtypeStruct((B, npoint), I32),
                   jax.ShapeDtypeStruct((B, N), F32)),
    )(xt)



def _sa_mlp_body(xg_ref, c_ref, *wb_refs, T, K, nl):
    out_ref = wb_refs[-1]
    wb = wb_refs[:-1]
    xg = xg_ref[...]
    c = c_ref[...]
    cb = jnp.broadcast_to(c[:, None, :], (T, K, 3)).reshape(T * K, 3)
    h = jnp.concatenate([xg, xg - cb], axis=1)
    for i in range(nl):
        h = _apply_layer(h, wb[4 * i][...], wb[4 * i + 1][...],
                         wb[4 * i + 2][...], wb[4 * i + 3][...])
    cout = h.shape[-1]
    out_ref[...] = jnp.max(h.reshape(T, K, cout), axis=1)


def _sa_mlp(xg, c, wbs, K, T=64):
    BS = c.shape[0]
    cout = wbs[-1][0].shape[1]
    flat = _flatten(wbs)
    in_specs = [
        pl.BlockSpec((T * K, 3), lambda i: (i, 0)),
        pl.BlockSpec((T, 3), lambda i: (i, 0)),
    ] + [pl.BlockSpec(a.shape, lambda i: (0, 0)) for a in flat]
    return pl.pallas_call(
        functools.partial(_sa_mlp_body, T=T, K=K, nl=len(wbs)),
        grid=(BS // T,),
        in_specs=in_specs,
        out_specs=pl.BlockSpec((T, cout), lambda i: (i, 0)),
        out_shape=jax.ShapeDtypeStruct((BS, cout), F32),
    )(xg, c, *flat)


def _sa2_mlp_body(rows_ref, c_ref, *wb_refs, T, K, nl, cf):
    out_ref = wb_refs[-1]
    wb = wb_refs[:-1]
    rows = rows_ref[...]
    c = c_ref[...]
    cb = jnp.broadcast_to(c[:, None, :], (T, K, 3)).reshape(T * K, 3)
    h = jnp.concatenate([rows[:, :cf], rows[:, cf:cf + 3] - cb], axis=1)
    for i in range(nl):
        h = _apply_layer(h, wb[4 * i][...], wb[4 * i + 1][...],
                         wb[4 * i + 2][...], wb[4 * i + 3][...])
    cout = h.shape[-1]
    out_ref[...] = jnp.max(h.reshape(T, K, cout), axis=1)


def _sa2_mlp(rows, c, wbs, K, T=32, cf=320):
    BS = c.shape[0]
    cin = rows.shape[1]
    cout = wbs[-1][0].shape[1]
    flat = _flatten(wbs)
    in_specs = [
        pl.BlockSpec((T * K, cin), lambda i: (i, 0)),
        pl.BlockSpec((T, 3), lambda i: (i, 0)),
    ] + [pl.BlockSpec(a.shape, lambda i: (0, 0)) for a in flat]
    return pl.pallas_call(
        functools.partial(_sa2_mlp_body, T=T, K=K, nl=len(wbs), cf=cf),
        grid=(BS // T,),
        in_specs=in_specs,
        out_specs=pl.BlockSpec((T, cout), lambda i: (i, 0)),
        out_shape=jax.ShapeDtypeStruct((BS, cout), F32),
    )(rows, c, *flat)



def _dense_body(x_ref, *wb_refs, pool, raw_last, nl):
    out_ref = wb_refs[-1]
    wb = wb_refs[:-1]
    h = x_ref[...]
    for i in range(nl):
        w, b, g, beta = (wb[4 * i][...], wb[4 * i + 1][...],
                         wb[4 * i + 2][...], wb[4 * i + 3][...])
        if raw_last and i == nl - 1:
            h = jnp.dot(h, w, preferred_element_type=F32) + b
        else:
            h = _apply_layer(h, w, b, g, beta)
    if pool > 1:
        r, cout = h.shape
        h = jnp.max(h.reshape(r // pool, pool, cout), axis=1)
        out_ref[...] = h.reshape(out_ref.shape)
    else:
        out_ref[...] = h


def _dense(x, wbs, T, pool=1, raw_last=False):
    R, cin = x.shape
    cout = wbs[-1][0].shape[1]
    flat = _flatten(wbs)
    in_specs = [pl.BlockSpec((T, cin), lambda i: (i, 0))] + [
        pl.BlockSpec(a.shape, lambda i: (0, 0)) for a in flat]
    if pool > 1:
        out_specs = pl.BlockSpec((1, T // pool, cout), lambda i: (i, 0, 0))
        out_shape = jax.ShapeDtypeStruct((R // T, T // pool, cout), F32)
    else:
        out_specs = pl.BlockSpec((T, cout), lambda i: (i, 0))
        out_shape = jax.ShapeDtypeStruct((R, cout), F32)
    res = pl.pallas_call(
        functools.partial(_dense_body, pool=pool, raw_last=raw_last,
                          nl=len(wbs)),
        grid=(R // T,),
        in_specs=in_specs,
        out_specs=out_specs,
        out_shape=out_shape,
    )(x, *flat)
    return res.reshape(R // pool, cout)



def _top3_weights(x1, x2t, R, S):
    s1 = jnp.sum(x1 * x1, axis=1, keepdims=True)
    s2 = jnp.sum(x2t * x2t, axis=0, keepdims=True)
    dot = jnp.dot(x1, x2t, preferred_element_type=F32)
    d = (-2.0 * dot + s1) + s2
    iota = lax.broadcasted_iota(I32, (R, S), 1)
    recips = []
    onehots = []
    for _ in range(3):
        mn = jnp.min(d, axis=1, keepdims=True)
        idx = jnp.min(jnp.where(d == mn, iota, S), axis=1, keepdims=True)
        oh = iota == idx
        recips.append(1.0 / (mn + 1e-8))
        onehots.append(oh)
        d = jnp.where(oh, jnp.inf, d)
    rsum = (recips[0] + recips[1]) + recips[2]
    wmat = jnp.zeros((R, S), F32)
    for oh, rc in zip(onehots, recips):
        wmat = wmat + jnp.where(oh, rc / rsum, 0.0)
    return wmat


def _fp_body(x1_ref, x2t_ref, p1_ref, p2_ref, *wb_refs, S, R, nl):
    out_ref = wb_refs[-1]
    wb = wb_refs[:-1]
    wmat = _top3_weights(x1_ref[0], x2t_ref[0], R, S)
    interp = jnp.dot(wmat, p2_ref[0], preferred_element_type=F32,
                     precision=HI)
    h = jnp.concatenate([p1_ref[0], interp], axis=1)
    for i in range(nl):
        h = _apply_layer(h, wb[4 * i][...], wb[4 * i + 1][...],
                         wb[4 * i + 2][...], wb[4 * i + 3][...])
    out_ref[0] = h


def _fp(x1, x2t, p1, p2, wbs, R):
    B, N, _ = x1.shape
    S = x2t.shape[2]
    cout = wbs[-1][0].shape[1]
    c1 = p1.shape[2]
    c2 = p2.shape[2]
    flat = _flatten(wbs)
    in_specs = [
        pl.BlockSpec((1, R, 3), lambda b, i: (b, i, 0)),
        pl.BlockSpec((1, 3, S), lambda b, i: (b, 0, 0)),
        pl.BlockSpec((1, R, c1), lambda b, i: (b, i, 0)),
        pl.BlockSpec((1, S, c2), lambda b, i: (b, 0, 0)),
    ] + [pl.BlockSpec(a.shape, lambda b, i: (0, 0)) for a in flat]
    return pl.pallas_call(
        functools.partial(_fp_body, S=S, R=R, nl=len(wbs)),
        grid=(B, N // R),
        in_specs=in_specs,
        out_specs=pl.BlockSpec((1, R, cout), lambda b, i: (b, i, 0)),
        out_shape=jax.ShapeDtypeStruct((B, N, cout), F32),
    )(x1, x2t, p1, p2, *flat)


def _fp1_head_body(x1_ref, x2t_ref, p2_ref, wa_ref, wbx_ref, w1i_ref,
                   b1_ref, g1_ref, be1_ref, *wb_refs, S, R, nl):
    out_ref = wb_refs[-1]
    wb = wb_refs[:-1]
    x1 = x1_ref[0]
    wmat = _top3_weights(x1, x2t_ref[0], R, S)
    interp = jnp.dot(wmat, p2_ref[0], preferred_element_type=F32,
                     precision=HI)
    h = (jnp.dot(x1, wa_ref[...], preferred_element_type=F32)
         + jnp.dot(x1, wbx_ref[...], preferred_element_type=F32)
         + jnp.dot(interp, w1i_ref[...], preferred_element_type=F32)
         + b1_ref[...])
    h = jnp.maximum(h * g1_ref[...] / SQ + be1_ref[...], 0.0)
    for i in range(nl):
        w, b, g, beta = (wb[4 * i][...], wb[4 * i + 1][...],
                         wb[4 * i + 2][...], wb[4 * i + 3][...])
        if i == nl - 1:
            h = jnp.dot(h, w, preferred_element_type=F32) + b
        else:
            h = _apply_layer(h, w, b, g, beta)
    out_ref[0] = h


def _fp1_head(x1, x2t, p2, wa, wbx, w1i, b1, g1, be1, wbs, R):
    B, N, _ = x1.shape
    S = x2t.shape[2]
    c2 = p2.shape[2]
    cout = wbs[-1][0].shape[1]
    c1 = w1i.shape[1]
    flat = _flatten(wbs)
    in_specs = [
        pl.BlockSpec((1, R, 3), lambda b, i: (b, i, 0)),
        pl.BlockSpec((1, 3, S), lambda b, i: (b, 0, 0)),
        pl.BlockSpec((1, S, c2), lambda b, i: (b, 0, 0)),
        pl.BlockSpec(wa.shape, lambda b, i: (0, 0)),
        pl.BlockSpec(wbx.shape, lambda b, i: (0, 0)),
        pl.BlockSpec(w1i.shape, lambda b, i: (0, 0)),
        pl.BlockSpec((1, c1), lambda b, i: (0, 0)),
        pl.BlockSpec((1, c1), lambda b, i: (0, 0)),
        pl.BlockSpec((1, c1), lambda b, i: (0, 0)),
    ] + [pl.BlockSpec(a.shape, lambda b, i: (0, 0)) for a in flat]
    return pl.pallas_call(
        functools.partial(_fp1_head_body, S=S, R=R, nl=len(wbs)),
        grid=(B, N // R),
        in_specs=in_specs,
        out_specs=pl.BlockSpec((1, R, cout), lambda b, i: (b, i, 0)),
        out_shape=jax.ShapeDtypeStruct((B, N, cout), F32),
    )(x1, x2t, p2, wa, wbx, w1i, b1.reshape(1, -1), g1.reshape(1, -1),
      be1.reshape(1, -1), *flat)



_LANES = 16


def _rbf16(v):
    bits = lax.bitcast_convert_type(v, I32)
    rnd = jnp.bitwise_and(lax.shift_right_logical(bits, 16), 1)
    bits = jnp.bitwise_and(bits + 32767 + rnd, -65536)
    return lax.bitcast_convert_type(bits, F32)


def _iota16():
    return lax.broadcasted_iota(I32, (_LANES,), 0)


def _sload(ref, i):
    return ref[pl.ds(i, _LANES)][0]


def _sc_ball1(xt, p2, fps, B, N, S, radii, ks):
    n_br = len(radii)
    r2s = [float(np.float32(r * r)) for r in radii]
    cpw = (B * S) // 32
    wpb = 32 // B
    mesh = plsc.VectorSubcoreMesh(core_axis_name="c", subcore_axis_name="s")
    kmax = max(ks)
    scratch = ([pltpu.VMEM((N,), F32)] * 3
               + [pltpu.VMEM((N,), F32)] * 3
               + [pltpu.VMEM((N,), F32)]
               + [pltpu.VMEM((cpw,), I32)]
               + [pltpu.VMEM((cpw + _LANES,), F32)] * 7
               + [pltpu.VMEM((N + _LANES,), I32)] * n_br
               + [pltpu.VMEM((kmax,), F32)] * 3)

    @functools.partial(
        pl.kernel,
        out_type=tuple([jax.ShapeDtypeStruct((B * S * 3 * k,), F32)
                        for k in ks]
                       + [jax.ShapeDtypeStruct((3 * B * S,), F32)]),
        mesh=mesh,
        scratch_types=scratch,
        compiler_params=pltpu.CompilerParams(needs_layout_passes=False),
    )
    def k(xt_h, p2_h, fps_h, *refs):
        outs = refs[:n_br]
        c_h = refs[n_br]
        xr, yr, zr, xb, yb, zb, pp = refs[n_br + 1:n_br + 8]
        ci = refs[n_br + 8]
        cxr, cyr, czr, cxb, cyb, czb, c2 = refs[n_br + 9:n_br + 16]
        ibufs = refs[n_br + 16:n_br + 16 + n_br]
        gxs, gys, gzs = refs[n_br + 16 + n_br:]
        wid = lax.axis_index("s") * 2 + lax.axis_index("c")
        b = wid // wpb
        cbase = (wid % wpb) * cpw
        pltpu.sync_copy(xt_h.at[pl.ds(b * N, N)], xr)
        pltpu.sync_copy(xt_h.at[pl.ds((B + b) * N, N)], yr)
        pltpu.sync_copy(xt_h.at[pl.ds((2 * B + b) * N, N)], zr)
        pltpu.sync_copy(p2_h.at[pl.ds(b * N, N)], pp)
        pltpu.sync_copy(fps_h.at[pl.ds(b * S + cbase, cpw)], ci)

        def round_chunk(i, _):
            sl = pl.ds(i * _LANES, _LANES)
            xb[sl] = _rbf16(xr[sl])
            yb[sl] = _rbf16(yr[sl])
            zb[sl] = _rbf16(zr[sl])
            return 0
        lax.fori_loop(0, N // _LANES, round_chunk, 0)

        for i in range(cpw // _LANES):
            sl = pl.ds(i * _LANES, _LANES)
            idx = ci[sl]
            gx = plsc.load_gather(xr, [idx])
            gy = plsc.load_gather(yr, [idx])
            gz = plsc.load_gather(zr, [idx])
            cxr[sl] = gx
            cyr[sl] = gy
            czr[sl] = gz
            cxb[sl] = _rbf16(gx)
            cyb[sl] = _rbf16(gy)
            czb[sl] = _rbf16(gz)
            c2[sl] = plsc.load_gather(pp, [idx])
        pltpu.sync_copy(cxr.at[pl.ds(0, cpw)],
                        c_h.at[pl.ds(b * S + cbase, cpw)])
        pltpu.sync_copy(cyr.at[pl.ds(0, cpw)],
                        c_h.at[pl.ds((B + b) * S + cbase, cpw)])
        pltpu.sync_copy(czr.at[pl.ds(0, cpw)],
                        c_h.at[pl.ds((2 * B + b) * S + cbase, cpw)])

        def per_center(j, _):
            cx = _sload(cxb, j)
            cy = _sload(cyb, j)
            cz = _sload(czb, j)
            c2s = _sload(c2, j)
            row = b * S + cbase + j

            def chunk(kk, cnts):
                sl = pl.ds(kk * _LANES, _LANES)
                d = (-2.0 * ((cx * xb[sl] + cy * yb[sl]) + cz * zb[sl])
                     + c2s) + pp[sl]
                jv = _iota16() + (kk * _LANES)
                new = []
                for t in range(n_br):
                    m = d <= r2s[t]
                    plsc.store_compressed(
                        ibufs[t].at[pl.ds(cnts[t], _LANES)], jv, mask=m)
                    new.append(
                        cnts[t] + plsc.all_reduce_population_count(m)[0])
                return tuple(new)

            cnts = lax.fori_loop(0, N // _LANES, chunk,
                                 tuple(jnp.int32(0) for _ in range(n_br)))
            for t in range(n_br):
                kt = ks[t]
                cc = jnp.minimum(cnts[t], kt)
                pad = lax.cond(cnts[t] > 0,
                               lambda: _sload(ibufs[t], 0),
                               lambda: jnp.int32(N - 1))
                for i in range(kt // _LANES):
                    sl = pl.ds(i * _LANES, _LANES)
                    lane = _iota16() + (i * _LANES)
                    idx = jnp.where(lane >= cc, pad, ibufs[t][sl])
                    gxs[sl] = plsc.load_gather(xr, [idx])
                    gys[sl] = plsc.load_gather(yr, [idx])
                    gzs[sl] = plsc.load_gather(zr, [idx])
                pltpu.sync_copy(gxs.at[pl.ds(0, kt)],
                                outs[t].at[pl.ds((row * 3) * kt, kt)])
                pltpu.sync_copy(gys.at[pl.ds(0, kt)],
                                outs[t].at[pl.ds((row * 3 + 1) * kt, kt)])
                pltpu.sync_copy(gzs.at[pl.ds(0, kt)],
                                outs[t].at[pl.ds((row * 3 + 2) * kt, kt)])
            return 0

        lax.fori_loop(0, cpw, per_center, 0)

    return k(xt, p2, fps)


def _sc_ball2(xt, p2, fps, table, B, N, S, radii, ks):
    n_br = len(radii)
    D = table.shape[1]
    r2s = [float(np.float32(r * r)) for r in radii]
    cpw = (B * S) // 32
    wpb = 32 // B
    mesh = plsc.VectorSubcoreMesh(core_axis_name="c", subcore_axis_name="s")
    scratch = ([pltpu.VMEM((N,), F32)] * 3
               + [pltpu.VMEM((N,), F32)]
               + [pltpu.VMEM((cpw,), I32)]
               + [pltpu.VMEM((cpw + _LANES,), F32)] * 7
               + [pltpu.VMEM((N + _LANES,), I32)] * n_br
               + [pltpu.VMEM((k,), I32) for k in ks]
               + [pltpu.VMEM((k, D), F32) for k in ks]
               + [pltpu.SemaphoreType.DMA])

    @functools.partial(
        pl.kernel,
        out_type=tuple([jax.ShapeDtypeStruct((B * S * k, D), F32) for k in ks]
                       + [jax.ShapeDtypeStruct((3 * B * S,), F32)]),
        mesh=mesh,
        scratch_types=scratch,
        compiler_params=pltpu.CompilerParams(needs_layout_passes=False),
    )
    def k(xt_h, p2_h, fps_h, tab_h, *refs):
        outs = refs[:n_br]
        c_h = refs[n_br]
        xb, yb, zb, pp = refs[n_br + 1:n_br + 5]
        ci = refs[n_br + 5]
        cxr, cyr, czr, cxb, cyb, czb, c2 = refs[n_br + 6:n_br + 13]
        bufs = refs[n_br + 13:n_br + 13 + n_br]
        idxs = refs[n_br + 13 + n_br:n_br + 13 + 2 * n_br]
        rows = refs[n_br + 13 + 2 * n_br:n_br + 13 + 3 * n_br]
        sem = refs[-1]
        wid = lax.axis_index("s") * 2 + lax.axis_index("c")
        b = wid // wpb
        cbase = (wid % wpb) * cpw
        pltpu.sync_copy(xt_h.at[pl.ds(b * N, N)], xb)
        pltpu.sync_copy(xt_h.at[pl.ds((B + b) * N, N)], yb)
        pltpu.sync_copy(xt_h.at[pl.ds((2 * B + b) * N, N)], zb)
        pltpu.sync_copy(p2_h.at[pl.ds(b * N, N)], pp)
        pltpu.sync_copy(fps_h.at[pl.ds(b * S + cbase, cpw)], ci)

        for i in range(cpw // _LANES):
            sl = pl.ds(i * _LANES, _LANES)
            idx = ci[sl]
            gx = plsc.load_gather(xb, [idx])
            gy = plsc.load_gather(yb, [idx])
            gz = plsc.load_gather(zb, [idx])
            cxr[sl] = gx
            cyr[sl] = gy
            czr[sl] = gz
            cxb[sl] = _rbf16(gx)
            cyb[sl] = _rbf16(gy)
            czb[sl] = _rbf16(gz)
            c2[sl] = plsc.load_gather(pp, [idx])
        pltpu.sync_copy(cxr.at[pl.ds(0, cpw)],
                        c_h.at[pl.ds(b * S + cbase, cpw)])
        pltpu.sync_copy(cyr.at[pl.ds(0, cpw)],
                        c_h.at[pl.ds((B + b) * S + cbase, cpw)])
        pltpu.sync_copy(czr.at[pl.ds(0, cpw)],
                        c_h.at[pl.ds((2 * B + b) * S + cbase, cpw)])

        def round_chunk(i, _):
            sl = pl.ds(i * _LANES, _LANES)
            xb[sl] = _rbf16(xb[sl])
            yb[sl] = _rbf16(yb[sl])
            zb[sl] = _rbf16(zb[sl])
            return 0
        lax.fori_loop(0, N // _LANES, round_chunk, 0)

        def per_center(j, _):
            cx = _sload(cxb, j)
            cy = _sload(cyb, j)
            cz = _sload(czb, j)
            c2s = _sload(c2, j)
            row = b * S + cbase + j

            def chunk(kk, cnts):
                sl = pl.ds(kk * _LANES, _LANES)
                d = (-2.0 * ((cx * xb[sl] + cy * yb[sl]) + cz * zb[sl])
                     + c2s) + pp[sl]
                jv = (_iota16() + (kk * _LANES)) + b * N
                new = []
                for t in range(n_br):
                    m = d <= r2s[t]
                    plsc.store_compressed(
                        bufs[t].at[pl.ds(cnts[t], _LANES)], jv, mask=m)
                    new.append(
                        cnts[t] + plsc.all_reduce_population_count(m)[0])
                return tuple(new)

            cnts = lax.fori_loop(0, N // _LANES, chunk,
                                 tuple(jnp.int32(0) for _ in range(n_br)))
            for t in range(n_br):
                kt = ks[t]
                cc = jnp.minimum(cnts[t], kt)
                pad = lax.cond(cnts[t] > 0,
                               lambda: _sload(bufs[t], 0),
                               lambda: b * N + (N - 1))
                for i in range(kt // _LANES):
                    sl = pl.ds(i * _LANES, _LANES)
                    lane = _iota16() + (i * _LANES)
                    idxs[t][sl] = jnp.where(lane >= cc, pad, bufs[t][sl])
                pltpu.async_copy(tab_h.at[idxs[t]], rows[t], sem).wait()
                pltpu.sync_copy(rows[t], outs[t].at[pl.ds(row * kt, kt)])
            return 0

        lax.fori_loop(0, cpw, per_center, 0)

    return k(xt, p2, fps, table)



def kernel(xyz, params):
    B, N, _ = xyz.shape
    xt = jnp.transpose(xyz, (2, 0, 1)).reshape(3 * B, N)

    S1 = 512
    fps1, p2_l0 = _fps(xt, S1)
    v0, v1, v2, c1t = _sc_ball1(xt.reshape(-1), p2_l0.reshape(-1),
                                fps1.reshape(-1), B, N, S1,
                                [0.1, 0.2, 0.4], [32, 64, 128])
    c1t = c1t.reshape(3, B, S1)
    new_xyz1 = jnp.transpose(c1t, (1, 2, 0))
    c1flat = new_xyz1.reshape(B * S1, 3)
    sa1_outs = []
    for vb, K, layers in zip([v0, v1, v2], [32, 64, 128], params['sa1']):
        gx = jnp.transpose(vb.reshape(B * S1, 3, K),
                           (0, 2, 1)).reshape(B * S1 * K, 3)
        sa1_outs.append(_sa_mlp(gx, c1flat, _wbs(layers), K))
    l1_points = jnp.concatenate(sa1_outs, axis=1)

    S2 = 128
    x1t = c1t.reshape(3 * B, S1)
    fps2, p2_l1 = _fps(x1t, S2)
    table = jnp.concatenate(
        [l1_points, c1flat, jnp.zeros((B * S1, 61), F32)], axis=1)
    g0, g1, c2t = _sc_ball2(x1t.reshape(-1), p2_l1.reshape(-1),
                            fps2.reshape(-1), table, B, S1, S2,
                            [0.4, 0.8], [64, 128])
    c2t = c2t.reshape(3, B, S2)
    new_xyz2 = jnp.transpose(c2t, (1, 2, 0))
    c2flat = new_xyz2.reshape(B * S2, 3)
    sa2_outs = []
    for g, K, layers in zip([g0, g1], [64, 128], params['sa2']):
        sa2_outs.append(_sa2_mlp(g, c2flat, _wbs(layers), K))
    l2_points = jnp.concatenate(sa2_outs, axis=1)

    x3 = jnp.concatenate([c2flat, l2_points], axis=1)
    l3_points = _dense(x3, _wbs(params['sa3']), T=S2, pool=S2)

    l2p = l2_points.reshape(B, S2, 512)
    x_fp3 = jnp.concatenate(
        [l2p, jnp.broadcast_to(l3_points[:, None, :], (B, S2, 1024))], axis=2)
    l2p = _dense(x_fp3.reshape(B * S2, 1536), _wbs(params['fp3']),
                 T=S2)

    x2t_b = jnp.transpose(new_xyz2, (0, 2, 1))
    l1p = _fp(new_xyz1, x2t_b, l1_points.reshape(B, S1, 320),
              l2p.reshape(B, S2, 256), _wbs(params['fp2']), R=S1)

    x1t_b = jnp.transpose(new_xyz1, (0, 2, 1))
    w1, b1, g1, be1 = _wbs(params['fp1'])[0]
    wa = w1[16:19]
    wbx = w1[19:22]
    w1i = w1[22:]
    zb = jnp.zeros((1, 50), F32)
    wbs_tail = _wbs(params['fp1'])[1:] + _wbs(params['head_conv1'])
    wbs_tail = wbs_tail + [(params['head_W2'],
                            params['head_b2'].reshape(1, -1), zb, zb)]
    out = _fp1_head(xyz, x1t_b, l1p, wa, wbx, w1i, b1, g1, be1, wbs_tail,
                    R=1024)
    return out

# --- scband reference (transcript-rebuilt; emitter-appended) ---
"""Pipeline reference for scband-mini-encoder-pn2-seg-41532333752451 (READ-ONLY COPY).

The authoritative reference and input builder live on the scoring server;
editing this copy changes nothing except your own understanding.
"""

import jax, jax.numpy as jnp
import numpy as np

BN_EPS = 1e-5

def square_distance(src, dst):
    d = -2.0 * jnp.einsum('bnc,bmc->bnm', src, dst)
    d = d + jnp.sum(src ** 2, -1)[:, :, None]
    d = d + jnp.sum(dst ** 2, -1)[:, None, :]
    return d

def index_points(points, idx):
    return jax.vmap(lambda p, i: p[i])(points, idx)

def farthest_point_sample(xyz, npoint):
    xyz = jax.lax.stop_gradient(xyz)
    B, N, _ = xyz.shape
    def step(state, _):
        distance, farthest = state
        centroid = jax.vmap(lambda p, f: p[f])(xyz, farthest)[:, None, :]
        dist = jnp.sum((xyz - centroid) ** 2, -1)
        distance = jnp.minimum(distance, dist)
        return (distance, jnp.argmax(distance, -1).astype(jnp.int32)), farthest
    init = (jnp.full((B, N), 1e10, dtype=xyz.dtype), jnp.zeros((B,), jnp.int32))
    _, idxs = jax.lax.scan(step, init, None, length=npoint)
    return jnp.transpose(idxs)

def query_ball_point(radius, nsample, xyz, new_xyz):
    B, N, _ = xyz.shape
    S = new_xyz.shape[1]
    sqrdists = square_distance(new_xyz, xyz)
    group_idx = jnp.broadcast_to(jnp.arange(N, dtype=jnp.int32), (B, S, N))
    group_idx = jnp.where(sqrdists > radius ** 2, N, group_idx)
    group_idx = jnp.sort(group_idx, axis=-1)[:, :, :nsample]
    group_first = group_idx[:, :, :1]
    group_idx = jnp.where(group_idx == N, jnp.broadcast_to(group_first, group_idx.shape), group_idx)
    return group_idx

def apply_mlp(x, layers):
    for p in layers:
        x = x @ p['W'] + p['b']
        x = x * p['gamma'] / jnp.sqrt(1.0 + BN_EPS) + p['beta']
        x = jax.nn.relu(x)
    return x

def set_abstraction_msg(xyz, points, npoint, radii, nsamples, branch_params):
    fps_idx = farthest_point_sample(xyz, npoint)
    new_xyz = index_points(xyz, fps_idx)
    outs = []
    for radius, K, layers in zip(radii, nsamples, branch_params):
        gidx = query_ball_point(radius, K, xyz, new_xyz)
        grouped_xyz = index_points(xyz, gidx) - new_xyz[:, :, None, :]
        grouped_points = jnp.concatenate([index_points(points, gidx), grouped_xyz], -1)
        outs.append(jnp.max(apply_mlp(grouped_points, layers), axis=2))
    return new_xyz, jnp.concatenate(outs, -1)

def set_abstraction_all(xyz, points, layers):
    B = xyz.shape[0]
    grouped = jnp.concatenate([xyz, points], -1)[:, None]
    new_points = jnp.max(apply_mlp(grouped, layers), axis=2)
    return jnp.zeros((B, 1, 3), xyz.dtype), new_points

def feature_propagation(xyz1, xyz2, points1, points2, layers):
    B, N, _ = xyz1.shape
    S = xyz2.shape[1]
    if S == 1:
        interpolated = jnp.broadcast_to(points2, (B, N, points2.shape[-1]))
    else:
        dists = square_distance(xyz1, xyz2)
        idx = jnp.argsort(dists, axis=-1)[:, :, :3]
        d3 = jnp.take_along_axis(dists, idx, axis=-1)
        recip = 1.0 / (d3 + 1e-8)
        weight = recip / jnp.sum(recip, -1, keepdims=True)
        interpolated = jnp.sum(index_points(points2, idx) * weight[..., None], axis=2)
    if points1 is not None:
        interpolated = jnp.concatenate([points1, interpolated], -1)
    return apply_mlp(interpolated, layers)

def forward(xyz, params):
    B, N, _ = xyz.shape
    l0_xyz = xyz
    l0_points = xyz
    l1_xyz, l1_points = set_abstraction_msg(l0_xyz, l0_points, 512, [0.1, 0.2, 0.4], [32, 64, 128], params['sa1'])
    l2_xyz, l2_points = set_abstraction_msg(l1_xyz, l1_points, 128, [0.4, 0.8], [64, 128], params['sa2'])
    l3_xyz, l3_points = set_abstraction_all(l2_xyz, l2_points, params['sa3'])
    l2_points = feature_propagation(l2_xyz, l3_xyz, l2_points, l3_points, params['fp3'])
    l1_points = feature_propagation(l1_xyz, l2_xyz, l1_points, l2_points, params['fp2'])
    cls_one_hot = jnp.zeros((B, N, 16), xyz.dtype)
    p1 = jnp.concatenate([cls_one_hot, l0_xyz, l0_points], -1)
    l0_feat = feature_propagation(l0_xyz, l1_xyz, p1, l1_points, params['fp1'])
    h = apply_mlp(l0_feat, params['head_conv1'])
    out = h @ params['head_W2'] + params['head_b2']
    return out

def make_layers(key, channels):
    layers = []
    for cin, cout in zip(channels[:-1], channels[1:]):
        key, k1, k2, k3 = jax.random.split(key, 4)
        layers.append({
            'W': jax.random.normal(k1, (cin, cout), jnp.float32) / np.sqrt(cin),
            'b': jnp.zeros((cout,), jnp.float32),
            'gamma': 1.0 + 0.1 * jax.random.normal(k2, (cout,), jnp.float32),
            'beta': 0.1 * jax.random.normal(k3, (cout,), jnp.float32),
        })
    return key, layers

def setup_inputs(seed: int = 0):
    key = jax.random.key(seed)
    key, kx = jax.random.split(key)
    xyz = jax.random.uniform(kx, (4, 4096, 3), jnp.float32)
    params = {}
    key, b0 = make_layers(key, [6, 32, 32, 64])
    key, b1 = make_layers(key, [6, 64, 64, 128])
    key, b2 = make_layers(key, [6, 64, 96, 128])
    params['sa1'] = [b0, b1, b2]
    key, c0 = make_layers(key, [323, 128, 128, 256])
    key, c1 = make_layers(key, [323, 128, 196, 256])
    params['sa2'] = [c0, c1]
    key, params['sa3'] = make_layers(key, [515, 256, 512, 1024])
    key, params['fp3'] = make_layers(key, [1536, 256, 256])
    key, params['fp2'] = make_layers(key, [576, 256, 128])
    key, params['fp1'] = make_layers(key, [150, 128, 128])
    key, params['head_conv1'] = make_layers(key, [128, 64])
    key, kw = jax.random.split(key)
    params['head_W2'] = jax.random.normal(kw, (64, 50), jnp.float32) / np.sqrt(64)
    params['head_b2'] = jnp.zeros((50,), jnp.float32)
    return {'xyz': xyz, 'params': params}

def reference(xyz, params):
    return forward(xyz, params)

if __name__ == "__main__":
    import jax
    _d = setup_inputs()
    print(jax.jit(kernel)(*tuple(_d.values())))

</pallas_src>

<mosaic_0001>
#map = affine_map<(d0, d1) -> (0)>
module attributes {stable_mosaic.version = 14 : i64} {
  func.func @k(%arg0: i32, %arg1: i32, %arg2: memref<49152xf32, #tpu.memory_space<hbm>>, %arg3: memref<16384xf32, #tpu.memory_space<hbm>>, %arg4: memref<2048xi32, #tpu.memory_space<hbm>>, %arg5: memref<196608xf32, #tpu.memory_space<hbm>>, %arg6: memref<393216xf32, #tpu.memory_space<hbm>>, %arg7: memref<786432xf32, #tpu.memory_space<hbm>>, %arg8: memref<6144xf32, #tpu.memory_space<hbm>>, %arg9: memref<4096xf32, #tpu.memory_space<vmem>>, %arg10: memref<4096xf32, #tpu.memory_space<vmem>>, %arg11: memref<4096xf32, #tpu.memory_space<vmem>>, %arg12: memref<4096xf32, #tpu.memory_space<vmem>>, %arg13: memref<4096xf32, #tpu.memory_space<vmem>>, %arg14: memref<4096xf32, #tpu.memory_space<vmem>>, %arg15: memref<4096xf32, #tpu.memory_space<vmem>>, %arg16: memref<64xi32, #tpu.memory_space<vmem>>, %arg17: memref<80xf32, #tpu.memory_space<vmem>>, %arg18: memref<80xf32, #tpu.memory_space<vmem>>, %arg19: memref<80xf32, #tpu.memory_space<vmem>>, %arg20: memref<80xf32, #tpu.memory_space<vmem>>, %arg21: memref<80xf32, #tpu.memory_space<vmem>>, %arg22: memref<80xf32, #tpu.memory_space<vmem>>, %arg23: memref<80xf32, #tpu.memory_space<vmem>>, %arg24: memref<4112xi32, #tpu.memory_space<vmem>>, %arg25: memref<4112xi32, #tpu.memory_space<vmem>>, %arg26: memref<4112xi32, #tpu.memory_space<vmem>>, %arg27: memref<128xf32, #tpu.memory_space<vmem>>, %arg28: memref<128xf32, #tpu.memory_space<vmem>>, %arg29: memref<128xf32, #tpu.memory_space<vmem>>) attributes {dimension_semantics = [#tpu.dimension_semantics<core_parallel>, #tpu.dimension_semantics<subcore_parallel>], iteration_bounds = array<i64: 2, 16>, scalar_prefetch = 0 : i64, scratch_operands = 21 : i64, tpu.core_type = #tpu.core_type<sc_vector_subcore>, window_params = [{transform_indices = #map}, {transform_indices = #map}, {transform_indices = #map}, {transform_indices = #map}, {transform_indices = #map}, {transform_indices = #map}, {transform_indices = #map}]} {
    %mul3A = arith.constant 2 : i32
    %mul3A_0 = arith.muli %arg1, %mul3A : i32
    %add3A = arith.addi %mul3A_0, %arg0 : i32
    %jit3A = arith.constant 8 : i32
    %div3A = arith.divsi %add3A, %jit3A : i32
    %sign3A = arith.constant 0 : i32
    %sign3A_1 = arith.cmpi sgt, %add3A, %sign3A : i32
    %sign3A_2 = arith.extui %sign3A_1 : i1 to i32
    %sign3A_3 = arith.constant 0 : i32
    %sign3A_4 = arith.cmpi slt, %add3A, %sign3A_3 : i32
    %sign3A_5 = arith.extui %sign3A_4 : i1 to i32
    %sign3A_6 = arith.subi %sign3A_2, %sign3A_5 : i32
    %sign3A_7 = arith.constant 0 : i32
    %sign3A_8 = arith.cmpi sgt, %jit3A, %sign3A_7 : i32
    %sign3A_9 = arith.extui %sign3A_8 : i1 to i32
    %sign3A_10 = arith.constant 0 : i32
    %sign3A_11 = arith.cmpi slt, %jit3A, %sign3A_10 : i32
    %sign3A_12 = arith.extui %sign3A_11 : i1 to i32
    %sign3A_13 = arith.subi %sign3A_9, %sign3A_12 : i32
    %ne3A = arith.cmpi ne, %sign3A_6, %sign3A_13 : i32
    %rem3A = arith.remsi %add3A, %jit3A : i32
    %ne3A_14 = arith.constant 0 : i32
    %ne3A_15 = arith.cmpi ne, %rem3A, %ne3A_14 : i32
    %and3A = arith.andi %ne3A, %ne3A_15 : i1
    %sub3A = arith.constant 1 : i32
    %sub3A_16 = arith.subi %div3A, %sub3A : i32
    %select_n3A = arith.select %and3A, %sub3A_16, %div3A : i32
    %jit3A_17 = arith.constant 8 : i32
    %eq3A = arith.constant 0 : i32
    %eq3A_18 = arith.cmpi eq, %jit3A_17, %eq3A : i32
    %jit3A_19 = arith.constant 1 : i32
    %select_n3A_20 = arith.select %eq3A_18, %jit3A_19, %jit3A_17 : i32
    %rem3A_21 = arith.remsi %add3A, %select_n3A_20 : i32
    %ne3A_22 = arith.constant 0 : i32
    %ne3A_23 = arith.cmpi ne, %rem3A_21, %ne3A_22 : i32
    %lt3A = arith.constant 0 : i32
    %lt3A_24 = arith.cmpi slt, %rem3A_21, %lt3A : i32
    %lt3A_25 = arith.constant 0 : i32
    %lt3A_26 = arith.cmpi slt, %select_n3A_20, %lt3A_25 : i32
    %ne3A_27 = arith.xori %lt3A_24, %lt3A_26 : i1
    %and3A_28 = arith.andi %ne3A_27, %ne3A_23 : i1
    %add3A_29 = arith.addi %rem3A_21, %select_n3A_20 : i32
    %select_n3A_30 = arith.select %and3A_28, %add3A_29, %rem3A_21 : i32
    %mul3A_31 = arith.constant 64 : i32
    %mul3A_32 = arith.muli %select_n3A_30, %mul3A_31 : i32
    %mul3A_33 = arith.constant 4096 : i32
    %mul3A_34 = arith.muli %select_n3A, %mul3A_33 : i32
    "tpu.region"() ({
      %run_scoped3A = tpu.sem_alloc : memref<!tpu.dma_semaphore, #tpu.memory_space<semaphore_mem>>
      %dma_start3A = tpu.memref_slice %arg2[%mul3A_34] : memref<49152xf32, #tpu.memory_space<hbm>> -> memref<4096xf32, #tpu.memory_space<hbm>>
      %dma_start3A_329 = tpu.memref_slice %arg2[%mul3A_34] : memref<49152xf32, #tpu.memory_space<hbm>> -> memref<4096xf32, #tpu.memory_space<hbm>>
      tpu.enqueue_dma source(%dma_start3A_329 : memref<4096xf32, #tpu.memory_space<hbm>>) target(%arg9 : memref<4096xf32, #tpu.memory_space<vmem>>) target_semaphore(%run_scoped3A : memref<!tpu.dma_semaphore, #tpu.memory_space<semaphore_mem>>)
      %dma_wait3A = tpu.memref_slice %arg2[%mul3A_34] : memref<49152xf32, #tpu.memory_space<hbm>> -> memref<4096xf32, #tpu.memory_space<hbm>>
      %dma_wait3A_330 = tpu.memref_slice %arg2[%mul3A_34] : memref<49152xf32, #tpu.memory_space<hbm>> -> memref<4096xf32, #tpu.memory_space<hbm>>
      tpu.wait_dma2 semaphore(%run_scoped3A : memref<!tpu.dma_semaphore, #tpu.memory_space<semaphore_mem>>) src(%dma_wait3A_330 : memref<4096xf32, #tpu.memory_space<hbm>>) dst(%arg9 : memref<4096xf32, #tpu.memory_space<vmem>>)
      tpu.yield
    }) : () -> ()
    %add3A_35 = arith.constant 4 : i32
    %add3A_36 = arith.addi %add3A_35, %select_n3A : i32
    %mul3A_37 = arith.constant 4096 : i32
    %mul3A_38 = arith.muli %add3A_36, %mul3A_37 : i32
    "tpu.region"() ({
      %run_scoped3A = tpu.sem_alloc : memref<!tpu.dma_semaphore, #tpu.memory_space<semaphore_mem>>
      %dma_start3A = tpu.memref_slice %arg2[%mul3A_38] : memref<49152xf32, #tpu.memory_space<hbm>> -> memref<4096xf32, #tpu.memory_space<hbm>>
      %dma_start3A_329 = tpu.memref_slice %arg2[%mul3A_38] : memref<49152xf32, #tpu.memory_space<hbm>> -> memref<4096xf32, #tpu.memory_space<hbm>>
      tpu.enqueue_dma source(%dma_start3A_329 : memref<4096xf32, #tpu.memory_space<hbm>>) target(%arg10 : memref<4096xf32, #tpu.memory_space<vmem>>) target_semaphore(%run_scoped3A : memref<!tpu.dma_semaphore, #tpu.memory_space<semaphore_mem>>)
      %dma_wait3A = tpu.memref_slice %arg2[%mul3A_38] : memref<49152xf32, #tpu.memory_space<hbm>> -> memref<4096xf32, #tpu.memory_space<hbm>>
      %dma_wait3A_330 = tpu.memref_slice %arg2[%mul3A_38] : memref<49152xf32, #tpu.memory_space<hbm>> -> memref<4096xf32, #tpu.memory_space<hbm>>
      tpu.wait_dma2 semaphore(%run_scoped3A : memref<!tpu.dma_semaphore, #tpu.memory_space<semaphore_mem>>) src(%dma_wait3A_330 : memref<4096xf32, #tpu.memory_space<hbm>>) dst(%arg10 : memref<4096xf32, #tpu.memory_space<vmem>>)
      tpu.yield
    }) : () -> ()
    %add3A_39 = arith.constant 8 : i32
    %add3A_40 = arith.addi %add3A_39, %select_n3A : i32
    %mul3A_41 = arith.constant 4096 : i32
    %mul3A_42 = arith.muli %add3A_40, %mul3A_41 : i32
    "tpu.region"() ({
      %run_scoped3A = tpu.sem_alloc : memref<!tpu.dma_semaphore, #tpu.memory_space<semaphore_mem>>
      %dma_start3A = tpu.memref_slice %arg2[%mul3A_42] : memref<49152xf32, #tpu.memory_space<hbm>> -> memref<4096xf32, #tpu.memory_space<hbm>>
      %dma_start3A_329 = tpu.memref_slice %arg2[%mul3A_42] : memref<49152xf32, #tpu.memory_space<hbm>> -> memref<4096xf32, #tpu.memory_space<hbm>>
      tpu.enqueue_dma source(%dma_start3A_329 : memref<4096xf32, #tpu.memory_space<hbm>>) target(%arg11 : memref<4096xf32, #tpu.memory_space<vmem>>) target_semaphore(%run_scoped3A : memref<!tpu.dma_semaphore, #tpu.memory_space<semaphore_mem>>)
      %dma_wait3A = tpu.memref_slice %arg2[%mul3A_42] : memref<49152xf32, #tpu.memory_space<hbm>> -> memref<4096xf32, #tpu.memory_space<hbm>>
      %dma_wait3A_330 = tpu.memref_slice %arg2[%mul3A_42] : memref<49152xf32, #tpu.memory_space<hbm>> -> memref<4096xf32, #tpu.memory_space<hbm>>
      tpu.wait_dma2 semaphore(%run_scoped3A : memref<!tpu.dma_semaphore, #tpu.memory_space<semaphore_mem>>) src(%dma_wait3A_330 : memref<4096xf32, #tpu.memory_space<hbm>>) dst(%arg11 : memref<4096xf32, #tpu.memory_space<vmem>>)
      tpu.yield
    }) : () -> ()
    %mul3A_43 = arith.constant 4096 : i32
    %mul3A_44 = arith.muli %select_n3A, %mul3A_43 : i32
    "tpu.region"() ({
      %run_scoped3A = tpu.sem_alloc : memref<!tpu.dma_semaphore, #tpu.memory_space<semaphore_mem>>
      %dma_start3A = tpu.memref_slice %arg3[%mul3A_44] : memref<16384xf32, #tpu.memory_space<hbm>> -> memref<4096xf32, #tpu.memory_space<hbm>>
      %dma_start3A_329 = tpu.memref_slice %arg3[%mul3A_44] : memref<16384xf32, #tpu.memory_space<hbm>> -> memref<4096xf32, #tpu.memory_space<hbm>>
      tpu.enqueue_dma source(%dma_start3A_329 : memref<4096xf32, #tpu.memory_space<hbm>>) target(%arg15 : memref<4096xf32, #tpu.memory_space<vmem>>) target_semaphore(%run_scoped3A : memref<!tpu.dma_semaphore, #tpu.memory_space<semaphore_mem>>)
      %dma_wait3A = tpu.memref_slice %arg3[%mul3A_44] : memref<16384xf32, #tpu.memory_space<hbm>> -> memref<4096xf32, #tpu.memory_space<hbm>>
      %dma_wait3A_330 = tpu.memref_slice %arg3[%mul3A_44] : memref<16384xf32, #tpu.memory_space<hbm>> -> memref<4096xf32, #tpu.memory_space<hbm>>
      tpu.wait_dma2 semaphore(%run_scoped3A : memref<!tpu.dma_semaphore, #tpu.memory_space<semaphore_mem>>) src(%dma_wait3A_330 : memref<4096xf32, #tpu.memory_space<hbm>>) dst(%arg15 : memref<4096xf32, #tpu.memory_space<vmem>>)
      tpu.yield
    }) : () -> ()
    %mul3A_45 = arith.constant 512 : i32
    %mul3A_46 = arith.muli %select_n3A, %mul3A_45 : i32
    %add3A_47 = arith.addi %mul3A_46, %mul3A_32 : i32
    "tpu.region"() ({
      %run_scoped3A = tpu.sem_alloc : memref<!tpu.dma_semaphore, #tpu.memory_space<semaphore_mem>>
      %dma_start3A = tpu.memref_slice %arg4[%add3A_47] : memref<2048xi32, #tpu.memory_space<hbm>> -> memref<64xi32, #tpu.memory_space<hbm>>
      %dma_start3A_329 = tpu.memref_slice %arg4[%add3A_47] : memref<2048xi32, #tpu.memory_space<hbm>> -> memref<64xi32, #tpu.memory_space<hbm>>
      tpu.enqueue_dma source(%dma_start3A_329 : memref<64xi32, #tpu.memory_space<hbm>>) target(%arg16 : memref<64xi32, #tpu.memory_space<vmem>>) target_semaphore(%run_scoped3A : memref<!tpu.dma_semaphore, #tpu.memory_space<semaphore_mem>>)
      %dma_wait3A = tpu.memref_slice %arg4[%add3A_47] : memref<2048xi32, #tpu.memory_space<hbm>> -> memref<64xi32, #tpu.memory_space<hbm>>
      %dma_wait3A_330 = tpu.memref_slice %arg4[%add3A_47] : memref<2048xi32, #tpu.memory_space<hbm>> -> memref<64xi32, #tpu.memory_space<hbm>>
      tpu.wait_dma2 semaphore(%run_scoped3A : memref<!tpu.dma_semaphore, #tpu.memory_space<semaphore_mem>>) src(%dma_wait3A_330 : memref<64xi32, #tpu.memory_space<hbm>>) dst(%arg16 : memref<64xi32, #tpu.memory_space<vmem>>)
      tpu.yield
    }) : () -> ()
    %scan3A = arith.constant 0 : i32
    %scan3A_48 = arith.constant 0 : i32
    %scan3A_49 = arith.constant 256 : i32
    %scan3A_50 = arith.addi %scan3A_48, %scan3A_49 : i32
    %scan3A_51 = arith.constant 1 : i32
    %scan3A_52 = scf.for %scan3A_329 = %scan3A_48 to %scan3A_50 step %scan3A_51 iter_args(%scan3A_330 = %scan3A) -> (i32)  : i32 {
      %mul3A_331 = arith.constant 16 : i32
      %mul3A_332 = arith.muli %scan3A_329, %mul3A_331 : i32
      %get3A_333 = arith.index_cast %mul3A_332 : i32 to index
      %get3A_334 = tpu.vector_load %arg9[%get3A_333] {strides = array<i32>} : memref<4096xf32, #tpu.memory_space<vmem>>, vector<16xf32>,
      %bitcast_convert_type3A_335 = tpu.bitcast %get3A_334 : vector<16xf32> -> vector<16xi32>
      %shift_right_logical3A_336 = arith.constant 16 : i32
      %shift_right_logical3A_337 = vector.broadcast %shift_right_logical3A_336 : i32 to vector<16xi32>
      %shift_right_logical3A_338 = arith.shrui %bitcast_convert_type3A_335, %shift_right_logical3A_337 : vector<16xi32>
      %and3A_339 = arith.constant 1 : i32
      %and3A_340 = vector.broadcast %and3A_339 : i32 to vector<16xi32>
      %and3A_341 = arith.andi %shift_right_logical3A_338, %and3A_340 : vector<16xi32>
      %add3A_342 = arith.constant 32767 : i32
      %add3A_343 = vector.broadcast %add3A_342 : i32 to vector<16xi32>
      %add3A_344 = arith.addi %bitcast_convert_type3A_335, %add3A_343 : vector<16xi32>
      %add3A_345 = arith.addi %add3A_344, %and3A_341 : vector<16xi32>
      %and3A_346 = arith.constant -65536 : i32
      %and3A_347 = vector.broadcast %and3A_346 : i32 to vector<16xi32>
      %and3A_348 = arith.andi %add3A_345, %and3A_347 : vector<16xi32>
      %bitcast_convert_type3A_349 = tpu.bitcast %and3A_348 : vector<16xi32> -> vector<16xf32>
      %swap3A_350 = arith.index_cast %mul3A_332 : i32 to index
      %swap3A_351 = tpu.vector_load %arg12[%swap3A_350] {strides = array<i32>} : memref<4096xf32, #tpu.memory_space<vmem>>, vector<16xf32>,
      tpu.vector_store %arg12[%swap3A_350], %bitcast_convert_type3A_349 {strides = array<i32>} : memref<4096xf32, #tpu.memory_space<vmem>>, vector<16xf32>,
      %get3A_352 = arith.index_cast %mul3A_332 : i32 to index
      %get3A_353 = tpu.vector_load %arg10[%get3A_352] {strides = array<i32>} : memref<4096xf32, #tpu.memory_space<vmem>>, vector<16xf32>,
      %bitcast_convert_type3A_354 = tpu.bitcast %get3A_353 : vector<16xf32> -> vector<16xi32>
      %shift_right_logical3A_355 = arith.constant 16 : i32
      %shift_right_logical3A_356 = vector.broadcast %shift_right_logical3A_355 : i32 to vector<16xi32>
      %shift_right_logical3A_357 = arith.shrui %bitcast_convert_type3A_354, %shift_right_logical3A_356 : vector<16xi32>
      %and3A_358 = arith.constant 1 : i32
      %and3A_359 = vector.broadcast %and3A_358 : i32 to vector<16xi32>
      %and3A_360 = arith.andi %shift_right_logical3A_357, %and3A_359 : vector<16xi32>
      %add3A_361 = arith.constant 32767 : i32
      %add3A_362 = vector.broadcast %add3A_361 : i32 to vector<16xi32>
      %add3A_363 = arith.addi %bitcast_convert_type3A_354, %add3A_362 : vector<16xi32>
      %add3A_364 = arith.addi %add3A_363, %and3A_360 : vector<16xi32>
      %and3A_365 = arith.constant -65536 : i32
      %and3A_366 = vector.broadcast %and3A_365 : i32 to vector<16xi32>
      %and3A_367 = arith.andi %add3A_364, %and3A_366 : vector<16xi32>
      %bitcast_convert_type3A_368 = tpu.bitcast %and3A_367 : vector<16xi32> -> vector<16xf32>
      %swap3A_369 = arith.index_cast %mul3A_332 : i32 to index
      %swap3A_370 = tpu.vector_load %arg13[%swap3A_369] {strides = array<i32>} : memref<4096xf32, #tpu.memory_space<vmem>>, vector<16xf32>,
      tpu.vector_store %arg13[%swap3A_369], %bitcast_convert_type3A_368 {strides = array<i32>} : memref<4096xf32, #tpu.memory_space<vmem>>, vector<16xf32>,
      %get3A_371 = arith.index_cast %mul3A_332 : i32 to index
      %get3A_372 = tpu.vector_load %arg11[%get3A_371] {strides = array<i32>} : memref<4096xf32, #tpu.memory_space<vmem>>, vector<16xf32>,
      %bitcast_convert_type3A_373 = tpu.bitcast %get3A_372 : vector<16xf32> -> vector<16xi32>
      %shift_right_logical3A_374 = arith.constant 16 : i32
      %shift_right_logical3A_375 = vector.broadcast %shift_right_logical3A_374 : i32 to vector<16xi32>
      %shift_right_logical3A_376 = arith.shrui %bitcast_convert_type3A_373, %shift_right_logical3A_375 : vector<16xi32>
      %and3A_377 = arith.constant 1 : i32
      %and3A_378 = vector.broadcast %and3A_377 : i32 to vector<16xi32>
      %and3A_379 = arith.andi %shift_right_logical3A_376, %and3A_378 : vector<16xi32>
      %add3A_380 = arith.constant 32767 : i32
      %add3A_381 = vector.broadcast %add3A_380 : i32 to vector<16xi32>
      %add3A_382 = arith.addi %bitcast_convert_type3A_373, %add3A_381 : vector<16xi32>
      %add3A_383 = arith.addi %add3A_382, %and3A_379 : vector<16xi32>
      %and3A_384 = arith.constant -65536 : i32
      %and3A_385 = vector.broadcast %and3A_384 : i32 to vector<16xi32>
      %and3A_386 = arith.andi %add3A_383, %and3A_385 : vector<16xi32>
      %bitcast_convert_type3A_387 = tpu.bitcast %and3A_386 : vector<16xi32> -> vector<16xf32>
      %swap3A_388 = arith.index_cast %mul3A_332 : i32 to index
      %swap3A_389 = tpu.vector_load %arg14[%swap3A_388] {strides = array<i32>} : memref<4096xf32, #tpu.memory_space<vmem>>, vector<16xf32>,
      tpu.vector_store %arg14[%swap3A_388], %bitcast_convert_type3A_387 {strides = array<i32>} : memref<4096xf32, #tpu.memory_space<vmem>>, vector<16xf32>,
      %scan3A_390 = arith.constant 0 : i32
      scf.yield %scan3A_390 : i32
    }
    %scan3A_53 = arith.constant 256 : i32
    %get3A = arith.constant 0 : index
    %get3A_54 = tpu.vector_load %arg16[%get3A] {strides = array<i32>} : memref<64xi32, #tpu.memory_space<vmem>>, vector<16xi32>,
    %gather3A = tpu.vector_load_idx %arg9[%get3A_54] : memref<4096xf32, #tpu.memory_space<vmem>>[vector<16xi32>], vector<16xf32>,
    %gather3A_55 = tpu.vector_load_idx %arg10[%get3A_54] : memref<4096xf32, #tpu.memory_space<vmem>>[vector<16xi32>], vector<16xf32>,
    %gather3A_56 = tpu.vector_load_idx %arg11[%get3A_54] : memref<4096xf32, #tpu.memory_space<vmem>>[vector<16xi32>], vector<16xf32>,
    %swap3A = arith.constant 0 : index
    %swap3A_57 = tpu.vector_load %arg17[%swap3A] {strides = array<i32>} : memref<80xf32, #tpu.memory_space<vmem>>, vector<16xf32>,
    tpu.vector_store %arg17[%swap3A], %gather3A {strides = array<i32>} : memref<80xf32, #tpu.memory_space<vmem>>, vector<16xf32>,
    %swap3A_58 = arith.constant 0 : index
    %swap3A_59 = tpu.vector_load %arg18[%swap3A_58] {strides = array<i32>} : memref<80xf32, #tpu.memory_space<vmem>>, vector<16xf32>,
    tpu.vector_store %arg18[%swap3A_58], %gather3A_55 {strides = array<i32>} : memref<80xf32, #tpu.memory_space<vmem>>, vector<16xf32>,
    %swap3A_60 = arith.constant 0 : index
    %swap3A_61 = tpu.vector_load %arg19[%swap3A_60] {strides = array<i32>} : memref<80xf32, #tpu.memory_space<vmem>>, vector<16xf32>,
    tpu.vector_store %arg19[%swap3A_60], %gather3A_56 {strides = array<i32>} : memref<80xf32, #tpu.memory_space<vmem>>, vector<16xf32>,
    %bitcast_convert_type3A = tpu.bitcast %gather3A : vector<16xf32> -> vector<16xi32>
    %shift_right_logical3A = arith.constant 16 : i32
    %shift_right_logical3A_62 = vector.broadcast %shift_right_logical3A : i32 to vector<16xi32>
    %shift_right_logical3A_63 = arith.shrui %bitcast_convert_type3A, %shift_right_logical3A_62 : vector<16xi32>
    %and3A_64 = arith.constant 1 : i32
    %and3A_65 = vector.broadcast %and3A_64 : i32 to vector<16xi32>
    %and3A_66 = arith.andi %shift_right_logical3A_63, %and3A_65 : vector<16xi32>
    %add3A_67 = arith.constant 32767 : i32
    %add3A_68 = vector.broadcast %add3A_67 : i32 to vector<16xi32>
    %add3A_69 = arith.addi %bitcast_convert_type3A, %add3A_68 : vector<16xi32>
    %add3A_70 = arith.addi %add3A_69, %and3A_66 : vector<16xi32>
    %and3A_71 = arith.constant -65536 : i32
    %and3A_72 = vector.broadcast %and3A_71 : i32 to vector<16xi32>
    %and3A_73 = arith.andi %add3A_70, %and3A_72 : vector<16xi32>
    %bitcast_convert_type3A_74 = tpu.bitcast %and3A_73 : vector<16xi32> -> vector<16xf32>
    %swap3A_75 = arith.constant 0 : index
    %swap3A_76 = tpu.vector_load %arg20[%swap3A_75] {strides = array<i32>} : memref<80xf32, #tpu.memory_space<vmem>>, vector<16xf32>,
    tpu.vector_store %arg20[%swap3A_75], %bitcast_convert_type3A_74 {strides = array<i32>} : memref<80xf32, #tpu.memory_space<vmem>>, vector<16xf32>,
    %bitcast_convert_type3A_77 = tpu.bitcast %gather3A_55 : vector<16xf32> -> vector<16xi32>
    %shift_right_logical3A_78 = arith.constant 16 : i32
    %shift_right_logical3A_79 = vector.broadcast %shift_right_logical3A_78 : i32 to vector<16xi32>
    %shift_right_logical3A_80 = arith.shrui %bitcast_convert_type3A_77, %shift_right_logical3A_79 : vector<16xi32>
    %and3A_81 = arith.constant 1 : i32
    %and3A_82 = vector.broadcast %and3A_81 : i32 to vector<16xi32>
    %and3A_83 = arith.andi %shift_right_logical3A_80, %and3A_82 : vector<16xi32>
    %add3A_84 = arith.constant 32767 : i32
    %add3A_85 = vector.broadcast %add3A_84 : i32 to vector<16xi32>
    %add3A_86 = arith.addi %bitcast_convert_type3A_77, %add3A_85 : vector<16xi32>
    %add3A_87 = arith.addi %add3A_86, %and3A_83 : vector<16xi32>
    %and3A_88 = arith.constant -65536 : i32
    %and3A_89 = vector.broadcast %and3A_88 : i32 to vector<16xi32>
    %and3A_90 = arith.andi %add3A_87, %and3A_89 : vector<16xi32>
    %bitcast_convert_type3A_91 = tpu.bitcast %and3A_90 : vector<16xi32> -> vector<16xf32>
    %swap3A_92 = arith.constant 0 : index
    %swap3A_93 = tpu.vector_load %arg21[%swap3A_92] {strides = array<i32>} : memref<80xf32, #tpu.memory_space<vmem>>, vector<16xf32>,
    tpu.vector_store %arg21[%swap3A_92], %bitcast_convert_type3A_91 {strides = array<i32>} : memref<80xf32, #tpu.memory_space<vmem>>, vector<16xf32>,
    %bitcast_convert_type3A_94 = tpu.bitcast %gather3A_56 : vector<16xf32> -> vector<16xi32>
    %shift_right_logical3A_95 = arith.constant 16 : i32
    %shift_right_logical3A_96 = vector.broadcast %shift_right_logical3A_95 : i32 to vector<16xi32>
    %shift_right_logical3A_97 = arith.shrui %bitcast_convert_type3A_94, %shift_right_logical3A_96 : vector<16xi32>
    %and3A_98 = arith.constant 1 : i32
    %and3A_99 = vector.broadcast %and3A_98 : i32 to vector<16xi32>
    %and3A_100 = arith.andi %shift_right_logical3A_97, %and3A_99 : vector<16xi32>
    %add3A_101 = arith.constant 32767 : i32
    %add3A_102 = vector.broadcast %add3A_101 : i32 to vector<16xi32>
    %add3A_103 = arith.addi %bitcast_convert_type3A_94, %add3A_102 : vector<16xi32>
    %add3A_104 = arith.addi %add3A_103, %and3A_100 : vector<16xi32>
    %and3A_105 = arith.constant -65536 : i32
    %and3A_106 = vector.broadcast %and3A_105 : i32 to vector<16xi32>
    %and3A_107 = arith.andi %add3A_104, %and3A_106 : vector<16xi32>
    %bitcast_convert_type3A_108 = tpu.bitcast %and3A_107 : vector<16xi32> -> vector<16xf32>
    %swap3A_109 = arith.constant 0 : index
    %swap3A_110 = tpu.vector_load %arg22[%swap3A_109] {strides = array<i32>} : memref<80xf32, #tpu.memory_space<vmem>>, vector<16xf32>,
    tpu.vector_store %arg22[%swap3A_109], %bitcast_convert_type3A_108 {strides = array<i32>} : memref<80xf32, #tpu.memory_space<vmem>>, vector<16xf32>,
    %gather3A_111 = tpu.vector_load_idx %arg15[%get3A_54] : memref<4096xf32, #tpu.memory_space<vmem>>[vector<16xi32>], vector<16xf32>,
    %swap3A_112 = arith.constant 0 : index
    %swap3A_113 = tpu.vector_load %arg23[%swap3A_112] {strides = array<i32>} : memref<80xf32, #tpu.memory_space<vmem>>, vector<16xf32>,
    tpu.vector_store %arg23[%swap3A_112], %gather3A_111 {strides = array<i32>} : memref<80xf32, #tpu.memory_space<vmem>>, vector<16xf32>,
    %get3A_114 = arith.constant 16 : index
    %get3A_115 = tpu.vector_load %arg16[%get3A_114] {strides = array<i32>} : memref<64xi32, #tpu.memory_space<vmem>>, vector<16xi32>,
    %gather3A_116 = tpu.vector_load_idx %arg9[%get3A_115] : memref<4096xf32, #tpu.memory_space<vmem>>[vector<16xi32>], vector<16xf32>,
    %gather3A_117 = tpu.vector_load_idx %arg10[%get3A_115] : memref<4096xf32, #tpu.memory_space<vmem>>[vector<16xi32>], vector<16xf32>,
    %gather3A_118 = tpu.vector_load_idx %arg11[%get3A_115] : memref<4096xf32, #tpu.memory_space<vmem>>[vector<16xi32>], vector<16xf32>,
    %swap3A_119 = arith.constant 16 : index
    %swap3A_120 = tpu.vector_load %arg17[%swap3A_119] {strides = array<i32>} : memref<80xf32, #tpu.memory_space<vmem>>, vector<16xf32>,
    tpu.vector_store %arg17[%swap3A_119], %gather3A_116 {strides = array<i32>} : memref<80xf32, #tpu.memory_space<vmem>>, vector<16xf32>,
    %swap3A_121 = arith.constant 16 : index
    %swap3A_122 = tpu.vector_load %arg18[%swap3A_121] {strides = array<i32>} : memref<80xf32, #tpu.memory_space<vmem>>, vector<16xf32>,
    tpu.vector_store %arg18[%swap3A_121], %gather3A_117 {strides = array<i32>} : memref<80xf32, #tpu.memory_space<vmem>>, vector<16xf32>,
    %swap3A_123 = arith.constant 16 : index
    %swap3A_124 = tpu.vector_load %arg19[%swap3A_123] {strides = array<i32>} : memref<80xf32, #tpu.memory_space<vmem>>, vector<16xf32>,
    tpu.vector_store %arg19[%swap3A_123], %gather3A_118 {strides = array<i32>} : memref<80xf32, #tpu.memory_space<vmem>>, vector<16xf32>,
    %bitcast_convert_type3A_125 = tpu.bitcast %gather3A_116 : vector<16xf32> -> vector<16xi32>
    %shift_right_logical3A_126 = arith.constant 16 : i32
    %shift_right_logical3A_127 = vector.broadcast %shift_right_logical3A_126 : i32 to vector<16xi32>
    %shift_right_logical3A_128 = arith.shrui %bitcast_convert_type3A_125, %shift_right_logical3A_127 : vector<16xi32>
    %and3A_129 = arith.constant 1 : i32
    %and3A_130 = vector.broadcast %and3A_129 : i32 to vector<16xi32>
    %and3A_131 = arith.andi %shift_right_logical3A_128, %and3A_130 : vector<16xi32>
    %add3A_132 = arith.constant 32767 : i32
    %add3A_133 = vector.broadcast %add3A_132 : i32 to vector<16xi32>
    %add3A_134 = arith.addi %bitcast_convert_type3A_125, %add3A_133 : vector<16xi32>
    %add3A_135 = arith.addi %add3A_134, %and3A_131 : vector<16xi32>
    %and3A_136 = arith.constant -65536 : i32
    %and3A_137 = vector.broadcast %and3A_136 : i32 to vector<16xi32>
    %and3A_138 = arith.andi %add3A_135, %and3A_137 : vector<16xi32>
    %bitcast_convert_type3A_139 = tpu.bitcast %and3A_138 : vector<16xi32> -> vector<16xf32>
    %swap3A_140 = arith.constant 16 : index
    %swap3A_141 = tpu.vector_load %arg20[%swap3A_140] {strides = array<i32>} : memref<80xf32, #tpu.memory_space<vmem>>, vector<16xf32>,
    tpu.vector_store %arg20[%swap3A_140], %bitcast_convert_type3A_139 {strides = array<i32>} : memref<80xf32, #tpu.memory_space<vmem>>, vector<16xf32>,
    %bitcast_convert_type3A_142 = tpu.bitcast %gather3A_117 : vector<16xf32> -> vector<16xi32>
    %shift_right_logical3A_143 = arith.constant 16 : i32
    %shift_right_logical3A_144 = vector.broadcast %shift_right_logical3A_143 : i32 to vector<16xi32>
    %shift_right_logical3A_145 = arith.shrui %bitcast_convert_type3A_142, %shift_right_logical3A_144 : vector<16xi32>
    %and3A_146 = arith.constant 1 : i32
    %and3A_147 = vector.broadcast %and3A_146 : i32 to vector<16xi32>
    %and3A_148 = arith.andi %shift_right_logical3A_145, %and3A_147 : vector<16xi32>
    %add3A_149 = arith.constant 32767 : i32
    %add3A_150 = vector.broadcast %add3A_149 : i32 to vector<16xi32>
    %add3A_151 = arith.addi %bitcast_convert_type3A_142, %add3A_150 : vector<16xi32>
    %add3A_152 = arith.addi %add3A_151, %and3A_148 : vector<16xi32>
    %and3A_153 = arith.constant -65536 : i32
    %and3A_154 = vector.broadcast %and3A_153 : i32 to vector<16xi32>
    %and3A_155 = arith.andi %add3A_152, %and3A_154 : vector<16xi32>
    %bitcast_convert_type3A_156 = tpu.bitcast %and3A_155 : vector<16xi32> -> vector<16xf32>
    %swap3A_157 = arith.constant 16 : index
    %swap3A_158 = tpu.vector_load %arg21[%swap3A_157] {strides = array<i32>} : memref<80xf32, #tpu.memory_space<vmem>>, vector<16xf32>,
    tpu.vector_store %arg21[%swap3A_157], %bitcast_convert_type3A_156 {strides = array<i32>} : memref<80xf32, #tpu.memory_space<vmem>>, vector<16xf32>,
    %bitcast_convert_type3A_159 = tpu.bitcast %gather3A_118 : vector<16xf32> -> vector<16xi32>
    %shift_right_logical3A_160 = arith.constant 16 : i32
    %shift_right_logical3A_161 = vector.broadcast %shift_right_logical3A_160 : i32 to vector<16xi32>
    %shift_right_logical3A_162 = arith.shrui %bitcast_convert_type3A_159, %shift_right_logical3A_161 : vector<16xi32>
    %and3A_163 = arith.constant 1 : i32
    %and3A_164 = vector.broadcast %and3A_163 : i32 to vector<16xi32>
    %and3A_165 = arith.andi %shift_right_logical3A_162, %and3A_164 : vector<16xi32>
    %add3A_166 = arith.constant 32767 : i32
    %add3A_167 = vector.broadcast %add3A_166 : i32 to vector<16xi32>
    %add3A_168 = arith.addi %bitcast_convert_type3A_159, %add3A_167 : vector<16xi32>
    %add3A_169 = arith.addi %add3A_168, %and3A_165 : vector<16xi32>
    %and3A_170 = arith.constant -65536 : i32
    %and3A_171 = vector.broadcast %and3A_170 : i32 to vector<16xi32>
    %and3A_172 = arith.andi %add3A_169, %and3A_171 : vector<16xi32>
    %bitcast_convert_type3A_173 = tpu.bitcast %and3A_172 : vector<16xi32> -> vector<16xf32>
    %swap3A_174 = arith.constant 16 : index
    %swap3A_175 = tpu.vector_load %arg22[%swap3A_174] {strides = array<i32>} : memref<80xf32, #tpu.memory_space<vmem>>, vector<16xf32>,
    tpu.vector_store %arg22[%swap3A_174], %bitcast_convert_type3A_173 {strides = array<i32>} : memref<80xf32, #tpu.memory_space<vmem>>, vector<16xf32>,
    %gather3A_176 = tpu.vector_load_idx %arg15[%get3A_115] : memref<4096xf32, #tpu.memory_space<vmem>>[vector<16xi32>], vector<16xf32>,
    %swap3A_177 = arith.constant 16 : index
    %swap3A_178 = tpu.vector_load %arg23[%swap3A_177] {strides = array<i32>} : memref<80xf32, #tpu.memory_space<vmem>>, vector<16xf32>,
    tpu.vector_store %arg23[%swap3A_177], %gather3A_176 {strides = array<i32>} : memref<80xf32, #tpu.memory_space<vmem>>, vector<16xf32>,
    %get3A_179 = arith.constant 32 : index
    %get3A_180 = tpu.vector_load %arg16[%get3A_179] {strides = array<i32>} : memref<64xi32, #tpu.memory_space<vmem>>, vector<16xi32>,
    %gather3A_181 = tpu.vector_load_idx %arg9[%get3A_180] : memref<4096xf32, #tpu.memory_space<vmem>>[vector<16xi32>], vector<16xf32>,
    %gather3A_182 = tpu.vector_load_idx %arg10[%get3A_180] : memref<4096xf32, #tpu.memory_space<vmem>>[vector<16xi32>], vector<16xf32>,
    %gather3A_183 = tpu.vector_load_idx %arg11[%get3A_180] : memref<4096xf32, #tpu.memory_space<vmem>>[vector<16xi32>], vector<16xf32>,
    %swap3A_184 = arith.constant 32 : index
    %swap3A_185 = tpu.vector_load %arg17[%swap3A_184] {strides = array<i32>} : memref<80xf32, #tpu.memory_space<vmem>>, vector<16xf32>,
    tpu.vector_store %arg17[%swap3A_184], %gather3A_181 {strides = array<i32>} : memref<80xf32, #tpu.memory_space<vmem>>, vector<16xf32>,
    %swap3A_186 = arith.constant 32 : index
    %swap3A_187 = tpu.vector_load %arg18[%swap3A_186] {strides = array<i32>} : memref<80xf32, #tpu.memory_space<vmem>>, vector<16xf32>,
    tpu.vector_store %arg18[%swap3A_186], %gather3A_182 {strides = array<i32>} : memref<80xf32, #tpu.memory_space<vmem>>, vector<16xf32>,
    %swap3A_188 = arith.constant 32 : index
    %swap3A_189 = tpu.vector_load %arg19[%swap3A_188] {strides = array<i32>} : memref<80xf32, #tpu.memory_space<vmem>>, vector<16xf32>,
    tpu.vector_store %arg19[%swap3A_188], %gather3A_183 {strides = array<i32>} : memref<80xf32, #tpu.memory_space<vmem>>, vector<16xf32>,
    %bitcast_convert_type3A_190 = tpu.bitcast %gather3A_181 : vector<16xf32> -> vector<16xi32>
    %shift_right_logical3A_191 = arith.constant 16 : i32
    %shift_right_logical3A_192 = vector.broadcast %shift_right_logical3A_191 : i32 to vector<16xi32>
    %shift_right_logical3A_193 = arith.shrui %bitcast_convert_type3A_190, %shift_right_logical3A_192 : vector<16xi32>
    %and3A_194 = arith.constant 1 : i32
    %and3A_195 = vector.broadcast %and3A_194 : i32 to vector<16xi32>
    %and3A_196 = arith.andi %shift_right_logical3A_193, %and3A_195 : vector<16xi32>
    %add3A_197 = arith.constant 32767 : i32
    %add3A_198 = vector.broadcast %add3A_197 : i32 to vector<16xi32>
    %add3A_199 = arith.addi %bitcast_convert_type3A_190, %add3A_198 : vector<16xi32>
    %add3A_200 = arith.addi %add3A_199, %and3A_196 : vector<16xi32>
    %and3A_201 = arith.constant -65536 : i32
    %and3A_202 = vector.broadcast %and3A_201 : i32 to vector<16xi32>
    %and3A_203 = arith.andi %add3A_200, %and3A_202 : vector<16xi32>
    %bitcast_convert_type3A_204 = tpu.bitcast %and3A_203 : vector<16xi32> -> vector<16xf32>
    %swap3A_205 = arith.constant 32 : index
    %swap3A_206 = tpu.vector_load %arg20[%swap3A_205] {strides = array<i32>} : memref<80xf32, #tpu.memory_space<vmem>>, vector<16xf32>,
    tpu.vector_store %arg20[%swap3A_205], %bitcast_convert_type3A_204 {strides = array<i32>} : memref<80xf32, #tpu.memory_space<vmem>>, vector<16xf32>,
    %bitcast_convert_type3A_207 = tpu.bitcast %gather3A_182 : vector<16xf32> -> vector<16xi32>
    %shift_right_logical3A_208 = arith.constant 16 : i32
    %shift_right_logical3A_209 = vector.broadcast %shift_right_logical3A_208 : i32 to vector<16xi32>
    %shift_right_logical3A_210 = arith.shrui %bitcast_convert_type3A_207, %shift_right_logical3A_209 : vector<16xi32>
    %and3A_211 = arith.constant 1 : i32
    %and3A_212 = vector.broadcast %and3A_211 : i32 to vector<16xi32>
    %and3A_213 = arith.andi %shift_right_logical3A_210, %and3A_212 : vector<16xi32>
    %add3A_214 = arith.constant 32767 : i32
    %add3A_215 = vector.broadcast %add3A_214 : i32 to vector<16xi32>
    %add3A_216 = arith.addi %bitcast_convert_type3A_207, %add3A_215 : vector<16xi32>
    %add3A_217 = arith.addi %add3A_216, %and3A_213 : vector<16xi32>
    %and3A_218 = arith.constant -65536 : i32
    %and3A_219 = vector.broadcast %and3A_218 : i32 to vector<16xi32>
    %and3A_220 = arith.andi %add3A_217, %and3A_219 : vector<16xi32>
    %bitcast_convert_type3A_221 = tpu.bitcast %and3A_220 : vector<16xi32> -> vector<16xf32>
    %swap3A_222 = arith.constant 32 : index
    %swap3A_223 = tpu.vector_load %arg21[%swap3A_222] {strides = array<i32>} : memref<80xf32, #tpu.memory_space<vmem>>, vector<16xf32>,
    tpu.vector_store %arg21[%swap3A_222], %bitcast_convert_type3A_221 {strides = array<i32>} : memref<80xf32, #tpu.memory_space<vmem>>, vector<16xf32>,
    %bitcast_convert_type3A_224 = tpu.bitcast %gather3A_183 : vector<16xf32> -> vector<16xi32>
    %shift_right_logical3A_225 = arith.constant 16 : i32
    %shift_right_logical3A_226 = vector.broadcast %shift_right_logical3A_225 : i32 to vector<16xi32>
    %shift_right_logical3A_227 = arith.shrui %bitcast_convert_type3A_224, %shift_right_logical3A_226 : vector<16xi32>
    %and3A_228 = arith.constant 1 : i32
    %and3A_229 = vector.broadcast %and3A_228 : i32 to vector<16xi32>
    %and3A_230 = arith.andi %shift_right_logical3A_227, %and3A_229 : vector<16xi32>
    %add3A_231 = arith.constant 32767 : i32
    %add3A_232 = vector.broadcast %add3A_231 : i32 to vector<16xi32>
    %add3A_233 = arith.addi %bitcast_convert_type3A_224, %add3A_232 : vector<16xi32>
    %add3A_234 = arith.addi %add3A_233, %and3A_230 : vector<16xi32>
    %and3A_235 = arith.constant -65536 : i32
    %and3A_236 = vector.broadcast %and3A_235 : i32 to vector<16xi32>
    %and3A_237 = arith.andi %add3A_234, %and3A_236 : vector<16xi32>
    %bitcast_convert_type3A_238 = tpu.bitcast %and3A_237 : vector<16xi32> -> vector<16xf32>
    %swap3A_239 = arith.constant 32 : index
    %swap3A_240 = tpu.vector_load %arg22[%swap3A_239] {strides = array<i32>} : memref<80xf32, #tpu.memory_space<vmem>>, vector<16xf32>,
    tpu.vector_store %arg22[%swap3A_239], %bitcast_convert_type3A_238 {strides = array<i32>} : memref<80xf32, #tpu.memory_space<vmem>>, vector<16xf32>,
    %gather3A_241 = tpu.vector_load_idx %arg15[%get3A_180] : memref<4096xf32, #tpu.memory_space<vmem>>[vector<16xi32>], vector<16xf32>,
    %swap3A_242 = arith.constant 32 : index
    %swap3A_243 = tpu.vector_load %arg23[%swap3A_242] {strides = array<i32>} : memref<80xf32, #tpu.memory_space<vmem>>, vector<16xf32>,
    tpu.vector_store %arg23[%swap3A_242], %gather3A_241 {strides = array<i32>} : memref<80xf32, #tpu.memory_space<vmem>>, vector<16xf32>,
    %get3A_244 = arith.constant 48 : index
    %get3A_245 = tpu.vector_load %arg16[%get3A_244] {strides = array<i32>} : memref<64xi32, #tpu.memory_space<vmem>>, vector<16xi32>,
    %gather3A_246 = tpu.vector_load_idx %arg9[%get3A_245] : memref<4096xf32, #tpu.memory_space<vmem>>[vector<16xi32>], vector<16xf32>,
    %gather3A_247 = tpu.vector_load_idx %arg10[%get3A_245] : memref<4096xf32, #tpu.memory_space<vmem>>[vector<16xi32>], vector<16xf32>,
    %gather3A_248 = tpu.vector_load_idx %arg11[%get3A_245] : memref<4096xf32, #tpu.memory_space<vmem>>[vector<16xi32>], vector<16xf32>,
    %swap3A_249 = arith.constant 48 : index
    %swap3A_250 = tpu.vector_load %arg17[%swap3A_249] {strides = array<i32>} : memref<80xf32, #tpu.memory_space<vmem>>, vector<16xf32>,
    tpu.vector_store %arg17[%swap3A_249], %gather3A_246 {strides = array<i32>} : memref<80xf32, #tpu.memory_space<vmem>>, vector<16xf32>,
    %swap3A_251 = arith.constant 48 : index
    %swap3A_252 = tpu.vector_load %arg18[%swap3A_251] {strides = array<i32>} : memref<80xf32, #tpu.memory_space<vmem>>, vector<16xf32>,
    tpu.vector_store %arg18[%swap3A_251], %gather3A_247 {strides = array<i32>} : memref<80xf32, #tpu.memory_space<vmem>>, vector<16xf32>,
    %swap3A_253 = arith.constant 48 : index
    %swap3A_254 = tpu.vector_load %arg19[%swap3A_253] {strides = array<i32>} : memref<80xf32, #tpu.memory_space<vmem>>, vector<16xf32>,
    tpu.vector_store %arg19[%swap3A_253], %gather3A_248 {strides = array<i32>} : memref<80xf32, #tpu.memory_space<vmem>>, vector<16xf32>,
    %bitcast_convert_type3A_255 = tpu.bitcast %gather3A_246 : vector<16xf32> -> vector<16xi32>
    %shift_right_logical3A_256 = arith.constant 16 : i32
    %shift_right_logical3A_257 = vector.broadcast %shift_right_logical3A_256 : i32 to vector<16xi32>
    %shift_right_logical3A_258 = arith.shrui %bitcast_convert_type3A_255, %shift_right_logical3A_257 : vector<16xi32>
    %and3A_259 = arith.constant 1 : i32
    %and3A_260 = vector.broadcast %and3A_259 : i32 to vector<16xi32>
    %and3A_261 = arith.andi %shift_right_logical3A_258, %and3A_260 : vector<16xi32>
    %add3A_262 = arith.constant 32767 : i32
    %add3A_263 = vector.broadcast %add3A_262 : i32 to vector<16xi32>
    %add3A_264 = arith.addi %bitcast_convert_type3A_255, %add3A_263 : vector<16xi32>
    %add3A_265 = arith.addi %add3A_264, %and3A_261 : vector<16xi32>
    %and3A_266 = arith.constant -65536 : i32
    %and3A_267 = vector.broadcast %and3A_266 : i32 to vector<16xi32>
    %and3A_268 = arith.andi %add3A_265, %and3A_267 : vector<16xi32>
    %bitcast_convert_type3A_269 = tpu.bitcast %and3A_268 : vector<16xi32> -> vector<16xf32>
    %swap3A_270 = arith.constant 48 : index
    %swap3A_271 = tpu.vector_load %arg20[%swap3A_270] {strides = array<i32>} : memref<80xf32, #tpu.memory_space<vmem>>, vector<16xf32>,
    tpu.vector_store %arg20[%swap3A_270], %bitcast_convert_type3A_269 {strides = array<i32>} : memref<80xf32, #tpu.memory_space<vmem>>, vector<16xf32>,
    %bitcast_convert_type3A_272 = tpu.bitcast %gather3A_247 : vector<16xf32> -> vector<16xi32>
    %shift_right_logical3A_273 = arith.constant 16 : i32
    %shift_right_logical3A_274 = vector.broadcast %shift_right_logical3A_273 : i32 to vector<16xi32>
    %shift_right_logical3A_275 = arith.shrui %bitcast_convert_type3A_272, %shift_right_logical3A_274 : vector<16xi32>
    %and3A_276 = arith.constant 1 : i32
    %and3A_277 = vector.broadcast %and3A_276 : i32 to vector<16xi32>
    %and3A_278 = arith.andi %shift_right_logical3A_275, %and3A_277 : vector<16xi32>
    %add3A_279 = arith.constant 32767 : i32
    %add3A_280 = vector.broadcast %add3A_279 : i32 to vector<16xi32>
    %add3A_281 = arith.addi %bitcast_convert_type3A_272, %add3A_280 : vector<16xi32>
    %add3A_282 = arith.addi %add3A_281, %and3A_278 : vector<16xi32>
    %and3A_283 = arith.constant -65536 : i32
    %and3A_284 = vector.broadcast %and3A_283 : i32 to vector<16xi32>
    %and3A_285 = arith.andi %add3A_282, %and3A_284 : vector<16xi32>
    %bitcast_convert_type3A_286 = tpu.bitcast %and3A_285 : vector<16xi32> -> vector<16xf32>
    %swap3A_287 = arith.constant 48 : index
    %swap3A_288 = tpu.vector_load %arg21[%swap3A_287] {strides = array<i32>} : memref<80xf32, #tpu.memory_space<vmem>>, vector<16xf32>,
    tpu.vector_store %arg21[%swap3A_287], %bitcast_convert_type3A_286 {strides = array<i32>} : memref<80xf32, #tpu.memory_space<vmem>>, vector<16xf32>,
    %bitcast_convert_type3A_289 = tpu.bitcast %gather3A_248 : vector<16xf32> -> vector<16xi32>
    %shift_right_logical3A_290 = arith.constant 16 : i32
    %shift_right_logical3A_291 = vector.broadcast %shift_right_logical3A_290 : i32 to vector<16xi32>
    %shift_right_logical3A_292 = arith.shrui %bitcast_convert_type3A_289, %shift_right_logical3A_291 : vector<16xi32>
    %and3A_293 = arith.constant 1 : i32
    %and3A_294 = vector.broadcast %and3A_293 : i32 to vector<16xi32>
    %and3A_295 = arith.andi %shift_right_logical3A_292, %and3A_294 : vector<16xi32>
    %add3A_296 = arith.constant 32767 : i32
    %add3A_297 = vector.broadcast %add3A_296 : i32 to vector<16xi32>
    %add3A_298 = arith.addi %bitcast_convert_type3A_289, %add3A_297 : vector<16xi32>
    %add3A_299 = arith.addi %add3A_298, %and3A_295 : vector<16xi32>
    %and3A_300 = arith.constant -65536 : i32
    %and3A_301 = vector.broadcast %and3A_300 : i32 to vector<16xi32>
    %and3A_302 = arith.andi %add3A_299, %and3A_301 : vector<16xi32>
    %bitcast_convert_type3A_303 = tpu.bitcast %and3A_302 : vector<16xi32> -> vector<16xf32>
    %swap3A_304 = arith.constant 48 : index
    %swap3A_305 = tpu.vector_load %arg22[%swap3A_304] {strides = array<i32>} : memref<80xf32, #tpu.memory_space<vmem>>, vector<16xf32>,
    tpu.vector_store %arg22[%swap3A_304], %bitcast_convert_type3A_303 {strides = array<i32>} : memref<80xf32, #tpu.memory_space<vmem>>, vector<16xf32>,
    %gather3A_306 = tpu.vector_load_idx %arg15[%get3A_245] : memref<4096xf32, #tpu.memory_space<vmem>>[vector<16xi32>], vector<16xf32>,
    %swap3A_307 = arith.constant 48 : index
    %swap3A_308 = tpu.vector_load %arg23[%swap3A_307] {strides = array<i32>} : memref<80xf32, #tpu.memory_space<vmem>>, vector<16xf32>,
    tpu.vector_store %arg23[%swap3A_307], %gather3A_306 {strides = array<i32>} : memref<80xf32, #tpu.memory_space<vmem>>, vector<16xf32>,
    %mul3A_309 = arith.constant 512 : i32
    %mul3A_310 = arith.muli %select_n3A, %mul3A_309 : i32
    %add3A_311 = arith.addi %mul3A_310, %mul3A_32 : i32
    "tpu.region"() ({
      %run_scoped3A = tpu.sem_alloc : memref<!tpu.dma_semaphore, #tpu.memory_space<semaphore_mem>>
      %dma_start3A = arith.constant 0 : i32
      %dma_start3A_329 = tpu.memref_slice %arg17[%dma_start3A] : memref<80xf32, #tpu.memory_space<vmem>> -> memref<64xf32, #tpu.memory_space<vmem>>
      %dma_start3A_330 = tpu.memref_slice %arg8[%add3A_311] : memref<6144xf32, #tpu.memory_space<hbm>> -> memref<64xf32, #tpu.memory_space<hbm>>
      %dma_start3A_331 = tpu.memref_slice %arg8[%add3A_311] : memref<6144xf32, #tpu.memory_space<hbm>> -> memref<64xf32, #tpu.memory_space<hbm>>
      %dma_start3A_332 = arith.constant 0 : i32
      %dma_start3A_333 = tpu.memref_slice %arg17[%dma_start3A_332] : memref<80xf32, #tpu.memory_space<vmem>> -> memref<64xf32, #tpu.memory_space<vmem>>
      tpu.enqueue_dma source(%dma_start3A_333 : memref<64xf32, #tpu.memory_space<vmem>>) target(%dma_start3A_331 : memref<64xf32, #tpu.memory_space<hbm>>) target_semaphore(%run_scoped3A : memref<!tpu.dma_semaphore, #tpu.memory_space<semaphore_mem>>)
      %dma_wait3A = arith.constant 0 : i32
      %dma_wait3A_334 = tpu.memref_slice %arg17[%dma_wait3A] : memref<80xf32, #tpu.memory_space<vmem>> -> memref<64xf32, #tpu.memory_space<vmem>>
      %dma_wait3A_335 = tpu.memref_slice %arg8[%add3A_311] : memref<6144xf32, #tpu.memory_space<hbm>> -> memref<64xf32, #tpu.memory_space<hbm>>
      %dma_wait3A_336 = tpu.memref_slice %arg8[%add3A_311] : memref<6144xf32, #tpu.memory_space<hbm>> -> memref<64xf32, #tpu.memory_space<hbm>>
      %dma_wait3A_337 = arith.constant 0 : i32
      %dma_wait3A_338 = tpu.memref_slice %arg17[%dma_wait3A_337] : memref<80xf32, #tpu.memory_space<vmem>> -> memref<64xf32, #tpu.memory_space<vmem>>
      tpu.wait_dma2 semaphore(%run_scoped3A : memref<!tpu.dma_semaphore, #tpu.memory_space<semaphore_mem>>) src(%dma_wait3A_338 : memref<64xf32, #tpu.memory_space<vmem>>) dst(%dma_wait3A_336 : memref<64xf32, #tpu.memory_space<hbm>>)
      tpu.yield
    }) : () -> ()
    %add3A_312 = arith.constant 4 : i32
    %add3A_313 = arith.addi %add3A_312, %select_n3A : i32
    %mul3A_314 = arith.constant 512 : i32
    %mul3A_315 = arith.muli %add3A_313, %mul3A_314 : i32
    %add3A_316 = arith.addi %mul3A_315, %mul3A_32 : i32
    "tpu.region"() ({
      %run_scoped3A = tpu.sem_alloc : memref<!tpu.dma_semaphore, #tpu.memory_space<semaphore_mem>>
      %dma_start3A = arith.constant 0 : i32
      %dma_start3A_329 = tpu.memref_slice %arg18[%dma_start3A] : memref<80xf32, #tpu.memory_space<vmem>> -> memref<64xf32, #tpu.memory_space<vmem>>
      %dma_start3A_330 = tpu.memref_slice %arg8[%add3A_316] : memref<6144xf32, #tpu.memory_space<hbm>> -> memref<64xf32, #tpu.memory_space<hbm>>
      %dma_start3A_331 = tpu.memref_slice %arg8[%add3A_316] : memref<6144xf32, #tpu.memory_space<hbm>> -> memref<64xf32, #tpu.memory_space<hbm>>
      %dma_start3A_332 = arith.constant 0 : i32
      %dma_start3A_333 = tpu.memref_slice %arg18[%dma_start3A_332] : memref<80xf32, #tpu.memory_space<vmem>> -> memref<64xf32, #tpu.memory_space<vmem>>
      tpu.enqueue_dma source(%dma_start3A_333 : memref<64xf32, #tpu.memory_space<vmem>>) target(%dma_start3A_331 : memref<64xf32, #tpu.memory_space<hbm>>) target_semaphore(%run_scoped3A : memref<!tpu.dma_semaphore, #tpu.memory_space<semaphore_mem>>)
      %dma_wait3A = arith.constant 0 : i32
      %dma_wait3A_334 = tpu.memref_slice %arg18[%dma_wait3A] : memref<80xf32, #tpu.memory_space<vmem>> -> memref<64xf32, #tpu.memory_space<vmem>>
      %dma_wait3A_335 = tpu.memref_slice %arg8[%add3A_316] : memref<6144xf32, #tpu.memory_space<hbm>> -> memref<64xf32, #tpu.memory_space<hbm>>
      %dma_wait3A_336 = tpu.memref_slice %arg8[%add3A_316] : memref<6144xf32, #tpu.memory_space<hbm>> -> memref<64xf32, #tpu.memory_space<hbm>>
      %dma_wait3A_337 = arith.constant 0 : i32
      %dma_wait3A_338 = tpu.memref_slice %arg18[%dma_wait3A_337] : memref<80xf32, #tpu.memory_space<vmem>> -> memref<64xf32, #tpu.memory_space<vmem>>
      tpu.wait_dma2 semaphore(%run_scoped3A : memref<!tpu.dma_semaphore, #tpu.memory_space<semaphore_mem>>) src(%dma_wait3A_338 : memref<64xf32, #tpu.memory_space<vmem>>) dst(%dma_wait3A_336 : memref<64xf32, #tpu.memory_space<hbm>>)
      tpu.yield
    }) : () -> ()
    %add3A_317 = arith.constant 8 : i32
    %add3A_318 = arith.addi %add3A_317, %select_n3A : i32
    %mul3A_319 = arith.constant 512 : i32
    %mul3A_320 = arith.muli %add3A_318, %mul3A_319 : i32
    %add3A_321 = arith.addi %mul3A_320, %mul3A_32 : i32
    "tpu.region"() ({
      %run_scoped3A = tpu.sem_alloc : memref<!tpu.dma_semaphore, #tpu.memory_space<semaphore_mem>>
      %dma_start3A = arith.constant 0 : i32
      %dma_start3A_329 = tpu.memref_slice %arg19[%dma_start3A] : memref<80xf32, #tpu.memory_space<vmem>> -> memref<64xf32, #tpu.memory_space<vmem>>
      %dma_start3A_330 = tpu.memref_slice %arg8[%add3A_321] : memref<6144xf32, #tpu.memory_space<hbm>> -> memref<64xf32, #tpu.memory_space<hbm>>
      %dma_start3A_331 = tpu.memref_slice %arg8[%add3A_321] : memref<6144xf32, #tpu.memory_space<hbm>> -> memref<64xf32, #tpu.memory_space<hbm>>
      %dma_start3A_332 = arith.constant 0 : i32
      %dma_start3A_333 = tpu.memref_slice %arg19[%dma_start3A_332] : memref<80xf32, #tpu.memory_space<vmem>> -> memref<64xf32, #tpu.memory_space<vmem>>
      tpu.enqueue_dma source(%dma_start3A_333 : memref<64xf32, #tpu.memory_space<vmem>>) target(%dma_start3A_331 : memref<64xf32, #tpu.memory_space<hbm>>) target_semaphore(%run_scoped3A : memref<!tpu.dma_semaphore, #tpu.memory_space<semaphore_mem>>)
      %dma_wait3A = arith.constant 0 : i32
      %dma_wait3A_334 = tpu.memref_slice %arg19[%dma_wait3A] : memref<80xf32, #tpu.memory_space<vmem>> -> memref<64xf32, #tpu.memory_space<vmem>>
      %dma_wait3A_335 = tpu.memref_slice %arg8[%add3A_321] : memref<6144xf32, #tpu.memory_space<hbm>> -> memref<64xf32, #tpu.memory_space<hbm>>
      %dma_wait3A_336 = tpu.memref_slice %arg8[%add3A_321] : memref<6144xf32, #tpu.memory_space<hbm>> -> memref<64xf32, #tpu.memory_space<hbm>>
      %dma_wait3A_337 = arith.constant 0 : i32
      %dma_wait3A_338 = tpu.memref_slice %arg19[%dma_wait3A_337] : memref<80xf32, #tpu.memory_space<vmem>> -> memref<64xf32, #tpu.memory_space<vmem>>
      tpu.wait_dma2 semaphore(%run_scoped3A : memref<!tpu.dma_semaphore, #tpu.memory_space<semaphore_mem>>) src(%dma_wait3A_338 : memref<64xf32, #tpu.memory_space<vmem>>) dst(%dma_wait3A_336 : memref<64xf32, #tpu.memory_space<hbm>>)
      tpu.yield
    }) : () -> ()
    %scan3A_322 = arith.constant 0 : i32
    %scan3A_323 = arith.constant 0 : i32
    %scan3A_324 = arith.constant 64 : i32
    %scan3A_325 = arith.addi %scan3A_323, %scan3A_324 : i32
    %scan3A_326 = arith.constant 1 : i32
    %scan3A_327 = scf.for %scan3A_329 = %scan3A_323 to %scan3A_325 step %scan3A_326 iter_args(%scan3A_330 = %scan3A_322) -> (i32)  : i32 {
      %get3A_331 = arith.index_cast %scan3A_329 : i32 to index
      %get3A_332 = tpu.vector_load %arg20[%get3A_331] {strides = array<i32>} : memref<80xf32, #tpu.memory_space<vmem>>, vector<16xf32>,
      %slice3A = vector.extract_strided_slice %get3A_332 {offsets = [0], sizes = [1], strides = [1]} : vector<16xf32> to vector<1xf32>
      %squeeze3A = vector.extract %slice3A[0] : f32 from vector<1xf32>
      %get3A_333 = arith.index_cast %scan3A_329 : i32 to index
      %get3A_334 = tpu.vector_load %arg21[%get3A_333] {strides = array<i32>} : memref<80xf32, #tpu.memory_space<vmem>>, vector<16xf32>,
      %slice3A_335 = vector.extract_strided_slice %get3A_334 {offsets = [0], sizes = [1], strides = [1]} : vector<16xf32> to vector<1xf32>
      %squeeze3A_336 = vector.extract %slice3A_335[0] : f32 from vector<1xf32>
      %get3A_337 = arith.index_cast %scan3A_329 : i32 to index
      %get3A_338 = tpu.vector_load %arg22[%get3A_337] {strides = array<i32>} : memref<80xf32, #tpu.memory_space<vmem>>, vector<16xf32>,
      %slice3A_339 = vector.extract_strided_slice %get3A_338 {offsets = [0], sizes = [1], strides = [1]} : vector<16xf32> to vector<1xf32>
      %squeeze3A_340 = vector.extract %slice3A_339[0] : f32 from vector<1xf32>
      %get3A_341 = arith.index_cast %scan3A_329 : i32 to index
      %get3A_342 = tpu.vector_load %arg23[%get3A_341] {strides = array<i32>} : memref<80xf32, #tpu.memory_space<vmem>>, vector<16xf32>,
      %slice3A_343 = vector.extract_strided_slice %get3A_342 {offsets = [0], sizes = [1], strides = [1]} : vector<16xf32> to vector<1xf32>
      %squeeze3A_344 = vector.extract %slice3A_343[0] : f32 from vector<1xf32>
      %mul3A_345 = arith.constant 512 : i32
      %mul3A_346 = arith.muli %select_n3A, %mul3A_345 : i32
      %add3A_347 = arith.addi %mul3A_346, %mul3A_32 : i32
      %add3A_348 = arith.addi %add3A_347, %scan3A_329 : i32
      %scan3A_349 = arith.constant 0 : i32
      %scan3A_350 = arith.constant 0 : i32
      %scan3A_351 = arith.constant 0 : i32
      %scan3A_352 = arith.constant 0 : i32
      %scan3A_353 = arith.constant 256 : i32
      %scan3A_354 = arith.addi %scan3A_352, %scan3A_353 : i32
      %scan3A_355 = arith.constant 1 : i32
      %scan3A_356:3 = scf.for %scan3A_690 = %scan3A_352 to %scan3A_354 step %scan3A_355 iter_args(%scan3A_691 = %scan3A_349, %scan3A_692 = %scan3A_350, %scan3A_693 = %scan3A_351) -> (i32, i32, i32)  : i32 {
        %mul3A_694 = arith.constant 16 : i32
        %mul3A_695 = arith.muli %scan3A_690, %mul3A_694 : i32
        %get3A_696 = arith.index_cast %mul3A_695 : i32 to index
        %get3A_697 = tpu.vector_load %arg12[%get3A_696] {strides = array<i32>} : memref<4096xf32, #tpu.memory_space<vmem>>, vector<16xf32>,
        %mul3A_698 = vector.broadcast %squeeze3A : f32 to vector<16xf32>
        %mul3A_699 = arith.mulf %mul3A_698, %get3A_697 : vector<16xf32>
        %get3A_700 = arith.index_cast %mul3A_695 : i32 to index
        %get3A_701 = tpu.vector_load %arg13[%get3A_700] {strides = array<i32>} : memref<4096xf32, #tpu.memory_space<vmem>>, vector<16xf32>,
        %mul3A_702 = vector.broadcast %squeeze3A_336 : f32 to vector<16xf32>
        %mul3A_703 = arith.mulf %mul3A_702, %get3A_701 : vector<16xf32>
        %add3A_704 = arith.addf %mul3A_699, %mul3A_703 : vector<16xf32>
        %get3A_705 = arith.index_cast %mul3A_695 : i32 to index
        %get3A_706 = tpu.vector_load %arg14[%get3A_705] {strides = array<i32>} : memref<4096xf32, #tpu.memory_space<vmem>>, vector<16xf32>,
        %mul3A_707 = vector.broadcast %squeeze3A_340 : f32 to vector<16xf32>
        %mul3A_708 = arith.mulf %mul3A_707, %get3A_706 : vector<16xf32>
        %add3A_709 = arith.addf %add3A_704, %mul3A_708 : vector<16xf32>
        %mul3A_710 = arith.constant -2.000000e+00 : f32
        %mul3A_711 = vector.broadcast %mul3A_710 : f32 to vector<16xf32>
        %mul3A_712 = arith.mulf %mul3A_711, %add3A_709 : vector<16xf32>
        %add3A_713 = vector.broadcast %squeeze3A_344 : f32 to vector<16xf32>
        %add3A_714 = arith.addf %mul3A_712, %add3A_713 : vector<16xf32>
        %get3A_715 = arith.index_cast %mul3A_695 : i32 to index
        %get3A_716 = tpu.vector_load %arg15[%get3A_715] {strides = array<i32>} : memref<4096xf32, #tpu.memory_space<vmem>>, vector<16xf32>,
        %add3A_717 = arith.addf %add3A_714, %get3A_716 : vector<16xf32>
        %iota3A_718 = tpu.iota {dimensions = array<i32: 0>} : vector<16xi32>
        %mul3A_719 = arith.constant 16 : i32
        %mul3A_720 = arith.muli %scan3A_690, %mul3A_719 : i32
        %add3A_721 = vector.broadcast %mul3A_720 : i32 to vector<16xi32>
        %add3A_722 = arith.addi %iota3A_718, %add3A_721 : vector<16xi32>
        %le3A = arith.constant 0.00999999977 : f32
        %le3A_723 = vector.broadcast %le3A : f32 to vector<16xf32>
        %le3A_724 = arith.cmpf ole, %add3A_717, %le3A_723 : vector<16xf32>
        %swap3A_725 = arith.index_cast %scan3A_691 : i32 to index
        %swap3A_726 = tpu.vector_load %arg24[%swap3A_725] masked %le3A_724 {strides = array<i32>} : memref<4112xi32, #tpu.memory_space<vmem>>, vector<16xi32>, vector<16xi1>
        tpu.vector_store %arg24[%swap3A_725], %add3A_722 masked %le3A_724 {strides = array<i32>} : memref<4112xi32, #tpu.memory_space<vmem>>, vector<16xi32>, vector<16xi1>
        %all_reduce_population_count3A = tpu.all_reduce %le3A_724 {dim = 0 : i64, kind = #tpu.reduction_kind<sum>} : vector<16xi1> -> vector<16xi32>
        %slice3A_727 = vector.extract_strided_slice %all_reduce_population_count3A {offsets = [0], sizes = [1], strides = [1]} : vector<16xi32> to vector<1xi32>
        %squeeze3A_728 = vector.extract %slice3A_727[0] : i32 from vector<1xi32>
        %add3A_729 = arith.addi %scan3A_691, %squeeze3A_728 : i32
        %le3A_730 = arith.constant 4.000000e-02 : f32
        %le3A_731 = vector.broadcast %le3A_730 : f32 to vector<16xf32>
        %le3A_732 = arith.cmpf ole, %add3A_717, %le3A_731 : vector<16xf32>
        %swap3A_733 = arith.index_cast %scan3A_692 : i32 to index
        %swap3A_734 = tpu.vector_load %arg25[%swap3A_733] masked %le3A_732 {strides = array<i32>} : memref<4112xi32, #tpu.memory_space<vmem>>, vector<16xi32>, vector<16xi1>
        tpu.vector_store %arg25[%swap3A_733], %add3A_722 masked %le3A_732 {strides = array<i32>} : memref<4112xi32, #tpu.memory_space<vmem>>, vector<16xi32>, vector<16xi1>
        %all_reduce_population_count3A_735 = tpu.all_reduce %le3A_732 {dim = 0 : i64, kind = #tpu.reduction_kind<sum>} : vector<16xi1> -> vector<16xi32>
        %slice3A_736 = vector.extract_strided_slice %all_reduce_population_count3A_735 {offsets = [0], sizes = [1], strides = [1]} : vector<16xi32> to vector<1xi32>
        %squeeze3A_737 = vector.extract %slice3A_736[0] : i32 from vector<1xi32>
        %add3A_738 = arith.addi %scan3A_692, %squeeze3A_737 : i32
        %le3A_739 = arith.constant 1.600000e-01 : f32
        %le3A_740 = vector.broadcast %le3A_739 : f32 to vector<16xf32>
        %le3A_741 = arith.cmpf ole, %add3A_717, %le3A_740 : vector<16xf32>
        %swap3A_742 = arith.index_cast %scan3A_693 : i32 to index
        %swap3A_743 = tpu.vector_load %arg26[%swap3A_742] masked %le3A_741 {strides = array<i32>} : memref<4112xi32, #tpu.memory_space<vmem>>, vector<16xi32>, vector<16xi1>
        tpu.vector_store %arg26[%swap3A_742], %add3A_722 masked %le3A_741 {strides = array<i32>} : memref<4112xi32, #tpu.memory_space<vmem>>, vector<16xi32>, vector<16xi1>
        %all_reduce_population_count3A_744 = tpu.all_reduce %le3A_741 {dim = 0 : i64, kind = #tpu.reduction_kind<sum>} : vector<16xi1> -> vector<16xi32>
        %slice3A_745 = vector.extract_strided_slice %all_reduce_population_count3A_744 {offsets = [0], sizes = [1], strides = [1]} : vector<16xi32> to vector<1xi32>
        %squeeze3A_746 = vector.extract %slice3A_745[0] : i32 from vector<1xi32>
        %add3A_747 = arith.addi %scan3A_693, %squeeze3A_746 : i32
        scf.yield %add3A_729, %add3A_738, %add3A_747 : i32, i32, i32
      }
      %scan3A_357 = arith.constant 256 : i32
      %min3A = arith.constant 32 : i32
      %min3A_358 = arith.minsi %scan3A_356#0, %min3A : i32
      %gt3A = arith.constant 0 : i32
      %gt3A_359 = arith.cmpi sgt, %scan3A_356#0, %gt3A : i32
      %convert_element_type3A = arith.extui %gt3A_359 : i1 to i32
      %cond3A = arith.constant 0 : i32
      %cond3A_360 = arith.cmpi ne, %convert_element_type3A, %cond3A : i32
      %cond3A_361 = scf.if %cond3A_360 -> (i32) {
        %get3A_690 = arith.constant 0 : index
        %get3A_691 = tpu.vector_load %arg24[%get3A_690] {strides = array<i32>} : memref<4112xi32, #tpu.memory_space<vmem>>, vector<16xi32>,
        %slice3A_692 = vector.extract_strided_slice %get3A_691 {offsets = [0], sizes = [1], strides = [1]} : vector<16xi32> to vector<1xi32>
        %squeeze3A_693 = vector.extract %slice3A_692[0] : i32 from vector<1xi32>
        scf.yield %squeeze3A_693 : i32
      } else {
        %cond3A_690 = arith.constant 4095 : i32
        scf.yield %cond3A_690 : i32
      }
      %iota3A = tpu.iota {dimensions = array<i32: 0>} : vector<16xi32>
      %add3A_362 = arith.constant 0 : i32
      %add3A_363 = vector.broadcast %add3A_362 : i32 to vector<16xi32>
      %add3A_364 = arith.addi %iota3A, %add3A_363 : vector<16xi32>
      %ge3A = vector.broadcast %min3A_358 : i32 to vector<16xi32>
      %ge3A_365 = arith.cmpi sge, %add3A_364, %ge3A : vector<16xi32>
      %get3A_366 = arith.constant 0 : index
      %get3A_367 = tpu.vector_load %arg24[%get3A_366] {strides = array<i32>} : memref<4112xi32, #tpu.memory_space<vmem>>, vector<16xi32>,
      %broadcast_in_dim3A = vector.broadcast %cond3A_361 : i32 to vector<16xi32>
      %select_n3A_368 = arith.select %ge3A_365, %broadcast_in_dim3A, %get3A_367 : vector<16xi1>, vector<16xi32>
      %gather3A_369 = tpu.vector_load_idx %arg9[%select_n3A_368] : memref<4096xf32, #tpu.memory_space<vmem>>[vector<16xi32>], vector<16xf32>,
      %swap3A_370 = arith.constant 0 : index
      %swap3A_371 = tpu.vector_load %arg27[%swap3A_370] {strides = array<i32>} : memref<128xf32, #tpu.memory_space<vmem>>, vector<16xf32>,
      tpu.vector_store %arg27[%swap3A_370], %gather3A_369 {strides = array<i32>} : memref<128xf32, #tpu.memory_space<vmem>>, vector<16xf32>,
      %gather3A_372 = tpu.vector_load_idx %arg10[%select_n3A_368] : memref<4096xf32, #tpu.memory_space<vmem>>[vector<16xi32>], vector<16xf32>,
      %swap3A_373 = arith.constant 0 : index
      %swap3A_374 = tpu.vector_load %arg28[%swap3A_373] {strides = array<i32>} : memref<128xf32, #tpu.memory_space<vmem>>, vector<16xf32>,
      tpu.vector_store %arg28[%swap3A_373], %gather3A_372 {strides = array<i32>} : memref<128xf32, #tpu.memory_space<vmem>>, vector<16xf32>,
      %gather3A_375 = tpu.vector_load_idx %arg11[%select_n3A_368] : memref<4096xf32, #tpu.memory_space<vmem>>[vector<16xi32>], vector<16xf32>,
      %swap3A_376 = arith.constant 0 : index
      %swap3A_377 = tpu.vector_load %arg29[%swap3A_376] {strides = array<i32>} : memref<128xf32, #tpu.memory_space<vmem>>, vector<16xf32>,
      tpu.vector_store %arg29[%swap3A_376], %gather3A_375 {strides = array<i32>} : memref<128xf32, #tpu.memory_space<vmem>>, vector<16xf32>,
      %iota3A_378 = tpu.iota {dimensions = array<i32: 0>} : vector<16xi32>
      %add3A_379 = arith.constant 16 : i32
      %add3A_380 = vector.broadcast %add3A_379 : i32 to vector<16xi32>
      %add3A_381 = arith.addi %iota3A_378, %add3A_380 : vector<16xi32>
      %ge3A_382 = vector.broadcast %min3A_358 : i32 to vector<16xi32>
      %ge3A_383 = arith.cmpi sge, %add3A_381, %ge3A_382 : vector<16xi32>
      %get3A_384 = arith.constant 16 : index
      %get3A_385 = tpu.vector_load %arg24[%get3A_384] {strides = array<i32>} : memref<4112xi32, #tpu.memory_space<vmem>>, vector<16xi32>,
      %broadcast_in_dim3A_386 = vector.broadcast %cond3A_361 : i32 to vector<16xi32>
      %select_n3A_387 = arith.select %ge3A_383, %broadcast_in_dim3A_386, %get3A_385 : vector<16xi1>, vector<16xi32>
      %gather3A_388 = tpu.vector_load_idx %arg9[%select_n3A_387] : memref<4096xf32, #tpu.memory_space<vmem>>[vector<16xi32>], vector<16xf32>,
      %swap3A_389 = arith.constant 16 : index
      %swap3A_390 = tpu.vector_load %arg27[%swap3A_389] {strides = array<i32>} : memref<128xf32, #tpu.memory_space<vmem>>, vector<16xf32>,
      tpu.vector_store %arg27[%swap3A_389], %gather3A_388 {strides = array<i32>} : memref<128xf32, #tpu.memory_space<vmem>>, vector<16xf32>,
      %gather3A_391 = tpu.vector_load_idx %arg10[%select_n3A_387] : memref<4096xf32, #tpu.memory_space<vmem>>[vector<16xi32>], vector<16xf32>,
      %swap3A_392 = arith.constant 16 : index
      %swap3A_393 = tpu.vector_load %arg28[%swap3A_392] {strides = array<i32>} : memref<128xf32, #tpu.memory_space<vmem>>, vector<16xf32>,
      tpu.vector_store %arg28[%swap3A_392], %gather3A_391 {strides = array<i32>} : memref<128xf32, #tpu.memory_space<vmem>>, vector<16xf32>,
      %gather3A_394 = tpu.vector_load_idx %arg11[%select_n3A_387] : memref<4096xf32, #tpu.memory_space<vmem>>[vector<16xi32>], vector<16xf32>,
      %swap3A_395 = arith.constant 16 : index
      %swap3A_396 = tpu.vector_load %arg29[%swap3A_395] {strides = array<i32>} : memref<128xf32, #tpu.memory_space<vmem>>, vector<16xf32>,
      tpu.vector_store %arg29[%swap3A_395], %gather3A_394 {strides = array<i32>} : memref<128xf32, #tpu.memory_space<vmem>>, vector<16xf32>,
      %mul3A_397 = arith.constant 3 : i32
      %mul3A_398 = arith.muli %add3A_348, %mul3A_397 : i32
      %mul3A_399 = arith.constant 32 : i32
      %mul3A_400 = arith.muli %mul3A_398, %mul3A_399 : i32
      "tpu.region"() ({
        %run_scoped3A = tpu.sem_alloc : memref<!tpu.dma_semaphore, #tpu.memory_space<semaphore_mem>>
        %dma_start3A = arith.constant 0 : i32
        %dma_start3A_690 = tpu.memref_slice %arg27[%dma_start3A] : memref<128xf32, #tpu.memory_space<vmem>> -> memref<32xf32, #tpu.memory_space<vmem>>
        %dma_start3A_691 = tpu.memref_slice %arg5[%mul3A_400] : memref<196608xf32, #tpu.memory_space<hbm>> -> memref<32xf32, #tpu.memory_space<hbm>>
        %dma_start3A_692 = tpu.memref_slice %arg5[%mul3A_400] : memref<196608xf32, #tpu.memory_space<hbm>> -> memref<32xf32, #tpu.memory_space<hbm>>
        %dma_start3A_693 = arith.constant 0 : i32
        %dma_start3A_694 = tpu.memref_slice %arg27[%dma_start3A_693] : memref<128xf32, #tpu.memory_space<vmem>> -> memref<32xf32, #tpu.memory_space<vmem>>
        tpu.enqueue_dma source(%dma_start3A_694 : memref<32xf32, #tpu.memory_space<vmem>>) target(%dma_start3A_692 : memref<32xf32, #tpu.memory_space<hbm>>) target_semaphore(%run_scoped3A : memref<!tpu.dma_semaphore, #tpu.memory_space<semaphore_mem>>)
        %dma_wait3A = arith.constant 0 : i32
        %dma_wait3A_695 = tpu.memref_slice %arg27[%dma_wait3A] : memref<128xf32, #tpu.memory_space<vmem>> -> memref<32xf32, #tpu.memory_space<vmem>>
        %dma_wait3A_696 = tpu.memref_slice %arg5[%mul3A_400] : memref<196608xf32, #tpu.memory_space<hbm>> -> memref<32xf32, #tpu.memory_space<hbm>>
        %dma_wait3A_697 = tpu.memref_slice %arg5[%mul3A_400] : memref<196608xf32, #tpu.memory_space<hbm>> -> memref<32xf32, #tpu.memory_space<hbm>>
        %dma_wait3A_698 = arith.constant 0 : i32
        %dma_wait3A_699 = tpu.memref_slice %arg27[%dma_wait3A_698] : memref<128xf32, #tpu.memory_space<vmem>> -> memref<32xf32, #tpu.memory_space<vmem>>
        tpu.wait_dma2 semaphore(%run_scoped3A : memref<!tpu.dma_semaphore, #tpu.memory_space<semaphore_mem>>) src(%dma_wait3A_699 : memref<32xf32, #tpu.memory_space<vmem>>) dst(%dma_wait3A_697 : memref<32xf32, #tpu.memory_space<hbm>>)
        tpu.yield
      }) : () -> ()
      %mul3A_401 = arith.constant 3 : i32
      %mul3A_402 = arith.muli %add3A_348, %mul3A_401 : i32
      %add3A_403 = arith.constant 1 : i32
      %add3A_404 = arith.addi %mul3A_402, %add3A_403 : i32
      %mul3A_405 = arith.constant 32 : i32
      %mul3A_406 = arith.muli %add3A_404, %mul3A_405 : i32
      "tpu.region"() ({
        %run_scoped3A = tpu.sem_alloc : memref<!tpu.dma_semaphore, #tpu.memory_space<semaphore_mem>>
        %dma_start3A = arith.constant 0 : i32
        %dma_start3A_690 = tpu.memref_slice %arg28[%dma_start3A] : memref<128xf32, #tpu.memory_space<vmem>> -> memref<32xf32, #tpu.memory_space<vmem>>
        %dma_start3A_691 = tpu.memref_slice %arg5[%mul3A_406] : memref<196608xf32, #tpu.memory_space<hbm>> -> memref<32xf32, #tpu.memory_space<hbm>>
        %dma_start3A_692 = tpu.memref_slice %arg5[%mul3A_406] : memref<196608xf32, #tpu.memory_space<hbm>> -> memref<32xf32, #tpu.memory_space<hbm>>
        %dma_start3A_693 = arith.constant 0 : i32
        %dma_start3A_694 = tpu.memref_slice %arg28[%dma_start3A_693] : memref<128xf32, #tpu.memory_space<vmem>> -> memref<32xf32, #tpu.memory_space<vmem>>
        tpu.enqueue_dma source(%dma_start3A_694 : memref<32xf32, #tpu.memory_space<vmem>>) target(%dma_start3A_692 : memref<32xf32, #tpu.memory_space<hbm>>) target_semaphore(%run_scoped3A : memref<!tpu.dma_semaphore, #tpu.memory_space<semaphore_mem>>)
        %dma_wait3A = arith.constant 0 : i32
        %dma_wait3A_695 = tpu.memref_slice %arg28[%dma_wait3A] : memref<128xf32, #tpu.memory_space<vmem>> -> memref<32xf32, #tpu.memory_space<vmem>>
        %dma_wait3A_696 = tpu.memref_slice %arg5[%mul3A_406] : memref<196608xf32, #tpu.memory_space<hbm>> -> memref<32xf32, #tpu.memory_space<hbm>>
        %dma_wait3A_697 = tpu.memref_slice %arg5[%mul3A_406] : memref<196608xf32, #tpu.memory_space<hbm>> -> memref<32xf32, #tpu.memory_space<hbm>>
        %dma_wait3A_698 = arith.constant 0 : i32
        %dma_wait3A_699 = tpu.memref_slice %arg28[%dma_wait3A_698] : memref<128xf32, #tpu.memory_space<vmem>> -> memref<32xf32, #tpu.memory_space<vmem>>
        tpu.wait_dma2 semaphore(%run_scoped3A : memref<!tpu.dma_semaphore, #tpu.memory_space<semaphore_mem>>) src(%dma_wait3A_699 : memref<32xf32, #tpu.memory_space<vmem>>) dst(%dma_wait3A_697 : memref<32xf32, #tpu.memory_space<hbm>>)
        tpu.yield
      }) : () -> ()
      %mul3A_407 = arith.constant 3 : i32
      %mul3A_408 = arith.muli %add3A_348, %mul3A_407 : i32
      %add3A_409 = arith.constant 2 : i32
      %add3A_410 = arith.addi %mul3A_408, %add3A_409 : i32
      %mul3A_411 = arith.constant 32 : i32
      %mul3A_412 = arith.muli %add3A_410, %mul3A_411 : i32
      "tpu.region"() ({
        %run_scoped3A = tpu.sem_alloc : memref<!tpu.dma_semaphore, #tpu.memory_space<semaphore_mem>>
        %dma_start3A = arith.constant 0 : i32
        %dma_start3A_690 = tpu.memref_slice %arg29[%dma_start3A] : memref<128xf32, #tpu.memory_space<vmem>> -> memref<32xf32, #tpu.memory_space<vmem>>
        %dma_start3A_691 = tpu.memref_slice %arg5[%mul3A_412] : memref<196608xf32, #tpu.memory_space<hbm>> -> memref<32xf32, #tpu.memory_space<hbm>>
        %dma_start3A_692 = tpu.memref_slice %arg5[%mul3A_412] : memref<196608xf32, #tpu.memory_space<hbm>> -> memref<32xf32, #tpu.memory_space<hbm>>
        %dma_start3A_693 = arith.constant 0 : i32
        %dma_start3A_694 = tpu.memref_slice %arg29[%dma_start3A_693] : memref<128xf32, #tpu.memory_space<vmem>> -> memref<32xf32, #tpu.memory_space<vmem>>
        tpu.enqueue_dma source(%dma_start3A_694 : memref<32xf32, #tpu.memory_space<vmem>>) target(%dma_start3A_692 : memref<32xf32, #tpu.memory_space<hbm>>) target_semaphore(%run_scoped3A : memref<!tpu.dma_semaphore, #tpu.memory_space<semaphore_mem>>)
        %dma_wait3A = arith.constant 0 : i32
        %dma_wait3A_695 = tpu.memref_slice %arg29[%dma_wait3A] : memref<128xf32, #tpu.memory_space<vmem>> -> memref<32xf32, #tpu.memory_space<vmem>>
        %dma_wait3A_696 = tpu.memref_slice %arg5[%mul3A_412] : memref<196608xf32, #tpu.memory_space<hbm>> -> memref<32xf32, #tpu.memory_space<hbm>>
        %dma_wait3A_697 = tpu.memref_slice %arg5[%mul3A_412] : memref<196608xf32, #tpu.memory_space<hbm>> -> memref<32xf32, #tpu.memory_space<hbm>>
        %dma_wait3A_698 = arith.constant 0 : i32
        %dma_wait3A_699 = tpu.memref_slice %arg29[%dma_wait3A_698] : memref<128xf32, #tpu.memory_space<vmem>> -> memref<32xf32, #tpu.memory_space<vmem>>
        tpu.wait_dma2 semaphore(%run_scoped3A : memref<!tpu.dma_semaphore, #tpu.memory_space<semaphore_mem>>) src(%dma_wait3A_699 : memref<32xf32, #tpu.memory_space<vmem>>) dst(%dma_wait3A_697 : memref<32xf32, #tpu.memory_space<hbm>>)
        tpu.yield
      }) : () -> ()
      %min3A_413 = arith.constant 64 : i32
      %min3A_414 = arith.minsi %scan3A_356#1, %min3A_413 : i32
      %gt3A_415 = arith.constant 0 : i32
      %gt3A_416 = arith.cmpi sgt, %scan3A_356#1, %gt3A_415 : i32
      %convert_element_type3A_417 = arith.extui %gt3A_416 : i1 to i32
      %cond3A_418 = arith.constant 0 : i32
      %cond3A_419 = arith.cmpi ne, %convert_element_type3A_417, %cond3A_418 : i32
      %cond3A_420 = scf.if %cond3A_419 -> (i32) {
        %get3A_690 = arith.constant 0 : index
        %get3A_691 = tpu.vector_load %arg25[%get3A_690] {strides = array<i32>} : memref<4112xi32, #tpu.memory_space<vmem>>, vector<16xi32>,
        %slice3A_692 = vector.extract_strided_slice %get3A_691 {offsets = [0], sizes = [1], strides = [1]} : vector<16xi32> to vector<1xi32>
        %squeeze3A_693 = vector.extract %slice3A_692[0] : i32 from vector<1xi32>
        scf.yield %squeeze3A_693 : i32
      } else {
        %cond3A_690 = arith.constant 4095 : i32
        scf.yield %cond3A_690 : i32
      }
      %iota3A_421 = tpu.iota {dimensions = array<i32: 0>} : vector<16xi32>
      %add3A_422 = arith.constant 0 : i32
      %add3A_423 = vector.broadcast %add3A_422 : i32 to vector<16xi32>
      %add3A_424 = arith.addi %iota3A_421, %add3A_423 : vector<16xi32>
      %ge3A_425 = vector.broadcast %min3A_414 : i32 to vector<16xi32>
      %ge3A_426 = arith.cmpi sge, %add3A_424, %ge3A_425 : vector<16xi32>
      %get3A_427 = arith.constant 0 : index
      %get3A_428 = tpu.vector_load %arg25[%get3A_427] {strides = array<i32>} : memref<4112xi32, #tpu.memory_space<vmem>>, vector<16xi32>,
      %broadcast_in_dim3A_429 = vector.broadcast %cond3A_420 : i32 to vector<16xi32>
      %select_n3A_430 = arith.select %ge3A_426, %broadcast_in_dim3A_429, %get3A_428 : vector<16xi1>, vector<16xi32>
      %gather3A_431 = tpu.vector_load_idx %arg9[%select_n3A_430] : memref<4096xf32, #tpu.memory_space<vmem>>[vector<16xi32>], vector<16xf32>,
      %swap3A_432 = arith.constant 0 : index
      %swap3A_433 = tpu.vector_load %arg27[%swap3A_432] {strides = array<i32>} : memref<128xf32, #tpu.memory_space<vmem>>, vector<16xf32>,
      tpu.vector_store %arg27[%swap3A_432], %gather3A_431 {strides = array<i32>} : memref<128xf32, #tpu.memory_space<vmem>>, vector<16xf32>,
      %gather3A_434 = tpu.vector_load_idx %arg10[%select_n3A_430] : memref<4096xf32, #tpu.memory_space<vmem>>[vector<16xi32>], vector<16xf32>,
      %swap3A_435 = arith.constant 0 : index
      %swap3A_436 = tpu.vector_load %arg28[%swap3A_435] {strides = array<i32>} : memref<128xf32, #tpu.memory_space<vmem>>, vector<16xf32>,
      tpu.vector_store %arg28[%swap3A_435], %gather3A_434 {strides = array<i32>} : memref<128xf32, #tpu.memory_space<vmem>>, vector<16xf32>,
      %gather3A_437 = tpu.vector_load_idx %arg11[%select_n3A_430] : memref<4096xf32, #tpu.memory_space<vmem>>[vector<16xi32>], vector<16xf32>,
      %swap3A_438 = arith.constant 0 : index
      %swap3A_439 = tpu.vector_load %arg29[%swap3A_438] {strides = array<i32>} : memref<128xf32, #tpu.memory_space<vmem>>, vector<16xf32>,
      tpu.vector_store %arg29[%swap3A_438], %gather3A_437 {strides = array<i32>} : memref<128xf32, #tpu.memory_space<vmem>>, vector<16xf32>,
      %iota3A_440 = tpu.iota {dimensions = array<i32: 0>} : vector<16xi32>
      %add3A_441 = arith.constant 16 : i32
      %add3A_442 = vector.broadcast %add3A_441 : i32 to vector<16xi32>
      %add3A_443 = arith.addi %iota3A_440, %add3A_442 : vector<16xi32>
      %ge3A_444 = vector.broadcast %min3A_414 : i32 to vector<16xi32>
      %ge3A_445 = arith.cmpi sge, %add3A_443, %ge3A_444 : vector<16xi32>
      %get3A_446 = arith.constant 16 : index
      %get3A_447 = tpu.vector_load %arg25[%get3A_446] {strides = array<i32>} : memref<4112xi32, #tpu.memory_space<vmem>>, vector<16xi32>,
      %broadcast_in_dim3A_448 = vector.broadcast %cond3A_420 : i32 to vector<16xi32>
      %select_n3A_449 = arith.select %ge3A_445, %broadcast_in_dim3A_448, %get3A_447 : vector<16xi1>, vector<16xi32>
      %gather3A_450 = tpu.vector_load_idx %arg9[%select_n3A_449] : memref<4096xf32, #tpu.memory_space<vmem>>[vector<16xi32>], vector<16xf32>,
      %swap3A_451 = arith.constant 16 : index
      %swap3A_452 = tpu.vector_load %arg27[%swap3A_451] {strides = array<i32>} : memref<128xf32, #tpu.memory_space<vmem>>, vector<16xf32>,
      tpu.vector_store %arg27[%swap3A_451], %gather3A_450 {strides = array<i32>} : memref<128xf32, #tpu.memory_space<vmem>>, vector<16xf32>,
      %gather3A_453 = tpu.vector_load_idx %arg10[%select_n3A_449] : memref<4096xf32, #tpu.memory_space<vmem>>[vector<16xi32>], vector<16xf32>,
      %swap3A_454 = arith.constant 16 : index
      %swap3A_455 = tpu.vector_load %arg28[%swap3A_454] {strides = array<i32>} : memref<128xf32, #tpu.memory_space<vmem>>, vector<16xf32>,
      tpu.vector_store %arg28[%swap3A_454], %gather3A_453 {strides = array<i32>} : memref<128xf32, #tpu.memory_space<vmem>>, vector<16xf32>,
      %gather3A_456 = tpu.vector_load_idx %arg11[%select_n3A_449] : memref<4096xf32, #tpu.memory_space<vmem>>[vector<16xi32>], vector<16xf32>,
      %swap3A_457 = arith.constant 16 : index
      %swap3A_458 = tpu.vector_load %arg29[%swap3A_457] {strides = array<i32>} : memref<128xf32, #tpu.memory_space<vmem>>, vector<16xf32>,
      tpu.vector_store %arg29[%swap3A_457], %gather3A_456 {strides = array<i32>} : memref<128xf32, #tpu.memory_space<vmem>>, vector<16xf32>,
      %iota3A_459 = tpu.iota {dimensions = array<i32: 0>} : vector<16xi32>
      %add3A_460 = arith.constant 32 : i32
      %add3A_461 = vector.broadcast %add3A_460 : i32 to vector<16xi32>
      %add3A_462 = arith.addi %iota3A_459, %add3A_461 : vector<16xi32>
      %ge3A_463 = vector.broadcast %min3A_414 : i32 to vector<16xi32>
      %ge3A_464 = arith.cmpi sge, %add3A_462, %ge3A_463 : vector<16xi32>
      %get3A_465 = arith.constant 32 : index
      %get3A_466 = tpu.vector_load %arg25[%get3A_465] {strides = array<i32>} : memref<4112xi32, #tpu.memory_space<vmem>>, vector<16xi32>,
      %broadcast_in_dim3A_467 = vector.broadcast %cond3A_420 : i32 to vector<16xi32>
      %select_n3A_468 = arith.select %ge3A_464, %broadcast_in_dim3A_467, %get3A_466 : vector<16xi1>, vector<16xi32>
      %gather3A_469 = tpu.vector_load_idx %arg9[%select_n3A_468] : memref<4096xf32, #tpu.memory_space<vmem>>[vector<16xi32>], vector<16xf32>,
      %swap3A_470 = arith.constant 32 : index
      %swap3A_471 = tpu.vector_load %arg27[%swap3A_470] {strides = array<i32>} : memref<128xf32, #tpu.memory_space<vmem>>, vector<16xf32>,
      tpu.vector_store %arg27[%swap3A_470], %gather3A_469 {strides = array<i32>} : memref<128xf32, #tpu.memory_space<vmem>>, vector<16xf32>,
      %gather3A_472 = tpu.vector_load_idx %arg10[%select_n3A_468] : memref<4096xf32, #tpu.memory_space<vmem>>[vector<16xi32>], vector<16xf32>,
      %swap3A_473 = arith.constant 32 : index
      %swap3A_474 = tpu.vector_load %arg28[%swap3A_473] {strides = array<i32>} : memref<128xf32, #tpu.memory_space<vmem>>, vector<16xf32>,
      tpu.vector_store %arg28[%swap3A_473], %gather3A_472 {strides = array<i32>} : memref<128xf32, #tpu.memory_space<vmem>>, vector<16xf32>,
      %gather3A_475 = tpu.vector_load_idx %arg11[%select_n3A_468] : memref<4096xf32, #tpu.memory_space<vmem>>[vector<16xi32>], vector<16xf32>,
      %swap3A_476 = arith.constant 32 : index
      %swap3A_477 = tpu.vector_load %arg29[%swap3A_476] {strides = array<i32>} : memref<128xf32, #tpu.memory_space<vmem>>, vector<16xf32>,
      tpu.vector_store %arg29[%swap3A_476], %gather3A_475 {strides = array<i32>} : memref<128xf32, #tpu.memory_space<vmem>>, vector<16xf32>,
      %iota3A_478 = tpu.iota {dimensions = array<i32: 0>} : vector<16xi32>
      %add3A_479 = arith.constant 48 : i32
      %add3A_480 = vector.broadcast %add3A_479 : i32 to vector<16xi32>
      %add3A_481 = arith.addi %iota3A_478, %add3A_480 : vector<16xi32>
      %ge3A_482 = vector.broadcast %min3A_414 : i32 to vector<16xi32>
      %ge3A_483 = arith.cmpi sge, %add3A_481, %ge3A_482 : vector<16xi32>
      %get3A_484 = arith.constant 48 : index
      %get3A_485 = tpu.vector_load %arg25[%get3A_484] {strides = array<i32>} : memref<4112xi32, #tpu.memory_space<vmem>>, vector<16xi32>,
      %broadcast_in_dim3A_486 = vector.broadcast %cond3A_420 : i32 to vector<16xi32>
      %select_n3A_487 = arith.select %ge3A_483, %broadcast_in_dim3A_486, %get3A_485 : vector<16xi1>, vector<16xi32>
      %gather3A_488 = tpu.vector_load_idx %arg9[%select_n3A_487] : memref<4096xf32, #tpu.memory_space<vmem>>[vector<16xi32>], vector<16xf32>,
      %swap3A_489 = arith.constant 48 : index
      %swap3A_490 = tpu.vector_load %arg27[%swap3A_489] {strides = array<i32>} : memref<128xf32, #tpu.memory_space<vmem>>, vector<16xf32>,
      tpu.vector_store %arg27[%swap3A_489], %gather3A_488 {strides = array<i32>} : memref<128xf32, #tpu.memory_space<vmem>>, vector<16xf32>,
      %gather3A_491 = tpu.vector_load_idx %arg10[%select_n3A_487] : memref<4096xf32, #tpu.memory_space<vmem>>[vector<16xi32>], vector<16xf32>,
      %swap3A_492 = arith.constant 48 : index
      %swap3A_493 = tpu.vector_load %arg28[%swap3A_492] {strides = array<i32>} : memref<128xf32, #tpu.memory_space<vmem>>, vector<16xf32>,
      tpu.vector_store %arg28[%swap3A_492], %gather3A_491 {strides = array<i32>} : memref<128xf32, #tpu.memory_space<vmem>>, vector<16xf32>,
      %gather3A_494 = tpu.vector_load_idx %arg11[%select_n3A_487] : memref<4096xf32, #tpu.memory_space<vmem>>[vector<16xi32>], vector<16xf32>,
      %swap3A_495 = arith.constant 48 : index
      %swap3A_496 = tpu.vector_load %arg29[%swap3A_495] {strides = array<i32>} : memref<128xf32, #tpu.memory_space<vmem>>, vector<16xf32>,
      tpu.vector_store %arg29[%swap3A_495], %gather3A_494 {strides = array<i32>} : memref<128xf32, #tpu.memory_space<vmem>>, vector<16xf32>,
      %mul3A_497 = arith.constant 3 : i32
      %mul3A_498 = arith.muli %add3A_348, %mul3A_497 : i32
      %mul3A_499 = arith.constant 64 : i32
      %mul3A_500 = arith.muli %mul3A_498, %mul3A_499 : i32
      "tpu.region"() ({
        %run_scoped3A = tpu.sem_alloc : memref<!tpu.dma_semaphore, #tpu.memory_space<semaphore_mem>>
        %dma_start3A = arith.constant 0 : i32
        %dma_start3A_690 = tpu.memref_slice %arg27[%dma_start3A] : memref<128xf32, #tpu.memory_space<vmem>> -> memref<64xf32, #tpu.memory_space<vmem>>
        %dma_start3A_691 = tpu.memref_slice %arg6[%mul3A_500] : memref<393216xf32, #tpu.memory_space<hbm>> -> memref<64xf32, #tpu.memory_space<hbm>>
        %dma_start3A_692 = tpu.memref_slice %arg6[%mul3A_500] : memref<393216xf32, #tpu.memory_space<hbm>> -> memref<64xf32, #tpu.memory_space<hbm>>
        %dma_start3A_693 = arith.constant 0 : i32
        %dma_start3A_694 = tpu.memref_slice %arg27[%dma_start3A_693] : memref<128xf32, #tpu.memory_space<vmem>> -> memref<64xf32, #tpu.memory_space<vmem>>
        tpu.enqueue_dma source(%dma_start3A_694 : memref<64xf32, #tpu.memory_space<vmem>>) target(%dma_start3A_692 : memref<64xf32, #tpu.memory_space<hbm>>) target_semaphore(%run_scoped3A : memref<!tpu.dma_semaphore, #tpu.memory_space<semaphore_mem>>)
        %dma_wait3A = arith.constant 0 : i32
        %dma_wait3A_695 = tpu.memref_slice %arg27[%dma_wait3A] : memref<128xf32, #tpu.memory_space<vmem>> -> memref<64xf32, #tpu.memory_space<vmem>>
        %dma_wait3A_696 = tpu.memref_slice %arg6[%mul3A_500] : memref<393216xf32, #tpu.memory_space<hbm>> -> memref<64xf32, #tpu.memory_space<hbm>>
        %dma_wait3A_697 = tpu.memref_slice %arg6[%mul3A_500] : memref<393216xf32, #tpu.memory_space<hbm>> -> memref<64xf32, #tpu.memory_space<hbm>>
        %dma_wait3A_698 = arith.constant 0 : i32
        %dma_wait3A_699 = tpu.memref_slice %arg27[%dma_wait3A_698] : memref<128xf32, #tpu.memory_space<vmem>> -> memref<64xf32, #tpu.memory_space<vmem>>
        tpu.wait_dma2 semaphore(%run_scoped3A : memref<!tpu.dma_semaphore, #tpu.memory_space<semaphore_mem>>) src(%dma_wait3A_699 : memref<64xf32, #tpu.memory_space<vmem>>) dst(%dma_wait3A_697 : memref<64xf32, #tpu.memory_space<hbm>>)
        tpu.yield
      }) : () -> ()
      %mul3A_501 = arith.constant 3 : i32
      %mul3A_502 = arith.muli %add3A_348, %mul3A_501 : i32
      %add3A_503 = arith.constant 1 : i32
      %add3A_504 = arith.addi %mul3A_502, %add3A_503 : i32
      %mul3A_505 = arith.constant 64 : i32
      %mul3A_506 = arith.muli %add3A_504, %mul3A_505 : i32
      "tpu.region"() ({
        %run_scoped3A = tpu.sem_alloc : memref<!tpu.dma_semaphore, #tpu.memory_space<semaphore_mem>>
        %dma_start3A = arith.constant 0 : i32
        %dma_start3A_690 = tpu.memref_slice %arg28[%dma_start3A] : memref<128xf32, #tpu.memory_space<vmem>> -> memref<64xf32, #tpu.memory_space<vmem>>
        %dma_start3A_691 = tpu.memref_slice %arg6[%mul3A_506] : memref<393216xf32, #tpu.memory_space<hbm>> -> memref<64xf32, #tpu.memory_space<hbm>>
        %dma_start3A_692 = tpu.memref_slice %arg6[%mul3A_506] : memref<393216xf32, #tpu.memory_space<hbm>> -> memref<64xf32, #tpu.memory_space<hbm>>
        %dma_start3A_693 = arith.constant 0 : i32
        %dma_start3A_694 = tpu.memref_slice %arg28[%dma_start3A_693] : memref<128xf32, #tpu.memory_space<vmem>> -> memref<64xf32, #tpu.memory_space<vmem>>
        tpu.enqueue_dma source(%dma_start3A_694 : memref<64xf32, #tpu.memory_space<vmem>>) target(%dma_start3A_692 : memref<64xf32, #tpu.memory_space<hbm>>) target_semaphore(%run_scoped3A : memref<!tpu.dma_semaphore, #tpu.memory_space<semaphore_mem>>)
        %dma_wait3A = arith.constant 0 : i32
        %dma_wait3A_695 = tpu.memref_slice %arg28[%dma_wait3A] : memref<128xf32, #tpu.memory_space<vmem>> -> memref<64xf32, #tpu.memory_space<vmem>>
        %dma_wait3A_696 = tpu.memref_slice %arg6[%mul3A_506] : memref<393216xf32, #tpu.memory_space<hbm>> -> memref<64xf32, #tpu.memory_space<hbm>>
        %dma_wait3A_697 = tpu.memref_slice %arg6[%mul3A_506] : memref<393216xf32, #tpu.memory_space<hbm>> -> memref<64xf32, #tpu.memory_space<hbm>>
        %dma_wait3A_698 = arith.constant 0 : i32
        %dma_wait3A_699 = tpu.memref_slice %arg28[%dma_wait3A_698] : memref<128xf32, #tpu.memory_space<vmem>> -> memref<64xf32, #tpu.memory_space<vmem>>
        tpu.wait_dma2 semaphore(%run_scoped3A : memref<!tpu.dma_semaphore, #tpu.memory_space<semaphore_mem>>) src(%dma_wait3A_699 : memref<64xf32, #tpu.memory_space<vmem>>) dst(%dma_wait3A_697 : memref<64xf32, #tpu.memory_space<hbm>>)
        tpu.yield
      }) : () -> ()
      %mul3A_507 = arith.constant 3 : i32
      %mul3A_508 = arith.muli %add3A_348, %mul3A_507 : i32
      %add3A_509 = arith.constant 2 : i32
      %add3A_510 = arith.addi %mul3A_508, %add3A_509 : i32
      %mul3A_511 = arith.constant 64 : i32
      %mul3A_512 = arith.muli %add3A_510, %mul3A_511 : i32
      "tpu.region"() ({
        %run_scoped3A = tpu.sem_alloc : memref<!tpu.dma_semaphore, #tpu.memory_space<semaphore_mem>>
        %dma_start3A = arith.constant 0 : i32
        %dma_start3A_690 = tpu.memref_slice %arg29[%dma_start3A] : memref<128xf32, #tpu.memory_space<vmem>> -> memref<64xf32, #tpu.memory_space<vmem>>
        %dma_start3A_691 = tpu.memref_slice %arg6[%mul3A_512] : memref<393216xf32, #tpu.memory_space<hbm>> -> memref<64xf32, #tpu.memory_space<hbm>>
        %dma_start3A_692 = tpu.memref_slice %arg6[%mul3A_512] : memref<393216xf32, #tpu.memory_space<hbm>> -> memref<64xf32, #tpu.memory_space<hbm>>
        %dma_start3A_693 = arith.constant 0 : i32
        %dma_start3A_694 = tpu.memref_slice %arg29[%dma_start3A_693] : memref<128xf32, #tpu.memory_space<vmem>> -> memref<64xf32, #tpu.memory_space<vmem>>
        tpu.enqueue_dma source(%dma_start3A_694 : memref<64xf32, #tpu.memory_space<vmem>>) target(%dma_start3A_692 : memref<64xf32, #tpu.memory_space<hbm>>) target_semaphore(%run_scoped3A : memref<!tpu.dma_semaphore, #tpu.memory_space<semaphore_mem>>)
        %dma_wait3A = arith.constant 0 : i32
        %dma_wait3A_695 = tpu.memref_slice %arg29[%dma_wait3A] : memref<128xf32, #tpu.memory_space<vmem>> -> memref<64xf32, #tpu.memory_space<vmem>>
        %dma_wait3A_696 = tpu.memref_slice %arg6[%mul3A_512] : memref<393216xf32, #tpu.memory_space<hbm>> -> memref<64xf32, #tpu.memory_space<hbm>>
        %dma_wait3A_697 = tpu.memref_slice %arg6[%mul3A_512] : memref<393216xf32, #tpu.memory_space<hbm>> -> memref<64xf32, #tpu.memory_space<hbm>>
        %dma_wait3A_698 = arith.constant 0 : i32
        %dma_wait3A_699 = tpu.memref_slice %arg29[%dma_wait3A_698] : memref<128xf32, #tpu.memory_space<vmem>> -> memref<64xf32, #tpu.memory_space<vmem>>
        tpu.wait_dma2 semaphore(%run_scoped3A : memref<!tpu.dma_semaphore, #tpu.memory_space<semaphore_mem>>) src(%dma_wait3A_699 : memref<64xf32, #tpu.memory_space<vmem>>) dst(%dma_wait3A_697 : memref<64xf32, #tpu.memory_space<hbm>>)
        tpu.yield
      }) : () -> ()
      %min3A_513 = arith.constant 128 : i32
      %min3A_514 = arith.minsi %scan3A_356#2, %min3A_513 : i32
      %gt3A_515 = arith.constant 0 : i32
      %gt3A_516 = arith.cmpi sgt, %scan3A_356#2, %gt3A_515 : i32
      %convert_element_type3A_517 = arith.extui %gt3A_516 : i1 to i32
      %cond3A_518 = arith.constant 0 : i32
      %cond3A_519 = arith.cmpi ne, %convert_element_type3A_517, %cond3A_518 : i32
      %cond3A_520 = scf.if %cond3A_519 -> (i32) {
        %get3A_690 = arith.constant 0 : index
        %get3A_691 = tpu.vector_load %arg26[%get3A_690] {strides = array<i32>} : memref<4112xi32, #tpu.memory_space<vmem>>, vector<16xi32>,
        %slice3A_692 = vector.extract_strided_slice %get3A_691 {offsets = [0], sizes = [1], strides = [1]} : vector<16xi32> to vector<1xi32>
        %squeeze3A_693 = vector.extract %slice3A_692[0] : i32 from vector<1xi32>
        scf.yield %squeeze3A_693 : i32
      } else {
        %cond3A_690 = arith.constant 4095 : i32
        scf.yield %cond3A_690 : i32
      }
      %iota3A_521 = tpu.iota {dimensions = array<i32: 0>} : vector<16xi32>
      %add3A_522 = arith.constant 0 : i32
      %add3A_523 = vector.broadcast %add3A_522 : i32 to vector<16xi32>
      %add3A_524 = arith.addi %iota3A_521, %add3A_523 : vector<16xi32>
      %ge3A_525 = vector.broadcast %min3A_514 : i32 to vector<16xi32>
      %ge3A_526 = arith.cmpi sge, %add3A_524, %ge3A_525 : vector<16xi32>
      %get3A_527 = arith.constant 0 : index
      %get3A_528 = tpu.vector_load %arg26[%get3A_527] {strides = array<i32>} : memref<4112xi32, #tpu.memory_space<vmem>>, vector<16xi32>,
      %broadcast_in_dim3A_529 = vector.broadcast %cond3A_520 : i32 to vector<16xi32>
      %select_n3A_530 = arith.select %ge3A_526, %broadcast_in_dim3A_529, %get3A_528 : vector<16xi1>, vector<16xi32>
      %gather3A_531 = tpu.vector_load_idx %arg9[%select_n3A_530] : memref<4096xf32, #tpu.memory_space<vmem>>[vector<16xi32>], vector<16xf32>,
      %swap3A_532 = arith.constant 0 : index
      %swap3A_533 = tpu.vector_load %arg27[%swap3A_532] {strides = array<i32>} : memref<128xf32, #tpu.memory_space<vmem>>, vector<16xf32>,
      tpu.vector_store %arg27[%swap3A_532], %gather3A_531 {strides = array<i32>} : memref<128xf32, #tpu.memory_space<vmem>>, vector<16xf32>,
      %gather3A_534 = tpu.vector_load_idx %arg10[%select_n3A_530] : memref<4096xf32, #tpu.memory_space<vmem>>[vector<16xi32>], vector<16xf32>,
      %swap3A_535 = arith.constant 0 : index
      %swap3A_536 = tpu.vector_load %arg28[%swap3A_535] {strides = array<i32>} : memref<128xf32, #tpu.memory_space<vmem>>, vector<16xf32>,
      tpu.vector_store %arg28[%swap3A_535], %gather3A_534 {strides = array<i32>} : memref<128xf32, #tpu.memory_space<vmem>>, vector<16xf32>,
      %gather3A_537 = tpu.vector_load_idx %arg11[%select_n3A_530] : memref<4096xf32, #tpu.memory_space<vmem>>[vector<16xi32>], vector<16xf32>,
      %swap3A_538 = arith.constant 0 : index
      %swap3A_539 = tpu.vector_load %arg29[%swap3A_538] {strides = array<i32>} : memref<128xf32, #tpu.memory_space<vmem>>, vector<16xf32>,
      tpu.vector_store %arg29[%swap3A_538], %gather3A_537 {strides = array<i32>} : memref<128xf32, #tpu.memory_space<vmem>>, vector<16xf32>,
      %iota3A_540 = tpu.iota {dimensions = array<i32: 0>} : vector<16xi32>
      %add3A_541 = arith.constant 16 : i32
      %add3A_542 = vector.broadcast %add3A_541 : i32 to vector<16xi32>
      %add3A_543 = arith.addi %iota3A_540, %add3A_542 : vector<16xi32>
      %ge3A_544 = vector.broadcast %min3A_514 : i32 to vector<16xi32>
      %ge3A_545 = arith.cmpi sge, %add3A_543, %ge3A_544 : vector<16xi32>
      %get3A_546 = arith.constant 16 : index
      %get3A_547 = tpu.vector_load %arg26[%get3A_546] {strides = array<i32>} : memref<4112xi32, #tpu.memory_space<vmem>>, vector<16xi32>,
      %broadcast_in_dim3A_548 = vector.broadcast %cond3A_520 : i32 to vector<16xi32>
      %select_n3A_549 = arith.select %ge3A_545, %broadcast_in_dim3A_548, %get3A_547 : vector<16xi1>, vector<16xi32>
      %gather3A_550 = tpu.vector_load_idx %arg9[%select_n3A_549] : memref<4096xf32, #tpu.memory_space<vmem>>[vector<16xi32>], vector<16xf32>,
      %swap3A_551 = arith.constant 16 : index
      %swap3A_552 = tpu.vector_load %arg27[%swap3A_551] {strides = array<i32>} : memref<128xf32, #tpu.memory_space<vmem>>, vector<16xf32>,
      tpu.vector_store %arg27[%swap3A_551], %gather3A_550 {strides = array<i32>} : memref<128xf32, #tpu.memory_space<vmem>>, vector<16xf32>,
      %gather3A_553 = tpu.vector_load_idx %arg10[%select_n3A_549] : memref<4096xf32, #tpu.memory_space<vmem>>[vector<16xi32>], vector<16xf32>,
      %swap3A_554 = arith.constant 16 : index
      %swap3A_555 = tpu.vector_load %arg28[%swap3A_554] {strides = array<i32>} : memref<128xf32, #tpu.memory_space<vmem>>, vector<16xf32>,
      tpu.vector_store %arg28[%swap3A_554], %gather3A_553 {strides = array<i32>} : memref<128xf32, #tpu.memory_space<vmem>>, vector<16xf32>,
      %gather3A_556 = tpu.vector_load_idx %arg11[%select_n3A_549] : memref<4096xf32, #tpu.memory_space<vmem>>[vector<16xi32>], vector<16xf32>,
      %swap3A_557 = arith.constant 16 : index
      %swap3A_558 = tpu.vector_load %arg29[%swap3A_557] {strides = array<i32>} : memref<128xf32, #tpu.memory_space<vmem>>, vector<16xf32>,
      tpu.vector_store %arg29[%swap3A_557], %gather3A_556 {strides = array<i32>} : memref<128xf32, #tpu.memory_space<vmem>>, vector<16xf32>,
      %iota3A_559 = tpu.iota {dimensions = array<i32: 0>} : vector<16xi32>
      %add3A_560 = arith.constant 32 : i32
      %add3A_561 = vector.broadcast %add3A_560 : i32 to vector<16xi32>
      %add3A_562 = arith.addi %iota3A_559, %add3A_561 : vector<16xi32>
      %ge3A_563 = vector.broadcast %min3A_514 : i32 to vector<16xi32>
      %ge3A_564 = arith.cmpi sge, %add3A_562, %ge3A_563 : vector<16xi32>
      %get3A_565 = arith.constant 32 : index
      %get3A_566 = tpu.vector_load %arg26[%get3A_565] {strides = array<i32>} : memref<4112xi32, #tpu.memory_space<vmem>>, vector<16xi32>,
      %broadcast_in_dim3A_567 = vector.broadcast %cond3A_520 : i32 to vector<16xi32>
      %select_n3A_568 = arith.select %ge3A_564, %broadcast_in_dim3A_567, %get3A_566 : vector<16xi1>, vector<16xi32>
      %gather3A_569 = tpu.vector_load_idx %arg9[%select_n3A_568] : memref<4096xf32, #tpu.memory_space<vmem>>[vector<16xi32>], vector<16xf32>,
      %swap3A_570 = arith.constant 32 : index
      %swap3A_571 = tpu.vector_load %arg27[%swap3A_570] {strides = array<i32>} : memref<128xf32, #tpu.memory_space<vmem>>, vector<16xf32>,
      tpu.vector_store %arg27[%swap3A_570], %gather3A_569 {strides = array<i32>} : memref<128xf32, #tpu.memory_space<vmem>>, vector<16xf32>,
      %gather3A_572 = tpu.vector_load_idx %arg10[%select_n3A_568] : memref<4096xf32, #tpu.memory_space<vmem>>[vector<16xi32>], vector<16xf32>,
      %swap3A_573 = arith.constant 32 : index
      %swap3A_574 = tpu.vector_load %arg28[%swap3A_573] {strides = array<i32>} : memref<128xf32, #tpu.memory_space<vmem>>, vector<16xf32>,
      tpu.vector_store %arg28[%swap3A_573], %gather3A_572 {strides = array<i32>} : memref<128xf32, #tpu.memory_space<vmem>>, vector<16xf32>,
      %gather3A_575 = tpu.vector_load_idx %arg11[%select_n3A_568] : memref<4096xf32, #tpu.memory_space<vmem>>[vector<16xi32>], vector<16xf32>,
      %swap3A_576 = arith.constant 32 : index
      %swap3A_577 = tpu.vector_load %arg29[%swap3A_576] {strides = array<i32>} : memref<128xf32, #tpu.memory_space<vmem>>, vector<16xf32>,
      tpu.vector_store %arg29[%swap3A_576], %gather3A_575 {strides = array<i32>} : memref<128xf32, #tpu.memory_space<vmem>>, vector<16xf32>,
      %iota3A_578 = tpu.iota {dimensions = array<i32: 0>} : vector<16xi32>
      %add3A_579 = arith.constant 48 : i32
      %add3A_580 = vector.broadcast %add3A_579 : i32 to vector<16xi32>
      %add3A_581 = arith.addi %iota3A_578, %add3A_580 : vector<16xi32>
      %ge3A_582 = vector.broadcast %min3A_514 : i32 to vector<16xi32>
      %ge3A_583 = arith.cmpi sge, %add3A_581, %ge3A_582 : vector<16xi32>
      %get3A_584 = arith.constant 48 : index
      %get3A_585 = tpu.vector_load %arg26[%get3A_584] {strides = array<i32>} : memref<4112xi32, #tpu.memory_space<vmem>>, vector<16xi32>,
      %broadcast_in_dim3A_586 = vector.broadcast %cond3A_520 : i32 to vector<16xi32>
      %select_n3A_587 = arith.select %ge3A_583, %broadcast_in_dim3A_586, %get3A_585 : vector<16xi1>, vector<16xi32>
      %gather3A_588 = tpu.vector_load_idx %arg9[%select_n3A_587] : memref<4096xf32, #tpu.memory_space<vmem>>[vector<16xi32>], vector<16xf32>,
      %swap3A_589 = arith.constant 48 : index
      %swap3A_590 = tpu.vector_load %arg27[%swap3A_589] {strides = array<i32>} : memref<128xf32, #tpu.memory_space<vmem>>, vector<16xf32>,
      tpu.vector_store %arg27[%swap3A_589], %gather3A_588 {strides = array<i32>} : memref<128xf32, #tpu.memory_space<vmem>>, vector<16xf32>,
      %gather3A_591 = tpu.vector_load_idx %arg10[%select_n3A_587] : memref<4096xf32, #tpu.memory_space<vmem>>[vector<16xi32>], vector<16xf32>,
      %swap3A_592 = arith.constant 48 : index
      %swap3A_593 = tpu.vector_load %arg28[%swap3A_592] {strides = array<i32>} : memref<128xf32, #tpu.memory_space<vmem>>, vector<16xf32>,
      tpu.vector_store %arg28[%swap3A_592], %gather3A_591 {strides = array<i32>} : memref<128xf32, #tpu.memory_space<vmem>>, vector<16xf32>,
      %gather3A_594 = tpu.vector_load_idx %arg11[%select_n3A_587] : memref<4096xf32, #tpu.memory_space<vmem>>[vector<16xi32>], vector<16xf32>,
      %swap3A_595 = arith.constant 48 : index
      %swap3A_596 = tpu.vector_load %arg29[%swap3A_595] {strides = array<i32>} : memref<128xf32, #tpu.memory_space<vmem>>, vector<16xf32>,
      tpu.vector_store %arg29[%swap3A_595], %gather3A_594 {strides = array<i32>} : memref<128xf32, #tpu.memory_space<vmem>>, vector<16xf32>,
      %iota3A_597 = tpu.iota {dimensions = array<i32: 0>} : vector<16xi32>
      %add3A_598 = arith.constant 64 : i32
      %add3A_599 = vector.broadcast %add3A_598 : i32 to vector<16xi32>
      %add3A_600 = arith.addi %iota3A_597, %add3A_599 : vector<16xi32>
      %ge3A_601 = vector.broadcast %min3A_514 : i32 to vector<16xi32>
      %ge3A_602 = arith.cmpi sge, %add3A_600, %ge3A_601 : vector<16xi32>
      %get3A_603 = arith.constant 64 : index
      %get3A_604 = tpu.vector_load %arg26[%get3A_603] {strides = array<i32>} : memref<4112xi32, #tpu.memory_space<vmem>>, vector<16xi32>,
      %broadcast_in_dim3A_605 = vector.broadcast %cond3A_520 : i32 to vector<16xi32>
      %select_n3A_606 = arith.select %ge3A_602, %broadcast_in_dim3A_605, %get3A_604 : vector<16xi1>, vector<16xi32>
      %gather3A_607 = tpu.vector_load_idx %arg9[%select_n3A_606] : memref<4096xf32, #tpu.memory_space<vmem>>[vector<16xi32>], vector<16xf32>,
      %swap3A_608 = arith.constant 64 : index
      %swap3A_609 = tpu.vector_load %arg27[%swap3A_608] {strides = array<i32>} : memref<128xf32, #tpu.memory_space<vmem>>, vector<16xf32>,
      tpu.vector_store %arg27[%swap3A_608], %gather3A_607 {strides = array<i32>} : memref<128xf32, #tpu.memory_space<vmem>>, vector<16xf32>,
      %gather3A_610 = tpu.vector_load_idx %arg10[%select_n3A_606] : memref<4096xf32, #tpu.memory_space<vmem>>[vector<16xi32>], vector<16xf32>,
      %swap3A_611 = arith.constant 64 : index
      %swap3A_612 = tpu.vector_load %arg28[%swap3A_611] {strides = array<i32>} : memref<128xf32, #tpu.memory_space<vmem>>, vector<16xf32>,
      tpu.vector_store %arg28[%swap3A_611], %gather3A_610 {strides = array<i32>} : memref<128xf32, #tpu.memory_space<vmem>>, vector<16xf32>,
      %gather3A_613 = tpu.vector_load_idx %arg11[%select_n3A_606] : memref<4096xf32, #tpu.memory_space<vmem>>[vector<16xi32>], vector<16xf32>,
      %swap3A_614 = arith.constant 64 : index
      %swap3A_615 = tpu.vector_load %arg29[%swap3A_614] {strides = array<i32>} : memref<128xf32, #tpu.memory_space<vmem>>, vector<16xf32>,
      tpu.vector_store %arg29[%swap3A_614], %gather3A_613 {strides = array<i32>} : memref<128xf32, #tpu.memory_space<vmem>>, vector<16xf32>,
      %iota3A_616 = tpu.iota {dimensions = array<i32: 0>} : vector<16xi32>
      %add3A_617 = arith.constant 80 : i32
      %add3A_618 = vector.broadcast %add3A_617 : i32 to vector<16xi32>
      %add3A_619 = arith.addi %iota3A_616, %add3A_618 : vector<16xi32>
      %ge3A_620 = vector.broadcast %min3A_514 : i32 to vector<16xi32>
      %ge3A_621 = arith.cmpi sge, %add3A_619, %ge3A_620 : vector<16xi32>
      %get3A_622 = arith.constant 80 : index
      %get3A_623 = tpu.vector_load %arg26[%get3A_622] {strides = array<i32>} : memref<4112xi32, #tpu.memory_space<vmem>>, vector<16xi32>,
      %broadcast_in_dim3A_624 = vector.broadcast %cond3A_520 : i32 to vector<16xi32>
      %select_n3A_625 = arith.select %ge3A_621, %broadcast_in_dim3A_624, %get3A_623 : vector<16xi1>, vector<16xi32>
      %gather3A_626 = tpu.vector_load_idx %arg9[%select_n3A_625] : memref<4096xf32, #tpu.memory_space<vmem>>[vector<16xi32>], vector<16xf32>,
      %swap3A_627 = arith.constant 80 : index
      %swap3A_628 = tpu.vector_load %arg27[%swap3A_627] {strides = array<i32>} : memref<128xf32, #tpu.memory_space<vmem>>, vector<16xf32>,
      tpu.vector_store %arg27[%swap3A_627], %gather3A_626 {strides = array<i32>} : memref<128xf32, #tpu.memory_space<vmem>>, vector<16xf32>,
      %gather3A_629 = tpu.vector_load_idx %arg10[%select_n3A_625] : memref<4096xf32, #tpu.memory_space<vmem>>[vector<16xi32>], vector<16xf32>,
      %swap3A_630 = arith.constant 80 : index
      %swap3A_631 = tpu.vector_load %arg28[%swap3A_630] {strides = array<i32>} : memref<128xf32, #tpu.memory_space<vmem>>, vector<16xf32>,
      tpu.vector_store %arg28[%swap3A_630], %gather3A_629 {strides = array<i32>} : memref<128xf32, #tpu.memory_space<vmem>>, vector<16xf32>,
      %gather3A_632 = tpu.vector_load_idx %arg11[%select_n3A_625] : memref<4096xf32, #tpu.memory_space<vmem>>[vector<16xi32>], vector<16xf32>,
      %swap3A_633 = arith.constant 80 : index
      %swap3A_634 = tpu.vector_load %arg29[%swap3A_633] {strides = array<i32>} : memref<128xf32, #tpu.memory_space<vmem>>, vector<16xf32>,
      tpu.vector_store %arg29[%swap3A_633], %gather3A_632 {strides = array<i32>} : memref<128xf32, #tpu.memory_space<vmem>>, vector<16xf32>,
      %iota3A_635 = tpu.iota {dimensions = array<i32: 0>} : vector<16xi32>
      %add3A_636 = arith.constant 96 : i32
      %add3A_637 = vector.broadcast %add3A_636 : i32 to vector<16xi32>
      %add3A_638 = arith.addi %iota3A_635, %add3A_637 : vector<16xi32>
      %ge3A_639 = vector.broadcast %min3A_514 : i32 to vector<16xi32>
      %ge3A_640 = arith.cmpi sge, %add3A_638, %ge3A_639 : vector<16xi32>
      %get3A_641 = arith.constant 96 : index
      %get3A_642 = tpu.vector_load %arg26[%get3A_641] {strides = array<i32>} : memref<4112xi32, #tpu.memory_space<vmem>>, vector<16xi32>,
      %broadcast_in_dim3A_643 = vector.broadcast %cond3A_520 : i32 to vector<16xi32>
      %select_n3A_644 = arith.select %ge3A_640, %broadcast_in_dim3A_643, %get3A_642 : vector<16xi1>, vector<16xi32>
      %gather3A_645 = tpu.vector_load_idx %arg9[%select_n3A_644] : memref<4096xf32, #tpu.memory_space<vmem>>[vector<16xi32>], vector<16xf32>,
      %swap3A_646 = arith.constant 96 : index
      %swap3A_647 = tpu.vector_load %arg27[%swap3A_646] {strides = array<i32>} : memref<128xf32, #tpu.memory_space<vmem>>, vector<16xf32>,
      tpu.vector_store %arg27[%swap3A_646], %gather3A_645 {strides = array<i32>} : memref<128xf32, #tpu.memory_space<vmem>>, vector<16xf32>,
      %gather3A_648 = tpu.vector_load_idx %arg10[%select_n3A_644] : memref<4096xf32, #tpu.memory_space<vmem>>[vector<16xi32>], vector<16xf32>,
      %swap3A_649 = arith.constant 96 : index
      %swap3A_650 = tpu.vector_load %arg28[%swap3A_649] {strides = array<i32>} : memref<128xf32, #tpu.memory_space<vmem>>, vector<16xf32>,
      tpu.vector_store %arg28[%swap3A_649], %gather3A_648 {strides = array<i32>} : memref<128xf32, #tpu.memory_space<vmem>>, vector<16xf32>,
      %gather3A_651 = tpu.vector_load_idx %arg11[%select_n3A_644] : memref<4096xf32, #tpu.memory_space<vmem>>[vector<16xi32>], vector<16xf32>,
      %swap3A_652 = arith.constant 96 : index
      %swap3A_653 = tpu.vector_load %arg29[%swap3A_652] {strides = array<i32>} : memref<128xf32, #tpu.memory_space<vmem>>, vector<16xf32>,
      tpu.vector_store %arg29[%swap3A_652], %gather3A_651 {strides = array<i32>} : memref<128xf32, #tpu.memory_space<vmem>>, vector<16xf32>,
      %iota3A_654 = tpu.iota {dimensions = array<i32: 0>} : vector<16xi32>
      %add3A_655 = arith.constant 112 : i32
      %add3A_656 = vector.broadcast %add3A_655 : i32 to vector<16xi32>
      %add3A_657 = arith.addi %iota3A_654, %add3A_656 : vector<16xi32>
      %ge3A_658 = vector.broadcast %min3A_514 : i32 to vector<16xi32>
      %ge3A_659 = arith.cmpi sge, %add3A_657, %ge3A_658 : vector<16xi32>
      %get3A_660 = arith.constant 112 : index
      %get3A_661 = tpu.vector_load %arg26[%get3A_660] {strides = array<i32>} : memref<4112xi32, #tpu.memory_space<vmem>>, vector<16xi32>,
      %broadcast_in_dim3A_662 = vector.broadcast %cond3A_520 : i32 to vector<16xi32>
      %select_n3A_663 = arith.select %ge3A_659, %broadcast_in_dim3A_662, %get3A_661 : vector<16xi1>, vector<16xi32>
      %gather3A_664 = tpu.vector_load_idx %arg9[%select_n3A_663] : memref<4096xf32, #tpu.memory_space<vmem>>[vector<16xi32>], vector<16xf32>,
      %swap3A_665 = arith.constant 112 : index
      %swap3A_666 = tpu.vector_load %arg27[%swap3A_665] {strides = array<i32>} : memref<128xf32, #tpu.memory_space<vmem>>, vector<16xf32>,
      tpu.vector_store %arg27[%swap3A_665], %gather3A_664 {strides = array<i32>} : memref<128xf32, #tpu.memory_space<vmem>>, vector<16xf32>,
      %gather3A_667 = tpu.vector_load_idx %arg10[%select_n3A_663] : memref<4096xf32, #tpu.memory_space<vmem>>[vector<16xi32>], vector<16xf32>,
      %swap3A_668 = arith.constant 112 : index
      %swap3A_669 = tpu.vector_load %arg28[%swap3A_668] {strides = array<i32>} : memref<128xf32, #tpu.memory_space<vmem>>, vector<16xf32>,
      tpu.vector_store %arg28[%swap3A_668], %gather3A_667 {strides = array<i32>} : memref<128xf32, #tpu.memory_space<vmem>>, vector<16xf32>,
      %gather3A_670 = tpu.vector_load_idx %arg11[%select_n3A_663] : memref<4096xf32, #tpu.memory_space<vmem>>[vector<16xi32>], vector<16xf32>,
      %swap3A_671 = arith.constant 112 : index
      %swap3A_672 = tpu.vector_load %arg29[%swap3A_671] {strides = array<i32>} : memref<128xf32, #tpu.memory_space<vmem>>, vector<16xf32>,
      tpu.vector_store %arg29[%swap3A_671], %gather3A_670 {strides = array<i32>} : memref<128xf32, #tpu.memory_space<vmem>>, vector<16xf32>,
      %mul3A_673 = arith.constant 3 : i32
      %mul3A_674 = arith.muli %add3A_348, %mul3A_673 : i32
      %mul3A_675 = arith.constant 128 : i32
      %mul3A_676 = arith.muli %mul3A_674, %mul3A_675 : i32
      "tpu.region"() ({
        %run_scoped3A = tpu.sem_alloc : memref<!tpu.dma_semaphore, #tpu.memory_space<semaphore_mem>>
        %dma_start3A = arith.constant 0 : i32
        %dma_start3A_690 = tpu.memref_slice %arg27[%dma_start3A] : memref<128xf32, #tpu.memory_space<vmem>> -> memref<128xf32, #tpu.memory_space<vmem>>
        %dma_start3A_691 = tpu.memref_slice %arg7[%mul3A_676] : memref<786432xf32, #tpu.memory_space<hbm>> -> memref<128xf32, #tpu.memory_space<hbm>>
        %dma_start3A_692 = tpu.memref_slice %arg7[%mul3A_676] : memref<786432xf32, #tpu.memory_space<hbm>> -> memref<128xf32, #tpu.memory_space<hbm>>
        %dma_start3A_693 = arith.constant 0 : i32
        %dma_start3A_694 = tpu.memref_slice %arg27[%dma_start3A_693] : memref<128xf32, #tpu.memory_space<vmem>> -> memref<128xf32, #tpu.memory_space<vmem>>
        tpu.enqueue_dma source(%dma_start3A_694 : memref<128xf32, #tpu.memory_space<vmem>>) target(%dma_start3A_692 : memref<128xf32, #tpu.memory_space<hbm>>) target_semaphore(%run_scoped3A : memref<!tpu.dma_semaphore, #tpu.memory_space<semaphore_mem>>)
        %dma_wait3A = arith.constant 0 : i32
        %dma_wait3A_695 = tpu.memref_slice %arg27[%dma_wait3A] : memref<128xf32, #tpu.memory_space<vmem>> -> memref<128xf32, #tpu.memory_space<vmem>>
        %dma_wait3A_696 = tpu.memref_slice %arg7[%mul3A_676] : memref<786432xf32, #tpu.memory_space<hbm>> -> memref<128xf32, #tpu.memory_space<hbm>>
        %dma_wait3A_697 = tpu.memref_slice %arg7[%mul3A_676] : memref<786432xf32, #tpu.memory_space<hbm>> -> memref<128xf32, #tpu.memory_space<hbm>>
        %dma_wait3A_698 = arith.constant 0 : i32
        %dma_wait3A_699 = tpu.memref_slice %arg27[%dma_wait3A_698] : memref<128xf32, #tpu.memory_space<vmem>> -> memref<128xf32, #tpu.memory_space<vmem>>
        tpu.wait_dma2 semaphore(%run_scoped3A : memref<!tpu.dma_semaphore, #tpu.memory_space<semaphore_mem>>) src(%dma_wait3A_699 : memref<128xf32, #tpu.memory_space<vmem>>) dst(%dma_wait3A_697 : memref<128xf32, #tpu.memory_space<hbm>>)
        tpu.yield
      }) : () -> ()
      %mul3A_677 = arith.constant 3 : i32
      %mul3A_678 = arith.muli %add3A_348, %mul3A_677 : i32
      %add3A_679 = arith.constant 1 : i32
      %add3A_680 = arith.addi %mul3A_678, %add3A_679 : i32
      %mul3A_681 = arith.constant 128 : i32
      %mul3A_682 = arith.muli %add3A_680, %mul3A_681 : i32
      "tpu.region"() ({
        %run_scoped3A = tpu.sem_alloc : memref<!tpu.dma_semaphore, #tpu.memory_space<semaphore_mem>>
        %dma_start3A = arith.constant 0 : i32
        %dma_start3A_690 = tpu.memref_slice %arg28[%dma_start3A] : memref<128xf32, #tpu.memory_space<vmem>> -> memref<128xf32, #tpu.memory_space<vmem>>
        %dma_start3A_691 = tpu.memref_slice %arg7[%mul3A_682] : memref<786432xf32, #tpu.memory_space<hbm>> -> memref<128xf32, #tpu.memory_space<hbm>>
        %dma_start3A_692 = tpu.memref_slice %arg7[%mul3A_682] : memref<786432xf32, #tpu.memory_space<hbm>> -> memref<128xf32, #tpu.memory_space<hbm>>
        %dma_start3A_693 = arith.constant 0 : i32
        %dma_start3A_694 = tpu.memref_slice %arg28[%dma_start3A_693] : memref<128xf32, #tpu.memory_space<vmem>> -> memref<128xf32, #tpu.memory_space<vmem>>
        tpu.enqueue_dma source(%dma_start3A_694 : memref<128xf32, #tpu.memory_space<vmem>>) target(%dma_start3A_692 : memref<128xf32, #tpu.memory_space<hbm>>) target_semaphore(%run_scoped3A : memref<!tpu.dma_semaphore, #tpu.memory_space<semaphore_mem>>)
        %dma_wait3A = arith.constant 0 : i32
        %dma_wait3A_695 = tpu.memref_slice %arg28[%dma_wait3A] : memref<128xf32, #tpu.memory_space<vmem>> -> memref<128xf32, #tpu.memory_space<vmem>>
        %dma_wait3A_696 = tpu.memref_slice %arg7[%mul3A_682] : memref<786432xf32, #tpu.memory_space<hbm>> -> memref<128xf32, #tpu.memory_space<hbm>>
        %dma_wait3A_697 = tpu.memref_slice %arg7[%mul3A_682] : memref<786432xf32, #tpu.memory_space<hbm>> -> memref<128xf32, #tpu.memory_space<hbm>>
        %dma_wait3A_698 = arith.constant 0 : i32
        %dma_wait3A_699 = tpu.memref_slice %arg28[%dma_wait3A_698] : memref<128xf32, #tpu.memory_space<vmem>> -> memref<128xf32, #tpu.memory_space<vmem>>
        tpu.wait_dma2 semaphore(%run_scoped3A : memref<!tpu.dma_semaphore, #tpu.memory_space<semaphore_mem>>) src(%dma_wait3A_699 : memref<128xf32, #tpu.memory_space<vmem>>) dst(%dma_wait3A_697 : memref<128xf32, #tpu.memory_space<hbm>>)
        tpu.yield
      }) : () -> ()
      %mul3A_683 = arith.constant 3 : i32
      %mul3A_684 = arith.muli %add3A_348, %mul3A_683 : i32
      %add3A_685 = arith.constant 2 : i32
      %add3A_686 = arith.addi %mul3A_684, %add3A_685 : i32
      %mul3A_687 = arith.constant 128 : i32
      %mul3A_688 = arith.muli %add3A_686, %mul3A_687 : i32
      "tpu.region"() ({
        %run_scoped3A = tpu.sem_alloc : memref<!tpu.dma_semaphore, #tpu.memory_space<semaphore_mem>>
        %dma_start3A = arith.constant 0 : i32
        %dma_start3A_690 = tpu.memref_slice %arg29[%dma_start3A] : memref<128xf32, #tpu.memory_space<vmem>> -> memref<128xf32, #tpu.memory_space<vmem>>
        %dma_start3A_691 = tpu.memref_slice %arg7[%mul3A_688] : memref<786432xf32, #tpu.memory_space<hbm>> -> memref<128xf32, #tpu.memory_space<hbm>>
        %dma_start3A_692 = tpu.memref_slice %arg7[%mul3A_688] : memref<786432xf32, #tpu.memory_space<hbm>> -> memref<128xf32, #tpu.memory_space<hbm>>
        %dma_start3A_693 = arith.constant 0 : i32
        %dma_start3A_694 = tpu.memref_slice %arg29[%dma_start3A_693] : memref<128xf32, #tpu.memory_space<vmem>> -> memref<128xf32, #tpu.memory_space<vmem>>
        tpu.enqueue_dma source(%dma_start3A_694 : memref<128xf32, #tpu.memory_space<vmem>>) target(%dma_start3A_692 : memref<128xf32, #tpu.memory_space<hbm>>) target_semaphore(%run_scoped3A : memref<!tpu.dma_semaphore, #tpu.memory_space<semaphore_mem>>)
        %dma_wait3A = arith.constant 0 : i32
        %dma_wait3A_695 = tpu.memref_slice %arg29[%dma_wait3A] : memref<128xf32, #tpu.memory_space<vmem>> -> memref<128xf32, #tpu.memory_space<vmem>>
        %dma_wait3A_696 = tpu.memref_slice %arg7[%mul3A_688] : memref<786432xf32, #tpu.memory_space<hbm>> -> memref<128xf32, #tpu.memory_space<hbm>>
        %dma_wait3A_697 = tpu.memref_slice %arg7[%mul3A_688] : memref<786432xf32, #tpu.memory_space<hbm>> -> memref<128xf32, #tpu.memory_space<hbm>>
        %dma_wait3A_698 = arith.constant 0 : i32
        %dma_wait3A_699 = tpu.memref_slice %arg29[%dma_wait3A_698] : memref<128xf32, #tpu.memory_space<vmem>> -> memref<128xf32, #tpu.memory_space<vmem>>
        tpu.wait_dma2 semaphore(%run_scoped3A : memref<!tpu.dma_semaphore, #tpu.memory_space<semaphore_mem>>) src(%dma_wait3A_699 : memref<128xf32, #tpu.memory_space<vmem>>) dst(%dma_wait3A_697 : memref<128xf32, #tpu.memory_space<hbm>>)
        tpu.yield
      }) : () -> ()
      %scan3A_689 = arith.constant 0 : i32
      scf.yield %scan3A_689 : i32
    }
    %scan3A_328 = arith.constant 64 : i32
    return
  }
}

#map = affine_map<(d0, d1) -> (0)>
#map1 = affine_map<(d0, d1) -> (0, 0)>
module attributes {stable_mosaic.version = 14 : i64} {
  func.func @k(%arg0: i32, %arg1: i32, %arg2: memref<6144xf32, #tpu.memory_space<hbm>>, %arg3: memref<2048xf32, #tpu.memory_space<hbm>>, %arg4: memref<512xi32, #tpu.memory_space<hbm>>, %arg5: memref<2048x384xf32, #tpu.memory_space<hbm>>, %arg6: memref<32768x384xf32, #tpu.memory_space<hbm>>, %arg7: memref<65536x384xf32, #tpu.memory_space<hbm>>, %arg8: memref<1536xf32, #tpu.memory_space<hbm>>, %arg9: memref<512xf32, #tpu.memory_space<vmem>>, %arg10: memref<512xf32, #tpu.memory_space<vmem>>, %arg11: memref<512xf32, #tpu.memory_space<vmem>>, %arg12: memref<512xf32, #tpu.memory_space<vmem>>, %arg13: memref<16xi32, #tpu.memory_space<vmem>>, %arg14: memref<32xf32, #tpu.memory_space<vmem>>, %arg15: memref<32xf32, #tpu.memory_space<vmem>>, %arg16: memref<32xf32, #tpu.memory_space<vmem>>, %arg17: memref<32xf32, #tpu.memory_space<vmem>>, %arg18: memref<32xf32, #tpu.memory_space<vmem>>, %arg19: memref<32xf32, #tpu.memory_space<vmem>>, %arg20: memref<32xf32, #tpu.memory_space<vmem>>, %arg21: memref<528xi32, #tpu.memory_space<vmem>>, %arg22: memref<528xi32, #tpu.memory_space<vmem>>, %arg23: memref<64xi32, #tpu.memory_space<vmem>>, %arg24: memref<128xi32, #tpu.memory_space<vmem>>, %arg25: memref<64x384xf32, #tpu.memory_space<vmem>>, %arg26: memref<128x384xf32, #tpu.memory_space<vmem>>, %arg27: memref<!tpu.dma_semaphore, #tpu.memory_space<semaphore_mem>>) attributes {dimension_semantics = [#tpu.dimension_semantics<core_parallel>, #tpu.dimension_semantics<subcore_parallel>], iteration_bounds = array<i64: 2, 16>, scalar_prefetch = 0 : i64, scratch_operands = 19 : i64, tpu.core_type = #tpu.core_type<sc_vector_subcore>, window_params = [{transform_indices = #map}, {transform_indices = #map}, {transform_indices = #map}, {transform_indices = #map1}, {transform_indices = #map1}, {transform_indices = #map1}, {transform_indices = #map}]} {
    %mul3A = arith.constant 2 : i32
    %mul3A_0 = arith.muli %arg1, %mul3A : i32
    %add3A = arith.addi %mul3A_0, %arg0 : i32
    %jit3A = arith.constant 8 : i32
    %div3A = arith.divsi %add3A, %jit3A : i32
    %sign3A = arith.constant 0 : i32
    %sign3A_1 = arith.cmpi sgt, %add3A, %sign3A : i32
    %sign3A_2 = arith.extui %sign3A_1 : i1 to i32
    %sign3A_3 = arith.constant 0 : i32
    %sign3A_4 = arith.cmpi slt, %add3A, %sign3A_3 : i32
    %sign3A_5 = arith.extui %sign3A_4 : i1 to i32
    %sign3A_6 = arith.subi %sign3A_2, %sign3A_5 : i32
    %sign3A_7 = arith.constant 0 : i32
    %sign3A_8 = arith.cmpi sgt, %jit3A, %sign3A_7 : i32
    %sign3A_9 = arith.extui %sign3A_8 : i1 to i32
    %sign3A_10 = arith.constant 0 : i32
    %sign3A_11 = arith.cmpi slt, %jit3A, %sign3A_10 : i32
    %sign3A_12 = arith.extui %sign3A_11 : i1 to i32
    %sign3A_13 = arith.subi %sign3A_9, %sign3A_12 : i32
    %ne3A = arith.cmpi ne, %sign3A_6, %sign3A_13 : i32
    %rem3A = arith.remsi %add3A, %jit3A : i32
    %ne3A_14 = arith.constant 0 : i32
    %ne3A_15 = arith.cmpi ne, %rem3A, %ne3A_14 : i32
    %and3A = arith.andi %ne3A, %ne3A_15 : i1
    %sub3A = arith.constant 1 : i32
    %sub3A_16 = arith.subi %div3A, %sub3A : i32
    %select_n3A = arith.select %and3A, %sub3A_16, %div3A : i32
    %jit3A_17 = arith.constant 8 : i32
    %eq3A = arith.constant 0 : i32
    %eq3A_18 = arith.cmpi eq, %jit3A_17, %eq3A : i32
    %jit3A_19 = arith.constant 1 : i32
    %select_n3A_20 = arith.select %eq3A_18, %jit3A_19, %jit3A_17 : i32
    %rem3A_21 = arith.remsi %add3A, %select_n3A_20 : i32
    %ne3A_22 = arith.constant 0 : i32
    %ne3A_23 = arith.cmpi ne, %rem3A_21, %ne3A_22 : i32
    %lt3A = arith.constant 0 : i32
    %lt3A_24 = arith.cmpi slt, %rem3A_21, %lt3A : i32
    %lt3A_25 = arith.constant 0 : i32
    %lt3A_26 = arith.cmpi slt, %select_n3A_20, %lt3A_25 : i32
    %ne3A_27 = arith.xori %lt3A_24, %lt3A_26 : i1
    %and3A_28 = arith.andi %ne3A_27, %ne3A_23 : i1
    %add3A_29 = arith.addi %rem3A_21, %select_n3A_20 : i32
    %select_n3A_30 = arith.select %and3A_28, %add3A_29, %rem3A_21 : i32
    %mul3A_31 = arith.constant 16 : i32
    %mul3A_32 = arith.muli %select_n3A_30, %mul3A_31 : i32
    %mul3A_33 = arith.constant 512 : i32
    %mul3A_34 = arith.muli %select_n3A, %mul3A_33 : i32
    "tpu.region"() ({
      %run_scoped3A = tpu.sem_alloc : memref<!tpu.dma_semaphore, #tpu.memory_space<semaphore_mem>>
      %dma_start3A = tpu.memref_slice %arg2[%mul3A_34] : memref<6144xf32, #tpu.memory_space<hbm>> -> memref<512xf32, #tpu.memory_space<hbm>>
      %dma_start3A_134 = tpu.memref_slice %arg2[%mul3A_34] : memref<6144xf32, #tpu.memory_space<hbm>> -> memref<512xf32, #tpu.memory_space<hbm>>
      tpu.enqueue_dma source(%dma_start3A_134 : memref<512xf32, #tpu.memory_space<hbm>>) target(%arg9 : memref<512xf32, #tpu.memory_space<vmem>>) target_semaphore(%run_scoped3A : memref<!tpu.dma_semaphore, #tpu.memory_space<semaphore_mem>>)
      %dma_wait3A = tpu.memref_slice %arg2[%mul3A_34] : memref<6144xf32, #tpu.memory_space<hbm>> -> memref<512xf32, #tpu.memory_space<hbm>>
      %dma_wait3A_135 = tpu.memref_slice %arg2[%mul3A_34] : memref<6144xf32, #tpu.memory_space<hbm>> -> memref<512xf32, #tpu.memory_space<hbm>>
      tpu.wait_dma2 semaphore(%run_scoped3A : memref<!tpu.dma_semaphore, #tpu.memory_space<semaphore_mem>>) src(%dma_wait3A_135 : memref<512xf32, #tpu.memory_space<hbm>>) dst(%arg9 : memref<512xf32, #tpu.memory_space<vmem>>)
      tpu.yield
    }) : () -> ()
    %add3A_35 = arith.constant 4 : i32
    %add3A_36 = arith.addi %add3A_35, %select_n3A : i32
    %mul3A_37 = arith.constant 512 : i32
    %mul3A_38 = arith.muli %add3A_36, %mul3A_37 : i32
    "tpu.region"() ({
      %run_scoped3A = tpu.sem_alloc : memref<!tpu.dma_semaphore, #tpu.memory_space<semaphore_mem>>
      %dma_start3A = tpu.memref_slice %arg2[%mul3A_38] : memref<6144xf32, #tpu.memory_space<hbm>> -> memref<512xf32, #tpu.memory_space<hbm>>
      %dma_start3A_134 = tpu.memref_slice %arg2[%mul3A_38] : memref<6144xf32, #tpu.memory_space<hbm>> -> memref<512xf32, #tpu.memory_space<hbm>>
      tpu.enqueue_dma source(%dma_start3A_134 : memref<512xf32, #tpu.memory_space<hbm>>) target(%arg10 : memref<512xf32, #tpu.memory_space<vmem>>) target_semaphore(%run_scoped3A : memref<!tpu.dma_semaphore, #tpu.memory_space<semaphore_mem>>)
      %dma_wait3A = tpu.memref_slice %arg2[%mul3A_38] : memref<6144xf32, #tpu.memory_space<hbm>> -> memref<512xf32, #tpu.memory_space<hbm>>
      %dma_wait3A_135 = tpu.memref_slice %arg2[%mul3A_38] : memref<6144xf32, #tpu.memory_space<hbm>> -> memref<512xf32, #tpu.memory_space<hbm>>
      tpu.wait_dma2 semaphore(%run_scoped3A : memref<!tpu.dma_semaphore, #tpu.memory_space<semaphore_mem>>) src(%dma_wait3A_135 : memref<512xf32, #tpu.memory_space<hbm>>) dst(%arg10 : memref<512xf32, #tpu.memory_space<vmem>>)
      tpu.yield
    }) : () -> ()
    %add3A_39 = arith.constant 8 : i32
    %add3A_40 = arith.addi %add3A_39, %select_n3A : i32
    %mul3A_41 = arith.constant 512 : i32
    %mul3A_42 = arith.muli %add3A_40, %mul3A_41 : i32
    "tpu.region"() ({
      %run_scoped3A = tpu.sem_alloc : memref<!tpu.dma_semaphore, #tpu.memory_space<semaphore_mem>>
      %dma_start3A = tpu.memref_slice %arg2[%mul3A_42] : memref<6144xf32, #tpu.memory_space<hbm>> -> memref<512xf32, #tpu.memory_space<hbm>>
      %dma_start3A_134 = tpu.memref_slice %arg2[%mul3A_42] : memref<6144xf32, #tpu.memory_space<hbm>> -> memref<512xf32, #tpu.memory_space<hbm>>
      tpu.enqueue_dma source(%dma_start3A_134 : memref<512xf32, #tpu.memory_space<hbm>>) target(%arg11 : memref<512xf32, #tpu.memory_space<vmem>>) target_semaphore(%run_scoped3A : memref<!tpu.dma_semaphore, #tpu.memory_space<semaphore_mem>>)
      %dma_wait3A = tpu.memref_slice %arg2[%mul3A_42] : memref<6144xf32, #tpu.memory_space<hbm>> -> memref<512xf32, #tpu.memory_space<hbm>>
      %dma_wait3A_135 = tpu.memref_slice %arg2[%mul3A_42] : memref<6144xf32, #tpu.memory_space<hbm>> -> memref<512xf32, #tpu.memory_space<hbm>>
      tpu.wait_dma2 semaphore(%run_scoped3A : memref<!tpu.dma_semaphore, #tpu.memory_space<semaphore_mem>>) src(%dma_wait3A_135 : memref<512xf32, #tpu.memory_space<hbm>>) dst(%arg11 : memref<512xf32, #tpu.memory_space<vmem>>)
      tpu.yield
    }) : () -> ()
    %mul3A_43 = arith.constant 512 : i32
    %mul3A_44 = arith.muli %select_n3A, %mul3A_43 : i32
    "tpu.region"() ({
      %run_scoped3A = tpu.sem_alloc : memref<!tpu.dma_semaphore, #tpu.memory_space<semaphore_mem>>
      %dma_start3A = tpu.memref_slice %arg3[%mul3A_44] : memref<2048xf32, #tpu.memory_space<hbm>> -> memref<512xf32, #tpu.memory_space<hbm>>
      %dma_start3A_134 = tpu.memref_slice %arg3[%mul3A_44] : memref<2048xf32, #tpu.memory_space<hbm>> -> memref<512xf32, #tpu.memory_space<hbm>>
      tpu.enqueue_dma source(%dma_start3A_134 : memref<512xf32, #tpu.memory_space<hbm>>) target(%arg12 : memref<512xf32, #tpu.memory_space<vmem>>) target_semaphore(%run_scoped3A : memref<!tpu.dma_semaphore, #tpu.memory_space<semaphore_mem>>)
      %dma_wait3A = tpu.memref_slice %arg3[%mul3A_44] : memref<2048xf32, #tpu.memory_space<hbm>> -> memref<512xf32, #tpu.memory_space<hbm>>
      %dma_wait3A_135 = tpu.memref_slice %arg3[%mul3A_44] : memref<2048xf32, #tpu.memory_space<hbm>> -> memref<512xf32, #tpu.memory_space<hbm>>
      tpu.wait_dma2 semaphore(%run_scoped3A : memref<!tpu.dma_semaphore, #tpu.memory_space<semaphore_mem>>) src(%dma_wait3A_135 : memref<512xf32, #tpu.memory_space<hbm>>) dst(%arg12 : memref<512xf32, #tpu.memory_space<vmem>>)
      tpu.yield
    }) : () -> ()
    %mul3A_45 = arith.constant 128 : i32
    %mul3A_46 = arith.muli %select_n3A, %mul3A_45 : i32
    %add3A_47 = arith.addi %mul3A_46, %mul3A_32 : i32
    "tpu.region"() ({
      %run_scoped3A = tpu.sem_alloc : memref<!tpu.dma_semaphore, #tpu.memory_space<semaphore_mem>>
      %dma_start3A = tpu.memref_slice %arg4[%add3A_47] : memref<512xi32, #tpu.memory_space<hbm>> -> memref<16xi32, #tpu.memory_space<hbm>>
      %dma_start3A_134 = tpu.memref_slice %arg4[%add3A_47] : memref<512xi32, #tpu.memory_space<hbm>> -> memref<16xi32, #tpu.memory_space<hbm>>
      tpu.enqueue_dma source(%dma_start3A_134 : memref<16xi32, #tpu.memory_space<hbm>>) target(%arg13 : memref<16xi32, #tpu.memory_space<vmem>>) target_semaphore(%run_scoped3A : memref<!tpu.dma_semaphore, #tpu.memory_space<semaphore_mem>>)
      %dma_wait3A = tpu.memref_slice %arg4[%add3A_47] : memref<512xi32, #tpu.memory_space<hbm>> -> memref<16xi32, #tpu.memory_space<hbm>>
      %dma_wait3A_135 = tpu.memref_slice %arg4[%add3A_47] : memref<512xi32, #tpu.memory_space<hbm>> -> memref<16xi32, #tpu.memory_space<hbm>>
      tpu.wait_dma2 semaphore(%run_scoped3A : memref<!tpu.dma_semaphore, #tpu.memory_space<semaphore_mem>>) src(%dma_wait3A_135 : memref<16xi32, #tpu.memory_space<hbm>>) dst(%arg13 : memref<16xi32, #tpu.memory_space<vmem>>)
      tpu.yield
    }) : () -> ()
    %get3A = arith.constant 0 : index
    %get3A_48 = tpu.vector_load %arg13[%get3A] {strides = array<i32>} : memref<16xi32, #tpu.memory_space<vmem>>, vector<16xi32>,
    %gather3A = tpu.vector_load_idx %arg9[%get3A_48] : memref<512xf32, #tpu.memory_space<vmem>>[vector<16xi32>], vector<16xf32>,
    %gather3A_49 = tpu.vector_load_idx %arg10[%get3A_48] : memref<512xf32, #tpu.memory_space<vmem>>[vector<16xi32>], vector<16xf32>,
    %gather3A_50 = tpu.vector_load_idx %arg11[%get3A_48] : memref<512xf32, #tpu.memory_space<vmem>>[vector<16xi32>], vector<16xf32>,
    %swap3A = arith.constant 0 : index
    %swap3A_51 = tpu.vector_load %arg14[%swap3A] {strides = array<i32>} : memref<32xf32, #tpu.memory_space<vmem>>, vector<16xf32>,
    tpu.vector_store %arg14[%swap3A], %gather3A {strides = array<i32>} : memref<32xf32, #tpu.memory_space<vmem>>, vector<16xf32>,
    %swap3A_52 = arith.constant 0 : index
    %swap3A_53 = tpu.vector_load %arg15[%swap3A_52] {strides = array<i32>} : memref<32xf32, #tpu.memory_space<vmem>>, vector<16xf32>,
    tpu.vector_store %arg15[%swap3A_52], %gather3A_49 {strides = array<i32>} : memref<32xf32, #tpu.memory_space<vmem>>, vector<16xf32>,
    %swap3A_54 = arith.constant 0 : index
    %swap3A_55 = tpu.vector_load %arg16[%swap3A_54] {strides = array<i32>} : memref<32xf32, #tpu.memory_space<vmem>>, vector<16xf32>,
    tpu.vector_store %arg16[%swap3A_54], %gather3A_50 {strides = array<i32>} : memref<32xf32, #tpu.memory_space<vmem>>, vector<16xf32>,
    %bitcast_convert_type3A = tpu.bitcast %gather3A : vector<16xf32> -> vector<16xi32>
    %shift_right_logical3A = arith.constant 16 : i32
    %shift_right_logical3A_56 = vector.broadcast %shift_right_logical3A : i32 to vector<16xi32>
    %shift_right_logical3A_57 = arith.shrui %bitcast_convert_type3A, %shift_right_logical3A_56 : vector<16xi32>
    %and3A_58 = arith.constant 1 : i32
    %and3A_59 = vector.broadcast %and3A_58 : i32 to vector<16xi32>
    %and3A_60 = arith.andi %shift_right_logical3A_57, %and3A_59 : vector<16xi32>
    %add3A_61 = arith.constant 32767 : i32
    %add3A_62 = vector.broadcast %add3A_61 : i32 to vector<16xi32>
    %add3A_63 = arith.addi %bitcast_convert_type3A, %add3A_62 : vector<16xi32>
    %add3A_64 = arith.addi %add3A_63, %and3A_60 : vector<16xi32>
    %and3A_65 = arith.constant -65536 : i32
    %and3A_66 = vector.broadcast %and3A_65 : i32 to vector<16xi32>
    %and3A_67 = arith.andi %add3A_64, %and3A_66 : vector<16xi32>
    %bitcast_convert_type3A_68 = tpu.bitcast %and3A_67 : vector<16xi32> -> vector<16xf32>
    %swap3A_69 = arith.constant 0 : index
    %swap3A_70 = tpu.vector_load %arg17[%swap3A_69] {strides = array<i32>} : memref<32xf32, #tpu.memory_space<vmem>>, vector<16xf32>,
    tpu.vector_store %arg17[%swap3A_69], %bitcast_convert_type3A_68 {strides = array<i32>} : memref<32xf32, #tpu.memory_space<vmem>>, vector<16xf32>,
    %bitcast_convert_type3A_71 = tpu.bitcast %gather3A_49 : vector<16xf32> -> vector<16xi32>
    %shift_right_logical3A_72 = arith.constant 16 : i32
    %shift_right_logical3A_73 = vector.broadcast %shift_right_logical3A_72 : i32 to vector<16xi32>
    %shift_right_logical3A_74 = arith.shrui %bitcast_convert_type3A_71, %shift_right_logical3A_73 : vector<16xi32>
    %and3A_75 = arith.constant 1 : i32
    %and3A_76 = vector.broadcast %and3A_75 : i32 to vector<16xi32>
    %and3A_77 = arith.andi %shift_right_logical3A_74, %and3A_76 : vector<16xi32>
    %add3A_78 = arith.constant 32767 : i32
    %add3A_79 = vector.broadcast %add3A_78 : i32 to vector<16xi32>
    %add3A_80 = arith.addi %bitcast_convert_type3A_71, %add3A_79 : vector<16xi32>
    %add3A_81 = arith.addi %add3A_80, %and3A_77 : vector<16xi32>
    %and3A_82 = arith.constant -65536 : i32
    %and3A_83 = vector.broadcast %and3A_82 : i32 to vector<16xi32>
    %and3A_84 = arith.andi %add3A_81, %and3A_83 : vector<16xi32>
    %bitcast_convert_type3A_85 = tpu.bitcast %and3A_84 : vector<16xi32> -> vector<16xf32>
    %swap3A_86 = arith.constant 0 : index
    %swap3A_87 = tpu.vector_load %arg18[%swap3A_86] {strides = array<i32>} : memref<32xf32, #tpu.memory_space<vmem>>, vector<16xf32>,
    tpu.vector_store %arg18[%swap3A_86], %bitcast_convert_type3A_85 {strides = array<i32>} : memref<32xf32, #tpu.memory_space<vmem>>, vector<16xf32>,
    %bitcast_convert_type3A_88 = tpu.bitcast %gather3A_50 : vector<16xf32> -> vector<16xi32>
    %shift_right_logical3A_89 = arith.constant 16 : i32
    %shift_right_logical3A_90 = vector.broadcast %shift_right_logical3A_89 : i32 to vector<16xi32>
    %shift_right_logical3A_91 = arith.shrui %bitcast_convert_type3A_88, %shift_right_logical3A_90 : vector<16xi32>
    %and3A_92 = arith.constant 1 : i32
    %and3A_93 = vector.broadcast %and3A_92 : i32 to vector<16xi32>
    %and3A_94 = arith.andi %shift_right_logical3A_91, %and3A_93 : vector<16xi32>
    %add3A_95 = arith.constant 32767 : i32
    %add3A_96 = vector.broadcast %add3A_95 : i32 to vector<16xi32>
    %add3A_97 = arith.addi %bitcast_convert_type3A_88, %add3A_96 : vector<16xi32>
    %add3A_98 = arith.addi %add3A_97, %and3A_94 : vector<16xi32>
    %and3A_99 = arith.constant -65536 : i32
    %and3A_100 = vector.broadcast %and3A_99 : i32 to vector<16xi32>
    %and3A_101 = arith.andi %add3A_98, %and3A_100 : vector<16xi32>
    %bitcast_convert_type3A_102 = tpu.bitcast %and3A_101 : vector<16xi32> -> vector<16xf32>
    %swap3A_103 = arith.constant 0 : index
    %swap3A_104 = tpu.vector_load %arg19[%swap3A_103] {strides = array<i32>} : memref<32xf32, #tpu.memory_space<vmem>>, vector<16xf32>,
    tpu.vector_store %arg19[%swap3A_103], %bitcast_convert_type3A_102 {strides = array<i32>} : memref<32xf32, #tpu.memory_space<vmem>>, vector<16xf32>,
    %gather3A_105 = tpu.vector_load_idx %arg12[%get3A_48] : memref<512xf32, #tpu.memory_space<vmem>>[vector<16xi32>], vector<16xf32>,
    %swap3A_106 = arith.constant 0 : index
    %swap3A_107 = tpu.vector_load %arg20[%swap3A_106] {strides = array<i32>} : memref<32xf32, #tpu.memory_space<vmem>>, vector<16xf32>,
    tpu.vector_store %arg20[%swap3A_106], %gather3A_105 {strides = array<i32>} : memref<32xf32, #tpu.memory_space<vmem>>, vector<16xf32>,
    %mul3A_108 = arith.constant 128 : i32
    %mul3A_109 = arith.muli %select_n3A, %mul3A_108 : i32
    %add3A_110 = arith.addi %mul3A_109, %mul3A_32 : i32
    "tpu.region"() ({
      %run_scoped3A = tpu.sem_alloc : memref<!tpu.dma_semaphore, #tpu.memory_space<semaphore_mem>>
      %dma_start3A = arith.constant 0 : i32
      %dma_start3A_134 = tpu.memref_slice %arg14[%dma_start3A] : memref<32xf32, #tpu.memory_space<vmem>> -> memref<16xf32, #tpu.memory_space<vmem>>
      %dma_start3A_135 = tpu.memref_slice %arg8[%add3A_110] : memref<1536xf32, #tpu.memory_space<hbm>> -> memref<16xf32, #tpu.memory_space<hbm>>
      %dma_start3A_136 = tpu.memref_slice %arg8[%add3A_110] : memref<1536xf32, #tpu.memory_space<hbm>> -> memref<16xf32, #tpu.memory_space<hbm>>
      %dma_start3A_137 = arith.constant 0 : i32
      %dma_start3A_138 = tpu.memref_slice %arg14[%dma_start3A_137] : memref<32xf32, #tpu.memory_space<vmem>> -> memref<16xf32, #tpu.memory_space<vmem>>
      tpu.enqueue_dma source(%dma_start3A_138 : memref<16xf32, #tpu.memory_space<vmem>>) target(%dma_start3A_136 : memref<16xf32, #tpu.memory_space<hbm>>) target_semaphore(%run_scoped3A : memref<!tpu.dma_semaphore, #tpu.memory_space<semaphore_mem>>)
      %dma_wait3A = arith.constant 0 : i32
      %dma_wait3A_139 = tpu.memref_slice %arg14[%dma_wait3A] : memref<32xf32, #tpu.memory_space<vmem>> -> memref<16xf32, #tpu.memory_space<vmem>>
      %dma_wait3A_140 = tpu.memref_slice %arg8[%add3A_110] : memref<1536xf32, #tpu.memory_space<hbm>> -> memref<16xf32, #tpu.memory_space<hbm>>
      %dma_wait3A_141 = tpu.memref_slice %arg8[%add3A_110] : memref<1536xf32, #tpu.memory_space<hbm>> -> memref<16xf32, #tpu.memory_space<hbm>>
      %dma_wait3A_142 = arith.constant 0 : i32
      %dma_wait3A_143 = tpu.memref_slice %arg14[%dma_wait3A_142] : memref<32xf32, #tpu.memory_space<vmem>> -> memref<16xf32, #tpu.memory_space<vmem>>
      tpu.wait_dma2 semaphore(%run_scoped3A : memref<!tpu.dma_semaphore, #tpu.memory_space<semaphore_mem>>) src(%dma_wait3A_143 : memref<16xf32, #tpu.memory_space<vmem>>) dst(%dma_wait3A_141 : memref<16xf32, #tpu.memory_space<hbm>>)
      tpu.yield
    }) : () -> ()
    %add3A_111 = arith.constant 4 : i32
    %add3A_112 = arith.addi %add3A_111, %select_n3A : i32
    %mul3A_113 = arith.constant 128 : i32
    %mul3A_114 = arith.muli %add3A_112, %mul3A_113 : i32
    %add3A_115 = arith.addi %mul3A_114, %mul3A_32 : i32
    "tpu.region"() ({
      %run_scoped3A = tpu.sem_alloc : memref<!tpu.dma_semaphore, #tpu.memory_space<semaphore_mem>>
      %dma_start3A = arith.constant 0 : i32
      %dma_start3A_134 = tpu.memref_slice %arg15[%dma_start3A] : memref<32xf32, #tpu.memory_space<vmem>> -> memref<16xf32, #tpu.memory_space<vmem>>
      %dma_start3A_135 = tpu.memref_slice %arg8[%add3A_115] : memref<1536xf32, #tpu.memory_space<hbm>> -> memref<16xf32, #tpu.memory_space<hbm>>
      %dma_start3A_136 = tpu.memref_slice %arg8[%add3A_115] : memref<1536xf32, #tpu.memory_space<hbm>> -> memref<16xf32, #tpu.memory_space<hbm>>
      %dma_start3A_137 = arith.constant 0 : i32
      %dma_start3A_138 = tpu.memref_slice %arg15[%dma_start3A_137] : memref<32xf32, #tpu.memory_space<vmem>> -> memref<16xf32, #tpu.memory_space<vmem>>
      tpu.enqueue_dma source(%dma_start3A_138 : memref<16xf32, #tpu.memory_space<vmem>>) target(%dma_start3A_136 : memref<16xf32, #tpu.memory_space<hbm>>) target_semaphore(%run_scoped3A : memref<!tpu.dma_semaphore, #tpu.memory_space<semaphore_mem>>)
      %dma_wait3A = arith.constant 0 : i32
      %dma_wait3A_139 = tpu.memref_slice %arg15[%dma_wait3A] : memref<32xf32, #tpu.memory_space<vmem>> -> memref<16xf32, #tpu.memory_space<vmem>>
      %dma_wait3A_140 = tpu.memref_slice %arg8[%add3A_115] : memref<1536xf32, #tpu.memory_space<hbm>> -> memref<16xf32, #tpu.memory_space<hbm>>
      %dma_wait3A_141 = tpu.memref_slice %arg8[%add3A_115] : memref<1536xf32, #tpu.memory_space<hbm>> -> memref<16xf32, #tpu.memory_space<hbm>>
      %dma_wait3A_142 = arith.constant 0 : i32
      %dma_wait3A_143 = tpu.memref_slice %arg15[%dma_wait3A_142] : memref<32xf32, #tpu.memory_space<vmem>> -> memref<16xf32, #tpu.memory_space<vmem>>
      tpu.wait_dma2 semaphore(%run_scoped3A : memref<!tpu.dma_semaphore, #tpu.memory_space<semaphore_mem>>) src(%dma_wait3A_143 : memref<16xf32, #tpu.memory_space<vmem>>) dst(%dma_wait3A_141 : memref<16xf32, #tpu.memory_space<hbm>>)
      tpu.yield
    }) : () -> ()
    %add3A_116 = arith.constant 8 : i32
    %add3A_117 = arith.addi %add3A_116, %select_n3A : i32
    %mul3A_118 = arith.constant 128 : i32
    %mul3A_119 = arith.muli %add3A_117, %mul3A_118 : i32
    %add3A_120 = arith.addi %mul3A_119, %mul3A_32 : i32
    "tpu.region"() ({
      %run_scoped3A = tpu.sem_alloc : memref<!tpu.dma_semaphore, #tpu.memory_space<semaphore_mem>>
      %dma_start3A = arith.constant 0 : i32
      %dma_start3A_134 = tpu.memref_slice %arg16[%dma_start3A] : memref<32xf32, #tpu.memory_space<vmem>> -> memref<16xf32, #tpu.memory_space<vmem>>
      %dma_start3A_135 = tpu.memref_slice %arg8[%add3A_120] : memref<1536xf32, #tpu.memory_space<hbm>> -> memref<16xf32, #tpu.memory_space<hbm>>
      %dma_start3A_136 = tpu.memref_slice %arg8[%add3A_120] : memref<1536xf32, #tpu.memory_space<hbm>> -> memref<16xf32, #tpu.memory_space<hbm>>
      %dma_start3A_137 = arith.constant 0 : i32
      %dma_start3A_138 = tpu.memref_slice %arg16[%dma_start3A_137] : memref<32xf32, #tpu.memory_space<vmem>> -> memref<16xf32, #tpu.memory_space<vmem>>
      tpu.enqueue_dma source(%dma_start3A_138 : memref<16xf32, #tpu.memory_space<vmem>>) target(%dma_start3A_136 : memref<16xf32, #tpu.memory_space<hbm>>) target_semaphore(%run_scoped3A : memref<!tpu.dma_semaphore, #tpu.memory_space<semaphore_mem>>)
      %dma_wait3A = arith.constant 0 : i32
      %dma_wait3A_139 = tpu.memref_slice %arg16[%dma_wait3A] : memref<32xf32, #tpu.memory_space<vmem>> -> memref<16xf32, #tpu.memory_space<vmem>>
      %dma_wait3A_140 = tpu.memref_slice %arg8[%add3A_120] : memref<1536xf32, #tpu.memory_space<hbm>> -> memref<16xf32, #tpu.memory_space<hbm>>
      %dma_wait3A_141 = tpu.memref_slice %arg8[%add3A_120] : memref<1536xf32, #tpu.memory_space<hbm>> -> memref<16xf32, #tpu.memory_space<hbm>>
      %dma_wait3A_142 = arith.constant 0 : i32
      %dma_wait3A_143 = tpu.memref_slice %arg16[%dma_wait3A_142] : memref<32xf32, #tpu.memory_space<vmem>> -> memref<16xf32, #tpu.memory_space<vmem>>
      tpu.wait_dma2 semaphore(%run_scoped3A : memref<!tpu.dma_semaphore, #tpu.memory_space<semaphore_mem>>) src(%dma_wait3A_143 : memref<16xf32, #tpu.memory_space<vmem>>) dst(%dma_wait3A_141 : memref<16xf32, #tpu.memory_space<hbm>>)
      tpu.yield
    }) : () -> ()
    %scan3A = arith.constant 0 : i32
    %scan3A_121 = arith.constant 0 : i32
    %scan3A_122 = arith.constant 32 : i32
    %scan3A_123 = arith.addi %scan3A_121, %scan3A_122 : i32
    %scan3A_124 = arith.constant 1 : i32
    %scan3A_125 = scf.for %scan3A_134 = %scan3A_121 to %scan3A_123 step %scan3A_124 iter_args(%scan3A_135 = %scan3A) -> (i32)  : i32 {
      %mul3A_136 = arith.constant 16 : i32
      %mul3A_137 = arith.muli %scan3A_134, %mul3A_136 : i32
      %get3A_138 = arith.index_cast %mul3A_137 : i32 to index
      %get3A_139 = tpu.vector_load %arg9[%get3A_138] {strides = array<i32>} : memref<512xf32, #tpu.memory_space<vmem>>, vector<16xf32>,
      %bitcast_convert_type3A_140 = tpu.bitcast %get3A_139 : vector<16xf32> -> vector<16xi32>
      %shift_right_logical3A_141 = arith.constant 16 : i32
      %shift_right_logical3A_142 = vector.broadcast %shift_right_logical3A_141 : i32 to vector<16xi32>
      %shift_right_logical3A_143 = arith.shrui %bitcast_convert_type3A_140, %shift_right_logical3A_142 : vector<16xi32>
      %and3A_144 = arith.constant 1 : i32
      %and3A_145 = vector.broadcast %and3A_144 : i32 to vector<16xi32>
      %and3A_146 = arith.andi %shift_right_logical3A_143, %and3A_145 : vector<16xi32>
      %add3A_147 = arith.constant 32767 : i32
      %add3A_148 = vector.broadcast %add3A_147 : i32 to vector<16xi32>
      %add3A_149 = arith.addi %bitcast_convert_type3A_140, %add3A_148 : vector<16xi32>
      %add3A_150 = arith.addi %add3A_149, %and3A_146 : vector<16xi32>
      %and3A_151 = arith.constant -65536 : i32
      %and3A_152 = vector.broadcast %and3A_151 : i32 to vector<16xi32>
      %and3A_153 = arith.andi %add3A_150, %and3A_152 : vector<16xi32>
      %bitcast_convert_type3A_154 = tpu.bitcast %and3A_153 : vector<16xi32> -> vector<16xf32>
      %swap3A_155 = arith.index_cast %mul3A_137 : i32 to index
      %swap3A_156 = tpu.vector_load %arg9[%swap3A_155] {strides = array<i32>} : memref<512xf32, #tpu.memory_space<vmem>>, vector<16xf32>,
      tpu.vector_store %arg9[%swap3A_155], %bitcast_convert_type3A_154 {strides = array<i32>} : memref<512xf32, #tpu.memory_space<vmem>>, vector<16xf32>,
      %get3A_157 = arith.index_cast %mul3A_137 : i32 to index
      %get3A_158 = tpu.vector_load %arg10[%get3A_157] {strides = array<i32>} : memref<512xf32, #tpu.memory_space<vmem>>, vector<16xf32>,
      %bitcast_convert_type3A_159 = tpu.bitcast %get3A_158 : vector<16xf32> -> vector<16xi32>
      %shift_right_logical3A_160 = arith.constant 16 : i32
      %shift_right_logical3A_161 = vector.broadcast %shift_right_logical3A_160 : i32 to vector<16xi32>
      %shift_right_logical3A_162 = arith.shrui %bitcast_convert_type3A_159, %shift_right_logical3A_161 : vector<16xi32>
      %and3A_163 = arith.constant 1 : i32
      %and3A_164 = vector.broadcast %and3A_163 : i32 to vector<16xi32>
      %and3A_165 = arith.andi %shift_right_logical3A_162, %and3A_164 : vector<16xi32>
      %add3A_166 = arith.constant 32767 : i32
      %add3A_167 = vector.broadcast %add3A_166 : i32 to vector<16xi32>
      %add3A_168 = arith.addi %bitcast_convert_type3A_159, %add3A_167 : vector<16xi32>
      %add3A_169 = arith.addi %add3A_168, %and3A_165 : vector<16xi32>
      %and3A_170 = arith.constant -65536 : i32
      %and3A_171 = vector.broadcast %and3A_170 : i32 to vector<16xi32>
      %and3A_172 = arith.andi %add3A_169, %and3A_171 : vector<16xi32>
      %bitcast_convert_type3A_173 = tpu.bitcast %and3A_172 : vector<16xi32> -> vector<16xf32>
      %swap3A_174 = arith.index_cast %mul3A_137 : i32 to index
      %swap3A_175 = tpu.vector_load %arg10[%swap3A_174] {strides = array<i32>} : memref<512xf32, #tpu.memory_space<vmem>>, vector<16xf32>,
      tpu.vector_store %arg10[%swap3A_174], %bitcast_convert_type3A_173 {strides = array<i32>} : memref<512xf32, #tpu.memory_space<vmem>>, vector<16xf32>,
      %get3A_176 = arith.index_cast %mul3A_137 : i32 to index
      %get3A_177 = tpu.vector_load %arg11[%get3A_176] {strides = array<i32>} : memref<512xf32, #tpu.memory_space<vmem>>, vector<16xf32>,
      %bitcast_convert_type3A_178 = tpu.bitcast %get3A_177 : vector<16xf32> -> vector<16xi32>
      %shift_right_logical3A_179 = arith.constant 16 : i32
      %shift_right_logical3A_180 = vector.broadcast %shift_right_logical3A_179 : i32 to vector<16xi32>
      %shift_right_logical3A_181 = arith.shrui %bitcast_convert_type3A_178, %shift_right_logical3A_180 : vector<16xi32>
      %and3A_182 = arith.constant 1 : i32
      %and3A_183 = vector.broadcast %and3A_182 : i32 to vector<16xi32>
      %and3A_184 = arith.andi %shift_right_logical3A_181, %and3A_183 : vector<16xi32>
      %add3A_185 = arith.constant 32767 : i32
      %add3A_186 = vector.broadcast %add3A_185 : i32 to vector<16xi32>
      %add3A_187 = arith.addi %bitcast_convert_type3A_178, %add3A_186 : vector<16xi32>
      %add3A_188 = arith.addi %add3A_187, %and3A_184 : vector<16xi32>
      %and3A_189 = arith.constant -65536 : i32
      %and3A_190 = vector.broadcast %and3A_189 : i32 to vector<16xi32>
      %and3A_191 = arith.andi %add3A_188, %and3A_190 : vector<16xi32>
      %bitcast_convert_type3A_192 = tpu.bitcast %and3A_191 : vector<16xi32> -> vector<16xf32>
      %swap3A_193 = arith.index_cast %mul3A_137 : i32 to index
      %swap3A_194 = tpu.vector_load %arg11[%swap3A_193] {strides = array<i32>} : memref<512xf32, #tpu.memory_space<vmem>>, vector<16xf32>,
      tpu.vector_store %arg11[%swap3A_193], %bitcast_convert_type3A_192 {strides = array<i32>} : memref<512xf32, #tpu.memory_space<vmem>>, vector<16xf32>,
      %scan3A_195 = arith.constant 0 : i32
      scf.yield %scan3A_195 : i32
    }
    %scan3A_126 = arith.constant 32 : i32
    %scan3A_127 = arith.constant 0 : i32
    %scan3A_128 = arith.constant 0 : i32
    %scan3A_129 = arith.constant 16 : i32
    %scan3A_130 = arith.addi %scan3A_128, %scan3A_129 : i32
    %scan3A_131 = arith.constant 1 : i32
    %scan3A_132 = scf.for %scan3A_134 = %scan3A_128 to %scan3A_130 step %scan3A_131 iter_args(%scan3A_135 = %scan3A_127) -> (i32)  : i32 {
      %get3A_136 = arith.index_cast %scan3A_134 : i32 to index
      %get3A_137 = tpu.vector_load %arg17[%get3A_136] {strides = array<i32>} : memref<32xf32, #tpu.memory_space<vmem>>, vector<16xf32>,
      %slice3A = vector.extract_strided_slice %get3A_137 {offsets = [0], sizes = [1], strides = [1]} : vector<16xf32> to vector<1xf32>
      %squeeze3A = vector.extract %slice3A[0] : f32 from vector<1xf32>
      %get3A_138 = arith.index_cast %scan3A_134 : i32 to index
      %get3A_139 = tpu.vector_load %arg18[%get3A_138] {strides = array<i32>} : memref<32xf32, #tpu.memory_space<vmem>>, vector<16xf32>,
      %slice3A_140 = vector.extract_strided_slice %get3A_139 {offsets = [0], sizes = [1], strides = [1]} : vector<16xf32> to vector<1xf32>
      %squeeze3A_141 = vector.extract %slice3A_140[0] : f32 from vector<1xf32>
      %get3A_142 = arith.index_cast %scan3A_134 : i32 to index
      %get3A_143 = tpu.vector_load %arg19[%get3A_142] {strides = array<i32>} : memref<32xf32, #tpu.memory_space<vmem>>, vector<16xf32>,
      %slice3A_144 = vector.extract_strided_slice %get3A_143 {offsets = [0], sizes = [1], strides = [1]} : vector<16xf32> to vector<1xf32>
      %squeeze3A_145 = vector.extract %slice3A_144[0] : f32 from vector<1xf32>
      %get3A_146 = arith.index_cast %scan3A_134 : i32 to index
      %get3A_147 = tpu.vector_load %arg20[%get3A_146] {strides = array<i32>} : memref<32xf32, #tpu.memory_space<vmem>>, vector<16xf32>,
      %slice3A_148 = vector.extract_strided_slice %get3A_147 {offsets = [0], sizes = [1], strides = [1]} : vector<16xf32> to vector<1xf32>
      %squeeze3A_149 = vector.extract %slice3A_148[0] : f32 from vector<1xf32>
      %mul3A_150 = arith.constant 128 : i32
      %mul3A_151 = arith.muli %select_n3A, %mul3A_150 : i32
      %add3A_152 = arith.addi %mul3A_151, %mul3A_32 : i32
      %add3A_153 = arith.addi %add3A_152, %scan3A_134 : i32
      %scan3A_154 = arith.constant 0 : i32
      %scan3A_155 = arith.constant 0 : i32
      %scan3A_156 = arith.constant 0 : i32
      %scan3A_157 = arith.constant 32 : i32
      %scan3A_158 = arith.addi %scan3A_156, %scan3A_157 : i32
      %scan3A_159 = arith.constant 1 : i32
      %scan3A_160:2 = scf.for %scan3A_330 = %scan3A_156 to %scan3A_158 step %scan3A_159 iter_args(%scan3A_331 = %scan3A_154, %scan3A_332 = %scan3A_155) -> (i32, i32)  : i32 {
        %mul3A_333 = arith.constant 16 : i32
        %mul3A_334 = arith.muli %scan3A_330, %mul3A_333 : i32
        %get3A_335 = arith.index_cast %mul3A_334 : i32 to index
        %get3A_336 = tpu.vector_load %arg9[%get3A_335] {strides = array<i32>} : memref<512xf32, #tpu.memory_space<vmem>>, vector<16xf32>,
        %mul3A_337 = vector.broadcast %squeeze3A : f32 to vector<16xf32>
        %mul3A_338 = arith.mulf %mul3A_337, %get3A_336 : vector<16xf32>
        %get3A_339 = arith.index_cast %mul3A_334 : i32 to index
        %get3A_340 = tpu.vector_load %arg10[%get3A_339] {strides = array<i32>} : memref<512xf32, #tpu.memory_space<vmem>>, vector<16xf32>,
        %mul3A_341 = vector.broadcast %squeeze3A_141 : f32 to vector<16xf32>
        %mul3A_342 = arith.mulf %mul3A_341, %get3A_340 : vector<16xf32>
        %add3A_343 = arith.addf %mul3A_338, %mul3A_342 : vector<16xf32>
        %get3A_344 = arith.index_cast %mul3A_334 : i32 to index
        %get3A_345 = tpu.vector_load %arg11[%get3A_344] {strides = array<i32>} : memref<512xf32, #tpu.memory_space<vmem>>, vector<16xf32>,
        %mul3A_346 = vector.broadcast %squeeze3A_145 : f32 to vector<16xf32>
        %mul3A_347 = arith.mulf %mul3A_346, %get3A_345 : vector<16xf32>
        %add3A_348 = arith.addf %add3A_343, %mul3A_347 : vector<16xf32>
        %mul3A_349 = arith.constant -2.000000e+00 : f32
        %mul3A_350 = vector.broadcast %mul3A_349 : f32 to vector<16xf32>
        %mul3A_351 = arith.mulf %mul3A_350, %add3A_348 : vector<16xf32>
        %add3A_352 = vector.broadcast %squeeze3A_149 : f32 to vector<16xf32>
        %add3A_353 = arith.addf %mul3A_351, %add3A_352 : vector<16xf32>
        %get3A_354 = arith.index_cast %mul3A_334 : i32 to index
        %get3A_355 = tpu.vector_load %arg12[%get3A_354] {strides = array<i32>} : memref<512xf32, #tpu.memory_space<vmem>>, vector<16xf32>,
        %add3A_356 = arith.addf %add3A_353, %get3A_355 : vector<16xf32>
        %iota3A_357 = tpu.iota {dimensions = array<i32: 0>} : vector<16xi32>
        %mul3A_358 = arith.constant 16 : i32
        %mul3A_359 = arith.muli %scan3A_330, %mul3A_358 : i32
        %add3A_360 = vector.broadcast %mul3A_359 : i32 to vector<16xi32>
        %add3A_361 = arith.addi %iota3A_357, %add3A_360 : vector<16xi32>
        %mul3A_362 = arith.constant 512 : i32
        %mul3A_363 = arith.muli %select_n3A, %mul3A_362 : i32
        %add3A_364 = vector.broadcast %mul3A_363 : i32 to vector<16xi32>
        %add3A_365 = arith.addi %add3A_361, %add3A_364 : vector<16xi32>
        %le3A = arith.constant 1.600000e-01 : f32
        %le3A_366 = vector.broadcast %le3A : f32 to vector<16xf32>
        %le3A_367 = arith.cmpf ole, %add3A_356, %le3A_366 : vector<16xf32>
        %swap3A_368 = arith.index_cast %scan3A_331 : i32 to index
        %swap3A_369 = tpu.vector_load %arg21[%swap3A_368] masked %le3A_367 {strides = array<i32>} : memref<528xi32, #tpu.memory_space<vmem>>, vector<16xi32>, vector<16xi1>
        tpu.vector_store %arg21[%swap3A_368], %add3A_365 masked %le3A_367 {strides = array<i32>} : memref<528xi32, #tpu.memory_space<vmem>>, vector<16xi32>, vector<16xi1>
        %all_reduce_population_count3A = tpu.all_reduce %le3A_367 {dim = 0 : i64, kind = #tpu.reduction_kind<sum>} : vector<16xi1> -> vector<16xi32>
        %slice3A_370 = vector.extract_strided_slice %all_reduce_population_count3A {offsets = [0], sizes = [1], strides = [1]} : vector<16xi32> to vector<1xi32>
        %squeeze3A_371 = vector.extract %slice3A_370[0] : i32 from vector<1xi32>
        %add3A_372 = arith.addi %scan3A_331, %squeeze3A_371 : i32
        %le3A_373 = arith.constant 6.400000e-01 : f32
        %le3A_374 = vector.broadcast %le3A_373 : f32 to vector<16xf32>
        %le3A_375 = arith.cmpf ole, %add3A_356, %le3A_374 : vector<16xf32>
        %swap3A_376 = arith.index_cast %scan3A_332 : i32 to index
        %swap3A_377 = tpu.vector_load %arg22[%swap3A_376] masked %le3A_375 {strides = array<i32>} : memref<528xi32, #tpu.memory_space<vmem>>, vector<16xi32>, vector<16xi1>
        tpu.vector_store %arg22[%swap3A_376], %add3A_365 masked %le3A_375 {strides = array<i32>} : memref<528xi32, #tpu.memory_space<vmem>>, vector<16xi32>, vector<16xi1>
        %all_reduce_population_count3A_378 = tpu.all_reduce %le3A_375 {dim = 0 : i64, kind = #tpu.reduction_kind<sum>} : vector<16xi1> -> vector<16xi32>
        %slice3A_379 = vector.extract_strided_slice %all_reduce_population_count3A_378 {offsets = [0], sizes = [1], strides = [1]} : vector<16xi32> to vector<1xi32>
        %squeeze3A_380 = vector.extract %slice3A_379[0] : i32 from vector<1xi32>
        %add3A_381 = arith.addi %scan3A_332, %squeeze3A_380 : i32
        scf.yield %add3A_372, %add3A_381 : i32, i32
      }
      %scan3A_161 = arith.constant 32 : i32
      %min3A = arith.constant 64 : i32
      %min3A_162 = arith.minsi %scan3A_160#0, %min3A : i32
      %gt3A = arith.constant 0 : i32
      %gt3A_163 = arith.cmpi sgt, %scan3A_160#0, %gt3A : i32
      %convert_element_type3A = arith.extui %gt3A_163 : i1 to i32
      %cond3A = arith.constant 0 : i32
      %cond3A_164 = arith.cmpi ne, %convert_element_type3A, %cond3A : i32
      %cond3A_165 = scf.if %cond3A_164 -> (i32) {
        %get3A_330 = arith.constant 0 : index
        %get3A_331 = tpu.vector_load %arg21[%get3A_330] {strides = array<i32>} : memref<528xi32, #tpu.memory_space<vmem>>, vector<16xi32>,
        %slice3A_332 = vector.extract_strided_slice %get3A_331 {offsets = [0], sizes = [1], strides = [1]} : vector<16xi32> to vector<1xi32>
        %squeeze3A_333 = vector.extract %slice3A_332[0] : i32 from vector<1xi32>
        scf.yield %squeeze3A_333 : i32
      } else {
        %mul3A_330 = arith.constant 512 : i32
        %mul3A_331 = arith.muli %select_n3A, %mul3A_330 : i32
        %add3A_332 = arith.constant 511 : i32
        %add3A_333 = arith.addi %mul3A_331, %add3A_332 : i32
        scf.yield %add3A_333 : i32
      }
      %iota3A = tpu.iota {dimensions = array<i32: 0>} : vector<16xi32>
      %add3A_166 = arith.constant 0 : i32
      %add3A_167 = vector.broadcast %add3A_166 : i32 to vector<16xi32>
      %add3A_168 = arith.addi %iota3A, %add3A_167 : vector<16xi32>
      %ge3A = vector.broadcast %min3A_162 : i32 to vector<16xi32>
      %ge3A_169 = arith.cmpi sge, %add3A_168, %ge3A : vector<16xi32>
      %get3A_170 = arith.constant 0 : index
      %get3A_171 = tpu.vector_load %arg21[%get3A_170] {strides = array<i32>} : memref<528xi32, #tpu.memory_space<vmem>>, vector<16xi32>,
      %broadcast_in_dim3A = vector.broadcast %cond3A_165 : i32 to vector<16xi32>
      %select_n3A_172 = arith.select %ge3A_169, %broadcast_in_dim3A, %get3A_171 : vector<16xi1>, vector<16xi32>
      %swap3A_173 = arith.constant 0 : index
      %swap3A_174 = tpu.vector_load %arg23[%swap3A_173] {strides = array<i32>} : memref<64xi32, #tpu.memory_space<vmem>>, vector<16xi32>,
      tpu.vector_store %arg23[%swap3A_173], %select_n3A_172 {strides = array<i32>} : memref<64xi32, #tpu.memory_space<vmem>>, vector<16xi32>,
      %iota3A_175 = tpu.iota {dimensions = array<i32: 0>} : vector<16xi32>
      %add3A_176 = arith.constant 16 : i32
      %add3A_177 = vector.broadcast %add3A_176 : i32 to vector<16xi32>
      %add3A_178 = arith.addi %iota3A_175, %add3A_177 : vector<16xi32>
      %ge3A_179 = vector.broadcast %min3A_162 : i32 to vector<16xi32>
      %ge3A_180 = arith.cmpi sge, %add3A_178, %ge3A_179 : vector<16xi32>
      %get3A_181 = arith.constant 16 : index
      %get3A_182 = tpu.vector_load %arg21[%get3A_181] {strides = array<i32>} : memref<528xi32, #tpu.memory_space<vmem>>, vector<16xi32>,
      %broadcast_in_dim3A_183 = vector.broadcast %cond3A_165 : i32 to vector<16xi32>
      %select_n3A_184 = arith.select %ge3A_180, %broadcast_in_dim3A_183, %get3A_182 : vector<16xi1>, vector<16xi32>
      %swap3A_185 = arith.constant 16 : index
      %swap3A_186 = tpu.vector_load %arg23[%swap3A_185] {strides = array<i32>} : memref<64xi32, #tpu.memory_space<vmem>>, vector<16xi32>,
      tpu.vector_store %arg23[%swap3A_185], %select_n3A_184 {strides = array<i32>} : memref<64xi32, #tpu.memory_space<vmem>>, vector<16xi32>,
      %iota3A_187 = tpu.iota {dimensions = array<i32: 0>} : vector<16xi32>
      %add3A_188 = arith.constant 32 : i32
      %add3A_189 = vector.broadcast %add3A_188 : i32 to vector<16xi32>
      %add3A_190 = arith.addi %iota3A_187, %add3A_189 : vector<16xi32>
      %ge3A_191 = vector.broadcast %min3A_162 : i32 to vector<16xi32>
      %ge3A_192 = arith.cmpi sge, %add3A_190, %ge3A_191 : vector<16xi32>
      %get3A_193 = arith.constant 32 : index
      %get3A_194 = tpu.vector_load %arg21[%get3A_193] {strides = array<i32>} : memref<528xi32, #tpu.memory_space<vmem>>, vector<16xi32>,
      %broadcast_in_dim3A_195 = vector.broadcast %cond3A_165 : i32 to vector<16xi32>
      %select_n3A_196 = arith.select %ge3A_192, %broadcast_in_dim3A_195, %get3A_194 : vector<16xi1>, vector<16xi32>
      %swap3A_197 = arith.constant 32 : index
      %swap3A_198 = tpu.vector_load %arg23[%swap3A_197] {strides = array<i32>} : memref<64xi32, #tpu.memory_space<vmem>>, vector<16xi32>,
      tpu.vector_store %arg23[%swap3A_197], %select_n3A_196 {strides = array<i32>} : memref<64xi32, #tpu.memory_space<vmem>>, vector<16xi32>,
      %iota3A_199 = tpu.iota {dimensions = array<i32: 0>} : vector<16xi32>
      %add3A_200 = arith.constant 48 : i32
      %add3A_201 = vector.broadcast %add3A_200 : i32 to vector<16xi32>
      %add3A_202 = arith.addi %iota3A_199, %add3A_201 : vector<16xi32>
      %ge3A_203 = vector.broadcast %min3A_162 : i32 to vector<16xi32>
      %ge3A_204 = arith.cmpi sge, %add3A_202, %ge3A_203 : vector<16xi32>
      %get3A_205 = arith.constant 48 : index
      %get3A_206 = tpu.vector_load %arg21[%get3A_205] {strides = array<i32>} : memref<528xi32, #tpu.memory_space<vmem>>, vector<16xi32>,
      %broadcast_in_dim3A_207 = vector.broadcast %cond3A_165 : i32 to vector<16xi32>
      %select_n3A_208 = arith.select %ge3A_204, %broadcast_in_dim3A_207, %get3A_206 : vector<16xi1>, vector<16xi32>
      %swap3A_209 = arith.constant 48 : index
      %swap3A_210 = tpu.vector_load %arg23[%swap3A_209] {strides = array<i32>} : memref<64xi32, #tpu.memory_space<vmem>>, vector<16xi32>,
      tpu.vector_store %arg23[%swap3A_209], %select_n3A_208 {strides = array<i32>} : memref<64xi32, #tpu.memory_space<vmem>>, vector<16xi32>,
      %dma_start3A = arith.constant 0 : i32
      %dma_start3A_211 = arith.constant 0 : i32
      %dma_start3A_212 = tpu.memref_slice %arg5[%dma_start3A, %dma_start3A_211] : memref<2048x384xf32, #tpu.memory_space<hbm>> -> memref<2048x384xf32, #tpu.memory_space<hbm>>
      tpu.enqueue_indirect_dma source(%dma_start3A_212 : memref<2048x384xf32, #tpu.memory_space<hbm>>) target(%arg25 : memref<64x384xf32, #tpu.memory_space<vmem>>) offsets(%arg23 : memref<64xi32, #tpu.memory_space<vmem>>) semaphore(%arg27 : memref<!tpu.dma_semaphore, #tpu.memory_space<semaphore_mem>>)
      %dma_wait3A = arith.constant 0 : i32
      %dma_wait3A_213 = arith.constant 0 : i32
      %dma_wait3A_214 = tpu.memref_slice %arg5[%dma_wait3A, %dma_wait3A_213] : memref<2048x384xf32, #tpu.memory_space<hbm>> -> memref<2048x384xf32, #tpu.memory_space<hbm>>
      tpu.wait_indirect_dma semaphore(%arg27 : memref<!tpu.dma_semaphore, #tpu.memory_space<semaphore_mem>>) src(%dma_wait3A_214 : memref<2048x384xf32, #tpu.memory_space<hbm>>) dst(%arg25 : memref<64x384xf32, #tpu.memory_space<vmem>>)
      %mul3A_215 = arith.constant 64 : i32
      %mul3A_216 = arith.muli %add3A_153, %mul3A_215 : i32
      "tpu.region"() ({
        %run_scoped3A = tpu.sem_alloc : memref<!tpu.dma_semaphore, #tpu.memory_space<semaphore_mem>>
        %dma_start3A_330 = arith.constant 0 : i32
        %dma_start3A_331 = tpu.memref_slice %arg6[%mul3A_216, %dma_start3A_330] : memref<32768x384xf32, #tpu.memory_space<hbm>> -> memref<64x384xf32, #tpu.memory_space<hbm>>
        %dma_start3A_332 = arith.constant 0 : i32
        %dma_start3A_333 = tpu.memref_slice %arg6[%mul3A_216, %dma_start3A_332] : memref<32768x384xf32, #tpu.memory_space<hbm>> -> memref<64x384xf32, #tpu.memory_space<hbm>>
        tpu.enqueue_dma source(%arg25 : memref<64x384xf32, #tpu.memory_space<vmem>>) target(%dma_start3A_333 : memref<64x384xf32, #tpu.memory_space<hbm>>) target_semaphore(%run_scoped3A : memref<!tpu.dma_semaphore, #tpu.memory_space<semaphore_mem>>)
        %dma_wait3A_334 = arith.constant 0 : i32
        %dma_wait3A_335 = tpu.memref_slice %arg6[%mul3A_216, %dma_wait3A_334] : memref<32768x384xf32, #tpu.memory_space<hbm>> -> memref<64x384xf32, #tpu.memory_space<hbm>>
        %dma_wait3A_336 = arith.constant 0 : i32
        %dma_wait3A_337 = tpu.memref_slice %arg6[%mul3A_216, %dma_wait3A_336] : memref<32768x384xf32, #tpu.memory_space<hbm>> -> memref<64x384xf32, #tpu.memory_space<hbm>>
        tpu.wait_dma2 semaphore(%run_scoped3A : memref<!tpu.dma_semaphore, #tpu.memory_space<semaphore_mem>>) src(%arg25 : memref<64x384xf32, #tpu.memory_space<vmem>>) dst(%dma_wait3A_337 : memref<64x384xf32, #tpu.memory_space<hbm>>)
        tpu.yield
      }) : () -> ()
      %min3A_217 = arith.constant 128 : i32
      %min3A_218 = arith.minsi %scan3A_160#1, %min3A_217 : i32
      %gt3A_219 = arith.constant 0 : i32
      %gt3A_220 = arith.cmpi sgt, %scan3A_160#1, %gt3A_219 : i32
      %convert_element_type3A_221 = arith.extui %gt3A_220 : i1 to i32
      %cond3A_222 = arith.constant 0 : i32
      %cond3A_223 = arith.cmpi ne, %convert_element_type3A_221, %cond3A_222 : i32
      %cond3A_224 = scf.if %cond3A_223 -> (i32) {
        %get3A_330 = arith.constant 0 : index
        %get3A_331 = tpu.vector_load %arg22[%get3A_330] {strides = array<i32>} : memref<528xi32, #tpu.memory_space<vmem>>, vector<16xi32>,
        %slice3A_332 = vector.extract_strided_slice %get3A_331 {offsets = [0], sizes = [1], strides = [1]} : vector<16xi32> to vector<1xi32>
        %squeeze3A_333 = vector.extract %slice3A_332[0] : i32 from vector<1xi32>
        scf.yield %squeeze3A_333 : i32
      } else {
        %mul3A_330 = arith.constant 512 : i32
        %mul3A_331 = arith.muli %select_n3A, %mul3A_330 : i32
        %add3A_332 = arith.constant 511 : i32
        %add3A_333 = arith.addi %mul3A_331, %add3A_332 : i32
        scf.yield %add3A_333 : i32
      }
      %iota3A_225 = tpu.iota {dimensions = array<i32: 0>} : vector<16xi32>
      %add3A_226 = arith.constant 0 : i32
      %add3A_227 = vector.broadcast %add3A_226 : i32 to vector<16xi32>
      %add3A_228 = arith.addi %iota3A_225, %add3A_227 : vector<16xi32>
      %ge3A_229 = vector.broadcast %min3A_218 : i32 to vector<16xi32>
      %ge3A_230 = arith.cmpi sge, %add3A_228, %ge3A_229 : vector<16xi32>
      %get3A_231 = arith.constant 0 : index
      %get3A_232 = tpu.vector_load %arg22[%get3A_231] {strides = array<i32>} : memref<528xi32, #tpu.memory_space<vmem>>, vector<16xi32>,
      %broadcast_in_dim3A_233 = vector.broadcast %cond3A_224 : i32 to vector<16xi32>
      %select_n3A_234 = arith.select %ge3A_230, %broadcast_in_dim3A_233, %get3A_232 : vector<16xi1>, vector<16xi32>
      %swap3A_235 = arith.constant 0 : index
      %swap3A_236 = tpu.vector_load %arg24[%swap3A_235] {strides = array<i32>} : memref<128xi32, #tpu.memory_space<vmem>>, vector<16xi32>,
      tpu.vector_store %arg24[%swap3A_235], %select_n3A_234 {strides = array<i32>} : memref<128xi32, #tpu.memory_space<vmem>>, vector<16xi32>,
      %iota3A_237 = tpu.iota {dimensions = array<i32: 0>} : vector<16xi32>
      %add3A_238 = arith.constant 16 : i32
      %add3A_239 = vector.broadcast %add3A_238 : i32 to vector<16xi32>
      %add3A_240 = arith.addi %iota3A_237, %add3A_239 : vector<16xi32>
      %ge3A_241 = vector.broadcast %min3A_218 : i32 to vector<16xi32>
      %ge3A_242 = arith.cmpi sge, %add3A_240, %ge3A_241 : vector<16xi32>
      %get3A_243 = arith.constant 16 : index
      %get3A_244 = tpu.vector_load %arg22[%get3A_243] {strides = array<i32>} : memref<528xi32, #tpu.memory_space<vmem>>, vector<16xi32>,
      %broadcast_in_dim3A_245 = vector.broadcast %cond3A_224 : i32 to vector<16xi32>
      %select_n3A_246 = arith.select %ge3A_242, %broadcast_in_dim3A_245, %get3A_244 : vector<16xi1>, vector<16xi32>
      %swap3A_247 = arith.constant 16 : index
      %swap3A_248 = tpu.vector_load %arg24[%swap3A_247] {strides = array<i32>} : memref<128xi32, #tpu.memory_space<vmem>>, vector<16xi32>,
      tpu.vector_store %arg24[%swap3A_247], %select_n3A_246 {strides = array<i32>} : memref<128xi32, #tpu.memory_space<vmem>>, vector<16xi32>,
      %iota3A_249 = tpu.iota {dimensions = array<i32: 0>} : vector<16xi32>
      %add3A_250 = arith.constant 32 : i32
      %add3A_251 = vector.broadcast %add3A_250 : i32 to vector<16xi32>
      %add3A_252 = arith.addi %iota3A_249, %add3A_251 : vector<16xi32>
      %ge3A_253 = vector.broadcast %min3A_218 : i32 to vector<16xi32>
      %ge3A_254 = arith.cmpi sge, %add3A_252, %ge3A_253 : vector<16xi32>
      %get3A_255 = arith.constant 32 : index
      %get3A_256 = tpu.vector_load %arg22[%get3A_255] {strides = array<i32>} : memref<528xi32, #tpu.memory_space<vmem>>, vector<16xi32>,
      %broadcast_in_dim3A_257 = vector.broadcast %cond3A_224 : i32 to vector<16xi32>
      %select_n3A_258 = arith.select %ge3A_254, %broadcast_in_dim3A_257, %get3A_256 : vector<16xi1>, vector<16xi32>
      %swap3A_259 = arith.constant 32 : index
      %swap3A_260 = tpu.vector_load %arg24[%swap3A_259] {strides = array<i32>} : memref<128xi32, #tpu.memory_space<vmem>>, vector<16xi32>,
      tpu.vector_store %arg24[%swap3A_259], %select_n3A_258 {strides = array<i32>} : memref<128xi32, #tpu.memory_space<vmem>>, vector<16xi32>,
      %iota3A_261 = tpu.iota {dimensions = array<i32: 0>} : vector<16xi32>
      %add3A_262 = arith.constant 48 : i32
      %add3A_263 = vector.broadcast %add3A_262 : i32 to vector<16xi32>
      %add3A_264 = arith.addi %iota3A_261, %add3A_263 : vector<16xi32>
      %ge3A_265 = vector.broadcast %min3A_218 : i32 to vector<16xi32>
      %ge3A_266 = arith.cmpi sge, %add3A_264, %ge3A_265 : vector<16xi32>
      %get3A_267 = arith.constant 48 : index
      %get3A_268 = tpu.vector_load %arg22[%get3A_267] {strides = array<i32>} : memref<528xi32, #tpu.memory_space<vmem>>, vector<16xi32>,
      %broadcast_in_dim3A_269 = vector.broadcast %cond3A_224 : i32 to vector<16xi32>
      %select_n3A_270 = arith.select %ge3A_266, %broadcast_in_dim3A_269, %get3A_268 : vector<16xi1>, vector<16xi32>
      %swap3A_271 = arith.constant 48 : index
      %swap3A_272 = tpu.vector_load %arg24[%swap3A_271] {strides = array<i32>} : memref<128xi32, #tpu.memory_space<vmem>>, vector<16xi32>,
      tpu.vector_store %arg24[%swap3A_271], %select_n3A_270 {strides = array<i32>} : memref<128xi32, #tpu.memory_space<vmem>>, vector<16xi32>,
      %iota3A_273 = tpu.iota {dimensions = array<i32: 0>} : vector<16xi32>
      %add3A_274 = arith.constant 64 : i32
      %add3A_275 = vector.broadcast %add3A_274 : i32 to vector<16xi32>
      %add3A_276 = arith.addi %iota3A_273, %add3A_275 : vector<16xi32>
      %ge3A_277 = vector.broadcast %min3A_218 : i32 to vector<16xi32>
      %ge3A_278 = arith.cmpi sge, %add3A_276, %ge3A_277 : vector<16xi32>
      %get3A_279 = arith.constant 64 : index
      %get3A_280 = tpu.vector_load %arg22[%get3A_279] {strides = array<i32>} : memref<528xi32, #tpu.memory_space<vmem>>, vector<16xi32>,
      %broadcast_in_dim3A_281 = vector.broadcast %cond3A_224 : i32 to vector<16xi32>
      %select_n3A_282 = arith.select %ge3A_278, %broadcast_in_dim3A_281, %get3A_280 : vector<16xi1>, vector<16xi32>
      %swap3A_283 = arith.constant 64 : index
      %swap3A_284 = tpu.vector_load %arg24[%swap3A_283] {strides = array<i32>} : memref<128xi32, #tpu.memory_space<vmem>>, vector<16xi32>,
      tpu.vector_store %arg24[%swap3A_283], %select_n3A_282 {strides = array<i32>} : memref<128xi32, #tpu.memory_space<vmem>>, vector<16xi32>,
      %iota3A_285 = tpu.iota {dimensions = array<i32: 0>} : vector<16xi32>
      %add3A_286 = arith.constant 80 : i32
      %add3A_287 = vector.broadcast %add3A_286 : i32 to vector<16xi32>
      %add3A_288 = arith.addi %iota3A_285, %add3A_287 : vector<16xi32>
      %ge3A_289 = vector.broadcast %min3A_218 : i32 to vector<16xi32>
      %ge3A_290 = arith.cmpi sge, %add3A_288, %ge3A_289 : vector<16xi32>
      %get3A_291 = arith.constant 80 : index
      %get3A_292 = tpu.vector_load %arg22[%get3A_291] {strides = array<i32>} : memref<528xi32, #tpu.memory_space<vmem>>, vector<16xi32>,
      %broadcast_in_dim3A_293 = vector.broadcast %cond3A_224 : i32 to vector<16xi32>
      %select_n3A_294 = arith.select %ge3A_290, %broadcast_in_dim3A_293, %get3A_292 : vector<16xi1>, vector<16xi32>
      %swap3A_295 = arith.constant 80 : index
      %swap3A_296 = tpu.vector_load %arg24[%swap3A_295] {strides = array<i32>} : memref<128xi32, #tpu.memory_space<vmem>>, vector<16xi32>,
      tpu.vector_store %arg24[%swap3A_295], %select_n3A_294 {strides = array<i32>} : memref<128xi32, #tpu.memory_space<vmem>>, vector<16xi32>,
      %iota3A_297 = tpu.iota {dimensions = array<i32: 0>} : vector<16xi32>
      %add3A_298 = arith.constant 96 : i32
      %add3A_299 = vector.broadcast %add3A_298 : i32 to vector<16xi32>
      %add3A_300 = arith.addi %iota3A_297, %add3A_299 : vector<16xi32>
      %ge3A_301 = vector.broadcast %min3A_218 : i32 to vector<16xi32>
      %ge3A_302 = arith.cmpi sge, %add3A_300, %ge3A_301 : vector<16xi32>
      %get3A_303 = arith.constant 96 : index
      %get3A_304 = tpu.vector_load %arg22[%get3A_303] {strides = array<i32>} : memref<528xi32, #tpu.memory_space<vmem>>, vector<16xi32>,
      %broadcast_in_dim3A_305 = vector.broadcast %cond3A_224 : i32 to vector<16xi32>
      %select_n3A_306 = arith.select %ge3A_302, %broadcast_in_dim3A_305, %get3A_304 : vector<16xi1>, vector<16xi32>
      %swap3A_307 = arith.constant 96 : index
      %swap3A_308 = tpu.vector_load %arg24[%swap3A_307] {strides = array<i32>} : memref<128xi32, #tpu.memory_space<vmem>>, vector<16xi32>,
      tpu.vector_store %arg24[%swap3A_307], %select_n3A_306 {strides = array<i32>} : memref<128xi32, #tpu.memory_space<vmem>>, vector<16xi32>,
      %iota3A_309 = tpu.iota {dimensions = array<i32: 0>} : vector<16xi32>
      %add3A_310 = arith.constant 112 : i32
      %add3A_311 = vector.broadcast %add3A_310 : i32 to vector<16xi32>
      %add3A_312 = arith.addi %iota3A_309, %add3A_311 : vector<16xi32>
      %ge3A_313 = vector.broadcast %min3A_218 : i32 to vector<16xi32>
      %ge3A_314 = arith.cmpi sge, %add3A_312, %ge3A_313 : vector<16xi32>
      %get3A_315 = arith.constant 112 : index
      %get3A_316 = tpu.vector_load %arg22[%get3A_315] {strides = array<i32>} : memref<528xi32, #tpu.memory_space<vmem>>, vector<16xi32>,
      %broadcast_in_dim3A_317 = vector.broadcast %cond3A_224 : i32 to vector<16xi32>
      %select_n3A_318 = arith.select %ge3A_314, %broadcast_in_dim3A_317, %get3A_316 : vector<16xi1>, vector<16xi32>
      %swap3A_319 = arith.constant 112 : index
      %swap3A_320 = tpu.vector_load %arg24[%swap3A_319] {strides = array<i32>} : memref<128xi32, #tpu.memory_space<vmem>>, vector<16xi32>,
      tpu.vector_store %arg24[%swap3A_319], %select_n3A_318 {strides = array<i32>} : memref<128xi32, #tpu.memory_space<vmem>>, vector<16xi32>,
      %dma_start3A_321 = arith.constant 0 : i32
      %dma_start3A_322 = arith.constant 0 : i32
      %dma_start3A_323 = tpu.memref_slice %arg5[%dma_start3A_321, %dma_start3A_322] : memref<2048x384xf32, #tpu.memory_space<hbm>> -> memref<2048x384xf32, #tpu.memory_space<hbm>>
      tpu.enqueue_indirect_dma source(%dma_start3A_323 : memref<2048x384xf32, #tpu.memory_space<hbm>>) target(%arg26 : memref<128x384xf32, #tpu.memory_space<vmem>>) offsets(%arg24 : memref<128xi32, #tpu.memory_space<vmem>>) semaphore(%arg27 : memref<!tpu.dma_semaphore, #tpu.memory_space<semaphore_mem>>)
      %dma_wait3A_324 = arith.constant 0 : i32
      %dma_wait3A_325 = arith.constant 0 : i32
      %dma_wait3A_326 = tpu.memref_slice %arg5[%dma_wait3A_324, %dma_wait3A_325] : memref<2048x384xf32, #tpu.memory_space<hbm>> -> memref<2048x384xf32, #tpu.memory_space<hbm>>
      tpu.wait_indirect_dma semaphore(%arg27 : memref<!tpu.dma_semaphore, #tpu.memory_space<semaphore_mem>>) src(%dma_wait3A_326 : memref<2048x384xf32, #tpu.memory_space<hbm>>) dst(%arg26 : memref<128x384xf32, #tpu.memory_space<vmem>>)
      %mul3A_327 = arith.constant 128 : i32
      %mul3A_328 = arith.muli %add3A_153, %mul3A_327 : i32
      "tpu.region"() ({
        %run_scoped3A = tpu.sem_alloc : memref<!tpu.dma_semaphore, #tpu.memory_space<semaphore_mem>>
        %dma_start3A_330 = arith.constant 0 : i32
        %dma_start3A_331 = tpu.memref_slice %arg7[%mul3A_328, %dma_start3A_330] : memref<65536x384xf32, #tpu.memory_space<hbm>> -> memref<128x384xf32, #tpu.memory_space<hbm>>
        %dma_start3A_332 = arith.constant 0 : i32
        %dma_start3A_333 = tpu.memref_slice %arg7[%mul3A_328, %dma_start3A_332] : memref<65536x384xf32, #tpu.memory_space<hbm>> -> memref<128x384xf32, #tpu.memory_space<hbm>>
        tpu.enqueue_dma source(%arg26 : memref<128x384xf32, #tpu.memory_space<vmem>>) target(%dma_start3A_333 : memref<128x384xf32, #tpu.memory_space<hbm>>) target_semaphore(%run_scoped3A : memref<!tpu.dma_semaphore, #tpu.memory_space<semaphore_mem>>)
        %dma_wait3A_334 = arith.constant 0 : i32
        %dma_wait3A_335 = tpu.memref_slice %arg7[%mul3A_328, %dma_wait3A_334] : memref<65536x384xf32, #tpu.memory_space<hbm>> -> memref<128x384xf32, #tpu.memory_space<hbm>>
        %dma_wait3A_336 = arith.constant 0 : i32
        %dma_wait3A_337 = tpu.memref_slice %arg7[%mul3A_328, %dma_wait3A_336] : memref<65536x384xf32, #tpu.memory_space<hbm>> -> memref<128x384xf32, #tpu.memory_space<hbm>>
        tpu.wait_dma2 semaphore(%run_scoped3A : memref<!tpu.dma_semaphore, #tpu.memory_space<semaphore_mem>>) src(%arg26 : memref<128x384xf32, #tpu.memory_space<vmem>>) dst(%dma_wait3A_337 : memref<128x384xf32, #tpu.memory_space<hbm>>)
        tpu.yield
      }) : () -> ()
      %scan3A_329 = arith.constant 0 : i32
      scf.yield %scan3A_329 : i32
    }
    %scan3A_133 = arith.constant 16 : i32
    return
  }
}

module attributes {stable_mosaic.version = 14 : i64} {
  func.func @_fps_body(%arg0: memref<12x4096xf32, #tpu.memory_space<vmem>>, %arg1: memref<4x512xi32, #tpu.memory_space<vmem>>, %arg2: memref<4x4096xf32, #tpu.memory_space<vmem>>) attributes {dimension_semantics = [], scalar_prefetch = 0 : i64, scratch_operands = 0 : i64, tpu.core_type = #tpu.core_type<tc>} {
    %get3A = arith.constant 0 : index
    %get3A_0 = arith.constant 0 : index
    %get3A_1 = vector.load %arg0[%get3A, %get3A_0] : memref<12x4096xf32, #tpu.memory_space<vmem>>, vector<4x4096xf32>
    %get3A_2 = arith.constant 4 : index
    %get3A_3 = arith.constant 0 : index
    %get3A_4 = vector.load %arg0[%get3A_2, %get3A_3] : memref<12x4096xf32, #tpu.memory_space<vmem>>, vector<4x4096xf32>
    %get3A_5 = arith.constant 8 : index
    %get3A_6 = arith.constant 0 : index
    %get3A_7 = vector.load %arg0[%get3A_5, %get3A_6] : memref<12x4096xf32, #tpu.memory_space<vmem>>, vector<4x4096xf32>
    %mul3A = arith.mulf %get3A_1, %get3A_1 : vector<4x4096xf32>
    %mul3A_8 = arith.mulf %get3A_4, %get3A_4 : vector<4x4096xf32>
    %add3A = arith.addf %mul3A, %mul3A_8 : vector<4x4096xf32>
    %mul3A_9 = arith.mulf %get3A_7, %get3A_7 : vector<4x4096xf32>
    %add3A_10 = arith.addf %add3A, %mul3A_9 : vector<4x4096xf32>
    %swap3A = arith.constant 0 : index
    %swap3A_11 = arith.constant 0 : index
    %swap3A_12 = vector.load %arg2[%swap3A, %swap3A_11] : memref<4x4096xf32, #tpu.memory_space<vmem>>, vector<4x4096xf32>
    tpu.vector_store %arg2[%swap3A, %swap3A_11], %add3A_10 {strides = array<i32>} : memref<4x4096xf32, #tpu.memory_space<vmem>>, vector<4x4096xf32>,
    %iota3A = tpu.iota {dimensions = array<i32: 1>} : vector<4x4096xi32>
    %iota3A_13 = tpu.iota {dimensions = array<i32: 1>} : vector<4x512xi32>
    %iota3A_14 = tpu.iota {dimensions = array<i32: 0>} : vector<4x512xi32>
    %broadcast_in_dim3A = arith.constant 1.000000e+10 : f32
    %broadcast_in_dim3A_15 = vector.broadcast %broadcast_in_dim3A : f32 to vector<4x4096xf32>
    %broadcast_in_dim3A_16 = arith.constant 0 : i32
    %broadcast_in_dim3A_17 = vector.broadcast %broadcast_in_dim3A_16 : i32 to vector<4x1xi32>
    %add3A_18 = arith.addi %iota3A_13, %iota3A_14 : vector<4x512xi32>
    %min3A = arith.constant 0 : i32
    %min3A_19 = vector.broadcast %min3A : i32 to vector<4x512xi32>
    %min3A_20 = arith.minsi %add3A_18, %min3A_19 : vector<4x512xi32>
    %scan3A = arith.constant 0 : i32
    %scan3A_21 = arith.constant 512 : i32
    %scan3A_22 = arith.addi %scan3A, %scan3A_21 : i32
    %scan3A_23 = arith.constant 1 : i32
    %scan3A_24:3 = scf.for %scan3A_29 = %scan3A to %scan3A_22 step %scan3A_23 iter_args(%scan3A_30 = %broadcast_in_dim3A_15, %scan3A_31 = %broadcast_in_dim3A_17, %scan3A_32 = %min3A_20) -> (vector<4x4096xf32>, vector<4x1xi32>, vector<4x512xi32>)  : i32 {
      %eq3A = vector.broadcast %scan3A_29 : i32 to vector<4x512xi32>
      %eq3A_33 = arith.cmpi eq, %iota3A_13, %eq3A : vector<4x512xi32>
      %broadcast_in_dim3A_34 = vector.shape_cast %scan3A_31 : vector<4x1xi32> to vector<4x1xi32>
      %broadcast_in_dim3A_35 = vector.broadcast %broadcast_in_dim3A_34 : vector<4x1xi32> to vector<4x512xi32>
      %select_n3A = arith.select %eq3A_33, %broadcast_in_dim3A_35, %scan3A_32 : vector<4x512xi1>, vector<4x512xi32>
      %eq3A_36 = vector.broadcast %scan3A_31 : vector<4x1xi32> to vector<4x4096xi32>
      %eq3A_37 = arith.cmpi eq, %iota3A, %eq3A_36 : vector<4x4096xi32>
      %jit3A = arith.constant 0.000000e+00 : f32
      %broadcast_in_dim3A_38 = vector.broadcast %jit3A : f32 to vector<4x4096xf32>
      %select_n3A_39 = arith.select %eq3A_37, %get3A_1, %broadcast_in_dim3A_38 : vector<4x4096xi1>, vector<4x4096xf32>
      %reduce_sum3A = arith.constant dense<0.000000e+00> : vector<4xf32>
      %reduce_sum3A_40 = vector.multi_reduction <add>, %select_n3A_39, %reduce_sum3A [1] : vector<4x4096xf32> to vector<4xf32>
      %broadcast_in_dim3A_41 = vector.shape_cast %reduce_sum3A_40 : vector<4xf32> to vector<4x1xf32>
      %jit3A_42 = arith.constant 0.000000e+00 : f32
      %broadcast_in_dim3A_43 = vector.broadcast %jit3A_42 : f32 to vector<4x4096xf32>
      %select_n3A_44 = arith.select %eq3A_37, %get3A_4, %broadcast_in_dim3A_43 : vector<4x4096xi1>, vector<4x4096xf32>
      %reduce_sum3A_45 = arith.constant dense<0.000000e+00> : vector<4xf32>
      %reduce_sum3A_46 = vector.multi_reduction <add>, %select_n3A_44, %reduce_sum3A_45 [1] : vector<4x4096xf32> to vector<4xf32>
      %broadcast_in_dim3A_47 = vector.shape_cast %reduce_sum3A_46 : vector<4xf32> to vector<4x1xf32>
      %jit3A_48 = arith.constant 0.000000e+00 : f32
      %broadcast_in_dim3A_49 = vector.broadcast %jit3A_48 : f32 to vector<4x4096xf32>
      %select_n3A_50 = arith.select %eq3A_37, %get3A_7, %broadcast_in_dim3A_49 : vector<4x4096xi1>, vector<4x4096xf32>
      %reduce_sum3A_51 = arith.constant dense<0.000000e+00> : vector<4xf32>
      %reduce_sum3A_52 = vector.multi_reduction <add>, %select_n3A_50, %reduce_sum3A_51 [1] : vector<4x4096xf32> to vector<4xf32>
      %broadcast_in_dim3A_53 = vector.shape_cast %reduce_sum3A_52 : vector<4xf32> to vector<4x1xf32>
      %sub3A = vector.broadcast %broadcast_in_dim3A_41 : vector<4x1xf32> to vector<4x4096xf32>
      %sub3A_54 = arith.subf %get3A_1, %sub3A : vector<4x4096xf32>
      %sub3A_55 = vector.broadcast %broadcast_in_dim3A_47 : vector<4x1xf32> to vector<4x4096xf32>
      %sub3A_56 = arith.subf %get3A_4, %sub3A_55 : vector<4x4096xf32>
      %sub3A_57 = vector.broadcast %broadcast_in_dim3A_53 : vector<4x1xf32> to vector<4x4096xf32>
      %sub3A_58 = arith.subf %get3A_7, %sub3A_57 : vector<4x4096xf32>
      %mul3A_59 = arith.mulf %sub3A_54, %sub3A_54 : vector<4x4096xf32>
      %mul3A_60 = arith.mulf %sub3A_56, %sub3A_56 : vector<4x4096xf32>
      %add3A_61 = arith.addf %mul3A_59, %mul3A_60 : vector<4x4096xf32>
      %mul3A_62 = arith.mulf %sub3A_58, %sub3A_58 : vector<4x4096xf32>
      %add3A_63 = arith.addf %add3A_61, %mul3A_62 : vector<4x4096xf32>
      %min3A_64 = arith.minimumf %scan3A_30, %add3A_63 : vector<4x4096xf32>
      %reduce_max3A = arith.constant dense<0xFF800000> : vector<4xf32>
      %reduce_max3A_65 = vector.multi_reduction <maximumf>, %min3A_64, %reduce_max3A [1] : vector<4x4096xf32> to vector<4xf32>
      %broadcast_in_dim3A_66 = vector.shape_cast %reduce_max3A_65 : vector<4xf32> to vector<4x1xf32>
      %eq3A_67 = vector.broadcast %broadcast_in_dim3A_66 : vector<4x1xf32> to vector<4x4096xf32>
      %eq3A_68 = arith.cmpf oeq, %min3A_64, %eq3A_67 : vector<4x4096xf32>
      %jit3A_69 = arith.constant 4096 : i32
      %broadcast_in_dim3A_70 = vector.broadcast %jit3A_69 : i32 to vector<4x4096xi32>
      %select_n3A_71 = arith.select %eq3A_68, %iota3A, %broadcast_in_dim3A_70 : vector<4x4096xi1>, vector<4x4096xi32>
      %reduce_min3A = arith.constant dense<2147483647> : vector<4xi32>
      %reduce_min3A_72 = vector.multi_reduction <minsi>, %select_n3A_71, %reduce_min3A [1] : vector<4x4096xi32> to vector<4xi32>
      %broadcast_in_dim3A_73 = vector.shape_cast %reduce_min3A_72 : vector<4xi32> to vector<4x1xi32>
      scf.yield %min3A_64, %broadcast_in_dim3A_73, %select_n3A : vector<4x4096xf32>, vector<4x1xi32>, vector<4x512xi32>
    }
    %scan3A_25 = arith.constant 512 : i32
    %swap3A_26 = arith.constant 0 : index
    %swap3A_27 = arith.constant 0 : index
    %swap3A_28 = vector.load %arg1[%swap3A_26, %swap3A_27] : memref<4x512xi32, #tpu.memory_space<vmem>>, vector<4x512xi32>
    tpu.vector_store %arg1[%swap3A_26, %swap3A_27], %scan3A_24#2 {strides = array<i32>} : memref<4x512xi32, #tpu.memory_space<vmem>>, vector<4x512xi32>,
    return
  }
}

module attributes {stable_mosaic.version = 14 : i64} {
  func.func @_fps_body(%arg0: memref<12x512xf32, #tpu.memory_space<vmem>>, %arg1: memref<4x128xi32, #tpu.memory_space<vmem>>, %arg2: memref<4x512xf32, #tpu.memory_space<vmem>>) attributes {dimension_semantics = [], scalar_prefetch = 0 : i64, scratch_operands = 0 : i64, tpu.core_type = #tpu.core_type<tc>} {
    %get3A = arith.constant 0 : index
    %get3A_0 = arith.constant 0 : index
    %get3A_1 = vector.load %arg0[%get3A, %get3A_0] : memref<12x512xf32, #tpu.memory_space<vmem>>, vector<4x512xf32>
    %get3A_2 = arith.constant 4 : index
    %get3A_3 = arith.constant 0 : index
    %get3A_4 = vector.load %arg0[%get3A_2, %get3A_3] : memref<12x512xf32, #tpu.memory_space<vmem>>, vector<4x512xf32>
    %get3A_5 = arith.constant 8 : index
    %get3A_6 = arith.constant 0 : index
    %get3A_7 = vector.load %arg0[%get3A_5, %get3A_6] : memref<12x512xf32, #tpu.memory_space<vmem>>, vector<4x512xf32>
    %mul3A = arith.mulf %get3A_1, %get3A_1 : vector<4x512xf32>
    %mul3A_8 = arith.mulf %get3A_4, %get3A_4 : vector<4x512xf32>
    %add3A = arith.addf %mul3A, %mul3A_8 : vector<4x512xf32>
    %mul3A_9 = arith.mulf %get3A_7, %get3A_7 : vector<4x512xf32>
    %add3A_10 = arith.addf %add3A, %mul3A_9 : vector<4x512xf32>
    %swap3A = arith.constant 0 : index
    %swap3A_11 = arith.constant 0 : index
    %swap3A_12 = vector.load %arg2[%swap3A, %swap3A_11] : memref<4x512xf32, #tpu.memory_space<vmem>>, vector<4x512xf32>
    tpu.vector_store %arg2[%swap3A, %swap3A_11], %add3A_10 {strides = array<i32>} : memref<4x512xf32, #tpu.memory_space<vmem>>, vector<4x512xf32>,
    %iota3A = tpu.iota {dimensions = array<i32: 1>} : vector<4x512xi32>
    %iota3A_13 = tpu.iota {dimensions = array<i32: 1>} : vector<4x128xi32>
    %iota3A_14 = tpu.iota {dimensions = array<i32: 0>} : vector<4x128xi32>
    %broadcast_in_dim3A = arith.constant 1.000000e+10 : f32
    %broadcast_in_dim3A_15 = vector.broadcast %broadcast_in_dim3A : f32 to vector<4x512xf32>
    %broadcast_in_dim3A_16 = arith.constant 0 : i32
    %broadcast_in_dim3A_17 = vector.broadcast %broadcast_in_dim3A_16 : i32 to vector<4x1xi32>
    %add3A_18 = arith.addi %iota3A_13, %iota3A_14 : vector<4x128xi32>
    %min3A = arith.constant 0 : i32
    %min3A_19 = vector.broadcast %min3A : i32 to vector<4x128xi32>
    %min3A_20 = arith.minsi %add3A_18, %min3A_19 : vector<4x128xi32>
    %scan3A = arith.constant 0 : i32
    %scan3A_21 = arith.constant 128 : i32
    %scan3A_22 = arith.addi %scan3A, %scan3A_21 : i32
    %scan3A_23 = arith.constant 1 : i32
    %scan3A_24:3 = scf.for %scan3A_29 = %scan3A to %scan3A_22 step %scan3A_23 iter_args(%scan3A_30 = %broadcast_in_dim3A_15, %scan3A_31 = %broadcast_in_dim3A_17, %scan3A_32 = %min3A_20) -> (vector<4x512xf32>, vector<4x1xi32>, vector<4x128xi32>)  : i32 {
      %eq3A = vector.broadcast %scan3A_29 : i32 to vector<4x128xi32>
      %eq3A_33 = arith.cmpi eq, %iota3A_13, %eq3A : vector<4x128xi32>
      %broadcast_in_dim3A_34 = vector.shape_cast %scan3A_31 : vector<4x1xi32> to vector<4x1xi32>
      %broadcast_in_dim3A_35 = vector.broadcast %broadcast_in_dim3A_34 : vector<4x1xi32> to vector<4x128xi32>
      %select_n3A = arith.select %eq3A_33, %broadcast_in_dim3A_35, %scan3A_32 : vector<4x128xi1>, vector<4x128xi32>
      %eq3A_36 = vector.broadcast %scan3A_31 : vector<4x1xi32> to vector<4x512xi32>
      %eq3A_37 = arith.cmpi eq, %iota3A, %eq3A_36 : vector<4x512xi32>
      %jit3A = arith.constant 0.000000e+00 : f32
      %broadcast_in_dim3A_38 = vector.broadcast %jit3A : f32 to vector<4x512xf32>
      %select_n3A_39 = arith.select %eq3A_37, %get3A_1, %broadcast_in_dim3A_38 : vector<4x512xi1>, vector<4x512xf32>
      %reduce_sum3A = arith.constant dense<0.000000e+00> : vector<4xf32>
      %reduce_sum3A_40 = vector.multi_reduction <add>, %select_n3A_39, %reduce_sum3A [1] : vector<4x512xf32> to vector<4xf32>
      %broadcast_in_dim3A_41 = vector.shape_cast %reduce_sum3A_40 : vector<4xf32> to vector<4x1xf32>
      %jit3A_42 = arith.constant 0.000000e+00 : f32
      %broadcast_in_dim3A_43 = vector.broadcast %jit3A_42 : f32 to vector<4x512xf32>
      %select_n3A_44 = arith.select %eq3A_37, %get3A_4, %broadcast_in_dim3A_43 : vector<4x512xi1>, vector<4x512xf32>
      %reduce_sum3A_45 = arith.constant dense<0.000000e+00> : vector<4xf32>
      %reduce_sum3A_46 = vector.multi_reduction <add>, %select_n3A_44, %reduce_sum3A_45 [1] : vector<4x512xf32> to vector<4xf32>
      %broadcast_in_dim3A_47 = vector.shape_cast %reduce_sum3A_46 : vector<4xf32> to vector<4x1xf32>
      %jit3A_48 = arith.constant 0.000000e+00 : f32
      %broadcast_in_dim3A_49 = vector.broadcast %jit3A_48 : f32 to vector<4x512xf32>
      %select_n3A_50 = arith.select %eq3A_37, %get3A_7, %broadcast_in_dim3A_49 : vector<4x512xi1>, vector<4x512xf32>
      %reduce_sum3A_51 = arith.constant dense<0.000000e+00> : vector<4xf32>
      %reduce_sum3A_52 = vector.multi_reduction <add>, %select_n3A_50, %reduce_sum3A_51 [1] : vector<4x512xf32> to vector<4xf32>
      %broadcast_in_dim3A_53 = vector.shape_cast %reduce_sum3A_52 : vector<4xf32> to vector<4x1xf32>
      %sub3A = vector.broadcast %broadcast_in_dim3A_41 : vector<4x1xf32> to vector<4x512xf32>
      %sub3A_54 = arith.subf %get3A_1, %sub3A : vector<4x512xf32>
      %sub3A_55 = vector.broadcast %broadcast_in_dim3A_47 : vector<4x1xf32> to vector<4x512xf32>
      %sub3A_56 = arith.subf %get3A_4, %sub3A_55 : vector<4x512xf32>
      %sub3A_57 = vector.broadcast %broadcast_in_dim3A_53 : vector<4x1xf32> to vector<4x512xf32>
      %sub3A_58 = arith.subf %get3A_7, %sub3A_57 : vector<4x512xf32>
      %mul3A_59 = arith.mulf %sub3A_54, %sub3A_54 : vector<4x512xf32>
      %mul3A_60 = arith.mulf %sub3A_56, %sub3A_56 : vector<4x512xf32>
      %add3A_61 = arith.addf %mul3A_59, %mul3A_60 : vector<4x512xf32>
      %mul3A_62 = arith.mulf %sub3A_58, %sub3A_58 : vector<4x512xf32>
      %add3A_63 = arith.addf %add3A_61, %mul3A_62 : vector<4x512xf32>
      %min3A_64 = arith.minimumf %scan3A_30, %add3A_63 : vector<4x512xf32>
      %reduce_max3A = arith.constant dense<0xFF800000> : vector<4xf32>
      %reduce_max3A_65 = vector.multi_reduction <maximumf>, %min3A_64, %reduce_max3A [1] : vector<4x512xf32> to vector<4xf32>
      %broadcast_in_dim3A_66 = vector.shape_cast %reduce_max3A_65 : vector<4xf32> to vector<4x1xf32>
      %eq3A_67 = vector.broadcast %broadcast_in_dim3A_66 : vector<4x1xf32> to vector<4x512xf32>
      %eq3A_68 = arith.cmpf oeq, %min3A_64, %eq3A_67 : vector<4x512xf32>
      %jit3A_69 = arith.constant 512 : i32
      %broadcast_in_dim3A_70 = vector.broadcast %jit3A_69 : i32 to vector<4x512xi32>
      %select_n3A_71 = arith.select %eq3A_68, %iota3A, %broadcast_in_dim3A_70 : vector<4x512xi1>, vector<4x512xi32>
      %reduce_min3A = arith.constant dense<2147483647> : vector<4xi32>
      %reduce_min3A_72 = vector.multi_reduction <minsi>, %select_n3A_71, %reduce_min3A [1] : vector<4x512xi32> to vector<4xi32>
      %broadcast_in_dim3A_73 = vector.shape_cast %reduce_min3A_72 : vector<4xi32> to vector<4x1xi32>
      scf.yield %min3A_64, %broadcast_in_dim3A_73, %select_n3A : vector<4x512xf32>, vector<4x1xi32>, vector<4x128xi32>
    }
    %scan3A_25 = arith.constant 128 : i32
    %swap3A_26 = arith.constant 0 : index
    %swap3A_27 = arith.constant 0 : index
    %swap3A_28 = vector.load %arg1[%swap3A_26, %swap3A_27] : memref<4x128xi32, #tpu.memory_space<vmem>>, vector<4x128xi32>
    tpu.vector_store %arg1[%swap3A_26, %swap3A_27], %scan3A_24#2 {strides = array<i32>} : memref<4x128xi32, #tpu.memory_space<vmem>>, vector<4x128xi32>,
    return
  }
}

module attributes {stable_mosaic.version = 14 : i64} {
  func.func @_sa_mlp_body(%arg0: i32, %arg1: memref<8192x3xf32, #tpu.memory_space<vmem>>, %arg2: memref<64x3xf32, #tpu.memory_space<vmem>>, %arg3: memref<6x64xf32, #tpu.memory_space<vmem>>, %arg4: memref<1x64xf32, #tpu.memory_space<vmem>>, %arg5: memref<1x64xf32, #tpu.memory_space<vmem>>, %arg6: memref<1x64xf32, #tpu.memory_space<vmem>>, %arg7: memref<64x96xf32, #tpu.memory_space<vmem>>, %arg8: memref<1x96xf32, #tpu.memory_space<vmem>>, %arg9: memref<1x96xf32, #tpu.memory_space<vmem>>, %arg10: memref<1x96xf32, #tpu.memory_space<vmem>>, %arg11: memref<96x128xf32, #tpu.memory_space<vmem>>, %arg12: memref<1x128xf32, #tpu.memory_space<vmem>>, %arg13: memref<1x128xf32, #tpu.memory_space<vmem>>, %arg14: memref<1x128xf32, #tpu.memory_space<vmem>>, %arg15: memref<64x128xf32, #tpu.memory_space<vmem>>) attributes {dimension_semantics = [#tpu.dimension_semantics<arbitrary>], iteration_bounds = array<i64: 32>, scalar_prefetch = 0 : i64, scratch_operands = 0 : i64, tpu.core_type = #tpu.core_type<tc>, window_params = [{transform_indices = @transform_0, window_bounds = array<i64: 8192, 3>}, {transform_indices = @transform_1, window_bounds = array<i64: 64, 3>}, {pipeline_mode = #tpu.pipeline_mode<synchronous>, transform_indices = @transform_2, window_bounds = array<i64: 6, 64>}, {pipeline_mode = #tpu.pipeline_mode<synchronous>, transform_indices = @transform_3, window_bounds = array<i64: 1, 64>}, {pipeline_mode = #tpu.pipeline_mode<synchronous>, transform_indices = @transform_4, window_bounds = array<i64: 1, 64>}, {pipeline_mode = #tpu.pipeline_mode<synchronous>, transform_indices = @transform_5, window_bounds = array<i64: 1, 64>}, {pipeline_mode = #tpu.pipeline_mode<synchronous>, transform_indices = @transform_6, window_bounds = array<i64: 64, 96>}, {pipeline_mode = #tpu.pipeline_mode<synchronous>, transform_indices = @transform_7, window_bounds = array<i64: 1, 96>}, {pipeline_mode = #tpu.pipeline_mode<synchronous>, transform_indices = @transform_8, window_bounds = array<i64: 1, 96>}, {pipeline_mode = #tpu.pipeline_mode<synchronous>, transform_indices = @transform_9, window_bounds = array<i64: 1, 96>}, {pipeline_mode = #tpu.pipeline_mode<synchronous>, transform_indices = @transform_10, window_bounds = array<i64: 96, 128>}, {pipeline_mode = #tpu.pipeline_mode<synchronous>, transform_indices = @transform_11, window_bounds = array<i64: 1, 128>}, {pipeline_mode = #tpu.pipeline_mode<synchronous>, transform_indices = @transform_12, window_bounds = array<i64: 1, 128>}, {pipeline_mode = #tpu.pipeline_mode<synchronous>, transform_indices = @transform_13, window_bounds = array<i64: 1, 128>}, {transform_indices = @transform_14, window_bounds = array<i64: 64, 128>}]} {
    %get3A = arith.constant 0 : index
    %get3A_0 = arith.constant 0 : index
    %get3A_1 = vector.load %arg1[%get3A, %get3A_0] : memref<8192x3xf32, #tpu.memory_space<vmem>>, vector<8192x3xf32>
    %get3A_2 = arith.constant 0 : index
    %get3A_3 = arith.constant 0 : index
    %get3A_4 = vector.load %arg2[%get3A_2, %get3A_3] : memref<64x3xf32, #tpu.memory_space<vmem>>, vector<64x3xf32>
    %broadcast_in_dim3A = vector.shape_cast %get3A_4 : vector<64x3xf32> to vector<64x1x3xf32>
    %broadcast_in_dim3A_5 = vector.shape_cast %broadcast_in_dim3A : vector<64x1x3xf32> to vector<64x1x3xf32>
    %broadcast_in_dim3A_6 = vector.broadcast %broadcast_in_dim3A_5 : vector<64x1x3xf32> to vector<64x128x3xf32>
    %reshape3A = vector.shape_cast %broadcast_in_dim3A_6 : vector<64x128x3xf32> to vector<8192x3xf32>
    %sub3A = arith.subf %get3A_1, %reshape3A : vector<8192x3xf32>
    %concatenate3A = tpu.concatenate %get3A_1, %sub3A in 1 : vector<8192x3xf32>, vector<8192x3xf32> -> vector<8192x6xf32>
    %get3A_7 = arith.constant 0 : index
    %get3A_8 = arith.constant 0 : index
    %get3A_9 = vector.load %arg3[%get3A_7, %get3A_8] : memref<6x64xf32, #tpu.memory_space<vmem>>, vector<6x64xf32>
    %get3A_10 = arith.constant 0 : index
    %get3A_11 = arith.constant 0 : index
    %get3A_12 = vector.load %arg4[%get3A_10, %get3A_11] : memref<1x64xf32, #tpu.memory_space<vmem>>, vector<1x64xf32>
    %get3A_13 = arith.constant 0 : index
    %get3A_14 = arith.constant 0 : index
    %get3A_15 = vector.load %arg5[%get3A_13, %get3A_14] : memref<1x64xf32, #tpu.memory_space<vmem>>, vector<1x64xf32>
    %get3A_16 = arith.constant 0 : index
    %get3A_17 = arith.constant 0 : index
    %get3A_18 = vector.load %arg6[%get3A_16, %get3A_17] : memref<1x64xf32, #tpu.memory_space<vmem>>, vector<1x64xf32>
    %dot_general3A = arith.constant dense<0.000000e+00> : vector<8192x64xf32>
    %dot_general3A_19 = tpu.matmul %concatenate3A, %get3A_9, %dot_general3A {dimension_numbers = #tpu.dot_dimension_numbers<[1], [0], [0], [1], [0, 0, 1, 1], [], []>, transpose_lhs_hint = false} : vector<8192x6xf32>, vector<6x64xf32>, vector<8192x64xf32> -> vector<8192x64xf32>
    %add3A = vector.broadcast %get3A_12 : vector<1x64xf32> to vector<8192x64xf32>
    %add3A_20 = arith.addf %dot_general3A_19, %add3A : vector<8192x64xf32>
    %mul3A = vector.broadcast %get3A_15 : vector<1x64xf32> to vector<8192x64xf32>
    %mul3A_21 = arith.mulf %add3A_20, %mul3A : vector<8192x64xf32>
    %div3A = arith.constant 1.00000501 : f32
    %div3A_22 = vector.broadcast %div3A : f32 to vector<8192x64xf32>
    %div3A_23 = arith.divf %mul3A_21, %div3A_22 : vector<8192x64xf32>
    %add3A_24 = vector.broadcast %get3A_18 : vector<1x64xf32> to vector<8192x64xf32>
    %add3A_25 = arith.addf %div3A_23, %add3A_24 : vector<8192x64xf32>
    %max3A = arith.constant 0.000000e+00 : f32
    %max3A_26 = vector.broadcast %max3A : f32 to vector<8192x64xf32>
    %max3A_27 = arith.maximumf %add3A_25, %max3A_26 : vector<8192x64xf32>
    %get3A_28 = arith.constant 0 : index
    %get3A_29 = arith.constant 0 : index
    %get3A_30 = vector.load %arg7[%get3A_28, %get3A_29] : memref<64x96xf32, #tpu.memory_space<vmem>>, vector<64x96xf32>
    %get3A_31 = arith.constant 0 : index
    %get3A_32 = arith.constant 0 : index
    %get3A_33 = vector.load %arg8[%get3A_31, %get3A_32] : memref<1x96xf32, #tpu.memory_space<vmem>>, vector<1x96xf32>
    %get3A_34 = arith.constant 0 : index
    %get3A_35 = arith.constant 0 : index
    %get3A_36 = vector.load %arg9[%get3A_34, %get3A_35] : memref<1x96xf32, #tpu.memory_space<vmem>>, vector<1x96xf32>
    %get3A_37 = arith.constant 0 : index
    %get3A_38 = arith.constant 0 : index
    %get3A_39 = vector.load %arg10[%get3A_37, %get3A_38] : memref<1x96xf32, #tpu.memory_space<vmem>>, vector<1x96xf32>
    %dot_general3A_40 = arith.constant dense<0.000000e+00> : vector<8192x96xf32>
    %dot_general3A_41 = tpu.matmul %max3A_27, %get3A_30, %dot_general3A_40 {dimension_numbers = #tpu.dot_dimension_numbers<[1], [0], [0], [1], [0, 0, 1, 1], [], []>, transpose_lhs_hint = false} : vector<8192x64xf32>, vector<64x96xf32>, vector<8192x96xf32> -> vector<8192x96xf32>
    %add3A_42 = vector.broadcast %get3A_33 : vector<1x96xf32> to vector<8192x96xf32>
    %add3A_43 = arith.addf %dot_general3A_41, %add3A_42 : vector<8192x96xf32>
    %mul3A_44 = vector.broadcast %get3A_36 : vector<1x96xf32> to vector<8192x96xf32>
    %mul3A_45 = arith.mulf %add3A_43, %mul3A_44 : vector<8192x96xf32>
    %div3A_46 = arith.constant 1.00000501 : f32
    %div3A_47 = vector.broadcast %div3A_46 : f32 to vector<8192x96xf32>
    %div3A_48 = arith.divf %mul3A_45, %div3A_47 : vector<8192x96xf32>
    %add3A_49 = vector.broadcast %get3A_39 : vector<1x96xf32> to vector<8192x96xf32>
    %add3A_50 = arith.addf %div3A_48, %add3A_49 : vector<8192x96xf32>
    %max3A_51 = arith.constant 0.000000e+00 : f32
    %max3A_52 = vector.broadcast %max3A_51 : f32 to vector<8192x96xf32>
    %max3A_53 = arith.maximumf %add3A_50, %max3A_52 : vector<8192x96xf32>
    %get3A_54 = arith.constant 0 : index
    %get3A_55 = arith.constant 0 : index
    %get3A_56 = vector.load %arg11[%get3A_54, %get3A_55] : memref<96x128xf32, #tpu.memory_space<vmem>>, vector<96x128xf32>
    %get3A_57 = arith.constant 0 : index
    %get3A_58 = arith.constant 0 : index
    %get3A_59 = vector.load %arg12[%get3A_57, %get3A_58] : memref<1x128xf32, #tpu.memory_space<vmem>>, vector<1x128xf32>
    %get3A_60 = arith.constant 0 : index
    %get3A_61 = arith.constant 0 : index
    %get3A_62 = vector.load %arg13[%get3A_60, %get3A_61] : memref<1x128xf32, #tpu.memory_space<vmem>>, vector<1x128xf32>
    %get3A_63 = arith.constant 0 : index
    %get3A_64 = arith.constant 0 : index
    %get3A_65 = vector.load %arg14[%get3A_63, %get3A_64] : memref<1x128xf32, #tpu.memory_space<vmem>>, vector<1x128xf32>
    %dot_general3A_66 = arith.constant dense<0.000000e+00> : vector<8192x128xf32>
    %dot_general3A_67 = tpu.matmul %max3A_53, %get3A_56, %dot_general3A_66 {dimension_numbers = #tpu.dot_dimension_numbers<[1], [0], [0], [1], [0, 0, 1, 1], [], []>, transpose_lhs_hint = false} : vector<8192x96xf32>, vector<96x128xf32>, vector<8192x128xf32> -> vector<8192x128xf32>
    %add3A_68 = vector.broadcast %get3A_59 : vector<1x128xf32> to vector<8192x128xf32>
    %add3A_69 = arith.addf %dot_general3A_67, %add3A_68 : vector<8192x128xf32>
    %mul3A_70 = vector.broadcast %get3A_62 : vector<1x128xf32> to vector<8192x128xf32>
    %mul3A_71 = arith.mulf %add3A_69, %mul3A_70 : vector<8192x128xf32>
    %div3A_72 = arith.constant 1.00000501 : f32
    %div3A_73 = vector.broadcast %div3A_72 : f32 to vector<8192x128xf32>
    %div3A_74 = arith.divf %mul3A_71, %div3A_73 : vector<8192x128xf32>
    %add3A_75 = vector.broadcast %get3A_65 : vector<1x128xf32> to vector<8192x128xf32>
    %add3A_76 = arith.addf %div3A_74, %add3A_75 : vector<8192x128xf32>
    %max3A_77 = arith.constant 0.000000e+00 : f32
    %max3A_78 = vector.broadcast %max3A_77 : f32 to vector<8192x128xf32>
    %max3A_79 = arith.maximumf %add3A_76, %max3A_78 : vector<8192x128xf32>
    %reshape3A_80 = vector.shape_cast %max3A_79 : vector<8192x128xf32> to vector<64x128x128xf32>
    %reduce_max3A = arith.constant dense<0xFF800000> : vector<64x128xf32>
    %reduce_max3A_81 = vector.multi_reduction <maximumf>, %reshape3A_80, %reduce_max3A [1] : vector<64x128x128xf32> to vector<64x128xf32>
    %swap3A = arith.constant 0 : index
    %swap3A_82 = arith.constant 0 : index
    %swap3A_83 = vector.load %arg15[%swap3A, %swap3A_82] : memref<64x128xf32, #tpu.memory_space<vmem>>, vector<64x128xf32>
    tpu.vector_store %arg15[%swap3A, %swap3A_82], %reduce_max3A_81 {strides = array<i32>} : memref<64x128xf32, #tpu.memory_space<vmem>>, vector<64x128xf32>,
    return
  }
  func.func @transform_0(%arg0: i32) -> (i32, i32) {
    %c0_i32 = arith.constant 0 : i32
    %c0_i32_0 = arith.constant 0 : i32
    return %arg0, %c0_i32 : i32, i32
  }
  func.func @transform_1(%arg0: i32) -> (i32, i32) {
    %c0_i32 = arith.constant 0 : i32
    %c0_i32_0 = arith.constant 0 : i32
    return %arg0, %c0_i32 : i32, i32
  }
  func.func @transform_2(%arg0: i32) -> (i32, i32) {
    %c0_i32 = arith.constant 0 : i32
    %c0_i32_0 = arith.constant 0 : i32
    %c0_i32_1 = arith.constant 0 : i32
    return %c0_i32, %c0_i32_0 : i32, i32
  }
  func.func @transform_3(%arg0: i32) -> (i32, i32) {
    %c0_i32 = arith.constant 0 : i32
    %c0_i32_0 = arith.constant 0 : i32
    %c0_i32_1 = arith.constant 0 : i32
    return %c0_i32, %c0_i32_0 : i32, i32
  }
  func.func @transform_4(%arg0: i32) -> (i32, i32) {
    %c0_i32 = arith.constant 0 : i32
    %c0_i32_0 = arith.constant 0 : i32
    %c0_i32_1 = arith.constant 0 : i32
    return %c0_i32, %c0_i32_0 : i32, i32
  }
  func.func @transform_5(%arg0: i32) -> (i32, i32) {
    %c0_i32 = arith.constant 0 : i32
    %c0_i32_0 = arith.constant 0 : i32
    %c0_i32_1 = arith.constant 0 : i32
    return %c0_i32, %c0_i32_0 : i32, i32
  }
  func.func @transform_6(%arg0: i32) -> (i32, i32) {
    %c0_i32 = arith.constant 0 : i32
    %c0_i32_0 = arith.constant 0 : i32
    %c0_i32_1 = arith.constant 0 : i32
    return %c0_i32, %c0_i32_0 : i32, i32
  }
  func.func @transform_7(%arg0: i32) -> (i32, i32) {
    %c0_i32 = arith.constant 0 : i32
    %c0_i32_0 = arith.constant 0 : i32
    %c0_i32_1 = arith.constant 0 : i32
    return %c0_i32, %c0_i32_0 : i32, i32
  }
  func.func @transform_8(%arg0: i32) -> (i32, i32) {
    %c0_i32 = arith.constant 0 : i32
    %c0_i32_0 = arith.constant 0 : i32
    %c0_i32_1 = arith.constant 0 : i32
    return %c0_i32, %c0_i32_0 : i32, i32
  }
  func.func @transform_9(%arg0: i32) -> (i32, i32) {
    %c0_i32 = arith.constant 0 : i32
    %c0_i32_0 = arith.constant 0 : i32
    %c0_i32_1 = arith.constant 0 : i32
    return %c0_i32, %c0_i32_0 : i32, i32
  }
  func.func @transform_10(%arg0: i32) -> (i32, i32) {
    %c0_i32 = arith.constant 0 : i32
    %c0_i32_0 = arith.constant 0 : i32
    %c0_i32_1 = arith.constant 0 : i32
    return %c0_i32, %c0_i32_0 : i32, i32
  }
  func.func @transform_11(%arg0: i32) -> (i32, i32) {
    %c0_i32 = arith.constant 0 : i32
    %c0_i32_0 = arith.constant 0 : i32
    %c0_i32_1 = arith.constant 0 : i32
    return %c0_i32, %c0_i32_0 : i32, i32
  }
  func.func @transform_12(%arg0: i32) -> (i32, i32) {
    %c0_i32 = arith.constant 0 : i32
    %c0_i32_0 = arith.constant 0 : i32
    %c0_i32_1 = arith.constant 0 : i32
    return %c0_i32, %c0_i32_0 : i32, i32
  }
  func.func @transform_13(%arg0: i32) -> (i32, i32) {
    %c0_i32 = arith.constant 0 : i32
    %c0_i32_0 = arith.constant 0 : i32
    %c0_i32_1 = arith.constant 0 : i32
    return %c0_i32, %c0_i32_0 : i32, i32
  }
  func.func @transform_14(%arg0: i32) -> (i32, i32) {
    %c0_i32 = arith.constant 0 : i32
    %c0_i32_0 = arith.constant 0 : i32
    return %arg0, %c0_i32 : i32, i32
  }
}

module attributes {stable_mosaic.version = 14 : i64} {
  func.func @_sa_mlp_body(%arg0: i32, %arg1: memref<4096x3xf32, #tpu.memory_space<vmem>>, %arg2: memref<64x3xf32, #tpu.memory_space<vmem>>, %arg3: memref<6x64xf32, #tpu.memory_space<vmem>>, %arg4: memref<1x64xf32, #tpu.memory_space<vmem>>, %arg5: memref<1x64xf32, #tpu.memory_space<vmem>>, %arg6: memref<1x64xf32, #tpu.memory_space<vmem>>, %arg7: memref<64x64xf32, #tpu.memory_space<vmem>>, %arg8: memref<1x64xf32, #tpu.memory_space<vmem>>, %arg9: memref<1x64xf32, #tpu.memory_space<vmem>>, %arg10: memref<1x64xf32, #tpu.memory_space<vmem>>, %arg11: memref<64x128xf32, #tpu.memory_space<vmem>>, %arg12: memref<1x128xf32, #tpu.memory_space<vmem>>, %arg13: memref<1x128xf32, #tpu.memory_space<vmem>>, %arg14: memref<1x128xf32, #tpu.memory_space<vmem>>, %arg15: memref<64x128xf32, #tpu.memory_space<vmem>>) attributes {dimension_semantics = [#tpu.dimension_semantics<arbitrary>], iteration_bounds = array<i64: 32>, scalar_prefetch = 0 : i64, scratch_operands = 0 : i64, tpu.core_type = #tpu.core_type<tc>, window_params = [{transform_indices = @transform_0, window_bounds = array<i64: 4096, 3>}, {transform_indices = @transform_1, window_bounds = array<i64: 64, 3>}, {pipeline_mode = #tpu.pipeline_mode<synchronous>, transform_indices = @transform_2, window_bounds = array<i64: 6, 64>}, {pipeline_mode = #tpu.pipeline_mode<synchronous>, transform_indices = @transform_3, window_bounds = array<i64: 1, 64>}, {pipeline_mode = #tpu.pipeline_mode<synchronous>, transform_indices = @transform_4, window_bounds = array<i64: 1, 64>}, {pipeline_mode = #tpu.pipeline_mode<synchronous>, transform_indices = @transform_5, window_bounds = array<i64: 1, 64>}, {pipeline_mode = #tpu.pipeline_mode<synchronous>, transform_indices = @transform_6, window_bounds = array<i64: 64, 64>}, {pipeline_mode = #tpu.pipeline_mode<synchronous>, transform_indices = @transform_7, window_bounds = array<i64: 1, 64>}, {pipeline_mode = #tpu.pipeline_mode<synchronous>, transform_indices = @transform_8, window_bounds = array<i64: 1, 64>}, {pipeline_mode = #tpu.pipeline_mode<synchronous>, transform_indices = @transform_9, window_bounds = array<i64: 1, 64>}, {pipeline_mode = #tpu.pipeline_mode<synchronous>, transform_indices = @transform_10, window_bounds = array<i64: 64, 128>}, {pipeline_mode = #tpu.pipeline_mode<synchronous>, transform_indices = @transform_11, window_bounds = array<i64: 1, 128>}, {pipeline_mode = #tpu.pipeline_mode<synchronous>, transform_indices = @transform_12, window_bounds = array<i64: 1, 128>}, {pipeline_mode = #tpu.pipeline_mode<synchronous>, transform_indices = @transform_13, window_bounds = array<i64: 1, 128>}, {transform_indices = @transform_14, window_bounds = array<i64: 64, 128>}]} {
    %get3A = arith.constant 0 : index
    %get3A_0 = arith.constant 0 : index
    %get3A_1 = vector.load %arg1[%get3A, %get3A_0] : memref<4096x3xf32, #tpu.memory_space<vmem>>, vector<4096x3xf32>
    %get3A_2 = arith.constant 0 : index
    %get3A_3 = arith.constant 0 : index
    %get3A_4 = vector.load %arg2[%get3A_2, %get3A_3] : memref<64x3xf32, #tpu.memory_space<vmem>>, vector<64x3xf32>
    %broadcast_in_dim3A = vector.shape_cast %get3A_4 : vector<64x3xf32> to vector<64x1x3xf32>
    %broadcast_in_dim3A_5 = vector.shape_cast %broadcast_in_dim3A : vector<64x1x3xf32> to vector<64x1x3xf32>
    %broadcast_in_dim3A_6 = vector.broadcast %broadcast_in_dim3A_5 : vector<64x1x3xf32> to vector<64x64x3xf32>
    %reshape3A = vector.shape_cast %broadcast_in_dim3A_6 : vector<64x64x3xf32> to vector<4096x3xf32>
    %sub3A = arith.subf %get3A_1, %reshape3A : vector<4096x3xf32>
    %concatenate3A = tpu.concatenate %get3A_1, %sub3A in 1 : vector<4096x3xf32>, vector<4096x3xf32> -> vector<4096x6xf32>
    %get3A_7 = arith.constant 0 : index
    %get3A_8 = arith.constant 0 : index
    %get3A_9 = vector.load %arg3[%get3A_7, %get3A_8] : memref<6x64xf32, #tpu.memory_space<vmem>>, vector<6x64xf32>
    %get3A_10 = arith.constant 0 : index
    %get3A_11 = arith.constant 0 : index
    %get3A_12 = vector.load %arg4[%get3A_10, %get3A_11] : memref<1x64xf32, #tpu.memory_space<vmem>>, vector<1x64xf32>
    %get3A_13 = arith.constant 0 : index
    %get3A_14 = arith.constant 0 : index
    %get3A_15 = vector.load %arg5[%get3A_13, %get3A_14] : memref<1x64xf32, #tpu.memory_space<vmem>>, vector<1x64xf32>
    %get3A_16 = arith.constant 0 : index
    %get3A_17 = arith.constant 0 : index
    %get3A_18 = vector.load %arg6[%get3A_16, %get3A_17] : memref<1x64xf32, #tpu.memory_space<vmem>>, vector<1x64xf32>
    %dot_general3A = arith.constant dense<0.000000e+00> : vector<4096x64xf32>
    %dot_general3A_19 = tpu.matmul %concatenate3A, %get3A_9, %dot_general3A {dimension_numbers = #tpu.dot_dimension_numbers<[1], [0], [0], [1], [0, 0, 1, 1], [], []>, transpose_lhs_hint = false} : vector<4096x6xf32>, vector<6x64xf32>, vector<4096x64xf32> -> vector<4096x64xf32>
    %add3A = vector.broadcast %get3A_12 : vector<1x64xf32> to vector<4096x64xf32>
    %add3A_20 = arith.addf %dot_general3A_19, %add3A : vector<4096x64xf32>
    %mul3A = vector.broadcast %get3A_15 : vector<1x64xf32> to vector<4096x64xf32>
    %mul3A_21 = arith.mulf %add3A_20, %mul3A : vector<4096x64xf32>
    %div3A = arith.constant 1.00000501 : f32
    %div3A_22 = vector.broadcast %div3A : f32 to vector<4096x64xf32>
    %div3A_23 = arith.divf %mul3A_21, %div3A_22 : vector<4096x64xf32>
    %add3A_24 = vector.broadcast %get3A_18 : vector<1x64xf32> to vector<4096x64xf32>
    %add3A_25 = arith.addf %div3A_23, %add3A_24 : vector<4096x64xf32>
    %max3A = arith.constant 0.000000e+00 : f32
    %max3A_26 = vector.broadcast %max3A : f32 to vector<4096x64xf32>
    %max3A_27 = arith.maximumf %add3A_25, %max3A_26 : vector<4096x64xf32>
    %get3A_28 = arith.constant 0 : index
    %get3A_29 = arith.constant 0 : index
    %get3A_30 = vector.load %arg7[%get3A_28, %get3A_29] : memref<64x64xf32, #tpu.memory_space<vmem>>, vector<64x64xf32>
    %get3A_31 = arith.constant 0 : index
    %get3A_32 = arith.constant 0 : index
    %get3A_33 = vector.load %arg8[%get3A_31, %get3A_32] : memref<1x64xf32, #tpu.memory_space<vmem>>, vector<1x64xf32>
    %get3A_34 = arith.constant 0 : index
    %get3A_35 = arith.constant 0 : index
    %get3A_36 = vector.load %arg9[%get3A_34, %get3A_35] : memref<1x64xf32, #tpu.memory_space<vmem>>, vector<1x64xf32>
    %get3A_37 = arith.constant 0 : index
    %get3A_38 = arith.constant 0 : index
    %get3A_39 = vector.load %arg10[%get3A_37, %get3A_38] : memref<1x64xf32, #tpu.memory_space<vmem>>, vector<1x64xf32>
    %dot_general3A_40 = arith.constant dense<0.000000e+00> : vector<4096x64xf32>
    %dot_general3A_41 = tpu.matmul %max3A_27, %get3A_30, %dot_general3A_40 {dimension_numbers = #tpu.dot_dimension_numbers<[1], [0], [0], [1], [0, 0, 1, 1], [], []>, transpose_lhs_hint = false} : vector<4096x64xf32>, vector<64x64xf32>, vector<4096x64xf32> -> vector<4096x64xf32>
    %add3A_42 = vector.broadcast %get3A_33 : vector<1x64xf32> to vector<4096x64xf32>
    %add3A_43 = arith.addf %dot_general3A_41, %add3A_42 : vector<4096x64xf32>
    %mul3A_44 = vector.broadcast %get3A_36 : vector<1x64xf32> to vector<4096x64xf32>
    %mul3A_45 = arith.mulf %add3A_43, %mul3A_44 : vector<4096x64xf32>
    %div3A_46 = arith.constant 1.00000501 : f32
    %div3A_47 = vector.broadcast %div3A_46 : f32 to vector<4096x64xf32>
    %div3A_48 = arith.divf %mul3A_45, %div3A_47 : vector<4096x64xf32>
    %add3A_49 = vector.broadcast %get3A_39 : vector<1x64xf32> to vector<4096x64xf32>
    %add3A_50 = arith.addf %div3A_48, %add3A_49 : vector<4096x64xf32>
    %max3A_51 = arith.constant 0.000000e+00 : f32
    %max3A_52 = vector.broadcast %max3A_51 : f32 to vector<4096x64xf32>
    %max3A_53 = arith.maximumf %add3A_50, %max3A_52 : vector<4096x64xf32>
    %get3A_54 = arith.constant 0 : index
    %get3A_55 = arith.constant 0 : index
    %get3A_56 = vector.load %arg11[%get3A_54, %get3A_55] : memref<64x128xf32, #tpu.memory_space<vmem>>, vector<64x128xf32>
    %get3A_57 = arith.constant 0 : index
    %get3A_58 = arith.constant 0 : index
    %get3A_59 = vector.load %arg12[%get3A_57, %get3A_58] : memref<1x128xf32, #tpu.memory_space<vmem>>, vector<1x128xf32>
    %get3A_60 = arith.constant 0 : index
    %get3A_61 = arith.constant 0 : index
    %get3A_62 = vector.load %arg13[%get3A_60, %get3A_61] : memref<1x128xf32, #tpu.memory_space<vmem>>, vector<1x128xf32>
    %get3A_63 = arith.constant 0 : index
    %get3A_64 = arith.constant 0 : index
    %get3A_65 = vector.load %arg14[%get3A_63, %get3A_64] : memref<1x128xf32, #tpu.memory_space<vmem>>, vector<1x128xf32>
    %dot_general3A_66 = arith.constant dense<0.000000e+00> : vector<4096x128xf32>
    %dot_general3A_67 = tpu.matmul %max3A_53, %get3A_56, %dot_general3A_66 {dimension_numbers = #tpu.dot_dimension_numbers<[1], [0], [0], [1], [0, 0, 1, 1], [], []>, transpose_lhs_hint = false} : vector<4096x64xf32>, vector<64x128xf32>, vector<4096x128xf32> -> vector<4096x128xf32>
    %add3A_68 = vector.broadcast %get3A_59 : vector<1x128xf32> to vector<4096x128xf32>
    %add3A_69 = arith.addf %dot_general3A_67, %add3A_68 : vector<4096x128xf32>
    %mul3A_70 = vector.broadcast %get3A_62 : vector<1x128xf32> to vector<4096x128xf32>
    %mul3A_71 = arith.mulf %add3A_69, %mul3A_70 : vector<4096x128xf32>
    %div3A_72 = arith.constant 1.00000501 : f32
    %div3A_73 = vector.broadcast %div3A_72 : f32 to vector<4096x128xf32>
    %div3A_74 = arith.divf %mul3A_71, %div3A_73 : vector<4096x128xf32>
    %add3A_75 = vector.broadcast %get3A_65 : vector<1x128xf32> to vector<4096x128xf32>
    %add3A_76 = arith.addf %div3A_74, %add3A_75 : vector<4096x128xf32>
    %max3A_77 = arith.constant 0.000000e+00 : f32
    %max3A_78 = vector.broadcast %max3A_77 : f32 to vector<4096x128xf32>
    %max3A_79 = arith.maximumf %add3A_76, %max3A_78 : vector<4096x128xf32>
    %reshape3A_80 = vector.shape_cast %max3A_79 : vector<4096x128xf32> to vector<64x64x128xf32>
    %reduce_max3A = arith.constant dense<0xFF800000> : vector<64x128xf32>
    %reduce_max3A_81 = vector.multi_reduction <maximumf>, %reshape3A_80, %reduce_max3A [1] : vector<64x64x128xf32> to vector<64x128xf32>
    %swap3A = arith.constant 0 : index
    %swap3A_82 = arith.constant 0 : index
    %swap3A_83 = vector.load %arg15[%swap3A, %swap3A_82] : memref<64x128xf32, #tpu.memory_space<vmem>>, vector<64x128xf32>
    tpu.vector_store %arg15[%swap3A, %swap3A_82], %reduce_max3A_81 {strides = array<i32>} : memref<64x128xf32, #tpu.memory_space<vmem>>, vector<64x128xf32>,
    return
  }
  func.func @transform_0(%arg0: i32) -> (i32, i32) {
    %c0_i32 = arith.constant 0 : i32
    %c0_i32_0 = arith.constant 0 : i32
    return %arg0, %c0_i32 : i32, i32
  }
  func.func @transform_1(%arg0: i32) -> (i32, i32) {
    %c0_i32 = arith.constant 0 : i32
    %c0_i32_0 = arith.constant 0 : i32
    return %arg0, %c0_i32 : i32, i32
  }
  func.func @transform_2(%arg0: i32) -> (i32, i32) {
    %c0_i32 = arith.constant 0 : i32
    %c0_i32_0 = arith.constant 0 : i32
    %c0_i32_1 = arith.constant 0 : i32
    return %c0_i32, %c0_i32_0 : i32, i32
  }
  func.func @transform_3(%arg0: i32) -> (i32, i32) {
    %c0_i32 = arith.constant 0 : i32
    %c0_i32_0 = arith.constant 0 : i32
    %c0_i32_1 = arith.constant 0 : i32
    return %c0_i32, %c0_i32_0 : i32, i32
  }
  func.func @transform_4(%arg0: i32) -> (i32, i32) {
    %c0_i32 = arith.constant 0 : i32
    %c0_i32_0 = arith.constant 0 : i32
    %c0_i32_1 = arith.constant 0 : i32
    return %c0_i32, %c0_i32_0 : i32, i32
  }
  func.func @transform_5(%arg0: i32) -> (i32, i32) {
    %c0_i32 = arith.constant 0 : i32
    %c0_i32_0 = arith.constant 0 : i32
    %c0_i32_1 = arith.constant 0 : i32
    return %c0_i32, %c0_i32_0 : i32, i32
  }
  func.func @transform_6(%arg0: i32) -> (i32, i32) {
    %c0_i32 = arith.constant 0 : i32
    %c0_i32_0 = arith.constant 0 : i32
    %c0_i32_1 = arith.constant 0 : i32
    return %c0_i32, %c0_i32_0 : i32, i32
  }
  func.func @transform_7(%arg0: i32) -> (i32, i32) {
    %c0_i32 = arith.constant 0 : i32
    %c0_i32_0 = arith.constant 0 : i32
    %c0_i32_1 = arith.constant 0 : i32
    return %c0_i32, %c0_i32_0 : i32, i32
  }
  func.func @transform_8(%arg0: i32) -> (i32, i32) {
    %c0_i32 = arith.constant 0 : i32
    %c0_i32_0 = arith.constant 0 : i32
    %c0_i32_1 = arith.constant 0 : i32
    return %c0_i32, %c0_i32_0 : i32, i32
  }
  func.func @transform_9(%arg0: i32) -> (i32, i32) {
    %c0_i32 = arith.constant 0 : i32
    %c0_i32_0 = arith.constant 0 : i32
    %c0_i32_1 = arith.constant 0 : i32
    return %c0_i32, %c0_i32_0 : i32, i32
  }
  func.func @transform_10(%arg0: i32) -> (i32, i32) {
    %c0_i32 = arith.constant 0 : i32
    %c0_i32_0 = arith.constant 0 : i32
    %c0_i32_1 = arith.constant 0 : i32
    return %c0_i32, %c0_i32_0 : i32, i32
  }
  func.func @transform_11(%arg0: i32) -> (i32, i32) {
    %c0_i32 = arith.constant 0 : i32
    %c0_i32_0 = arith.constant 0 : i32
    %c0_i32_1 = arith.constant 0 : i32
    return %c0_i32, %c0_i32_0 : i32, i32
  }
  func.func @transform_12(%arg0: i32) -> (i32, i32) {
    %c0_i32 = arith.constant 0 : i32
    %c0_i32_0 = arith.constant 0 : i32
    %c0_i32_1 = arith.constant 0 : i32
    return %c0_i32, %c0_i32_0 : i32, i32
  }
  func.func @transform_13(%arg0: i32) -> (i32, i32) {
    %c0_i32 = arith.constant 0 : i32
    %c0_i32_0 = arith.constant 0 : i32
    %c0_i32_1 = arith.constant 0 : i32
    return %c0_i32, %c0_i32_0 : i32, i32
  }
  func.func @transform_14(%arg0: i32) -> (i32, i32) {
    %c0_i32 = arith.constant 0 : i32
    %c0_i32_0 = arith.constant 0 : i32
    return %arg0, %c0_i32 : i32, i32
  }
}

module attributes {stable_mosaic.version = 14 : i64} {
  func.func @_sa_mlp_body(%arg0: i32, %arg1: memref<2048x3xf32, #tpu.memory_space<vmem>>, %arg2: memref<64x3xf32, #tpu.memory_space<vmem>>, %arg3: memref<6x32xf32, #tpu.memory_space<vmem>>, %arg4: memref<1x32xf32, #tpu.memory_space<vmem>>, %arg5: memref<1x32xf32, #tpu.memory_space<vmem>>, %arg6: memref<1x32xf32, #tpu.memory_space<vmem>>, %arg7: memref<32x32xf32, #tpu.memory_space<vmem>>, %arg8: memref<1x32xf32, #tpu.memory_space<vmem>>, %arg9: memref<1x32xf32, #tpu.memory_space<vmem>>, %arg10: memref<1x32xf32, #tpu.memory_space<vmem>>, %arg11: memref<32x64xf32, #tpu.memory_space<vmem>>, %arg12: memref<1x64xf32, #tpu.memory_space<vmem>>, %arg13: memref<1x64xf32, #tpu.memory_space<vmem>>, %arg14: memref<1x64xf32, #tpu.memory_space<vmem>>, %arg15: memref<64x64xf32, #tpu.memory_space<vmem>>) attributes {dimension_semantics = [#tpu.dimension_semantics<arbitrary>], iteration_bounds = array<i64: 32>, scalar_prefetch = 0 : i64, scratch_operands = 0 : i64, tpu.core_type = #tpu.core_type<tc>, window_params = [{transform_indices = @transform_0, window_bounds = array<i64: 2048, 3>}, {transform_indices = @transform_1, window_bounds = array<i64: 64, 3>}, {pipeline_mode = #tpu.pipeline_mode<synchronous>, transform_indices = @transform_2, window_bounds = array<i64: 6, 32>}, {pipeline_mode = #tpu.pipeline_mode<synchronous>, transform_indices = @transform_3, window_bounds = array<i64: 1, 32>}, {pipeline_mode = #tpu.pipeline_mode<synchronous>, transform_indices = @transform_4, window_bounds = array<i64: 1, 32>}, {pipeline_mode = #tpu.pipeline_mode<synchronous>, transform_indices = @transform_5, window_bounds = array<i64: 1, 32>}, {pipeline_mode = #tpu.pipeline_mode<synchronous>, transform_indices = @transform_6, window_bounds = array<i64: 32, 32>}, {pipeline_mode = #tpu.pipeline_mode<synchronous>, transform_indices = @transform_7, window_bounds = array<i64: 1, 32>}, {pipeline_mode = #tpu.pipeline_mode<synchronous>, transform_indices = @transform_8, window_bounds = array<i64: 1, 32>}, {pipeline_mode = #tpu.pipeline_mode<synchronous>, transform_indices = @transform_9, window_bounds = array<i64: 1, 32>}, {pipeline_mode = #tpu.pipeline_mode<synchronous>, transform_indices = @transform_10, window_bounds = array<i64: 32, 64>}, {pipeline_mode = #tpu.pipeline_mode<synchronous>, transform_indices = @transform_11, window_bounds = array<i64: 1, 64>}, {pipeline_mode = #tpu.pipeline_mode<synchronous>, transform_indices = @transform_12, window_bounds = array<i64: 1, 64>}, {pipeline_mode = #tpu.pipeline_mode<synchronous>, transform_indices = @transform_13, window_bounds = array<i64: 1, 64>}, {transform_indices = @transform_14, window_bounds = array<i64: 64, 64>}]} {
    %get3A = arith.constant 0 : index
    %get3A_0 = arith.constant 0 : index
    %get3A_1 = vector.load %arg1[%get3A, %get3A_0] : memref<2048x3xf32, #tpu.memory_space<vmem>>, vector<2048x3xf32>
    %get3A_2 = arith.constant 0 : index
    %get3A_3 = arith.constant 0 : index
    %get3A_4 = vector.load %arg2[%get3A_2, %get3A_3] : memref<64x3xf32, #tpu.memory_space<vmem>>, vector<64x3xf32>
    %broadcast_in_dim3A = vector.shape_cast %get3A_4 : vector<64x3xf32> to vector<64x1x3xf32>
    %broadcast_in_dim3A_5 = vector.shape_cast %broadcast_in_dim3A : vector<64x1x3xf32> to vector<64x1x3xf32>
    %broadcast_in_dim3A_6 = vector.broadcast %broadcast_in_dim3A_5 : vector<64x1x3xf32> to vector<64x32x3xf32>
    %reshape3A = vector.shape_cast %broadcast_in_dim3A_6 : vector<64x32x3xf32> to vector<2048x3xf32>
    %sub3A = arith.subf %get3A_1, %reshape3A : vector<2048x3xf32>
    %concatenate3A = tpu.concatenate %get3A_1, %sub3A in 1 : vector<2048x3xf32>, vector<2048x3xf32> -> vector<2048x6xf32>
    %get3A_7 = arith.constant 0 : index
    %get3A_8 = arith.constant 0 : index
    %get3A_9 = vector.load %arg3[%get3A_7, %get3A_8] : memref<6x32xf32, #tpu.memory_space<vmem>>, vector<6x32xf32>
    %get3A_10 = arith.constant 0 : index
    %get3A_11 = arith.constant 0 : index
    %get3A_12 = vector.load %arg4[%get3A_10, %get3A_11] : memref<1x32xf32, #tpu.memory_space<vmem>>, vector<1x32xf32>
    %get3A_13 = arith.constant 0 : index
    %get3A_14 = arith.constant 0 : index
    %get3A_15 = vector.load %arg5[%get3A_13, %get3A_14] : memref<1x32xf32, #tpu.memory_space<vmem>>, vector<1x32xf32>
    %get3A_16 = arith.constant 0 : index
    %get3A_17 = arith.constant 0 : index
    %get3A_18 = vector.load %arg6[%get3A_16, %get3A_17] : memref<1x32xf32, #tpu.memory_space<vmem>>, vector<1x32xf32>
    %dot_general3A = arith.constant dense<0.000000e+00> : vector<2048x32xf32>
    %dot_general3A_19 = tpu.matmul %concatenate3A, %get3A_9, %dot_general3A {dimension_numbers = #tpu.dot_dimension_numbers<[1], [0], [0], [1], [0, 0, 1, 1], [], []>, transpose_lhs_hint = false} : vector<2048x6xf32>, vector<6x32xf32>, vector<2048x32xf32> -> vector<2048x32xf32>
    %add3A = vector.broadcast %get3A_12 : vector<1x32xf32> to vector<2048x32xf32>
    %add3A_20 = arith.addf %dot_general3A_19, %add3A : vector<2048x32xf32>
    %mul3A = vector.broadcast %get3A_15 : vector<1x32xf32> to vector<2048x32xf32>
    %mul3A_21 = arith.mulf %add3A_20, %mul3A : vector<2048x32xf32>
    %div3A = arith.constant 1.00000501 : f32
    %div3A_22 = vector.broadcast %div3A : f32 to vector<2048x32xf32>
    %div3A_23 = arith.divf %mul3A_21, %div3A_22 : vector<2048x32xf32>
    %add3A_24 = vector.broadcast %get3A_18 : vector<1x32xf32> to vector<2048x32xf32>
    %add3A_25 = arith.addf %div3A_23, %add3A_24 : vector<2048x32xf32>
    %max3A = arith.constant 0.000000e+00 : f32
    %max3A_26 = vector.broadcast %max3A : f32 to vector<2048x32xf32>
    %max3A_27 = arith.maximumf %add3A_25, %max3A_26 : vector<2048x32xf32>
    %get3A_28 = arith.constant 0 : index
    %get3A_29 = arith.constant 0 : index
    %get3A_30 = vector.load %arg7[%get3A_28, %get3A_29] : memref<32x32xf32, #tpu.memory_space<vmem>>, vector<32x32xf32>
    %get3A_31 = arith.constant 0 : index
    %get3A_32 = arith.constant 0 : index
    %get3A_33 = vector.load %arg8[%get3A_31, %get3A_32] : memref<1x32xf32, #tpu.memory_space<vmem>>, vector<1x32xf32>
    %get3A_34 = arith.constant 0 : index
    %get3A_35 = arith.constant 0 : index
    %get3A_36 = vector.load %arg9[%get3A_34, %get3A_35] : memref<1x32xf32, #tpu.memory_space<vmem>>, vector<1x32xf32>
    %get3A_37 = arith.constant 0 : index
    %get3A_38 = arith.constant 0 : index
    %get3A_39 = vector.load %arg10[%get3A_37, %get3A_38] : memref<1x32xf32, #tpu.memory_space<vmem>>, vector<1x32xf32>
    %dot_general3A_40 = arith.constant dense<0.000000e+00> : vector<2048x32xf32>
    %dot_general3A_41 = tpu.matmul %max3A_27, %get3A_30, %dot_general3A_40 {dimension_numbers = #tpu.dot_dimension_numbers<[1], [0], [0], [1], [0, 0, 1, 1], [], []>, transpose_lhs_hint = false} : vector<2048x32xf32>, vector<32x32xf32>, vector<2048x32xf32> -> vector<2048x32xf32>
    %add3A_42 = vector.broadcast %get3A_33 : vector<1x32xf32> to vector<2048x32xf32>
    %add3A_43 = arith.addf %dot_general3A_41, %add3A_42 : vector<2048x32xf32>
    %mul3A_44 = vector.broadcast %get3A_36 : vector<1x32xf32> to vector<2048x32xf32>
    %mul3A_45 = arith.mulf %add3A_43, %mul3A_44 : vector<2048x32xf32>
    %div3A_46 = arith.constant 1.00000501 : f32
    %div3A_47 = vector.broadcast %div3A_46 : f32 to vector<2048x32xf32>
    %div3A_48 = arith.divf %mul3A_45, %div3A_47 : vector<2048x32xf32>
    %add3A_49 = vector.broadcast %get3A_39 : vector<1x32xf32> to vector<2048x32xf32>
    %add3A_50 = arith.addf %div3A_48, %add3A_49 : vector<2048x32xf32>
    %max3A_51 = arith.constant 0.000000e+00 : f32
    %max3A_52 = vector.broadcast %max3A_51 : f32 to vector<2048x32xf32>
    %max3A_53 = arith.maximumf %add3A_50, %max3A_52 : vector<2048x32xf32>
    %get3A_54 = arith.constant 0 : index
    %get3A_55 = arith.constant 0 : index
    %get3A_56 = vector.load %arg11[%get3A_54, %get3A_55] : memref<32x64xf32, #tpu.memory_space<vmem>>, vector<32x64xf32>
    %get3A_57 = arith.constant 0 : index
    %get3A_58 = arith.constant 0 : index
    %get3A_59 = vector.load %arg12[%get3A_57, %get3A_58] : memref<1x64xf32, #tpu.memory_space<vmem>>, vector<1x64xf32>
    %get3A_60 = arith.constant 0 : index
    %get3A_61 = arith.constant 0 : index
    %get3A_62 = vector.load %arg13[%get3A_60, %get3A_61] : memref<1x64xf32, #tpu.memory_space<vmem>>, vector<1x64xf32>
    %get3A_63 = arith.constant 0 : index
    %get3A_64 = arith.constant 0 : index
    %get3A_65 = vector.load %arg14[%get3A_63, %get3A_64] : memref<1x64xf32, #tpu.memory_space<vmem>>, vector<1x64xf32>
    %dot_general3A_66 = arith.constant dense<0.000000e+00> : vector<2048x64xf32>
    %dot_general3A_67 = tpu.matmul %max3A_53, %get3A_56, %dot_general3A_66 {dimension_numbers = #tpu.dot_dimension_numbers<[1], [0], [0], [1], [0, 0, 1, 1], [], []>, transpose_lhs_hint = false} : vector<2048x32xf32>, vector<32x64xf32>, vector<2048x64xf32> -> vector<2048x64xf32>
    %add3A_68 = vector.broadcast %get3A_59 : vector<1x64xf32> to vector<2048x64xf32>
    %add3A_69 = arith.addf %dot_general3A_67, %add3A_68 : vector<2048x64xf32>
    %mul3A_70 = vector.broadcast %get3A_62 : vector<1x64xf32> to vector<2048x64xf32>
    %mul3A_71 = arith.mulf %add3A_69, %mul3A_70 : vector<2048x64xf32>
    %div3A_72 = arith.constant 1.00000501 : f32
    %div3A_73 = vector.broadcast %div3A_72 : f32 to vector<2048x64xf32>
    %div3A_74 = arith.divf %mul3A_71, %div3A_73 : vector<2048x64xf32>
    %add3A_75 = vector.broadcast %get3A_65 : vector<1x64xf32> to vector<2048x64xf32>
    %add3A_76 = arith.addf %div3A_74, %add3A_75 : vector<2048x64xf32>
    %max3A_77 = arith.constant 0.000000e+00 : f32
    %max3A_78 = vector.broadcast %max3A_77 : f32 to vector<2048x64xf32>
    %max3A_79 = arith.maximumf %add3A_76, %max3A_78 : vector<2048x64xf32>
    %reshape3A_80 = vector.shape_cast %max3A_79 : vector<2048x64xf32> to vector<64x32x64xf32>
    %reduce_max3A = arith.constant dense<0xFF800000> : vector<64x64xf32>
    %reduce_max3A_81 = vector.multi_reduction <maximumf>, %reshape3A_80, %reduce_max3A [1] : vector<64x32x64xf32> to vector<64x64xf32>
    %swap3A = arith.constant 0 : index
    %swap3A_82 = arith.constant 0 : index
    %swap3A_83 = vector.load %arg15[%swap3A, %swap3A_82] : memref<64x64xf32, #tpu.memory_space<vmem>>, vector<64x64xf32>
    tpu.vector_store %arg15[%swap3A, %swap3A_82], %reduce_max3A_81 {strides = array<i32>} : memref<64x64xf32, #tpu.memory_space<vmem>>, vector<64x64xf32>,
    return
  }
  func.func @transform_0(%arg0: i32) -> (i32, i32) {
    %c0_i32 = arith.constant 0 : i32
    %c0_i32_0 = arith.constant 0 : i32
    return %arg0, %c0_i32 : i32, i32
  }
  func.func @transform_1(%arg0: i32) -> (i32, i32) {
    %c0_i32 = arith.constant 0 : i32
    %c0_i32_0 = arith.constant 0 : i32
    return %arg0, %c0_i32 : i32, i32
  }
  func.func @transform_2(%arg0: i32) -> (i32, i32) {
    %c0_i32 = arith.constant 0 : i32
    %c0_i32_0 = arith.constant 0 : i32
    %c0_i32_1 = arith.constant 0 : i32
    return %c0_i32, %c0_i32_0 : i32, i32
  }
  func.func @transform_3(%arg0: i32) -> (i32, i32) {
    %c0_i32 = arith.constant 0 : i32
    %c0_i32_0 = arith.constant 0 : i32
    %c0_i32_1 = arith.constant 0 : i32
    return %c0_i32, %c0_i32_0 : i32, i32
  }
  func.func @transform_4(%arg0: i32) -> (i32, i32) {
    %c0_i32 = arith.constant 0 : i32
    %c0_i32_0 = arith.constant 0 : i32
    %c0_i32_1 = arith.constant 0 : i32
    return %c0_i32, %c0_i32_0 : i32, i32
  }
  func.func @transform_5(%arg0: i32) -> (i32, i32) {
    %c0_i32 = arith.constant 0 : i32
    %c0_i32_0 = arith.constant 0 : i32
    %c0_i32_1 = arith.constant 0 : i32
    return %c0_i32, %c0_i32_0 : i32, i32
  }
  func.func @transform_6(%arg0: i32) -> (i32, i32) {
    %c0_i32 = arith.constant 0 : i32
    %c0_i32_0 = arith.constant 0 : i32
    %c0_i32_1 = arith.constant 0 : i32
    return %c0_i32, %c0_i32_0 : i32, i32
  }
  func.func @transform_7(%arg0: i32) -> (i32, i32) {
    %c0_i32 = arith.constant 0 : i32
    %c0_i32_0 = arith.constant 0 : i32
    %c0_i32_1 = arith.constant 0 : i32
    return %c0_i32, %c0_i32_0 : i32, i32
  }
  func.func @transform_8(%arg0: i32) -> (i32, i32) {
    %c0_i32 = arith.constant 0 : i32
    %c0_i32_0 = arith.constant 0 : i32
    %c0_i32_1 = arith.constant 0 : i32
    return %c0_i32, %c0_i32_0 : i32, i32
  }
  func.func @transform_9(%arg0: i32) -> (i32, i32) {
    %c0_i32 = arith.constant 0 : i32
    %c0_i32_0 = arith.constant 0 : i32
    %c0_i32_1 = arith.constant 0 : i32
    return %c0_i32, %c0_i32_0 : i32, i32
  }
  func.func @transform_10(%arg0: i32) -> (i32, i32) {
    %c0_i32 = arith.constant 0 : i32
    %c0_i32_0 = arith.constant 0 : i32
    %c0_i32_1 = arith.constant 0 : i32
    return %c0_i32, %c0_i32_0 : i32, i32
  }
  func.func @transform_11(%arg0: i32) -> (i32, i32) {
    %c0_i32 = arith.constant 0 : i32
    %c0_i32_0 = arith.constant 0 : i32
    %c0_i32_1 = arith.constant 0 : i32
    return %c0_i32, %c0_i32_0 : i32, i32
  }
  func.func @transform_12(%arg0: i32) -> (i32, i32) {
    %c0_i32 = arith.constant 0 : i32
    %c0_i32_0 = arith.constant 0 : i32
    %c0_i32_1 = arith.constant 0 : i32
    return %c0_i32, %c0_i32_0 : i32, i32
  }
  func.func @transform_13(%arg0: i32) -> (i32, i32) {
    %c0_i32 = arith.constant 0 : i32
    %c0_i32_0 = arith.constant 0 : i32
    %c0_i32_1 = arith.constant 0 : i32
    return %c0_i32, %c0_i32_0 : i32, i32
  }
  func.func @transform_14(%arg0: i32) -> (i32, i32) {
    %c0_i32 = arith.constant 0 : i32
    %c0_i32_0 = arith.constant 0 : i32
    return %arg0, %c0_i32 : i32, i32
  }
}

module attributes {stable_mosaic.version = 14 : i64} {
  func.func @_sa2_mlp_body(%arg0: i32, %arg1: memref<2048x384xf32, #tpu.memory_space<vmem>>, %arg2: memref<32x3xf32, #tpu.memory_space<vmem>>, %arg3: memref<323x128xf32, #tpu.memory_space<vmem>>, %arg4: memref<1x128xf32, #tpu.memory_space<vmem>>, %arg5: memref<1x128xf32, #tpu.memory_space<vmem>>, %arg6: memref<1x128xf32, #tpu.memory_space<vmem>>, %arg7: memref<128x128xf32, #tpu.memory_space<vmem>>, %arg8: memref<1x128xf32, #tpu.memory_space<vmem>>, %arg9: memref<1x128xf32, #tpu.memory_space<vmem>>, %arg10: memref<1x128xf32, #tpu.memory_space<vmem>>, %arg11: memref<128x256xf32, #tpu.memory_space<vmem>>, %arg12: memref<1x256xf32, #tpu.memory_space<vmem>>, %arg13: memref<1x256xf32, #tpu.memory_space<vmem>>, %arg14: memref<1x256xf32, #tpu.memory_space<vmem>>, %arg15: memref<32x256xf32, #tpu.memory_space<vmem>>) attributes {dimension_semantics = [#tpu.dimension_semantics<arbitrary>], iteration_bounds = array<i64: 16>, scalar_prefetch = 0 : i64, scratch_operands = 0 : i64, tpu.core_type = #tpu.core_type<tc>, window_params = [{transform_indices = @transform_0, window_bounds = array<i64: 2048, 384>}, {transform_indices = @transform_1, window_bounds = array<i64: 32, 3>}, {pipeline_mode = #tpu.pipeline_mode<synchronous>, transform_indices = @transform_2, window_bounds = array<i64: 323, 128>}, {pipeline_mode = #tpu.pipeline_mode<synchronous>, transform_indices = @transform_3, window_bounds = array<i64: 1, 128>}, {pipeline_mode = #tpu.pipeline_mode<synchronous>, transform_indices = @transform_4, window_bounds = array<i64: 1, 128>}, {pipeline_mode = #tpu.pipeline_mode<synchronous>, transform_indices = @transform_5, window_bounds = array<i64: 1, 128>}, {pipeline_mode = #tpu.pipeline_mode<synchronous>, transform_indices = @transform_6, window_bounds = array<i64: 128, 128>}, {pipeline_mode = #tpu.pipeline_mode<synchronous>, transform_indices = @transform_7, window_bounds = array<i64: 1, 128>}, {pipeline_mode = #tpu.pipeline_mode<synchronous>, transform_indices = @transform_8, window_bounds = array<i64: 1, 128>}, {pipeline_mode = #tpu.pipeline_mode<synchronous>, transform_indices = @transform_9, window_bounds = array<i64: 1, 128>}, {pipeline_mode = #tpu.pipeline_mode<synchronous>, transform_indices = @transform_10, window_bounds = array<i64: 128, 256>}, {pipeline_mode = #tpu.pipeline_mode<synchronous>, transform_indices = @transform_11, window_bounds = array<i64: 1, 256>}, {pipeline_mode = #tpu.pipeline_mode<synchronous>, transform_indices = @transform_12, window_bounds = array<i64: 1, 256>}, {pipeline_mode = #tpu.pipeline_mode<synchronous>, transform_indices = @transform_13, window_bounds = array<i64: 1, 256>}, {transform_indices = @transform_14, window_bounds = array<i64: 32, 256>}]} {
    %get3A = arith.constant 0 : index
    %get3A_0 = arith.constant 0 : index
    %get3A_1 = vector.load %arg1[%get3A, %get3A_0] : memref<2048x384xf32, #tpu.memory_space<vmem>>, vector<2048x384xf32>
    %get3A_2 = arith.constant 0 : index
    %get3A_3 = arith.constant 0 : index
    %get3A_4 = vector.load %arg2[%get3A_2, %get3A_3] : memref<32x3xf32, #tpu.memory_space<vmem>>, vector<32x3xf32>
    %broadcast_in_dim3A = vector.shape_cast %get3A_4 : vector<32x3xf32> to vector<32x1x3xf32>
    %broadcast_in_dim3A_5 = vector.shape_cast %broadcast_in_dim3A : vector<32x1x3xf32> to vector<32x1x3xf32>
    %broadcast_in_dim3A_6 = vector.broadcast %broadcast_in_dim3A_5 : vector<32x1x3xf32> to vector<32x64x3xf32>
    %reshape3A = vector.shape_cast %broadcast_in_dim3A_6 : vector<32x64x3xf32> to vector<2048x3xf32>
    %slice3A = vector.extract_strided_slice %get3A_1 {offsets = [0, 0], sizes = [2048, 320], strides = [1, 1]} : vector<2048x384xf32> to vector<2048x320xf32>
    %slice3A_7 = vector.extract_strided_slice %get3A_1 {offsets = [0, 320], sizes = [2048, 3], strides = [1, 1]} : vector<2048x384xf32> to vector<2048x3xf32>
    %sub3A = arith.subf %slice3A_7, %reshape3A : vector<2048x3xf32>
    %concatenate3A = tpu.concatenate %slice3A, %sub3A in 1 : vector<2048x320xf32>, vector<2048x3xf32> -> vector<2048x323xf32>
    %get3A_8 = arith.constant 0 : index
    %get3A_9 = arith.constant 0 : index
    %get3A_10 = vector.load %arg3[%get3A_8, %get3A_9] : memref<323x128xf32, #tpu.memory_space<vmem>>, vector<323x128xf32>
    %get3A_11 = arith.constant 0 : index
    %get3A_12 = arith.constant 0 : index
    %get3A_13 = vector.load %arg4[%get3A_11, %get3A_12] : memref<1x128xf32, #tpu.memory_space<vmem>>, vector<1x128xf32>
    %get3A_14 = arith.constant 0 : index
    %get3A_15 = arith.constant 0 : index
    %get3A_16 = vector.load %arg5[%get3A_14, %get3A_15] : memref<1x128xf32, #tpu.memory_space<vmem>>, vector<1x128xf32>
    %get3A_17 = arith.constant 0 : index
    %get3A_18 = arith.constant 0 : index
    %get3A_19 = vector.load %arg6[%get3A_17, %get3A_18] : memref<1x128xf32, #tpu.memory_space<vmem>>, vector<1x128xf32>
    %dot_general3A = arith.constant dense<0.000000e+00> : vector<2048x128xf32>
    %dot_general3A_20 = tpu.matmul %concatenate3A, %get3A_10, %dot_general3A {dimension_numbers = #tpu.dot_dimension_numbers<[1], [0], [0], [1], [0, 0, 1, 1], [], []>, transpose_lhs_hint = false} : vector<2048x323xf32>, vector<323x128xf32>, vector<2048x128xf32> -> vector<2048x128xf32>
    %add3A = vector.broadcast %get3A_13 : vector<1x128xf32> to vector<2048x128xf32>
    %add3A_21 = arith.addf %dot_general3A_20, %add3A : vector<2048x128xf32>
    %mul3A = vector.broadcast %get3A_16 : vector<1x128xf32> to vector<2048x128xf32>
    %mul3A_22 = arith.mulf %add3A_21, %mul3A : vector<2048x128xf32>
    %div3A = arith.constant 1.00000501 : f32
    %div3A_23 = vector.broadcast %div3A : f32 to vector<2048x128xf32>
    %div3A_24 = arith.divf %mul3A_22, %div3A_23 : vector<2048x128xf32>
    %add3A_25 = vector.broadcast %get3A_19 : vector<1x128xf32> to vector<2048x128xf32>
    %add3A_26 = arith.addf %div3A_24, %add3A_25 : vector<2048x128xf32>
    %max3A = arith.constant 0.000000e+00 : f32
    %max3A_27 = vector.broadcast %max3A : f32 to vector<2048x128xf32>
    %max3A_28 = arith.maximumf %add3A_26, %max3A_27 : vector<2048x128xf32>
    %get3A_29 = arith.constant 0 : index
    %get3A_30 = arith.constant 0 : index
    %get3A_31 = vector.load %arg7[%get3A_29, %get3A_30] : memref<128x128xf32, #tpu.memory_space<vmem>>, vector<128x128xf32>
    %get3A_32 = arith.constant 0 : index
    %get3A_33 = arith.constant 0 : index
    %get3A_34 = vector.load %arg8[%get3A_32, %get3A_33] : memref<1x128xf32, #tpu.memory_space<vmem>>, vector<1x128xf32>
    %get3A_35 = arith.constant 0 : index
    %get3A_36 = arith.constant 0 : index
    %get3A_37 = vector.load %arg9[%get3A_35, %get3A_36] : memref<1x128xf32, #tpu.memory_space<vmem>>, vector<1x128xf32>
    %get3A_38 = arith.constant 0 : index
    %get3A_39 = arith.constant 0 : index
    %get3A_40 = vector.load %arg10[%get3A_38, %get3A_39] : memref<1x128xf32, #tpu.memory_space<vmem>>, vector<1x128xf32>
    %dot_general3A_41 = arith.constant dense<0.000000e+00> : vector<2048x128xf32>
    %dot_general3A_42 = tpu.matmul %max3A_28, %get3A_31, %dot_general3A_41 {dimension_numbers = #tpu.dot_dimension_numbers<[1], [0], [0], [1], [0, 0, 1, 1], [], []>, transpose_lhs_hint = false} : vector<2048x128xf32>, vector<128x128xf32>, vector<2048x128xf32> -> vector<2048x128xf32>
    %add3A_43 = vector.broadcast %get3A_34 : vector<1x128xf32> to vector<2048x128xf32>
    %add3A_44 = arith.addf %dot_general3A_42, %add3A_43 : vector<2048x128xf32>
    %mul3A_45 = vector.broadcast %get3A_37 : vector<1x128xf32> to vector<2048x128xf32>
    %mul3A_46 = arith.mulf %add3A_44, %mul3A_45 : vector<2048x128xf32>
    %div3A_47 = arith.constant 1.00000501 : f32
    %div3A_48 = vector.broadcast %div3A_47 : f32 to vector<2048x128xf32>
    %div3A_49 = arith.divf %mul3A_46, %div3A_48 : vector<2048x128xf32>
    %add3A_50 = vector.broadcast %get3A_40 : vector<1x128xf32> to vector<2048x128xf32>
    %add3A_51 = arith.addf %div3A_49, %add3A_50 : vector<2048x128xf32>
    %max3A_52 = arith.constant 0.000000e+00 : f32
    %max3A_53 = vector.broadcast %max3A_52 : f32 to vector<2048x128xf32>
    %max3A_54 = arith.maximumf %add3A_51, %max3A_53 : vector<2048x128xf32>
    %get3A_55 = arith.constant 0 : index
    %get3A_56 = arith.constant 0 : index
    %get3A_57 = vector.load %arg11[%get3A_55, %get3A_56] : memref<128x256xf32, #tpu.memory_space<vmem>>, vector<128x256xf32>
    %get3A_58 = arith.constant 0 : index
    %get3A_59 = arith.constant 0 : index
    %get3A_60 = vector.load %arg12[%get3A_58, %get3A_59] : memref<1x256xf32, #tpu.memory_space<vmem>>, vector<1x256xf32>
    %get3A_61 = arith.constant 0 : index
    %get3A_62 = arith.constant 0 : index
    %get3A_63 = vector.load %arg13[%get3A_61, %get3A_62] : memref<1x256xf32, #tpu.memory_space<vmem>>, vector<1x256xf32>
    %get3A_64 = arith.constant 0 : index
    %get3A_65 = arith.constant 0 : index
    %get3A_66 = vector.load %arg14[%get3A_64, %get3A_65] : memref<1x256xf32, #tpu.memory_space<vmem>>, vector<1x256xf32>
    %dot_general3A_67 = arith.constant dense<0.000000e+00> : vector<2048x256xf32>
    %dot_general3A_68 = tpu.matmul %max3A_54, %get3A_57, %dot_general3A_67 {dimension_numbers = #tpu.dot_dimension_numbers<[1], [0], [0], [1], [0, 0, 1, 1], [], []>, transpose_lhs_hint = false} : vector<2048x128xf32>, vector<128x256xf32>, vector<2048x256xf32> -> vector<2048x256xf32>
    %add3A_69 = vector.broadcast %get3A_60 : vector<1x256xf32> to vector<2048x256xf32>
    %add3A_70 = arith.addf %dot_general3A_68, %add3A_69 : vector<2048x256xf32>
    %mul3A_71 = vector.broadcast %get3A_63 : vector<1x256xf32> to vector<2048x256xf32>
    %mul3A_72 = arith.mulf %add3A_70, %mul3A_71 : vector<2048x256xf32>
    %div3A_73 = arith.constant 1.00000501 : f32
    %div3A_74 = vector.broadcast %div3A_73 : f32 to vector<2048x256xf32>
    %div3A_75 = arith.divf %mul3A_72, %div3A_74 : vector<2048x256xf32>
    %add3A_76 = vector.broadcast %get3A_66 : vector<1x256xf32> to vector<2048x256xf32>
    %add3A_77 = arith.addf %div3A_75, %add3A_76 : vector<2048x256xf32>
    %max3A_78 = arith.constant 0.000000e+00 : f32
    %max3A_79 = vector.broadcast %max3A_78 : f32 to vector<2048x256xf32>
    %max3A_80 = arith.maximumf %add3A_77, %max3A_79 : vector<2048x256xf32>
    %reshape3A_81 = vector.shape_cast %max3A_80 : vector<2048x256xf32> to vector<32x64x256xf32>
    %reduce_max3A = arith.constant dense<0xFF800000> : vector<32x256xf32>
    %reduce_max3A_82 = vector.multi_reduction <maximumf>, %reshape3A_81, %reduce_max3A [1] : vector<32x64x256xf32> to vector<32x256xf32>
    %swap3A = arith.constant 0 : index
    %swap3A_83 = arith.constant 0 : index
    %swap3A_84 = vector.load %arg15[%swap3A, %swap3A_83] : memref<32x256xf32, #tpu.memory_space<vmem>>, vector<32x256xf32>
    tpu.vector_store %arg15[%swap3A, %swap3A_83], %reduce_max3A_82 {strides = array<i32>} : memref<32x256xf32, #tpu.memory_space<vmem>>, vector<32x256xf32>,
    return
  }
  func.func @transform_0(%arg0: i32) -> (i32, i32) {
    %c0_i32 = arith.constant 0 : i32
    %c0_i32_0 = arith.constant 0 : i32
    return %arg0, %c0_i32 : i32, i32
  }
  func.func @transform_1(%arg0: i32) -> (i32, i32) {
    %c0_i32 = arith.constant 0 : i32
    %c0_i32_0 = arith.constant 0 : i32
    return %arg0, %c0_i32 : i32, i32
  }
  func.func @transform_2(%arg0: i32) -> (i32, i32) {
    %c0_i32 = arith.constant 0 : i32
    %c0_i32_0 = arith.constant 0 : i32
    %c0_i32_1 = arith.constant 0 : i32
    return %c0_i32, %c0_i32_0 : i32, i32
  }
  func.func @transform_3(%arg0: i32) -> (i32, i32) {
    %c0_i32 = arith.constant 0 : i32
    %c0_i32_0 = arith.constant 0 : i32
    %c0_i32_1 = arith.constant 0 : i32
    return %c0_i32, %c0_i32_0 : i32, i32
  }
  func.func @transform_4(%arg0: i32) -> (i32, i32) {
    %c0_i32 = arith.constant 0 : i32
    %c0_i32_0 = arith.constant 0 : i32
    %c0_i32_1 = arith.constant 0 : i32
    return %c0_i32, %c0_i32_0 : i32, i32
  }
  func.func @transform_5(%arg0: i32) -> (i32, i32) {
    %c0_i32 = arith.constant 0 : i32
    %c0_i32_0 = arith.constant 0 : i32
    %c0_i32_1 = arith.constant 0 : i32
    return %c0_i32, %c0_i32_0 : i32, i32
  }
  func.func @transform_6(%arg0: i32) -> (i32, i32) {
    %c0_i32 = arith.constant 0 : i32
    %c0_i32_0 = arith.constant 0 : i32
    %c0_i32_1 = arith.constant 0 : i32
    return %c0_i32, %c0_i32_0 : i32, i32
  }
  func.func @transform_7(%arg0: i32) -> (i32, i32) {
    %c0_i32 = arith.constant 0 : i32
    %c0_i32_0 = arith.constant 0 : i32
    %c0_i32_1 = arith.constant 0 : i32
    return %c0_i32, %c0_i32_0 : i32, i32
  }
  func.func @transform_8(%arg0: i32) -> (i32, i32) {
    %c0_i32 = arith.constant 0 : i32
    %c0_i32_0 = arith.constant 0 : i32
    %c0_i32_1 = arith.constant 0 : i32
    return %c0_i32, %c0_i32_0 : i32, i32
  }
  func.func @transform_9(%arg0: i32) -> (i32, i32) {
    %c0_i32 = arith.constant 0 : i32
    %c0_i32_0 = arith.constant 0 : i32
    %c0_i32_1 = arith.constant 0 : i32
    return %c0_i32, %c0_i32_0 : i32, i32
  }
  func.func @transform_10(%arg0: i32) -> (i32, i32) {
    %c0_i32 = arith.constant 0 : i32
    %c0_i32_0 = arith.constant 0 : i32
    %c0_i32_1 = arith.constant 0 : i32
    return %c0_i32, %c0_i32_0 : i32, i32
  }
  func.func @transform_11(%arg0: i32) -> (i32, i32) {
    %c0_i32 = arith.constant 0 : i32
    %c0_i32_0 = arith.constant 0 : i32
    %c0_i32_1 = arith.constant 0 : i32
    return %c0_i32, %c0_i32_0 : i32, i32
  }
  func.func @transform_12(%arg0: i32) -> (i32, i32) {
    %c0_i32 = arith.constant 0 : i32
    %c0_i32_0 = arith.constant 0 : i32
    %c0_i32_1 = arith.constant 0 : i32
    return %c0_i32, %c0_i32_0 : i32, i32
  }
  func.func @transform_13(%arg0: i32) -> (i32, i32) {
    %c0_i32 = arith.constant 0 : i32
    %c0_i32_0 = arith.constant 0 : i32
    %c0_i32_1 = arith.constant 0 : i32
    return %c0_i32, %c0_i32_0 : i32, i32
  }
  func.func @transform_14(%arg0: i32) -> (i32, i32) {
    %c0_i32 = arith.constant 0 : i32
    %c0_i32_0 = arith.constant 0 : i32
    return %arg0, %c0_i32 : i32, i32
  }
}

module attributes {stable_mosaic.version = 14 : i64} {
  func.func @_sa2_mlp_body(%arg0: i32, %arg1: memref<4096x384xf32, #tpu.memory_space<vmem>>, %arg2: memref<32x3xf32, #tpu.memory_space<vmem>>, %arg3: memref<323x128xf32, #tpu.memory_space<vmem>>, %arg4: memref<1x128xf32, #tpu.memory_space<vmem>>, %arg5: memref<1x128xf32, #tpu.memory_space<vmem>>, %arg6: memref<1x128xf32, #tpu.memory_space<vmem>>, %arg7: memref<128x196xf32, #tpu.memory_space<vmem>>, %arg8: memref<1x196xf32, #tpu.memory_space<vmem>>, %arg9: memref<1x196xf32, #tpu.memory_space<vmem>>, %arg10: memref<1x196xf32, #tpu.memory_space<vmem>>, %arg11: memref<196x256xf32, #tpu.memory_space<vmem>>, %arg12: memref<1x256xf32, #tpu.memory_space<vmem>>, %arg13: memref<1x256xf32, #tpu.memory_space<vmem>>, %arg14: memref<1x256xf32, #tpu.memory_space<vmem>>, %arg15: memref<32x256xf32, #tpu.memory_space<vmem>>) attributes {dimension_semantics = [#tpu.dimension_semantics<arbitrary>], iteration_bounds = array<i64: 16>, scalar_prefetch = 0 : i64, scratch_operands = 0 : i64, tpu.core_type = #tpu.core_type<tc>, window_params = [{transform_indices = @transform_0, window_bounds = array<i64: 4096, 384>}, {transform_indices = @transform_1, window_bounds = array<i64: 32, 3>}, {pipeline_mode = #tpu.pipeline_mode<synchronous>, transform_indices = @transform_2, window_bounds = array<i64: 323, 128>}, {pipeline_mode = #tpu.pipeline_mode<synchronous>, transform_indices = @transform_3, window_bounds = array<i64: 1, 128>}, {pipeline_mode = #tpu.pipeline_mode<synchronous>, transform_indices = @transform_4, window_bounds = array<i64: 1, 128>}, {pipeline_mode = #tpu.pipeline_mode<synchronous>, transform_indices = @transform_5, window_bounds = array<i64: 1, 128>}, {pipeline_mode = #tpu.pipeline_mode<synchronous>, transform_indices = @transform_6, window_bounds = array<i64: 128, 196>}, {pipeline_mode = #tpu.pipeline_mode<synchronous>, transform_indices = @transform_7, window_bounds = array<i64: 1, 196>}, {pipeline_mode = #tpu.pipeline_mode<synchronous>, transform_indices = @transform_8, window_bounds = array<i64: 1, 196>}, {pipeline_mode = #tpu.pipeline_mode<synchronous>, transform_indices = @transform_9, window_bounds = array<i64: 1, 196>}, {pipeline_mode = #tpu.pipeline_mode<synchronous>, transform_indices = @transform_10, window_bounds = array<i64: 196, 256>}, {pipeline_mode = #tpu.pipeline_mode<synchronous>, transform_indices = @transform_11, window_bounds = array<i64: 1, 256>}, {pipeline_mode = #tpu.pipeline_mode<synchronous>, transform_indices = @transform_12, window_bounds = array<i64: 1, 256>}, {pipeline_mode = #tpu.pipeline_mode<synchronous>, transform_indices = @transform_13, window_bounds = array<i64: 1, 256>}, {transform_indices = @transform_14, window_bounds = array<i64: 32, 256>}]} {
    %get3A = arith.constant 0 : index
    %get3A_0 = arith.constant 0 : index
    %get3A_1 = vector.load %arg1[%get3A, %get3A_0] : memref<4096x384xf32, #tpu.memory_space<vmem>>, vector<4096x384xf32>
    %get3A_2 = arith.constant 0 : index
    %get3A_3 = arith.constant 0 : index
    %get3A_4 = vector.load %arg2[%get3A_2, %get3A_3] : memref<32x3xf32, #tpu.memory_space<vmem>>, vector<32x3xf32>
    %broadcast_in_dim3A = vector.shape_cast %get3A_4 : vector<32x3xf32> to vector<32x1x3xf32>
    %broadcast_in_dim3A_5 = vector.shape_cast %broadcast_in_dim3A : vector<32x1x3xf32> to vector<32x1x3xf32>
    %broadcast_in_dim3A_6 = vector.broadcast %broadcast_in_dim3A_5 : vector<32x1x3xf32> to vector<32x128x3xf32>
    %reshape3A = vector.shape_cast %broadcast_in_dim3A_6 : vector<32x128x3xf32> to vector<4096x3xf32>
    %slice3A = vector.extract_strided_slice %get3A_1 {offsets = [0, 0], sizes = [4096, 320], strides = [1, 1]} : vector<4096x384xf32> to vector<4096x320xf32>
    %slice3A_7 = vector.extract_strided_slice %get3A_1 {offsets = [0, 320], sizes = [4096, 3], strides = [1, 1]} : vector<4096x384xf32> to vector<4096x3xf32>
    %sub3A = arith.subf %slice3A_7, %reshape3A : vector<4096x3xf32>
    %concatenate3A = tpu.concatenate %slice3A, %sub3A in 1 : vector<4096x320xf32>, vector<4096x3xf32> -> vector<4096x323xf32>
    %get3A_8 = arith.constant 0 : index
    %get3A_9 = arith.constant 0 : index
    %get3A_10 = vector.load %arg3[%get3A_8, %get3A_9] : memref<323x128xf32, #tpu.memory_space<vmem>>, vector<323x128xf32>
    %get3A_11 = arith.constant 0 : index
    %get3A_12 = arith.constant 0 : index
    %get3A_13 = vector.load %arg4[%get3A_11, %get3A_12] : memref<1x128xf32, #tpu.memory_space<vmem>>, vector<1x128xf32>
    %get3A_14 = arith.constant 0 : index
    %get3A_15 = arith.constant 0 : index
    %get3A_16 = vector.load %arg5[%get3A_14, %get3A_15] : memref<1x128xf32, #tpu.memory_space<vmem>>, vector<1x128xf32>
    %get3A_17 = arith.constant 0 : index
    %get3A_18 = arith.constant 0 : index
    %get3A_19 = vector.load %arg6[%get3A_17, %get3A_18] : memref<1x128xf32, #tpu.memory_space<vmem>>, vector<1x128xf32>
    %dot_general3A = arith.constant dense<0.000000e+00> : vector<4096x128xf32>
    %dot_general3A_20 = tpu.matmul %concatenate3A, %get3A_10, %dot_general3A {dimension_numbers = #tpu.dot_dimension_numbers<[1], [0], [0], [1], [0, 0, 1, 1], [], []>, transpose_lhs_hint = false} : vector<4096x323xf32>, vector<323x128xf32>, vector<4096x128xf32> -> vector<4096x128xf32>
    %add3A = vector.broadcast %get3A_13 : vector<1x128xf32> to vector<4096x128xf32>
    %add3A_21 = arith.addf %dot_general3A_20, %add3A : vector<4096x128xf32>
    %mul3A = vector.broadcast %get3A_16 : vector<1x128xf32> to vector<4096x128xf32>
    %mul3A_22 = arith.mulf %add3A_21, %mul3A : vector<4096x128xf32>
    %div3A = arith.constant 1.00000501 : f32
    %div3A_23 = vector.broadcast %div3A : f32 to vector<4096x128xf32>
    %div3A_24 = arith.divf %mul3A_22, %div3A_23 : vector<4096x128xf32>
    %add3A_25 = vector.broadcast %get3A_19 : vector<1x128xf32> to vector<4096x128xf32>
    %add3A_26 = arith.addf %div3A_24, %add3A_25 : vector<4096x128xf32>
    %max3A = arith.constant 0.000000e+00 : f32
    %max3A_27 = vector.broadcast %max3A : f32 to vector<4096x128xf32>
    %max3A_28 = arith.maximumf %add3A_26, %max3A_27 : vector<4096x128xf32>
    %get3A_29 = arith.constant 0 : index
    %get3A_30 = arith.constant 0 : index
    %get3A_31 = vector.load %arg7[%get3A_29, %get3A_30] : memref<128x196xf32, #tpu.memory_space<vmem>>, vector<128x196xf32>
    %get3A_32 = arith.constant 0 : index
    %get3A_33 = arith.constant 0 : index
    %get3A_34 = vector.load %arg8[%get3A_32, %get3A_33] : memref<1x196xf32, #tpu.memory_space<vmem>>, vector<1x196xf32>
    %get3A_35 = arith.constant 0 : index
    %get3A_36 = arith.constant 0 : index
    %get3A_37 = vector.load %arg9[%get3A_35, %get3A_36] : memref<1x196xf32, #tpu.memory_space<vmem>>, vector<1x196xf32>
    %get3A_38 = arith.constant 0 : index
    %get3A_39 = arith.constant 0 : index
    %get3A_40 = vector.load %arg10[%get3A_38, %get3A_39] : memref<1x196xf32, #tpu.memory_space<vmem>>, vector<1x196xf32>
    %dot_general3A_41 = arith.constant dense<0.000000e+00> : vector<4096x196xf32>
    %dot_general3A_42 = tpu.matmul %max3A_28, %get3A_31, %dot_general3A_41 {dimension_numbers = #tpu.dot_dimension_numbers<[1], [0], [0], [1], [0, 0, 1, 1], [], []>, transpose_lhs_hint = false} : vector<4096x128xf32>, vector<128x196xf32>, vector<4096x196xf32> -> vector<4096x196xf32>
    %add3A_43 = vector.broadcast %get3A_34 : vector<1x196xf32> to vector<4096x196xf32>
    %add3A_44 = arith.addf %dot_general3A_42, %add3A_43 : vector<4096x196xf32>
    %mul3A_45 = vector.broadcast %get3A_37 : vector<1x196xf32> to vector<4096x196xf32>
    %mul3A_46 = arith.mulf %add3A_44, %mul3A_45 : vector<4096x196xf32>
    %div3A_47 = arith.constant 1.00000501 : f32
    %div3A_48 = vector.broadcast %div3A_47 : f32 to vector<4096x196xf32>
    %div3A_49 = arith.divf %mul3A_46, %div3A_48 : vector<4096x196xf32>
    %add3A_50 = vector.broadcast %get3A_40 : vector<1x196xf32> to vector<4096x196xf32>
    %add3A_51 = arith.addf %div3A_49, %add3A_50 : vector<4096x196xf32>
    %max3A_52 = arith.constant 0.000000e+00 : f32
    %max3A_53 = vector.broadcast %max3A_52 : f32 to vector<4096x196xf32>
    %max3A_54 = arith.maximumf %add3A_51, %max3A_53 : vector<4096x196xf32>
    %get3A_55 = arith.constant 0 : index
    %get3A_56 = arith.constant 0 : index
    %get3A_57 = vector.load %arg11[%get3A_55, %get3A_56] : memref<196x256xf32, #tpu.memory_space<vmem>>, vector<196x256xf32>
    %get3A_58 = arith.constant 0 : index
    %get3A_59 = arith.constant 0 : index
    %get3A_60 = vector.load %arg12[%get3A_58, %get3A_59] : memref<1x256xf32, #tpu.memory_space<vmem>>, vector<1x256xf32>
    %get3A_61 = arith.constant 0 : index
    %get3A_62 = arith.constant 0 : index
    %get3A_63 = vector.load %arg13[%get3A_61, %get3A_62] : memref<1x256xf32, #tpu.memory_space<vmem>>, vector<1x256xf32>
    %get3A_64 = arith.constant 0 : index
    %get3A_65 = arith.constant 0 : index
    %get3A_66 = vector.load %arg14[%get3A_64, %get3A_65] : memref<1x256xf32, #tpu.memory_space<vmem>>, vector<1x256xf32>
    %dot_general3A_67 = arith.constant dense<0.000000e+00> : vector<4096x256xf32>
    %dot_general3A_68 = tpu.matmul %max3A_54, %get3A_57, %dot_general3A_67 {dimension_numbers = #tpu.dot_dimension_numbers<[1], [0], [0], [1], [0, 0, 1, 1], [], []>, transpose_lhs_hint = false} : vector<4096x196xf32>, vector<196x256xf32>, vector<4096x256xf32> -> vector<4096x256xf32>
    %add3A_69 = vector.broadcast %get3A_60 : vector<1x256xf32> to vector<4096x256xf32>
    %add3A_70 = arith.addf %dot_general3A_68, %add3A_69 : vector<4096x256xf32>
    %mul3A_71 = vector.broadcast %get3A_63 : vector<1x256xf32> to vector<4096x256xf32>
    %mul3A_72 = arith.mulf %add3A_70, %mul3A_71 : vector<4096x256xf32>
    %div3A_73 = arith.constant 1.00000501 : f32
    %div3A_74 = vector.broadcast %div3A_73 : f32 to vector<4096x256xf32>
    %div3A_75 = arith.divf %mul3A_72, %div3A_74 : vector<4096x256xf32>
    %add3A_76 = vector.broadcast %get3A_66 : vector<1x256xf32> to vector<4096x256xf32>
    %add3A_77 = arith.addf %div3A_75, %add3A_76 : vector<4096x256xf32>
    %max3A_78 = arith.constant 0.000000e+00 : f32
    %max3A_79 = vector.broadcast %max3A_78 : f32 to vector<4096x256xf32>
    %max3A_80 = arith.maximumf %add3A_77, %max3A_79 : vector<4096x256xf32>
    %reshape3A_81 = vector.shape_cast %max3A_80 : vector<4096x256xf32> to vector<32x128x256xf32>
    %reduce_max3A = arith.constant dense<0xFF800000> : vector<32x256xf32>
    %reduce_max3A_82 = vector.multi_reduction <maximumf>, %reshape3A_81, %reduce_max3A [1] : vector<32x128x256xf32> to vector<32x256xf32>
    %swap3A = arith.constant 0 : index
    %swap3A_83 = arith.constant 0 : index
    %swap3A_84 = vector.load %arg15[%swap3A, %swap3A_83] : memref<32x256xf32, #tpu.memory_space<vmem>>, vector<32x256xf32>
    tpu.vector_store %arg15[%swap3A, %swap3A_83], %reduce_max3A_82 {strides = array<i32>} : memref<32x256xf32, #tpu.memory_space<vmem>>, vector<32x256xf32>,
    return
  }
  func.func @transform_0(%arg0: i32) -> (i32, i32) {
    %c0_i32 = arith.constant 0 : i32
    %c0_i32_0 = arith.constant 0 : i32
    return %arg0, %c0_i32 : i32, i32
  }
  func.func @transform_1(%arg0: i32) -> (i32, i32) {
    %c0_i32 = arith.constant 0 : i32
    %c0_i32_0 = arith.constant 0 : i32
    return %arg0, %c0_i32 : i32, i32
  }
  func.func @transform_2(%arg0: i32) -> (i32, i32) {
    %c0_i32 = arith.constant 0 : i32
    %c0_i32_0 = arith.constant 0 : i32
    %c0_i32_1 = arith.constant 0 : i32
    return %c0_i32, %c0_i32_0 : i32, i32
  }
  func.func @transform_3(%arg0: i32) -> (i32, i32) {
    %c0_i32 = arith.constant 0 : i32
    %c0_i32_0 = arith.constant 0 : i32
    %c0_i32_1 = arith.constant 0 : i32
    return %c0_i32, %c0_i32_0 : i32, i32
  }
  func.func @transform_4(%arg0: i32) -> (i32, i32) {
    %c0_i32 = arith.constant 0 : i32
    %c0_i32_0 = arith.constant 0 : i32
    %c0_i32_1 = arith.constant 0 : i32
    return %c0_i32, %c0_i32_0 : i32, i32
  }
  func.func @transform_5(%arg0: i32) -> (i32, i32) {
    %c0_i32 = arith.constant 0 : i32
    %c0_i32_0 = arith.constant 0 : i32
    %c0_i32_1 = arith.constant 0 : i32
    return %c0_i32, %c0_i32_0 : i32, i32
  }
  func.func @transform_6(%arg0: i32) -> (i32, i32) {
    %c0_i32 = arith.constant 0 : i32
    %c0_i32_0 = arith.constant 0 : i32
    %c0_i32_1 = arith.constant 0 : i32
    return %c0_i32, %c0_i32_0 : i32, i32
  }
  func.func @transform_7(%arg0: i32) -> (i32, i32) {
    %c0_i32 = arith.constant 0 : i32
    %c0_i32_0 = arith.constant 0 : i32
    %c0_i32_1 = arith.constant 0 : i32
    return %c0_i32, %c0_i32_0 : i32, i32
  }
  func.func @transform_8(%arg0: i32) -> (i32, i32) {
    %c0_i32 = arith.constant 0 : i32
    %c0_i32_0 = arith.constant 0 : i32
    %c0_i32_1 = arith.constant 0 : i32
    return %c0_i32, %c0_i32_0 : i32, i32
  }
  func.func @transform_9(%arg0: i32) -> (i32, i32) {
    %c0_i32 = arith.constant 0 : i32
    %c0_i32_0 = arith.constant 0 : i32
    %c0_i32_1 = arith.constant 0 : i32
    return %c0_i32, %c0_i32_0 : i32, i32
  }
  func.func @transform_10(%arg0: i32) -> (i32, i32) {
    %c0_i32 = arith.constant 0 : i32
    %c0_i32_0 = arith.constant 0 : i32
    %c0_i32_1 = arith.constant 0 : i32
    return %c0_i32, %c0_i32_0 : i32, i32
  }
  func.func @transform_11(%arg0: i32) -> (i32, i32) {
    %c0_i32 = arith.constant 0 : i32
    %c0_i32_0 = arith.constant 0 : i32
    %c0_i32_1 = arith.constant 0 : i32
    return %c0_i32, %c0_i32_0 : i32, i32
  }
  func.func @transform_12(%arg0: i32) -> (i32, i32) {
    %c0_i32 = arith.constant 0 : i32
    %c0_i32_0 = arith.constant 0 : i32
    %c0_i32_1 = arith.constant 0 : i32
    return %c0_i32, %c0_i32_0 : i32, i32
  }
  func.func @transform_13(%arg0: i32) -> (i32, i32) {
    %c0_i32 = arith.constant 0 : i32
    %c0_i32_0 = arith.constant 0 : i32
    %c0_i32_1 = arith.constant 0 : i32
    return %c0_i32, %c0_i32_0 : i32, i32
  }
  func.func @transform_14(%arg0: i32) -> (i32, i32) {
    %c0_i32 = arith.constant 0 : i32
    %c0_i32_0 = arith.constant 0 : i32
    return %arg0, %c0_i32 : i32, i32
  }
}

module attributes {stable_mosaic.version = 14 : i64} {
  func.func @_dense_body(%arg0: i32, %arg1: memref<128x515xf32, #tpu.memory_space<vmem>>, %arg2: memref<515x256xf32, #tpu.memory_space<vmem>>, %arg3: memref<1x256xf32, #tpu.memory_space<vmem>>, %arg4: memref<1x256xf32, #tpu.memory_space<vmem>>, %arg5: memref<1x256xf32, #tpu.memory_space<vmem>>, %arg6: memref<256x512xf32, #tpu.memory_space<vmem>>, %arg7: memref<1x512xf32, #tpu.memory_space<vmem>>, %arg8: memref<1x512xf32, #tpu.memory_space<vmem>>, %arg9: memref<1x512xf32, #tpu.memory_space<vmem>>, %arg10: memref<512x1024xf32, #tpu.memory_space<vmem>>, %arg11: memref<1x1024xf32, #tpu.memory_space<vmem>>, %arg12: memref<1x1024xf32, #tpu.memory_space<vmem>>, %arg13: memref<1x1024xf32, #tpu.memory_space<vmem>>, %arg14: memref<1x1x1024xf32, #tpu.memory_space<vmem>>) attributes {dimension_semantics = [#tpu.dimension_semantics<arbitrary>], iteration_bounds = array<i64: 4>, scalar_prefetch = 0 : i64, scratch_operands = 0 : i64, tpu.core_type = #tpu.core_type<tc>, window_params = [{transform_indices = @transform_0, window_bounds = array<i64: 128, 515>}, {pipeline_mode = #tpu.pipeline_mode<synchronous>, transform_indices = @transform_1, window_bounds = array<i64: 515, 256>}, {pipeline_mode = #tpu.pipeline_mode<synchronous>, transform_indices = @transform_2, window_bounds = array<i64: 1, 256>}, {pipeline_mode = #tpu.pipeline_mode<synchronous>, transform_indices = @transform_3, window_bounds = array<i64: 1, 256>}, {pipeline_mode = #tpu.pipeline_mode<synchronous>, transform_indices = @transform_4, window_bounds = array<i64: 1, 256>}, {pipeline_mode = #tpu.pipeline_mode<synchronous>, transform_indices = @transform_5, window_bounds = array<i64: 256, 512>}, {pipeline_mode = #tpu.pipeline_mode<synchronous>, transform_indices = @transform_6, window_bounds = array<i64: 1, 512>}, {pipeline_mode = #tpu.pipeline_mode<synchronous>, transform_indices = @transform_7, window_bounds = array<i64: 1, 512>}, {pipeline_mode = #tpu.pipeline_mode<synchronous>, transform_indices = @transform_8, window_bounds = array<i64: 1, 512>}, {pipeline_mode = #tpu.pipeline_mode<synchronous>, transform_indices = @transform_9, window_bounds = array<i64: 512, 1024>}, {pipeline_mode = #tpu.pipeline_mode<synchronous>, transform_indices = @transform_10, window_bounds = array<i64: 1, 1024>}, {pipeline_mode = #tpu.pipeline_mode<synchronous>, transform_indices = @transform_11, window_bounds = array<i64: 1, 1024>}, {pipeline_mode = #tpu.pipeline_mode<synchronous>, transform_indices = @transform_12, window_bounds = array<i64: 1, 1024>}, {transform_indices = @transform_13, window_bounds = array<i64: 1, 1, 1024>}]} {
    %get3A = arith.constant 0 : index
    %get3A_0 = arith.constant 0 : index
    %get3A_1 = vector.load %arg1[%get3A, %get3A_0] : memref<128x515xf32, #tpu.memory_space<vmem>>, vector<128x515xf32>
    %get3A_2 = arith.constant 0 : index
    %get3A_3 = arith.constant 0 : index
    %get3A_4 = vector.load %arg2[%get3A_2, %get3A_3] : memref<515x256xf32, #tpu.memory_space<vmem>>, vector<515x256xf32>
    %get3A_5 = arith.constant 0 : index
    %get3A_6 = arith.constant 0 : index
    %get3A_7 = vector.load %arg3[%get3A_5, %get3A_6] : memref<1x256xf32, #tpu.memory_space<vmem>>, vector<1x256xf32>
    %get3A_8 = arith.constant 0 : index
    %get3A_9 = arith.constant 0 : index
    %get3A_10 = vector.load %arg4[%get3A_8, %get3A_9] : memref<1x256xf32, #tpu.memory_space<vmem>>, vector<1x256xf32>
    %get3A_11 = arith.constant 0 : index
    %get3A_12 = arith.constant 0 : index
    %get3A_13 = vector.load %arg5[%get3A_11, %get3A_12] : memref<1x256xf32, #tpu.memory_space<vmem>>, vector<1x256xf32>
    %dot_general3A = arith.constant dense<0.000000e+00> : vector<128x256xf32>
    %dot_general3A_14 = tpu.matmul %get3A_1, %get3A_4, %dot_general3A {dimension_numbers = #tpu.dot_dimension_numbers<[1], [0], [0], [1], [0, 0, 1, 1], [], []>, transpose_lhs_hint = false} : vector<128x515xf32>, vector<515x256xf32>, vector<128x256xf32> -> vector<128x256xf32>
    %add3A = vector.broadcast %get3A_7 : vector<1x256xf32> to vector<128x256xf32>
    %add3A_15 = arith.addf %dot_general3A_14, %add3A : vector<128x256xf32>
    %mul3A = vector.broadcast %get3A_10 : vector<1x256xf32> to vector<128x256xf32>
    %mul3A_16 = arith.mulf %add3A_15, %mul3A : vector<128x256xf32>
    %div3A = arith.constant 1.00000501 : f32
    %div3A_17 = vector.broadcast %div3A : f32 to vector<128x256xf32>
    %div3A_18 = arith.divf %mul3A_16, %div3A_17 : vector<128x256xf32>
    %add3A_19 = vector.broadcast %get3A_13 : vector<1x256xf32> to vector<128x256xf32>
    %add3A_20 = arith.addf %div3A_18, %add3A_19 : vector<128x256xf32>
    %max3A = arith.constant 0.000000e+00 : f32
    %max3A_21 = vector.broadcast %max3A : f32 to vector<128x256xf32>
    %max3A_22 = arith.maximumf %add3A_20, %max3A_21 : vector<128x256xf32>
    %get3A_23 = arith.constant 0 : index
    %get3A_24 = arith.constant 0 : index
    %get3A_25 = vector.load %arg6[%get3A_23, %get3A_24] : memref<256x512xf32, #tpu.memory_space<vmem>>, vector<256x512xf32>
    %get3A_26 = arith.constant 0 : index
    %get3A_27 = arith.constant 0 : index
    %get3A_28 = vector.load %arg7[%get3A_26, %get3A_27] : memref<1x512xf32, #tpu.memory_space<vmem>>, vector<1x512xf32>
    %get3A_29 = arith.constant 0 : index
    %get3A_30 = arith.constant 0 : index
    %get3A_31 = vector.load %arg8[%get3A_29, %get3A_30] : memref<1x512xf32, #tpu.memory_space<vmem>>, vector<1x512xf32>
    %get3A_32 = arith.constant 0 : index
    %get3A_33 = arith.constant 0 : index
    %get3A_34 = vector.load %arg9[%get3A_32, %get3A_33] : memref<1x512xf32, #tpu.memory_space<vmem>>, vector<1x512xf32>
    %dot_general3A_35 = arith.constant dense<0.000000e+00> : vector<128x512xf32>
    %dot_general3A_36 = tpu.matmul %max3A_22, %get3A_25, %dot_general3A_35 {dimension_numbers = #tpu.dot_dimension_numbers<[1], [0], [0], [1], [0, 0, 1, 1], [], []>, transpose_lhs_hint = false} : vector<128x256xf32>, vector<256x512xf32>, vector<128x512xf32> -> vector<128x512xf32>
    %add3A_37 = vector.broadcast %get3A_28 : vector<1x512xf32> to vector<128x512xf32>
    %add3A_38 = arith.addf %dot_general3A_36, %add3A_37 : vector<128x512xf32>
    %mul3A_39 = vector.broadcast %get3A_31 : vector<1x512xf32> to vector<128x512xf32>
    %mul3A_40 = arith.mulf %add3A_38, %mul3A_39 : vector<128x512xf32>
    %div3A_41 = arith.constant 1.00000501 : f32
    %div3A_42 = vector.broadcast %div3A_41 : f32 to vector<128x512xf32>
    %div3A_43 = arith.divf %mul3A_40, %div3A_42 : vector<128x512xf32>
    %add3A_44 = vector.broadcast %get3A_34 : vector<1x512xf32> to vector<128x512xf32>
    %add3A_45 = arith.addf %div3A_43, %add3A_44 : vector<128x512xf32>
    %max3A_46 = arith.constant 0.000000e+00 : f32
    %max3A_47 = vector.broadcast %max3A_46 : f32 to vector<128x512xf32>
    %max3A_48 = arith.maximumf %add3A_45, %max3A_47 : vector<128x512xf32>
    %get3A_49 = arith.constant 0 : index
    %get3A_50 = arith.constant 0 : index
    %get3A_51 = vector.load %arg10[%get3A_49, %get3A_50] : memref<512x1024xf32, #tpu.memory_space<vmem>>, vector<512x1024xf32>
    %get3A_52 = arith.constant 0 : index
    %get3A_53 = arith.constant 0 : index
    %get3A_54 = vector.load %arg11[%get3A_52, %get3A_53] : memref<1x1024xf32, #tpu.memory_space<vmem>>, vector<1x1024xf32>
    %get3A_55 = arith.constant 0 : index
    %get3A_56 = arith.constant 0 : index
    %get3A_57 = vector.load %arg12[%get3A_55, %get3A_56] : memref<1x1024xf32, #tpu.memory_space<vmem>>, vector<1x1024xf32>
    %get3A_58 = arith.constant 0 : index
    %get3A_59 = arith.constant 0 : index
    %get3A_60 = vector.load %arg13[%get3A_58, %get3A_59] : memref<1x1024xf32, #tpu.memory_space<vmem>>, vector<1x1024xf32>
    %dot_general3A_61 = arith.constant dense<0.000000e+00> : vector<128x1024xf32>
    %dot_general3A_62 = tpu.matmul %max3A_48, %get3A_51, %dot_general3A_61 {dimension_numbers = #tpu.dot_dimension_numbers<[1], [0], [0], [1], [0, 0, 1, 1], [], []>, transpose_lhs_hint = false} : vector<128x512xf32>, vector<512x1024xf32>, vector<128x1024xf32> -> vector<128x1024xf32>
    %add3A_63 = vector.broadcast %get3A_54 : vector<1x1024xf32> to vector<128x1024xf32>
    %add3A_64 = arith.addf %dot_general3A_62, %add3A_63 : vector<128x1024xf32>
    %mul3A_65 = vector.broadcast %get3A_57 : vector<1x1024xf32> to vector<128x1024xf32>
    %mul3A_66 = arith.mulf %add3A_64, %mul3A_65 : vector<128x1024xf32>
    %div3A_67 = arith.constant 1.00000501 : f32
    %div3A_68 = vector.broadcast %div3A_67 : f32 to vector<128x1024xf32>
    %div3A_69 = arith.divf %mul3A_66, %div3A_68 : vector<128x1024xf32>
    %add3A_70 = vector.broadcast %get3A_60 : vector<1x1024xf32> to vector<128x1024xf32>
    %add3A_71 = arith.addf %div3A_69, %add3A_70 : vector<128x1024xf32>
    %max3A_72 = arith.constant 0.000000e+00 : f32
    %max3A_73 = vector.broadcast %max3A_72 : f32 to vector<128x1024xf32>
    %max3A_74 = arith.maximumf %add3A_71, %max3A_73 : vector<128x1024xf32>
    %reshape3A = vector.shape_cast %max3A_74 : vector<128x1024xf32> to vector<1x128x1024xf32>
    %reduce_max3A = arith.constant dense<0xFF800000> : vector<1x1024xf32>
    %reduce_max3A_75 = vector.multi_reduction <maximumf>, %reshape3A, %reduce_max3A [1] : vector<1x128x1024xf32> to vector<1x1024xf32>
    %reshape3A_76 = vector.shape_cast %reduce_max3A_75 : vector<1x1024xf32> to vector<1x1x1024xf32>
    %swap3A = arith.constant 0 : index
    %swap3A_77 = arith.constant 0 : index
    %swap3A_78 = arith.constant 0 : index
    %swap3A_79 = vector.load %arg14[%swap3A, %swap3A_77, %swap3A_78] : memref<1x1x1024xf32, #tpu.memory_space<vmem>>, vector<1x1x1024xf32>
    tpu.vector_store %arg14[%swap3A, %swap3A_77, %swap3A_78], %reshape3A_76 {strides = array<i32>} : memref<1x1x1024xf32, #tpu.memory_space<vmem>>, vector<1x1x1024xf32>,
    return
  }
  func.func @transform_0(%arg0: i32) -> (i32, i32) {
    %c0_i32 = arith.constant 0 : i32
    %c0_i32_0 = arith.constant 0 : i32
    return %arg0, %c0_i32 : i32, i32
  }
  func.func @transform_1(%arg0: i32) -> (i32, i32) {
    %c0_i32 = arith.constant 0 : i32
    %c0_i32_0 = arith.constant 0 : i32
    %c0_i32_1 = arith.constant 0 : i32
    return %c0_i32, %c0_i32_0 : i32, i32
  }
  func.func @transform_2(%arg0: i32) -> (i32, i32) {
    %c0_i32 = arith.constant 0 : i32
    %c0_i32_0 = arith.constant 0 : i32
    %c0_i32_1 = arith.constant 0 : i32
    return %c0_i32, %c0_i32_0 : i32, i32
  }
  func.func @transform_3(%arg0: i32) -> (i32, i32) {
    %c0_i32 = arith.constant 0 : i32
    %c0_i32_0 = arith.constant 0 : i32
    %c0_i32_1 = arith.constant 0 : i32
    return %c0_i32, %c0_i32_0 : i32, i32
  }
  func.func @transform_4(%arg0: i32) -> (i32, i32) {
    %c0_i32 = arith.constant 0 : i32
    %c0_i32_0 = arith.constant 0 : i32
    %c0_i32_1 = arith.constant 0 : i32
    return %c0_i32, %c0_i32_0 : i32, i32
  }
  func.func @transform_5(%arg0: i32) -> (i32, i32) {
    %c0_i32 = arith.constant 0 : i32
    %c0_i32_0 = arith.constant 0 : i32
    %c0_i32_1 = arith.constant 0 : i32
    return %c0_i32, %c0_i32_0 : i32, i32
  }
  func.func @transform_6(%arg0: i32) -> (i32, i32) {
    %c0_i32 = arith.constant 0 : i32
    %c0_i32_0 = arith.constant 0 : i32
    %c0_i32_1 = arith.constant 0 : i32
    return %c0_i32, %c0_i32_0 : i32, i32
  }
  func.func @transform_7(%arg0: i32) -> (i32, i32) {
    %c0_i32 = arith.constant 0 : i32
    %c0_i32_0 = arith.constant 0 : i32
    %c0_i32_1 = arith.constant 0 : i32
    return %c0_i32, %c0_i32_0 : i32, i32
  }
  func.func @transform_8(%arg0: i32) -> (i32, i32) {
    %c0_i32 = arith.constant 0 : i32
    %c0_i32_0 = arith.constant 0 : i32
    %c0_i32_1 = arith.constant 0 : i32
    return %c0_i32, %c0_i32_0 : i32, i32
  }
  func.func @transform_9(%arg0: i32) -> (i32, i32) {
    %c0_i32 = arith.constant 0 : i32
    %c0_i32_0 = arith.constant 0 : i32
    %c0_i32_1 = arith.constant 0 : i32
    return %c0_i32, %c0_i32_0 : i32, i32
  }
  func.func @transform_10(%arg0: i32) -> (i32, i32) {
    %c0_i32 = arith.constant 0 : i32
    %c0_i32_0 = arith.constant 0 : i32
    %c0_i32_1 = arith.constant 0 : i32
    return %c0_i32, %c0_i32_0 : i32, i32
  }
  func.func @transform_11(%arg0: i32) -> (i32, i32) {
    %c0_i32 = arith.constant 0 : i32
    %c0_i32_0 = arith.constant 0 : i32
    %c0_i32_1 = arith.constant 0 : i32
    return %c0_i32, %c0_i32_0 : i32, i32
  }
  func.func @transform_12(%arg0: i32) -> (i32, i32) {
    %c0_i32 = arith.constant 0 : i32
    %c0_i32_0 = arith.constant 0 : i32
    %c0_i32_1 = arith.constant 0 : i32
    return %c0_i32, %c0_i32_0 : i32, i32
  }
  func.func @transform_13(%arg0: i32) -> (i32, i32, i32) {
    %c0_i32 = arith.constant 0 : i32
    %c0_i32_0 = arith.constant 0 : i32
    %c0_i32_1 = arith.constant 0 : i32
    return %arg0, %c0_i32, %c0_i32_0 : i32, i32, i32
  }
}

module attributes {stable_mosaic.version = 14 : i64} {
  func.func @_dense_body(%arg0: i32, %arg1: memref<128x1536xf32, #tpu.memory_space<vmem>>, %arg2: memref<1536x256xf32, #tpu.memory_space<vmem>>, %arg3: memref<1x256xf32, #tpu.memory_space<vmem>>, %arg4: memref<1x256xf32, #tpu.memory_space<vmem>>, %arg5: memref<1x256xf32, #tpu.memory_space<vmem>>, %arg6: memref<256x256xf32, #tpu.memory_space<vmem>>, %arg7: memref<1x256xf32, #tpu.memory_space<vmem>>, %arg8: memref<1x256xf32, #tpu.memory_space<vmem>>, %arg9: memref<1x256xf32, #tpu.memory_space<vmem>>, %arg10: memref<128x256xf32, #tpu.memory_space<vmem>>) attributes {dimension_semantics = [#tpu.dimension_semantics<arbitrary>], iteration_bounds = array<i64: 4>, scalar_prefetch = 0 : i64, scratch_operands = 0 : i64, tpu.core_type = #tpu.core_type<tc>, window_params = [{transform_indices = @transform_0, window_bounds = array<i64: 128, 1536>}, {pipeline_mode = #tpu.pipeline_mode<synchronous>, transform_indices = @transform_1, window_bounds = array<i64: 1536, 256>}, {pipeline_mode = #tpu.pipeline_mode<synchronous>, transform_indices = @transform_2, window_bounds = array<i64: 1, 256>}, {pipeline_mode = #tpu.pipeline_mode<synchronous>, transform_indices = @transform_3, window_bounds = array<i64: 1, 256>}, {pipeline_mode = #tpu.pipeline_mode<synchronous>, transform_indices = @transform_4, window_bounds = array<i64: 1, 256>}, {pipeline_mode = #tpu.pipeline_mode<synchronous>, transform_indices = @transform_5, window_bounds = array<i64: 256, 256>}, {pipeline_mode = #tpu.pipeline_mode<synchronous>, transform_indices = @transform_6, window_bounds = array<i64: 1, 256>}, {pipeline_mode = #tpu.pipeline_mode<synchronous>, transform_indices = @transform_7, window_bounds = array<i64: 1, 256>}, {pipeline_mode = #tpu.pipeline_mode<synchronous>, transform_indices = @transform_8, window_bounds = array<i64: 1, 256>}, {transform_indices = @transform_9, window_bounds = array<i64: 128, 256>}]} {
    %get3A = arith.constant 0 : index
    %get3A_0 = arith.constant 0 : index
    %get3A_1 = vector.load %arg1[%get3A, %get3A_0] : memref<128x1536xf32, #tpu.memory_space<vmem>>, vector<128x1536xf32>
    %get3A_2 = arith.constant 0 : index
    %get3A_3 = arith.constant 0 : index
    %get3A_4 = vector.load %arg2[%get3A_2, %get3A_3] : memref<1536x256xf32, #tpu.memory_space<vmem>>, vector<1536x256xf32>
    %get3A_5 = arith.constant 0 : index
    %get3A_6 = arith.constant 0 : index
    %get3A_7 = vector.load %arg3[%get3A_5, %get3A_6] : memref<1x256xf32, #tpu.memory_space<vmem>>, vector<1x256xf32>
    %get3A_8 = arith.constant 0 : index
    %get3A_9 = arith.constant 0 : index
    %get3A_10 = vector.load %arg4[%get3A_8, %get3A_9] : memref<1x256xf32, #tpu.memory_space<vmem>>, vector<1x256xf32>
    %get3A_11 = arith.constant 0 : index
    %get3A_12 = arith.constant 0 : index
    %get3A_13 = vector.load %arg5[%get3A_11, %get3A_12] : memref<1x256xf32, #tpu.memory_space<vmem>>, vector<1x256xf32>
    %dot_general3A = arith.constant dense<0.000000e+00> : vector<128x256xf32>
    %dot_general3A_14 = tpu.matmul %get3A_1, %get3A_4, %dot_general3A {dimension_numbers = #tpu.dot_dimension_numbers<[1], [0], [0], [1], [0, 0, 1, 1], [], []>, transpose_lhs_hint = false} : vector<128x1536xf32>, vector<1536x256xf32>, vector<128x256xf32> -> vector<128x256xf32>
    %add3A = vector.broadcast %get3A_7 : vector<1x256xf32> to vector<128x256xf32>
    %add3A_15 = arith.addf %dot_general3A_14, %add3A : vector<128x256xf32>
    %mul3A = vector.broadcast %get3A_10 : vector<1x256xf32> to vector<128x256xf32>
    %mul3A_16 = arith.mulf %add3A_15, %mul3A : vector<128x256xf32>
    %div3A = arith.constant 1.00000501 : f32
    %div3A_17 = vector.broadcast %div3A : f32 to vector<128x256xf32>
    %div3A_18 = arith.divf %mul3A_16, %div3A_17 : vector<128x256xf32>
    %add3A_19 = vector.broadcast %get3A_13 : vector<1x256xf32> to vector<128x256xf32>
    %add3A_20 = arith.addf %div3A_18, %add3A_19 : vector<128x256xf32>
    %max3A = arith.constant 0.000000e+00 : f32
    %max3A_21 = vector.broadcast %max3A : f32 to vector<128x256xf32>
    %max3A_22 = arith.maximumf %add3A_20, %max3A_21 : vector<128x256xf32>
    %get3A_23 = arith.constant 0 : index
    %get3A_24 = arith.constant 0 : index
    %get3A_25 = vector.load %arg6[%get3A_23, %get3A_24] : memref<256x256xf32, #tpu.memory_space<vmem>>, vector<256x256xf32>
    %get3A_26 = arith.constant 0 : index
    %get3A_27 = arith.constant 0 : index
    %get3A_28 = vector.load %arg7[%get3A_26, %get3A_27] : memref<1x256xf32, #tpu.memory_space<vmem>>, vector<1x256xf32>
    %get3A_29 = arith.constant 0 : index
    %get3A_30 = arith.constant 0 : index
    %get3A_31 = vector.load %arg8[%get3A_29, %get3A_30] : memref<1x256xf32, #tpu.memory_space<vmem>>, vector<1x256xf32>
    %get3A_32 = arith.constant 0 : index
    %get3A_33 = arith.constant 0 : index
    %get3A_34 = vector.load %arg9[%get3A_32, %get3A_33] : memref<1x256xf32, #tpu.memory_space<vmem>>, vector<1x256xf32>
    %dot_general3A_35 = arith.constant dense<0.000000e+00> : vector<128x256xf32>
    %dot_general3A_36 = tpu.matmul %max3A_22, %get3A_25, %dot_general3A_35 {dimension_numbers = #tpu.dot_dimension_numbers<[1], [0], [0], [1], [0, 0, 1, 1], [], []>, transpose_lhs_hint = false} : vector<128x256xf32>, vector<256x256xf32>, vector<128x256xf32> -> vector<128x256xf32>
    %add3A_37 = vector.broadcast %get3A_28 : vector<1x256xf32> to vector<128x256xf32>
    %add3A_38 = arith.addf %dot_general3A_36, %add3A_37 : vector<128x256xf32>
    %mul3A_39 = vector.broadcast %get3A_31 : vector<1x256xf32> to vector<128x256xf32>
    %mul3A_40 = arith.mulf %add3A_38, %mul3A_39 : vector<128x256xf32>
    %div3A_41 = arith.constant 1.00000501 : f32
    %div3A_42 = vector.broadcast %div3A_41 : f32 to vector<128x256xf32>
    %div3A_43 = arith.divf %mul3A_40, %div3A_42 : vector<128x256xf32>
    %add3A_44 = vector.broadcast %get3A_34 : vector<1x256xf32> to vector<128x256xf32>
    %add3A_45 = arith.addf %div3A_43, %add3A_44 : vector<128x256xf32>
    %max3A_46 = arith.constant 0.000000e+00 : f32
    %max3A_47 = vector.broadcast %max3A_46 : f32 to vector<128x256xf32>
    %max3A_48 = arith.maximumf %add3A_45, %max3A_47 : vector<128x256xf32>
    %swap3A = arith.constant 0 : index
    %swap3A_49 = arith.constant 0 : index
    %swap3A_50 = vector.load %arg10[%swap3A, %swap3A_49] : memref<128x256xf32, #tpu.memory_space<vmem>>, vector<128x256xf32>
    tpu.vector_store %arg10[%swap3A, %swap3A_49], %max3A_48 {strides = array<i32>} : memref<128x256xf32, #tpu.memory_space<vmem>>, vector<128x256xf32>,
    return
  }
  func.func @transform_0(%arg0: i32) -> (i32, i32) {
    %c0_i32 = arith.constant 0 : i32
    %c0_i32_0 = arith.constant 0 : i32
    return %arg0, %c0_i32 : i32, i32
  }
  func.func @transform_1(%arg0: i32) -> (i32, i32) {
    %c0_i32 = arith.constant 0 : i32
    %c0_i32_0 = arith.constant 0 : i32
    %c0_i32_1 = arith.constant 0 : i32
    return %c0_i32, %c0_i32_0 : i32, i32
  }
  func.func @transform_2(%arg0: i32) -> (i32, i32) {
    %c0_i32 = arith.constant 0 : i32
    %c0_i32_0 = arith.constant 0 : i32
    %c0_i32_1 = arith.constant 0 : i32
    return %c0_i32, %c0_i32_0 : i32, i32
  }
  func.func @transform_3(%arg0: i32) -> (i32, i32) {
    %c0_i32 = arith.constant 0 : i32
    %c0_i32_0 = arith.constant 0 : i32
    %c0_i32_1 = arith.constant 0 : i32
    return %c0_i32, %c0_i32_0 : i32, i32
  }
  func.func @transform_4(%arg0: i32) -> (i32, i32) {
    %c0_i32 = arith.constant 0 : i32
    %c0_i32_0 = arith.constant 0 : i32
    %c0_i32_1 = arith.constant 0 : i32
    return %c0_i32, %c0_i32_0 : i32, i32
  }
  func.func @transform_5(%arg0: i32) -> (i32, i32) {
    %c0_i32 = arith.constant 0 : i32
    %c0_i32_0 = arith.constant 0 : i32
    %c0_i32_1 = arith.constant 0 : i32
    return %c0_i32, %c0_i32_0 : i32, i32
  }
  func.func @transform_6(%arg0: i32) -> (i32, i32) {
    %c0_i32 = arith.constant 0 : i32
    %c0_i32_0 = arith.constant 0 : i32
    %c0_i32_1 = arith.constant 0 : i32
    return %c0_i32, %c0_i32_0 : i32, i32
  }
  func.func @transform_7(%arg0: i32) -> (i32, i32) {
    %c0_i32 = arith.constant 0 : i32
    %c0_i32_0 = arith.constant 0 : i32
    %c0_i32_1 = arith.constant 0 : i32
    return %c0_i32, %c0_i32_0 : i32, i32
  }
  func.func @transform_8(%arg0: i32) -> (i32, i32) {
    %c0_i32 = arith.constant 0 : i32
    %c0_i32_0 = arith.constant 0 : i32
    %c0_i32_1 = arith.constant 0 : i32
    return %c0_i32, %c0_i32_0 : i32, i32
  }
  func.func @transform_9(%arg0: i32) -> (i32, i32) {
    %c0_i32 = arith.constant 0 : i32
    %c0_i32_0 = arith.constant 0 : i32
    return %arg0, %c0_i32 : i32, i32
  }
}

module attributes {stable_mosaic.version = 14 : i64} {
  func.func @_fp_body(%arg0: i32, %arg1: i32, %arg2: memref<1x512x3xf32, #tpu.memory_space<vmem>>, %arg3: memref<1x3x128xf32, #tpu.memory_space<vmem>>, %arg4: memref<1x512x320xf32, #tpu.memory_space<vmem>>, %arg5: memref<1x128x256xf32, #tpu.memory_space<vmem>>, %arg6: memref<576x256xf32, #tpu.memory_space<vmem>>, %arg7: memref<1x256xf32, #tpu.memory_space<vmem>>, %arg8: memref<1x256xf32, #tpu.memory_space<vmem>>, %arg9: memref<1x256xf32, #tpu.memory_space<vmem>>, %arg10: memref<256x128xf32, #tpu.memory_space<vmem>>, %arg11: memref<1x128xf32, #tpu.memory_space<vmem>>, %arg12: memref<1x128xf32, #tpu.memory_space<vmem>>, %arg13: memref<1x128xf32, #tpu.memory_space<vmem>>, %arg14: memref<1x512x128xf32, #tpu.memory_space<vmem>>) attributes {dimension_semantics = [#tpu.dimension_semantics<arbitrary>, #tpu.dimension_semantics<arbitrary>], iteration_bounds = array<i64: 4, 1>, scalar_prefetch = 0 : i64, scratch_operands = 0 : i64, tpu.core_type = #tpu.core_type<tc>, window_params = [{transform_indices = @transform_0, window_bounds = array<i64: 1, 512, 3>}, {transform_indices = @transform_1, window_bounds = array<i64: 1, 3, 128>}, {transform_indices = @transform_2, window_bounds = array<i64: 1, 512, 320>}, {transform_indices = @transform_3, window_bounds = array<i64: 1, 128, 256>}, {pipeline_mode = #tpu.pipeline_mode<synchronous>, transform_indices = @transform_4, window_bounds = array<i64: 576, 256>}, {pipeline_mode = #tpu.pipeline_mode<synchronous>, transform_indices = @transform_5, window_bounds = array<i64: 1, 256>}, {pipeline_mode = #tpu.pipeline_mode<synchronous>, transform_indices = @transform_6, window_bounds = array<i64: 1, 256>}, {pipeline_mode = #tpu.pipeline_mode<synchronous>, transform_indices = @transform_7, window_bounds = array<i64: 1, 256>}, {pipeline_mode = #tpu.pipeline_mode<synchronous>, transform_indices = @transform_8, window_bounds = array<i64: 256, 128>}, {pipeline_mode = #tpu.pipeline_mode<synchronous>, transform_indices = @transform_9, window_bounds = array<i64: 1, 128>}, {pipeline_mode = #tpu.pipeline_mode<synchronous>, transform_indices = @transform_10, window_bounds = array<i64: 1, 128>}, {pipeline_mode = #tpu.pipeline_mode<synchronous>, transform_indices = @transform_11, window_bounds = array<i64: 1, 128>}, {transform_indices = @transform_12, window_bounds = array<i64: 1, 512, 128>}]} {
    %get3A = arith.constant 0 : index
    %get3A_0 = arith.constant 0 : index
    %get3A_1 = arith.constant 0 : index
    %get3A_2 = vector.load %arg2[%get3A, %get3A_0, %get3A_1] : memref<1x512x3xf32, #tpu.memory_space<vmem>>, vector<1x512x3xf32>
    %get3A_3 = vector.shape_cast %get3A_2 : vector<1x512x3xf32> to vector<512x3xf32>
    %get3A_4 = arith.constant 0 : index
    %get3A_5 = arith.constant 0 : index
    %get3A_6 = arith.constant 0 : index
    %get3A_7 = vector.load %arg3[%get3A_4, %get3A_5, %get3A_6] : memref<1x3x128xf32, #tpu.memory_space<vmem>>, vector<1x3x128xf32>
    %get3A_8 = vector.shape_cast %get3A_7 : vector<1x3x128xf32> to vector<3x128xf32>
    %mul3A = arith.mulf %get3A_3, %get3A_3 : vector<512x3xf32>
    %reduce_sum3A = arith.constant dense<0.000000e+00> : vector<512xf32>
    %reduce_sum3A_9 = vector.multi_reduction <add>, %mul3A, %reduce_sum3A [1] : vector<512x3xf32> to vector<512xf32>
    %broadcast_in_dim3A = vector.shape_cast %reduce_sum3A_9 : vector<512xf32> to vector<512x1xf32>
    %mul3A_10 = arith.mulf %get3A_8, %get3A_8 : vector<3x128xf32>
    %reduce_sum3A_11 = arith.constant dense<0.000000e+00> : vector<128xf32>
    %reduce_sum3A_12 = vector.multi_reduction <add>, %mul3A_10, %reduce_sum3A_11 [0] : vector<3x128xf32> to vector<128xf32>
    %broadcast_in_dim3A_13 = vector.shape_cast %reduce_sum3A_12 : vector<128xf32> to vector<1x128xf32>
    %dot_general3A = arith.constant dense<0.000000e+00> : vector<512x128xf32>
    %dot_general3A_14 = tpu.matmul %get3A_3, %get3A_8, %dot_general3A {dimension_numbers = #tpu.dot_dimension_numbers<[1], [0], [0], [1], [0, 0, 1, 1], [], []>, transpose_lhs_hint = false} : vector<512x3xf32>, vector<3x128xf32>, vector<512x128xf32> -> vector<512x128xf32>
    %mul3A_15 = arith.constant -2.000000e+00 : f32
    %mul3A_16 = vector.broadcast %mul3A_15 : f32 to vector<512x128xf32>
    %mul3A_17 = arith.mulf %mul3A_16, %dot_general3A_14 : vector<512x128xf32>
    %add3A = vector.broadcast %broadcast_in_dim3A : vector<512x1xf32> to vector<512x128xf32>
    %add3A_18 = arith.addf %mul3A_17, %add3A : vector<512x128xf32>
    %add3A_19 = vector.broadcast %broadcast_in_dim3A_13 : vector<1x128xf32> to vector<512x128xf32>
    %add3A_20 = arith.addf %add3A_18, %add3A_19 : vector<512x128xf32>
    %iota3A = tpu.iota {dimensions = array<i32: 1>} : vector<512x128xi32>
    %reduce_min3A = arith.constant dense<0x7F800000> : vector<512xf32>
    %reduce_min3A_21 = vector.multi_reduction <minimumf>, %add3A_20, %reduce_min3A [1] : vector<512x128xf32> to vector<512xf32>
    %broadcast_in_dim3A_22 = vector.shape_cast %reduce_min3A_21 : vector<512xf32> to vector<512x1xf32>
    %eq3A = vector.broadcast %broadcast_in_dim3A_22 : vector<512x1xf32> to vector<512x128xf32>
    %eq3A_23 = arith.cmpf oeq, %add3A_20, %eq3A : vector<512x128xf32>
    %jit3A = arith.constant 128 : i32
    %broadcast_in_dim3A_24 = vector.broadcast %jit3A : i32 to vector<512x128xi32>
    %select_n3A = arith.select %eq3A_23, %iota3A, %broadcast_in_dim3A_24 : vector<512x128xi1>, vector<512x128xi32>
    %reduce_min3A_25 = arith.constant dense<2147483647> : vector<512xi32>
    %reduce_min3A_26 = vector.multi_reduction <minsi>, %select_n3A, %reduce_min3A_25 [1] : vector<512x128xi32> to vector<512xi32>
    %broadcast_in_dim3A_27 = vector.shape_cast %reduce_min3A_26 : vector<512xi32> to vector<512x1xi32>
    %eq3A_28 = vector.broadcast %broadcast_in_dim3A_27 : vector<512x1xi32> to vector<512x128xi32>
    %eq3A_29 = arith.cmpi eq, %iota3A, %eq3A_28 : vector<512x128xi32>
    %add3A_30 = arith.constant 9.99999993E-9 : f32
    %add3A_31 = vector.broadcast %add3A_30 : f32 to vector<512x1xf32>
    %add3A_32 = arith.addf %broadcast_in_dim3A_22, %add3A_31 : vector<512x1xf32>
    %div3A = arith.constant 1.000000e+00 : f32
    %div3A_33 = vector.broadcast %div3A : f32 to vector<512x1xf32>
    %div3A_34 = arith.divf %div3A_33, %add3A_32 : vector<512x1xf32>
    %jit3A_35 = arith.constant 0x7F800000 : f32
    %broadcast_in_dim3A_36 = vector.broadcast %jit3A_35 : f32 to vector<512x128xf32>
    %select_n3A_37 = arith.select %eq3A_29, %broadcast_in_dim3A_36, %add3A_20 : vector<512x128xi1>, vector<512x128xf32>
    %reduce_min3A_38 = arith.constant dense<0x7F800000> : vector<512xf32>
    %reduce_min3A_39 = vector.multi_reduction <minimumf>, %select_n3A_37, %reduce_min3A_38 [1] : vector<512x128xf32> to vector<512xf32>
    %broadcast_in_dim3A_40 = vector.shape_cast %reduce_min3A_39 : vector<512xf32> to vector<512x1xf32>
    %eq3A_41 = vector.broadcast %broadcast_in_dim3A_40 : vector<512x1xf32> to vector<512x128xf32>
    %eq3A_42 = arith.cmpf oeq, %select_n3A_37, %eq3A_41 : vector<512x128xf32>
    %jit3A_43 = arith.constant 128 : i32
    %broadcast_in_dim3A_44 = vector.broadcast %jit3A_43 : i32 to vector<512x128xi32>
    %select_n3A_45 = arith.select %eq3A_42, %iota3A, %broadcast_in_dim3A_44 : vector<512x128xi1>, vector<512x128xi32>
    %reduce_min3A_46 = arith.constant dense<2147483647> : vector<512xi32>
    %reduce_min3A_47 = vector.multi_reduction <minsi>, %select_n3A_45, %reduce_min3A_46 [1] : vector<512x128xi32> to vector<512xi32>
    %broadcast_in_dim3A_48 = vector.shape_cast %reduce_min3A_47 : vector<512xi32> to vector<512x1xi32>
    %eq3A_49 = vector.broadcast %broadcast_in_dim3A_48 : vector<512x1xi32> to vector<512x128xi32>
    %eq3A_50 = arith.cmpi eq, %iota3A, %eq3A_49 : vector<512x128xi32>
    %add3A_51 = arith.constant 9.99999993E-9 : f32
    %add3A_52 = vector.broadcast %add3A_51 : f32 to vector<512x1xf32>
    %add3A_53 = arith.addf %broadcast_in_dim3A_40, %add3A_52 : vector<512x1xf32>
    %div3A_54 = arith.constant 1.000000e+00 : f32
    %div3A_55 = vector.broadcast %div3A_54 : f32 to vector<512x1xf32>
    %div3A_56 = arith.divf %div3A_55, %add3A_53 : vector<512x1xf32>
    %jit3A_57 = arith.constant 0x7F800000 : f32
    %broadcast_in_dim3A_58 = vector.broadcast %jit3A_57 : f32 to vector<512x128xf32>
    %select_n3A_59 = arith.select %eq3A_50, %broadcast_in_dim3A_58, %select_n3A_37 : vector<512x128xi1>, vector<512x128xf32>
    %reduce_min3A_60 = arith.constant dense<0x7F800000> : vector<512xf32>
    %reduce_min3A_61 = vector.multi_reduction <minimumf>, %select_n3A_59, %reduce_min3A_60 [1] : vector<512x128xf32> to vector<512xf32>
    %broadcast_in_dim3A_62 = vector.shape_cast %reduce_min3A_61 : vector<512xf32> to vector<512x1xf32>
    %eq3A_63 = vector.broadcast %broadcast_in_dim3A_62 : vector<512x1xf32> to vector<512x128xf32>
    %eq3A_64 = arith.cmpf oeq, %select_n3A_59, %eq3A_63 : vector<512x128xf32>
    %jit3A_65 = arith.constant 128 : i32
    %broadcast_in_dim3A_66 = vector.broadcast %jit3A_65 : i32 to vector<512x128xi32>
    %select_n3A_67 = arith.select %eq3A_64, %iota3A, %broadcast_in_dim3A_66 : vector<512x128xi1>, vector<512x128xi32>
    %reduce_min3A_68 = arith.constant dense<2147483647> : vector<512xi32>
    %reduce_min3A_69 = vector.multi_reduction <minsi>, %select_n3A_67, %reduce_min3A_68 [1] : vector<512x128xi32> to vector<512xi32>
    %broadcast_in_dim3A_70 = vector.shape_cast %reduce_min3A_69 : vector<512xi32> to vector<512x1xi32>
    %eq3A_71 = vector.broadcast %broadcast_in_dim3A_70 : vector<512x1xi32> to vector<512x128xi32>
    %eq3A_72 = arith.cmpi eq, %iota3A, %eq3A_71 : vector<512x128xi32>
    %add3A_73 = arith.constant 9.99999993E-9 : f32
    %add3A_74 = vector.broadcast %add3A_73 : f32 to vector<512x1xf32>
    %add3A_75 = arith.addf %broadcast_in_dim3A_62, %add3A_74 : vector<512x1xf32>
    %div3A_76 = arith.constant 1.000000e+00 : f32
    %div3A_77 = vector.broadcast %div3A_76 : f32 to vector<512x1xf32>
    %div3A_78 = arith.divf %div3A_77, %add3A_75 : vector<512x1xf32>
    %add3A_79 = arith.addf %div3A_34, %div3A_56 : vector<512x1xf32>
    %add3A_80 = arith.addf %add3A_79, %div3A_78 : vector<512x1xf32>
    %broadcast_in_dim3A_81 = arith.constant 0.000000e+00 : f32
    %broadcast_in_dim3A_82 = vector.broadcast %broadcast_in_dim3A_81 : f32 to vector<512x128xf32>
    %div3A_83 = arith.divf %div3A_34, %add3A_80 : vector<512x1xf32>
    %jit3A_84 = arith.constant 0.000000e+00 : f32
    %broadcast_in_dim3A_85 = vector.shape_cast %div3A_83 : vector<512x1xf32> to vector<512x1xf32>
    %broadcast_in_dim3A_86 = vector.broadcast %broadcast_in_dim3A_85 : vector<512x1xf32> to vector<512x128xf32>
    %broadcast_in_dim3A_87 = vector.broadcast %jit3A_84 : f32 to vector<512x128xf32>
    %select_n3A_88 = arith.select %eq3A_29, %broadcast_in_dim3A_86, %broadcast_in_dim3A_87 : vector<512x128xi1>, vector<512x128xf32>
    %add3A_89 = arith.addf %broadcast_in_dim3A_82, %select_n3A_88 : vector<512x128xf32>
    %div3A_90 = arith.divf %div3A_56, %add3A_80 : vector<512x1xf32>
    %jit3A_91 = arith.constant 0.000000e+00 : f32
    %broadcast_in_dim3A_92 = vector.shape_cast %div3A_90 : vector<512x1xf32> to vector<512x1xf32>
    %broadcast_in_dim3A_93 = vector.broadcast %broadcast_in_dim3A_92 : vector<512x1xf32> to vector<512x128xf32>
    %broadcast_in_dim3A_94 = vector.broadcast %jit3A_91 : f32 to vector<512x128xf32>
    %select_n3A_95 = arith.select %eq3A_50, %broadcast_in_dim3A_93, %broadcast_in_dim3A_94 : vector<512x128xi1>, vector<512x128xf32>
    %add3A_96 = arith.addf %add3A_89, %select_n3A_95 : vector<512x128xf32>
    %div3A_97 = arith.divf %div3A_78, %add3A_80 : vector<512x1xf32>
    %jit3A_98 = arith.constant 0.000000e+00 : f32
    %broadcast_in_dim3A_99 = vector.shape_cast %div3A_97 : vector<512x1xf32> to vector<512x1xf32>
    %broadcast_in_dim3A_100 = vector.broadcast %broadcast_in_dim3A_99 : vector<512x1xf32> to vector<512x128xf32>
    %broadcast_in_dim3A_101 = vector.broadcast %jit3A_98 : f32 to vector<512x128xf32>
    %select_n3A_102 = arith.select %eq3A_72, %broadcast_in_dim3A_100, %broadcast_in_dim3A_101 : vector<512x128xi1>, vector<512x128xf32>
    %add3A_103 = arith.addf %add3A_96, %select_n3A_102 : vector<512x128xf32>
    %get3A_104 = arith.constant 0 : index
    %get3A_105 = arith.constant 0 : index
    %get3A_106 = arith.constant 0 : index
    %get3A_107 = vector.load %arg5[%get3A_104, %get3A_105, %get3A_106] : memref<1x128x256xf32, #tpu.memory_space<vmem>>, vector<1x128x256xf32>
    %get3A_108 = vector.shape_cast %get3A_107 : vector<1x128x256xf32> to vector<128x256xf32>
    %dot_general3A_109 = arith.constant dense<0.000000e+00> : vector<512x256xf32>
    %dot_general3A_110 = tpu.matmul %add3A_103, %get3A_108, %dot_general3A_109 {dimension_numbers = #tpu.dot_dimension_numbers<[1], [0], [0], [1], [0, 0, 1, 1], [], []>, precision = #tpu.contract_precision<fp32>, transpose_lhs_hint = false} : vector<512x128xf32>, vector<128x256xf32>, vector<512x256xf32> -> vector<512x256xf32>
    %get3A_111 = arith.constant 0 : index
    %get3A_112 = arith.constant 0 : index
    %get3A_113 = arith.constant 0 : index
    %get3A_114 = vector.load %arg4[%get3A_111, %get3A_112, %get3A_113] : memref<1x512x320xf32, #tpu.memory_space<vmem>>, vector<1x512x320xf32>
    %get3A_115 = vector.shape_cast %get3A_114 : vector<1x512x320xf32> to vector<512x320xf32>
    %concatenate3A = tpu.concatenate %get3A_115, %dot_general3A_110 in 1 : vector<512x320xf32>, vector<512x256xf32> -> vector<512x576xf32>
    %get3A_116 = arith.constant 0 : index
    %get3A_117 = arith.constant 0 : index
    %get3A_118 = vector.load %arg6[%get3A_116, %get3A_117] : memref<576x256xf32, #tpu.memory_space<vmem>>, vector<576x256xf32>
    %get3A_119 = arith.constant 0 : index
    %get3A_120 = arith.constant 0 : index
    %get3A_121 = vector.load %arg7[%get3A_119, %get3A_120] : memref<1x256xf32, #tpu.memory_space<vmem>>, vector<1x256xf32>
    %get3A_122 = arith.constant 0 : index
    %get3A_123 = arith.constant 0 : index
    %get3A_124 = vector.load %arg8[%get3A_122, %get3A_123] : memref<1x256xf32, #tpu.memory_space<vmem>>, vector<1x256xf32>
    %get3A_125 = arith.constant 0 : index
    %get3A_126 = arith.constant 0 : index
    %get3A_127 = vector.load %arg9[%get3A_125, %get3A_126] : memref<1x256xf32, #tpu.memory_space<vmem>>, vector<1x256xf32>
    %dot_general3A_128 = arith.constant dense<0.000000e+00> : vector<512x256xf32>
    %dot_general3A_129 = tpu.matmul %concatenate3A, %get3A_118, %dot_general3A_128 {dimension_numbers = #tpu.dot_dimension_numbers<[1], [0], [0], [1], [0, 0, 1, 1], [], []>, transpose_lhs_hint = false} : vector<512x576xf32>, vector<576x256xf32>, vector<512x256xf32> -> vector<512x256xf32>
    %add3A_130 = vector.broadcast %get3A_121 : vector<1x256xf32> to vector<512x256xf32>
    %add3A_131 = arith.addf %dot_general3A_129, %add3A_130 : vector<512x256xf32>
    %mul3A_132 = vector.broadcast %get3A_124 : vector<1x256xf32> to vector<512x256xf32>
    %mul3A_133 = arith.mulf %add3A_131, %mul3A_132 : vector<512x256xf32>
    %div3A_134 = arith.constant 1.00000501 : f32
    %div3A_135 = vector.broadcast %div3A_134 : f32 to vector<512x256xf32>
    %div3A_136 = arith.divf %mul3A_133, %div3A_135 : vector<512x256xf32>
    %add3A_137 = vector.broadcast %get3A_127 : vector<1x256xf32> to vector<512x256xf32>
    %add3A_138 = arith.addf %div3A_136, %add3A_137 : vector<512x256xf32>
    %max3A = arith.constant 0.000000e+00 : f32
    %max3A_139 = vector.broadcast %max3A : f32 to vector<512x256xf32>
    %max3A_140 = arith.maximumf %add3A_138, %max3A_139 : vector<512x256xf32>
    %get3A_141 = arith.constant 0 : index
    %get3A_142 = arith.constant 0 : index
    %get3A_143 = vector.load %arg10[%get3A_141, %get3A_142] : memref<256x128xf32, #tpu.memory_space<vmem>>, vector<256x128xf32>
    %get3A_144 = arith.constant 0 : index
    %get3A_145 = arith.constant 0 : index
    %get3A_146 = vector.load %arg11[%get3A_144, %get3A_145] : memref<1x128xf32, #tpu.memory_space<vmem>>, vector<1x128xf32>
    %get3A_147 = arith.constant 0 : index
    %get3A_148 = arith.constant 0 : index
    %get3A_149 = vector.load %arg12[%get3A_147, %get3A_148] : memref<1x128xf32, #tpu.memory_space<vmem>>, vector<1x128xf32>
    %get3A_150 = arith.constant 0 : index
    %get3A_151 = arith.constant 0 : index
    %get3A_152 = vector.load %arg13[%get3A_150, %get3A_151] : memref<1x128xf32, #tpu.memory_space<vmem>>, vector<1x128xf32>
    %dot_general3A_153 = arith.constant dense<0.000000e+00> : vector<512x128xf32>
    %dot_general3A_154 = tpu.matmul %max3A_140, %get3A_143, %dot_general3A_153 {dimension_numbers = #tpu.dot_dimension_numbers<[1], [0], [0], [1], [0, 0, 1, 1], [], []>, transpose_lhs_hint = false} : vector<512x256xf32>, vector<256x128xf32>, vector<512x128xf32> -> vector<512x128xf32>
    %add3A_155 = vector.broadcast %get3A_146 : vector<1x128xf32> to vector<512x128xf32>
    %add3A_156 = arith.addf %dot_general3A_154, %add3A_155 : vector<512x128xf32>
    %mul3A_157 = vector.broadcast %get3A_149 : vector<1x128xf32> to vector<512x128xf32>
    %mul3A_158 = arith.mulf %add3A_156, %mul3A_157 : vector<512x128xf32>
    %div3A_159 = arith.constant 1.00000501 : f32
    %div3A_160 = vector.broadcast %div3A_159 : f32 to vector<512x128xf32>
    %div3A_161 = arith.divf %mul3A_158, %div3A_160 : vector<512x128xf32>
    %add3A_162 = vector.broadcast %get3A_152 : vector<1x128xf32> to vector<512x128xf32>
    %add3A_163 = arith.addf %div3A_161, %add3A_162 : vector<512x128xf32>
    %max3A_164 = arith.constant 0.000000e+00 : f32
    %max3A_165 = vector.broadcast %max3A_164 : f32 to vector<512x128xf32>
    %max3A_166 = arith.maximumf %add3A_163, %max3A_165 : vector<512x128xf32>
    %swap3A = arith.constant 0 : index
    %swap3A_167 = arith.constant 0 : index
    %swap3A_168 = arith.constant 0 : index
    %swap3A_169 = vector.load %arg14[%swap3A, %swap3A_167, %swap3A_168] : memref<1x512x128xf32, #tpu.memory_space<vmem>>, vector<1x512x128xf32>
    %swap3A_170 = vector.shape_cast %swap3A_169 : vector<1x512x128xf32> to vector<512x128xf32>
    %swap3A_171 = vector.shape_cast %max3A_166 : vector<512x128xf32> to vector<1x512x128xf32>
    tpu.vector_store %arg14[%swap3A, %swap3A_167, %swap3A_168], %swap3A_171 {strides = array<i32>} : memref<1x512x128xf32, #tpu.memory_space<vmem>>, vector<1x512x128xf32>,
    return
  }
  func.func @transform_0(%arg0: i32, %arg1: i32) -> (i32, i32, i32) {
    %c0_i32 = arith.constant 0 : i32
    %c0_i32_0 = arith.constant 0 : i32
    return %arg0, %arg1, %c0_i32 : i32, i32, i32
  }
  func.func @transform_1(%arg0: i32, %arg1: i32) -> (i32, i32, i32) {
    %c0_i32 = arith.constant 0 : i32
    %c0_i32_0 = arith.constant 0 : i32
    %c0_i32_1 = arith.constant 0 : i32
    return %arg0, %c0_i32, %c0_i32_0 : i32, i32, i32
  }
  func.func @transform_2(%arg0: i32, %arg1: i32) -> (i32, i32, i32) {
    %c0_i32 = arith.constant 0 : i32
    %c0_i32_0 = arith.constant 0 : i32
    return %arg0, %arg1, %c0_i32 : i32, i32, i32
  }
  func.func @transform_3(%arg0: i32, %arg1: i32) -> (i32, i32, i32) {
    %c0_i32 = arith.constant 0 : i32
    %c0_i32_0 = arith.constant 0 : i32
    %c0_i32_1 = arith.constant 0 : i32
    return %arg0, %c0_i32, %c0_i32_0 : i32, i32, i32
  }
  func.func @transform_4(%arg0: i32, %arg1: i32) -> (i32, i32) {
    %c0_i32 = arith.constant 0 : i32
    %c0_i32_0 = arith.constant 0 : i32
    %c0_i32_1 = arith.constant 0 : i32
    return %c0_i32, %c0_i32_0 : i32, i32
  }
  func.func @transform_5(%arg0: i32, %arg1: i32) -> (i32, i32) {
    %c0_i32 = arith.constant 0 : i32
    %c0_i32_0 = arith.constant 0 : i32
    %c0_i32_1 = arith.constant 0 : i32
    return %c0_i32, %c0_i32_0 : i32, i32
  }
  func.func @transform_6(%arg0: i32, %arg1: i32) -> (i32, i32) {
    %c0_i32 = arith.constant 0 : i32
    %c0_i32_0 = arith.constant 0 : i32
    %c0_i32_1 = arith.constant 0 : i32
    return %c0_i32, %c0_i32_0 : i32, i32
  }
  func.func @transform_7(%arg0: i32, %arg1: i32) -> (i32, i32) {
    %c0_i32 = arith.constant 0 : i32
    %c0_i32_0 = arith.constant 0 : i32
    %c0_i32_1 = arith.constant 0 : i32
    return %c0_i32, %c0_i32_0 : i32, i32
  }
  func.func @transform_8(%arg0: i32, %arg1: i32) -> (i32, i32) {
    %c0_i32 = arith.constant 0 : i32
    %c0_i32_0 = arith.constant 0 : i32
    %c0_i32_1 = arith.constant 0 : i32
    return %c0_i32, %c0_i32_0 : i32, i32
  }
  func.func @transform_9(%arg0: i32, %arg1: i32) -> (i32, i32) {
    %c0_i32 = arith.constant 0 : i32
    %c0_i32_0 = arith.constant 0 : i32
    %c0_i32_1 = arith.constant 0 : i32
    return %c0_i32, %c0_i32_0 : i32, i32
  }
  func.func @transform_10(%arg0: i32, %arg1: i32) -> (i32, i32) {
    %c0_i32 = arith.constant 0 : i32
    %c0_i32_0 = arith.constant 0 : i32
    %c0_i32_1 = arith.constant 0 : i32
    return %c0_i32, %c0_i32_0 : i32, i32
  }
  func.func @transform_11(%arg0: i32, %arg1: i32) -> (i32, i32) {
    %c0_i32 = arith.constant 0 : i32
    %c0_i32_0 = arith.constant 0 : i32
    %c0_i32_1 = arith.constant 0 : i32
    return %c0_i32, %c0_i32_0 : i32, i32
  }
  func.func @transform_12(%arg0: i32, %arg1: i32) -> (i32, i32, i32) {
    %c0_i32 = arith.constant 0 : i32
    %c0_i32_0 = arith.constant 0 : i32
    return %arg0, %arg1, %c0_i32 : i32, i32, i32
  }
}

module attributes {stable_mosaic.version = 14 : i64} {
  func.func @_fp1_head_body(%arg0: i32, %arg1: i32, %arg2: memref<1x1024x3xf32, #tpu.memory_space<vmem>>, %arg3: memref<1x3x512xf32, #tpu.memory_space<vmem>>, %arg4: memref<1x512x128xf32, #tpu.memory_space<vmem>>, %arg5: memref<3x128xf32, #tpu.memory_space<vmem>>, %arg6: memref<3x128xf32, #tpu.memory_space<vmem>>, %arg7: memref<128x128xf32, #tpu.memory_space<vmem>>, %arg8: memref<1x128xf32, #tpu.memory_space<vmem>>, %arg9: memref<1x128xf32, #tpu.memory_space<vmem>>, %arg10: memref<1x128xf32, #tpu.memory_space<vmem>>, %arg11: memref<128x128xf32, #tpu.memory_space<vmem>>, %arg12: memref<1x128xf32, #tpu.memory_space<vmem>>, %arg13: memref<1x128xf32, #tpu.memory_space<vmem>>, %arg14: memref<1x128xf32, #tpu.memory_space<vmem>>, %arg15: memref<128x64xf32, #tpu.memory_space<vmem>>, %arg16: memref<1x64xf32, #tpu.memory_space<vmem>>, %arg17: memref<1x64xf32, #tpu.memory_space<vmem>>, %arg18: memref<1x64xf32, #tpu.memory_space<vmem>>, %arg19: memref<64x50xf32, #tpu.memory_space<vmem>>, %arg20: memref<1x50xf32, #tpu.memory_space<vmem>>, %arg21: memref<1x50xf32, #tpu.memory_space<vmem>>, %arg22: memref<1x50xf32, #tpu.memory_space<vmem>>, %arg23: memref<1x1024x50xf32, #tpu.memory_space<vmem>>) attributes {dimension_semantics = [#tpu.dimension_semantics<arbitrary>, #tpu.dimension_semantics<arbitrary>], iteration_bounds = array<i64: 4, 4>, scalar_prefetch = 0 : i64, scratch_operands = 0 : i64, tpu.core_type = #tpu.core_type<tc>, window_params = [{transform_indices = @transform_0, window_bounds = array<i64: 1, 1024, 3>}, {transform_indices = @transform_1, window_bounds = array<i64: 1, 3, 512>}, {transform_indices = @transform_2, window_bounds = array<i64: 1, 512, 128>}, {pipeline_mode = #tpu.pipeline_mode<synchronous>, transform_indices = @transform_3, window_bounds = array<i64: 3, 128>}, {pipeline_mode = #tpu.pipeline_mode<synchronous>, transform_indices = @transform_4, window_bounds = array<i64: 3, 128>}, {pipeline_mode = #tpu.pipeline_mode<synchronous>, transform_indices = @transform_5, window_bounds = array<i64: 128, 128>}, {pipeline_mode = #tpu.pipeline_mode<synchronous>, transform_indices = @transform_6, window_bounds = array<i64: 1, 128>}, {pipeline_mode = #tpu.pipeline_mode<synchronous>, transform_indices = @transform_7, window_bounds = array<i64: 1, 128>}, {pipeline_mode = #tpu.pipeline_mode<synchronous>, transform_indices = @transform_8, window_bounds = array<i64: 1, 128>}, {pipeline_mode = #tpu.pipeline_mode<synchronous>, transform_indices = @transform_9, window_bounds = array<i64: 128, 128>}, {pipeline_mode = #tpu.pipeline_mode<synchronous>, transform_indices = @transform_10, window_bounds = array<i64: 1, 128>}, {pipeline_mode = #tpu.pipeline_mode<synchronous>, transform_indices = @transform_11, window_bounds = array<i64: 1, 128>}, {pipeline_mode = #tpu.pipeline_mode<synchronous>, transform_indices = @transform_12, window_bounds = array<i64: 1, 128>}, {pipeline_mode = #tpu.pipeline_mode<synchronous>, transform_indices = @transform_13, window_bounds = array<i64: 128, 64>}, {pipeline_mode = #tpu.pipeline_mode<synchronous>, transform_indices = @transform_14, window_bounds = array<i64: 1, 64>}, {pipeline_mode = #tpu.pipeline_mode<synchronous>, transform_indices = @transform_15, window_bounds = array<i64: 1, 64>}, {pipeline_mode = #tpu.pipeline_mode<synchronous>, transform_indices = @transform_16, window_bounds = array<i64: 1, 64>}, {pipeline_mode = #tpu.pipeline_mode<synchronous>, transform_indices = @transform_17, window_bounds = array<i64: 64, 50>}, {pipeline_mode = #tpu.pipeline_mode<synchronous>, transform_indices = @transform_18, window_bounds = array<i64: 1, 50>}, {pipeline_mode = #tpu.pipeline_mode<synchronous>, transform_indices = @transform_19, window_bounds = array<i64: 1, 50>}, {pipeline_mode = #tpu.pipeline_mode<synchronous>, transform_indices = @transform_20, window_bounds = array<i64: 1, 50>}, {transform_indices = @transform_21, window_bounds = array<i64: 1, 1024, 50>}]} {
    %get3A = arith.constant 0 : index
    %get3A_0 = arith.constant 0 : index
    %get3A_1 = arith.constant 0 : index
    %get3A_2 = vector.load %arg2[%get3A, %get3A_0, %get3A_1] : memref<1x1024x3xf32, #tpu.memory_space<vmem>>, vector<1x1024x3xf32>
    %get3A_3 = vector.shape_cast %get3A_2 : vector<1x1024x3xf32> to vector<1024x3xf32>
    %get3A_4 = arith.constant 0 : index
    %get3A_5 = arith.constant 0 : index
    %get3A_6 = arith.constant 0 : index
    %get3A_7 = vector.load %arg3[%get3A_4, %get3A_5, %get3A_6] : memref<1x3x512xf32, #tpu.memory_space<vmem>>, vector<1x3x512xf32>
    %get3A_8 = vector.shape_cast %get3A_7 : vector<1x3x512xf32> to vector<3x512xf32>
    %mul3A = arith.mulf %get3A_3, %get3A_3 : vector<1024x3xf32>
    %reduce_sum3A = arith.constant dense<0.000000e+00> : vector<1024xf32>
    %reduce_sum3A_9 = vector.multi_reduction <add>, %mul3A, %reduce_sum3A [1] : vector<1024x3xf32> to vector<1024xf32>
    %broadcast_in_dim3A = vector.shape_cast %reduce_sum3A_9 : vector<1024xf32> to vector<1024x1xf32>
    %mul3A_10 = arith.mulf %get3A_8, %get3A_8 : vector<3x512xf32>
    %reduce_sum3A_11 = arith.constant dense<0.000000e+00> : vector<512xf32>
    %reduce_sum3A_12 = vector.multi_reduction <add>, %mul3A_10, %reduce_sum3A_11 [0] : vector<3x512xf32> to vector<512xf32>
    %broadcast_in_dim3A_13 = vector.shape_cast %reduce_sum3A_12 : vector<512xf32> to vector<1x512xf32>
    %dot_general3A = arith.constant dense<0.000000e+00> : vector<1024x512xf32>
    %dot_general3A_14 = tpu.matmul %get3A_3, %get3A_8, %dot_general3A {dimension_numbers = #tpu.dot_dimension_numbers<[1], [0], [0], [1], [0, 0, 1, 1], [], []>, transpose_lhs_hint = false} : vector<1024x3xf32>, vector<3x512xf32>, vector<1024x512xf32> -> vector<1024x512xf32>
    %mul3A_15 = arith.constant -2.000000e+00 : f32
    %mul3A_16 = vector.broadcast %mul3A_15 : f32 to vector<1024x512xf32>
    %mul3A_17 = arith.mulf %mul3A_16, %dot_general3A_14 : vector<1024x512xf32>
    %add3A = vector.broadcast %broadcast_in_dim3A : vector<1024x1xf32> to vector<1024x512xf32>
    %add3A_18 = arith.addf %mul3A_17, %add3A : vector<1024x512xf32>
    %add3A_19 = vector.broadcast %broadcast_in_dim3A_13 : vector<1x512xf32> to vector<1024x512xf32>
    %add3A_20 = arith.addf %add3A_18, %add3A_19 : vector<1024x512xf32>
    %iota3A = tpu.iota {dimensions = array<i32: 1>} : vector<1024x512xi32>
    %reduce_min3A = arith.constant dense<0x7F800000> : vector<1024xf32>
    %reduce_min3A_21 = vector.multi_reduction <minimumf>, %add3A_20, %reduce_min3A [1] : vector<1024x512xf32> to vector<1024xf32>
    %broadcast_in_dim3A_22 = vector.shape_cast %reduce_min3A_21 : vector<1024xf32> to vector<1024x1xf32>
    %eq3A = vector.broadcast %broadcast_in_dim3A_22 : vector<1024x1xf32> to vector<1024x512xf32>
    %eq3A_23 = arith.cmpf oeq, %add3A_20, %eq3A : vector<1024x512xf32>
    %jit3A = arith.constant 512 : i32
    %broadcast_in_dim3A_24 = vector.broadcast %jit3A : i32 to vector<1024x512xi32>
    %select_n3A = arith.select %eq3A_23, %iota3A, %broadcast_in_dim3A_24 : vector<1024x512xi1>, vector<1024x512xi32>
    %reduce_min3A_25 = arith.constant dense<2147483647> : vector<1024xi32>
    %reduce_min3A_26 = vector.multi_reduction <minsi>, %select_n3A, %reduce_min3A_25 [1] : vector<1024x512xi32> to vector<1024xi32>
    %broadcast_in_dim3A_27 = vector.shape_cast %reduce_min3A_26 : vector<1024xi32> to vector<1024x1xi32>
    %eq3A_28 = vector.broadcast %broadcast_in_dim3A_27 : vector<1024x1xi32> to vector<1024x512xi32>
    %eq3A_29 = arith.cmpi eq, %iota3A, %eq3A_28 : vector<1024x512xi32>
    %add3A_30 = arith.constant 9.99999993E-9 : f32
    %add3A_31 = vector.broadcast %add3A_30 : f32 to vector<1024x1xf32>
    %add3A_32 = arith.addf %broadcast_in_dim3A_22, %add3A_31 : vector<1024x1xf32>
    %div3A = arith.constant 1.000000e+00 : f32
    %div3A_33 = vector.broadcast %div3A : f32 to vector<1024x1xf32>
    %div3A_34 = arith.divf %div3A_33, %add3A_32 : vector<1024x1xf32>
    %jit3A_35 = arith.constant 0x7F800000 : f32
    %broadcast_in_dim3A_36 = vector.broadcast %jit3A_35 : f32 to vector<1024x512xf32>
    %select_n3A_37 = arith.select %eq3A_29, %broadcast_in_dim3A_36, %add3A_20 : vector<1024x512xi1>, vector<1024x512xf32>
    %reduce_min3A_38 = arith.constant dense<0x7F800000> : vector<1024xf32>
    %reduce_min3A_39 = vector.multi_reduction <minimumf>, %select_n3A_37, %reduce_min3A_38 [1] : vector<1024x512xf32> to vector<1024xf32>
    %broadcast_in_dim3A_40 = vector.shape_cast %reduce_min3A_39 : vector<1024xf32> to vector<1024x1xf32>
    %eq3A_41 = vector.broadcast %broadcast_in_dim3A_40 : vector<1024x1xf32> to vector<1024x512xf32>
    %eq3A_42 = arith.cmpf oeq, %select_n3A_37, %eq3A_41 : vector<1024x512xf32>
    %jit3A_43 = arith.constant 512 : i32
    %broadcast_in_dim3A_44 = vector.broadcast %jit3A_43 : i32 to vector<1024x512xi32>
    %select_n3A_45 = arith.select %eq3A_42, %iota3A, %broadcast_in_dim3A_44 : vector<1024x512xi1>, vector<1024x512xi32>
    %reduce_min3A_46 = arith.constant dense<2147483647> : vector<1024xi32>
    %reduce_min3A_47 = vector.multi_reduction <minsi>, %select_n3A_45, %reduce_min3A_46 [1] : vector<1024x512xi32> to vector<1024xi32>
    %broadcast_in_dim3A_48 = vector.shape_cast %reduce_min3A_47 : vector<1024xi32> to vector<1024x1xi32>
    %eq3A_49 = vector.broadcast %broadcast_in_dim3A_48 : vector<1024x1xi32> to vector<1024x512xi32>
    %eq3A_50 = arith.cmpi eq, %iota3A, %eq3A_49 : vector<1024x512xi32>
    %add3A_51 = arith.constant 9.99999993E-9 : f32
    %add3A_52 = vector.broadcast %add3A_51 : f32 to vector<1024x1xf32>
    %add3A_53 = arith.addf %broadcast_in_dim3A_40, %add3A_52 : vector<1024x1xf32>
    %div3A_54 = arith.constant 1.000000e+00 : f32
    %div3A_55 = vector.broadcast %div3A_54 : f32 to vector<1024x1xf32>
    %div3A_56 = arith.divf %div3A_55, %add3A_53 : vector<1024x1xf32>
    %jit3A_57 = arith.constant 0x7F800000 : f32
    %broadcast_in_dim3A_58 = vector.broadcast %jit3A_57 : f32 to vector<1024x512xf32>
    %select_n3A_59 = arith.select %eq3A_50, %broadcast_in_dim3A_58, %select_n3A_37 : vector<1024x512xi1>, vector<1024x512xf32>
    %reduce_min3A_60 = arith.constant dense<0x7F800000> : vector<1024xf32>
    %reduce_min3A_61 = vector.multi_reduction <minimumf>, %select_n3A_59, %reduce_min3A_60 [1] : vector<1024x512xf32> to vector<1024xf32>
    %broadcast_in_dim3A_62 = vector.shape_cast %reduce_min3A_61 : vector<1024xf32> to vector<1024x1xf32>
    %eq3A_63 = vector.broadcast %broadcast_in_dim3A_62 : vector<1024x1xf32> to vector<1024x512xf32>
    %eq3A_64 = arith.cmpf oeq, %select_n3A_59, %eq3A_63 : vector<1024x512xf32>
    %jit3A_65 = arith.constant 512 : i32
    %broadcast_in_dim3A_66 = vector.broadcast %jit3A_65 : i32 to vector<1024x512xi32>
    %select_n3A_67 = arith.select %eq3A_64, %iota3A, %broadcast_in_dim3A_66 : vector<1024x512xi1>, vector<1024x512xi32>
    %reduce_min3A_68 = arith.constant dense<2147483647> : vector<1024xi32>
    %reduce_min3A_69 = vector.multi_reduction <minsi>, %select_n3A_67, %reduce_min3A_68 [1] : vector<1024x512xi32> to vector<1024xi32>
    %broadcast_in_dim3A_70 = vector.shape_cast %reduce_min3A_69 : vector<1024xi32> to vector<1024x1xi32>
    %eq3A_71 = vector.broadcast %broadcast_in_dim3A_70 : vector<1024x1xi32> to vector<1024x512xi32>
    %eq3A_72 = arith.cmpi eq, %iota3A, %eq3A_71 : vector<1024x512xi32>
    %add3A_73 = arith.constant 9.99999993E-9 : f32
    %add3A_74 = vector.broadcast %add3A_73 : f32 to vector<1024x1xf32>
    %add3A_75 = arith.addf %broadcast_in_dim3A_62, %add3A_74 : vector<1024x1xf32>
    %div3A_76 = arith.constant 1.000000e+00 : f32
    %div3A_77 = vector.broadcast %div3A_76 : f32 to vector<1024x1xf32>
    %div3A_78 = arith.divf %div3A_77, %add3A_75 : vector<1024x1xf32>
    %add3A_79 = arith.addf %div3A_34, %div3A_56 : vector<1024x1xf32>
    %add3A_80 = arith.addf %add3A_79, %div3A_78 : vector<1024x1xf32>
    %broadcast_in_dim3A_81 = arith.constant 0.000000e+00 : f32
    %broadcast_in_dim3A_82 = vector.broadcast %broadcast_in_dim3A_81 : f32 to vector<1024x512xf32>
    %div3A_83 = arith.divf %div3A_34, %add3A_80 : vector<1024x1xf32>
    %jit3A_84 = arith.constant 0.000000e+00 : f32
    %broadcast_in_dim3A_85 = vector.shape_cast %div3A_83 : vector<1024x1xf32> to vector<1024x1xf32>
    %broadcast_in_dim3A_86 = vector.broadcast %broadcast_in_dim3A_85 : vector<1024x1xf32> to vector<1024x512xf32>
    %broadcast_in_dim3A_87 = vector.broadcast %jit3A_84 : f32 to vector<1024x512xf32>
    %select_n3A_88 = arith.select %eq3A_29, %broadcast_in_dim3A_86, %broadcast_in_dim3A_87 : vector<1024x512xi1>, vector<1024x512xf32>
    %add3A_89 = arith.addf %broadcast_in_dim3A_82, %select_n3A_88 : vector<1024x512xf32>
    %div3A_90 = arith.divf %div3A_56, %add3A_80 : vector<1024x1xf32>
    %jit3A_91 = arith.constant 0.000000e+00 : f32
    %broadcast_in_dim3A_92 = vector.shape_cast %div3A_90 : vector<1024x1xf32> to vector<1024x1xf32>
    %broadcast_in_dim3A_93 = vector.broadcast %broadcast_in_dim3A_92 : vector<1024x1xf32> to vector<1024x512xf32>
    %broadcast_in_dim3A_94 = vector.broadcast %jit3A_91 : f32 to vector<1024x512xf32>
    %select_n3A_95 = arith.select %eq3A_50, %broadcast_in_dim3A_93, %broadcast_in_dim3A_94 : vector<1024x512xi1>, vector<1024x512xf32>
    %add3A_96 = arith.addf %add3A_89, %select_n3A_95 : vector<1024x512xf32>
    %div3A_97 = arith.divf %div3A_78, %add3A_80 : vector<1024x1xf32>
    %jit3A_98 = arith.constant 0.000000e+00 : f32
    %broadcast_in_dim3A_99 = vector.shape_cast %div3A_97 : vector<1024x1xf32> to vector<1024x1xf32>
    %broadcast_in_dim3A_100 = vector.broadcast %broadcast_in_dim3A_99 : vector<1024x1xf32> to vector<1024x512xf32>
    %broadcast_in_dim3A_101 = vector.broadcast %jit3A_98 : f32 to vector<1024x512xf32>
    %select_n3A_102 = arith.select %eq3A_72, %broadcast_in_dim3A_100, %broadcast_in_dim3A_101 : vector<1024x512xi1>, vector<1024x512xf32>
    %add3A_103 = arith.addf %add3A_96, %select_n3A_102 : vector<1024x512xf32>
    %get3A_104 = arith.constant 0 : index
    %get3A_105 = arith.constant 0 : index
    %get3A_106 = arith.constant 0 : index
    %get3A_107 = vector.load %arg4[%get3A_104, %get3A_105, %get3A_106] : memref<1x512x128xf32, #tpu.memory_space<vmem>>, vector<1x512x128xf32>
    %get3A_108 = vector.shape_cast %get3A_107 : vector<1x512x128xf32> to vector<512x128xf32>
    %dot_general3A_109 = arith.constant dense<0.000000e+00> : vector<1024x128xf32>
    %dot_general3A_110 = tpu.matmul %add3A_103, %get3A_108, %dot_general3A_109 {dimension_numbers = #tpu.dot_dimension_numbers<[1], [0], [0], [1], [0, 0, 1, 1], [], []>, precision = #tpu.contract_precision<fp32>, transpose_lhs_hint = false} : vector<1024x512xf32>, vector<512x128xf32>, vector<1024x128xf32> -> vector<1024x128xf32>
    %get3A_111 = arith.constant 0 : index
    %get3A_112 = arith.constant 0 : index
    %get3A_113 = vector.load %arg5[%get3A_111, %get3A_112] : memref<3x128xf32, #tpu.memory_space<vmem>>, vector<3x128xf32>
    %dot_general3A_114 = arith.constant dense<0.000000e+00> : vector<1024x128xf32>
    %dot_general3A_115 = tpu.matmul %get3A_3, %get3A_113, %dot_general3A_114 {dimension_numbers = #tpu.dot_dimension_numbers<[1], [0], [0], [1], [0, 0, 1, 1], [], []>, transpose_lhs_hint = false} : vector<1024x3xf32>, vector<3x128xf32>, vector<1024x128xf32> -> vector<1024x128xf32>
    %get3A_116 = arith.constant 0 : index
    %get3A_117 = arith.constant 0 : index
    %get3A_118 = vector.load %arg6[%get3A_116, %get3A_117] : memref<3x128xf32, #tpu.memory_space<vmem>>, vector<3x128xf32>
    %dot_general3A_119 = arith.constant dense<0.000000e+00> : vector<1024x128xf32>
    %dot_general3A_120 = tpu.matmul %get3A_3, %get3A_118, %dot_general3A_119 {dimension_numbers = #tpu.dot_dimension_numbers<[1], [0], [0], [1], [0, 0, 1, 1], [], []>, transpose_lhs_hint = false} : vector<1024x3xf32>, vector<3x128xf32>, vector<1024x128xf32> -> vector<1024x128xf32>
    %add3A_121 = arith.addf %dot_general3A_115, %dot_general3A_120 : vector<1024x128xf32>
    %get3A_122 = arith.constant 0 : index
    %get3A_123 = arith.constant 0 : index
    %get3A_124 = vector.load %arg7[%get3A_122, %get3A_123] : memref<128x128xf32, #tpu.memory_space<vmem>>, vector<128x128xf32>
    %dot_general3A_125 = arith.constant dense<0.000000e+00> : vector<1024x128xf32>
    %dot_general3A_126 = tpu.matmul %dot_general3A_110, %get3A_124, %dot_general3A_125 {dimension_numbers = #tpu.dot_dimension_numbers<[1], [0], [0], [1], [0, 0, 1, 1], [], []>, transpose_lhs_hint = false} : vector<1024x128xf32>, vector<128x128xf32>, vector<1024x128xf32> -> vector<1024x128xf32>
    %add3A_127 = arith.addf %add3A_121, %dot_general3A_126 : vector<1024x128xf32>
    %get3A_128 = arith.constant 0 : index
    %get3A_129 = arith.constant 0 : index
    %get3A_130 = vector.load %arg8[%get3A_128, %get3A_129] : memref<1x128xf32, #tpu.memory_space<vmem>>, vector<1x128xf32>
    %add3A_131 = vector.broadcast %get3A_130 : vector<1x128xf32> to vector<1024x128xf32>
    %add3A_132 = arith.addf %add3A_127, %add3A_131 : vector<1024x128xf32>
    %get3A_133 = arith.constant 0 : index
    %get3A_134 = arith.constant 0 : index
    %get3A_135 = vector.load %arg9[%get3A_133, %get3A_134] : memref<1x128xf32, #tpu.memory_space<vmem>>, vector<1x128xf32>
    %mul3A_136 = vector.broadcast %get3A_135 : vector<1x128xf32> to vector<1024x128xf32>
    %mul3A_137 = arith.mulf %add3A_132, %mul3A_136 : vector<1024x128xf32>
    %div3A_138 = arith.constant 1.00000501 : f32
    %div3A_139 = vector.broadcast %div3A_138 : f32 to vector<1024x128xf32>
    %div3A_140 = arith.divf %mul3A_137, %div3A_139 : vector<1024x128xf32>
    %get3A_141 = arith.constant 0 : index
    %get3A_142 = arith.constant 0 : index
    %get3A_143 = vector.load %arg10[%get3A_141, %get3A_142] : memref<1x128xf32, #tpu.memory_space<vmem>>, vector<1x128xf32>
    %add3A_144 = vector.broadcast %get3A_143 : vector<1x128xf32> to vector<1024x128xf32>
    %add3A_145 = arith.addf %div3A_140, %add3A_144 : vector<1024x128xf32>
    %max3A = arith.constant 0.000000e+00 : f32
    %max3A_146 = vector.broadcast %max3A : f32 to vector<1024x128xf32>
    %max3A_147 = arith.maximumf %add3A_145, %max3A_146 : vector<1024x128xf32>
    %get3A_148 = arith.constant 0 : index
    %get3A_149 = arith.constant 0 : index
    %get3A_150 = vector.load %arg11[%get3A_148, %get3A_149] : memref<128x128xf32, #tpu.memory_space<vmem>>, vector<128x128xf32>
    %get3A_151 = arith.constant 0 : index
    %get3A_152 = arith.constant 0 : index
    %get3A_153 = vector.load %arg12[%get3A_151, %get3A_152] : memref<1x128xf32, #tpu.memory_space<vmem>>, vector<1x128xf32>
    %get3A_154 = arith.constant 0 : index
    %get3A_155 = arith.constant 0 : index
    %get3A_156 = vector.load %arg13[%get3A_154, %get3A_155] : memref<1x128xf32, #tpu.memory_space<vmem>>, vector<1x128xf32>
    %get3A_157 = arith.constant 0 : index
    %get3A_158 = arith.constant 0 : index
    %get3A_159 = vector.load %arg14[%get3A_157, %get3A_158] : memref<1x128xf32, #tpu.memory_space<vmem>>, vector<1x128xf32>
    %dot_general3A_160 = arith.constant dense<0.000000e+00> : vector<1024x128xf32>
    %dot_general3A_161 = tpu.matmul %max3A_147, %get3A_150, %dot_general3A_160 {dimension_numbers = #tpu.dot_dimension_numbers<[1], [0], [0], [1], [0, 0, 1, 1], [], []>, transpose_lhs_hint = false} : vector<1024x128xf32>, vector<128x128xf32>, vector<1024x128xf32> -> vector<1024x128xf32>
    %add3A_162 = vector.broadcast %get3A_153 : vector<1x128xf32> to vector<1024x128xf32>
    %add3A_163 = arith.addf %dot_general3A_161, %add3A_162 : vector<1024x128xf32>
    %mul3A_164 = vector.broadcast %get3A_156 : vector<1x128xf32> to vector<1024x128xf32>
    %mul3A_165 = arith.mulf %add3A_163, %mul3A_164 : vector<1024x128xf32>
    %div3A_166 = arith.constant 1.00000501 : f32
    %div3A_167 = vector.broadcast %div3A_166 : f32 to vector<1024x128xf32>
    %div3A_168 = arith.divf %mul3A_165, %div3A_167 : vector<1024x128xf32>
    %add3A_169 = vector.broadcast %get3A_159 : vector<1x128xf32> to vector<1024x128xf32>
    %add3A_170 = arith.addf %div3A_168, %add3A_169 : vector<1024x128xf32>
    %max3A_171 = arith.constant 0.000000e+00 : f32
    %max3A_172 = vector.broadcast %max3A_171 : f32 to vector<1024x128xf32>
    %max3A_173 = arith.maximumf %add3A_170, %max3A_172 : vector<1024x128xf32>
    %get3A_174 = arith.constant 0 : index
    %get3A_175 = arith.constant 0 : index
    %get3A_176 = vector.load %arg15[%get3A_174, %get3A_175] : memref<128x64xf32, #tpu.memory_space<vmem>>, vector<128x64xf32>
    %get3A_177 = arith.constant 0 : index
    %get3A_178 = arith.constant 0 : index
    %get3A_179 = vector.load %arg16[%get3A_177, %get3A_178] : memref<1x64xf32, #tpu.memory_space<vmem>>, vector<1x64xf32>
    %get3A_180 = arith.constant 0 : index
    %get3A_181 = arith.constant 0 : index
    %get3A_182 = vector.load %arg17[%get3A_180, %get3A_181] : memref<1x64xf32, #tpu.memory_space<vmem>>, vector<1x64xf32>
    %get3A_183 = arith.constant 0 : index
    %get3A_184 = arith.constant 0 : index
    %get3A_185 = vector.load %arg18[%get3A_183, %get3A_184] : memref<1x64xf32, #tpu.memory_space<vmem>>, vector<1x64xf32>
    %dot_general3A_186 = arith.constant dense<0.000000e+00> : vector<1024x64xf32>
    %dot_general3A_187 = tpu.matmul %max3A_173, %get3A_176, %dot_general3A_186 {dimension_numbers = #tpu.dot_dimension_numbers<[1], [0], [0], [1], [0, 0, 1, 1], [], []>, transpose_lhs_hint = false} : vector<1024x128xf32>, vector<128x64xf32>, vector<1024x64xf32> -> vector<1024x64xf32>
    %add3A_188 = vector.broadcast %get3A_179 : vector<1x64xf32> to vector<1024x64xf32>
    %add3A_189 = arith.addf %dot_general3A_187, %add3A_188 : vector<1024x64xf32>
    %mul3A_190 = vector.broadcast %get3A_182 : vector<1x64xf32> to vector<1024x64xf32>
    %mul3A_191 = arith.mulf %add3A_189, %mul3A_190 : vector<1024x64xf32>
    %div3A_192 = arith.constant 1.00000501 : f32
    %div3A_193 = vector.broadcast %div3A_192 : f32 to vector<1024x64xf32>
    %div3A_194 = arith.divf %mul3A_191, %div3A_193 : vector<1024x64xf32>
    %add3A_195 = vector.broadcast %get3A_185 : vector<1x64xf32> to vector<1024x64xf32>
    %add3A_196 = arith.addf %div3A_194, %add3A_195 : vector<1024x64xf32>
    %max3A_197 = arith.constant 0.000000e+00 : f32
    %max3A_198 = vector.broadcast %max3A_197 : f32 to vector<1024x64xf32>
    %max3A_199 = arith.maximumf %add3A_196, %max3A_198 : vector<1024x64xf32>
    %get3A_200 = arith.constant 0 : index
    %get3A_201 = arith.constant 0 : index
    %get3A_202 = vector.load %arg19[%get3A_200, %get3A_201] : memref<64x50xf32, #tpu.memory_space<vmem>>, vector<64x50xf32>
    %get3A_203 = arith.constant 0 : index
    %get3A_204 = arith.constant 0 : index
    %get3A_205 = vector.load %arg20[%get3A_203, %get3A_204] : memref<1x50xf32, #tpu.memory_space<vmem>>, vector<1x50xf32>
    %dot_general3A_206 = arith.constant dense<0.000000e+00> : vector<1024x50xf32>
    %dot_general3A_207 = tpu.matmul %max3A_199, %get3A_202, %dot_general3A_206 {dimension_numbers = #tpu.dot_dimension_numbers<[1], [0], [0], [1], [0, 0, 1, 1], [], []>, transpose_lhs_hint = false} : vector<1024x64xf32>, vector<64x50xf32>, vector<1024x50xf32> -> vector<1024x50xf32>
    %add3A_208 = vector.broadcast %get3A_205 : vector<1x50xf32> to vector<1024x50xf32>
    %add3A_209 = arith.addf %dot_general3A_207, %add3A_208 : vector<1024x50xf32>
    %swap3A = arith.constant 0 : index
    %swap3A_210 = arith.constant 0 : index
    %swap3A_211 = arith.constant 0 : index
    %swap3A_212 = vector.load %arg23[%swap3A, %swap3A_210, %swap3A_211] : memref<1x1024x50xf32, #tpu.memory_space<vmem>>, vector<1x1024x50xf32>
    %swap3A_213 = vector.shape_cast %swap3A_212 : vector<1x1024x50xf32> to vector<1024x50xf32>
    %swap3A_214 = vector.shape_cast %add3A_209 : vector<1024x50xf32> to vector<1x1024x50xf32>
    tpu.vector_store %arg23[%swap3A, %swap3A_210, %swap3A_211], %swap3A_214 {strides = array<i32>} : memref<1x1024x50xf32, #tpu.memory_space<vmem>>, vector<1x1024x50xf32>,
    return
  }
  func.func @transform_0(%arg0: i32, %arg1: i32) -> (i32, i32, i32) {
    %c0_i32 = arith.constant 0 : i32
    %c0_i32_0 = arith.constant 0 : i32
    return %arg0, %arg1, %c0_i32 : i32, i32, i32
  }
  func.func @transform_1(%arg0: i32, %arg1: i32) -> (i32, i32, i32) {
    %c0_i32 = arith.constant 0 : i32
    %c0_i32_0 = arith.constant 0 : i32
    %c0_i32_1 = arith.constant 0 : i32
    return %arg0, %c0_i32, %c0_i32_0 : i32, i32, i32
  }
  func.func @transform_2(%arg0: i32, %arg1: i32) -> (i32, i32, i32) {
    %c0_i32 = arith.constant 0 : i32
    %c0_i32_0 = arith.constant 0 : i32
    %c0_i32_1 = arith.constant 0 : i32
    return %arg0, %c0_i32, %c0_i32_0 : i32, i32, i32
  }
  func.func @transform_3(%arg0: i32, %arg1: i32) -> (i32, i32) {
    %c0_i32 = arith.constant 0 : i32
    %c0_i32_0 = arith.constant 0 : i32
    %c0_i32_1 = arith.constant 0 : i32
    return %c0_i32, %c0_i32_0 : i32, i32
  }
  func.func @transform_4(%arg0: i32, %arg1: i32) -> (i32, i32) {
    %c0_i32 = arith.constant 0 : i32
    %c0_i32_0 = arith.constant 0 : i32
    %c0_i32_1 = arith.constant 0 : i32
    return %c0_i32, %c0_i32_0 : i32, i32
  }
  func.func @transform_5(%arg0: i32, %arg1: i32) -> (i32, i32) {
    %c0_i32 = arith.constant 0 : i32
    %c0_i32_0 = arith.constant 0 : i32
    %c0_i32_1 = arith.constant 0 : i32
    return %c0_i32, %c0_i32_0 : i32, i32
  }
  func.func @transform_6(%arg0: i32, %arg1: i32) -> (i32, i32) {
    %c0_i32 = arith.constant 0 : i32
    %c0_i32_0 = arith.constant 0 : i32
    %c0_i32_1 = arith.constant 0 : i32
    return %c0_i32, %c0_i32_0 : i32, i32
  }
  func.func @transform_7(%arg0: i32, %arg1: i32) -> (i32, i32) {
    %c0_i32 = arith.constant 0 : i32
    %c0_i32_0 = arith.constant 0 : i32
    %c0_i32_1 = arith.constant 0 : i32
    return %c0_i32, %c0_i32_0 : i32, i32
  }
  func.func @transform_8(%arg0: i32, %arg1: i32) -> (i32, i32) {
    %c0_i32 = arith.constant 0 : i32
    %c0_i32_0 = arith.constant 0 : i32
    %c0_i32_1 = arith.constant 0 : i32
    return %c0_i32, %c0_i32_0 : i32, i32
  }
  func.func @transform_9(%arg0: i32, %arg1: i32) -> (i32, i32) {
    %c0_i32 = arith.constant 0 : i32
    %c0_i32_0 = arith.constant 0 : i32
    %c0_i32_1 = arith.constant 0 : i32
    return %c0_i32, %c0_i32_0 : i32, i32
  }
  func.func @transform_10(%arg0: i32, %arg1: i32) -> (i32, i32) {
    %c0_i32 = arith.constant 0 : i32
    %c0_i32_0 = arith.constant 0 : i32
    %c0_i32_1 = arith.constant 0 : i32
    return %c0_i32, %c0_i32_0 : i32, i32
  }
  func.func @transform_11(%arg0: i32, %arg1: i32) -> (i32, i32) {
    %c0_i32 = arith.constant 0 : i32
    %c0_i32_0 = arith.constant 0 : i32
    %c0_i32_1 = arith.constant 0 : i32
    return %c0_i32, %c0_i32_0 : i32, i32
  }
  func.func @transform_12(%arg0: i32, %arg1: i32) -> (i32, i32) {
    %c0_i32 = arith.constant 0 : i32
    %c0_i32_0 = arith.constant 0 : i32
    %c0_i32_1 = arith.constant 0 : i32
    return %c0_i32, %c0_i32_0 : i32, i32
  }
  func.func @transform_13(%arg0: i32, %arg1: i32) -> (i32, i32) {
    %c0_i32 = arith.constant 0 : i32
    %c0_i32_0 = arith.constant 0 : i32
    %c0_i32_1 = arith.constant 0 : i32
    return %c0_i32, %c0_i32_0 : i32, i32
  }
  func.func @transform_14(%arg0: i32, %arg1: i32) -> (i32, i32) {
    %c0_i32 = arith.constant 0 : i32
    %c0_i32_0 = arith.constant 0 : i32
    %c0_i32_1 = arith.constant 0 : i32
    return %c0_i32, %c0_i32_0 : i32, i32
  }
  func.func @transform_15(%arg0: i32, %arg1: i32) -> (i32, i32) {
    %c0_i32 = arith.constant 0 : i32
    %c0_i32_0 = arith.constant 0 : i32
    %c0_i32_1 = arith.constant 0 : i32
    return %c0_i32, %c0_i32_0 : i32, i32
  }
  func.func @transform_16(%arg0: i32, %arg1: i32) -> (i32, i32) {
    %c0_i32 = arith.constant 0 : i32
    %c0_i32_0 = arith.constant 0 : i32
    %c0_i32_1 = arith.constant 0 : i32
    return %c0_i32, %c0_i32_0 : i32, i32
  }
  func.func @transform_17(%arg0: i32, %arg1: i32) -> (i32, i32) {
    %c0_i32 = arith.constant 0 : i32
    %c0_i32_0 = arith.constant 0 : i32
    %c0_i32_1 = arith.constant 0 : i32
    return %c0_i32, %c0_i32_0 : i32, i32
  }
  func.func @transform_18(%arg0: i32, %arg1: i32) -> (i32, i32) {
    %c0_i32 = arith.constant 0 : i32
    %c0_i32_0 = arith.constant 0 : i32
    %c0_i32_1 = arith.constant 0 : i32
    return %c0_i32, %c0_i32_0 : i32, i32
  }
  func.func @transform_19(%arg0: i32, %arg1: i32) -> (i32, i32) {
    %c0_i32 = arith.constant 0 : i32
    %c0_i32_0 = arith.constant 0 : i32
    %c0_i32_1 = arith.constant 0 : i32
    return %c0_i32, %c0_i32_0 : i32, i32
  }
  func.func @transform_20(%arg0: i32, %arg1: i32) -> (i32, i32) {
    %c0_i32 = arith.constant 0 : i32
    %c0_i32_0 = arith.constant 0 : i32
    %c0_i32_1 = arith.constant 0 : i32
    return %c0_i32, %c0_i32_0 : i32, i32
  }
  func.func @transform_21(%arg0: i32, %arg1: i32) -> (i32, i32, i32) {
    %c0_i32 = arith.constant 0 : i32
    %c0_i32_0 = arith.constant 0 : i32
    return %arg0, %arg1, %c0_i32 : i32, i32, i32
  }
}

</mosaic_0001>

<sc_bundles>
// kernel: kernel.15.cloned.1.call-start
scs
__scs_entry_jumppad:
0x0: {  	(pc) =	sbr.rel $0x88, $3  }
0x1: {  	(tag) =	ssettag $0x0;
	lr =	simm.s32 $0x1  }
0x2: {  	[smem:$0x3F3A] =	sst lr;
	_ =	strace $0xD0000000  }
0x3: {  	_ = 	snop  }
0x4: {  	_ = 	snop  }
0x5: {  	_ = 	snop  }
0x6: {  	_ = 	snop  }
0x7: {  	_ = 	snop  }
__scs_overlays_trampoline_lowered:
0x8: {  	[smem:$0x3F49] =	sst s0  }
0x9: {  	[smem:$0x3F4A] =	sst s1  }
0xa: {  	[smem:$0x3F4B] =	sst s2  }
0xb: {  	[smem:$0x3F4C] =	sst s3  }
0xc: {  	[smem:$0x3F4D] =	sst s4  }
0xd: {  	[smem:$0x3F4E] =	sst s5  }
0xe: {  	[smem:$0x3F4F] =	sst s6  }
0xf: {  	[smem:$0x3F50] =	sst s7  }
0x10: {  	[smem:$0x3F51] =	sst s8  }
0x11: {  	[smem:$0x3F52] =	sst s9;
	s0 =	simm.s32 @!p0 $0x0  }
0x12: {  	s1 =	sld [smem:$0x3F38];
	s0 =	simm.s32 @p0 $0x1  }
0x13: {  	[smem:$0x3F53] =	sst s0;
	s0 =	simm.s32 @!p1 $0x0  }
0x14: {  	s2 =	sld [smem:$0x3F37];
	s0 =	simm.s32 @p1 $0x1  }
0x15: {  	[smem:$0x3F54] =	sst s0;
	s0 =	simm.s32 @!p2 $0x0  }
0x16: {  	s3 =	sld [smem:$0x3FDB];
	s0 =	simm.s32 @p2 $0x1  }
0x17: {  	s4 =	simm.s32 $0x1BF5;
	[smem:$0x3F56] =	sst s0  }
0x18: {  	s0 =	sld [smem:$0x3F39];
	_ =	swait.ge [sflag:s4], $0x0  }
0x19: {  	s7 =	sld [smem:$0x3F3A]  }
0x1a: {  	s8 =	sadd.s32 $0xFFFFE003, lr  }
0x1b: {  	s9 =	sadd.s32 $0xFFFFFEF7, lr;
	s5 =	simm.s32 $0xFFFFFFFF;
	p2 =	slt.u32 s8, $0xFFFFF086  }
0x1c: {  	p1 =	slt.u32 s9, $0xF7A;
	s5 =	simm.s32 @!p2 $0x0  }
0x1d: {  	s5 =	simm.s32 @p1 $0x1;
	p0 =	seq.s32 s7, s2  }
0x1e: {  	s7 =	smul.u32 @!p0 $0xF7A, s2;
	p2 =	seq.s32 @!p0 s5, $0x0  }
0x1f: {  	s9 =	smul.u32 $0xF7A, s1;
	s8 =	simm.s32 @!p0 $0x1BF5;
	p2 =	por !p2, p0  }
0x20: {  	[sflag:s8] =	ssyncset.s32 @!p0 $0xFFFFF086;
	s6 =	sadd.s32 @!p0 s3, s7;
	s7 =	simm.s32 @!p0 $0x108  }
0x21: {  	s3 =	sadd.s32 s3, s9;
	s6 =	sadd.s32 @!p0 $0x88, s6;
	s7 =	simm.s32 @p2 $0x1082  }
0x22: {  	[simem:s7], [sflag:s8] =	dma.local @!p0 [hbm:s6], $0xF7A  }
0x23: {  	s9 =	sor.u32 $0xD0000000, s2;
	s6 =	simm.s32 $0x108;
	_ =	swait.ge @!p0 [sflag:s8], $0x0  }
0x24: {  	s3 =	sadd.s32 $0x88, s3;
	s6 =	simm.s32 @!p1 $0x1082;
	[sflag:s4] =	ssyncset.s32 $0xFFFFF086  }
0x25: {  	[simem:s6], [sflag:s4] =	dma.local [hbm:s3], $0xF7A  }
0x26: {  	[smem:$0x3F3A] =	sst s1;
	(tag) =	ssettag s2;
	_ =	strace s9  }
0x27: {  	s1 =	sld [smem:$0x3F4A]  }
0x28: {  	s2 =	sld [smem:$0x3F4B]  }
0x29: {  	s4 =	sld [smem:$0x3F4D]  }
0x2a: {  	p0 =	seq.s32 s5, $0x0;
	s5 =	sld [smem:$0x3F4E]  }
0x2b: {  	s6 =	sld [smem:$0x3F4F]  }
0x2c: {  	s7 =	sld [smem:$0x3F50]  }
0x2d: {  	s3 =	simm.s32 $0x108;
	s8 =	sld [smem:$0x3F51]  }
0x2e: {  	s3 =	simm.s32 @!p0 $0x1082;
	s9 =	sld [smem:$0x3F52]  }
0x2f: {  	lr =	sadd.s32 s0, s3;
	s0 =	sld [smem:$0x3F49]  }
0x30: {  	s3 =	sld [smem:$0x3F4C]  }
0x31: {  	[smem:$0x3F55] =	sst s10  }
0x32: {  	s10 =	sld [smem:$0x3F53];
	_ =	sdelay $0x3  }
0x33: {  	p0 =	seq.s32 s10, $0x1;
	s10 =	sld [smem:$0x3F55];
	_ =	sdelay $0x3  }
0x34: {  	[smem:$0x3F55] =	sst s10  }
0x35: {  	s10 =	sld [smem:$0x3F54];
	_ =	sdelay $0x3  }
0x36: {  	p1 =	seq.s32 s10, $0x1;
	s10 =	sld [smem:$0x3F55];
	_ =	sdelay $0x3  }
0x37: {  	[smem:$0x3F55] =	sst s10  }
0x38: {  	s10 =	sld [smem:$0x3F56]  }
0x39: {  	_ = 	snop;
	(pc) =	sbr.ind lr, $3  }
0x3a: {  	_ = 	snop  }
0x3b: {  	_ = 	snop  }
0x3c: {  	p2 =	seq.s32 s10, $0x1;
	s10 =	sld [smem:$0x3F55]  }
0x3d: {  	_ =	shalt  }
0x3e: {  	_ =	shalt  }
0x3f: {  	_ =	shalt  }
0x40: {  	_ =	shalt  }
0x41: {  	_ =	shalt  }
0x42: {  	_ =	shalt  }
0x43: {  	_ =	shalt  }
0x44: {  	_ =	shalt  }
0x45: {  	_ =	shalt  }
0x46: {  	_ =	shalt  }
0x47: {  	_ =	shalt  }
0x48: {  	_ =	shalt  }
0x49: {  	_ =	shalt  }
0x4a: {  	_ =	shalt  }
0x4b: {  	_ =	shalt  }
0x4c: {  	_ =	shalt  }
0x4d: {  	_ =	shalt  }
0x4e: {  	_ =	shalt  }
0x4f: {  	_ =	shalt  }
0x50: {  	_ =	shalt  }
0x51: {  	_ =	shalt  }
0x52: {  	_ =	shalt  }
0x53: {  	_ =	shalt  }
0x54: {  	_ =	shalt  }
0x55: {  	_ =	shalt  }
0x56: {  	_ =	shalt  }
0x57: {  	_ =	shalt  }
0x58: {  	_ =	shalt  }
0x59: {  	_ =	shalt  }
0x5a: {  	_ =	shalt  }
0x5b: {  	_ =	shalt  }
0x5c: {  	_ =	shalt  }
0x5d: {  	_ =	shalt  }
0x5e: {  	_ =	shalt  }
0x5f: {  	_ =	shalt  }
0x60: {  	_ =	shalt  }
0x61: {  	_ =	shalt  }
0x62: {  	_ =	shalt  }
0x63: {  	_ =	shalt  }
0x64: {  	_ =	shalt  }
0x65: {  	_ =	shalt  }
0x66: {  	_ =	shalt  }
0x67: {  	_ =	shalt  }
0x68: {  	_ =	shalt  }
0x69: {  	_ =	shalt  }
0x6a: {  	_ =	shalt  }
0x6b: {  	_ =	shalt  }
0x6c: {  	_ =	shalt  }
0x6d: {  	_ =	shalt  }
0x6e: {  	_ =	shalt  }
0x6f: {  	_ =	shalt  }
0x70: {  	_ =	shalt  }
0x71: {  	_ =	shalt  }
0x72: {  	_ =	shalt  }
0x73: {  	_ =	shalt  }
0x74: {  	_ =	shalt  }
0x75: {  	_ =	shalt  }
0x76: {  	_ =	shalt  }
0x77: {  	_ =	shalt  }
0x78: {  	_ =	shalt  }
0x79: {  	_ =	shalt  }
0x7a: {  	_ =	shalt  }
0x7b: {  	_ =	shalt  }
0x7c: {  	_ =	shalt  }
0x7d: {  	_ =	shalt  }
0x7e: {  	_ =	shalt  }
0x7f: {  	_ =	shalt  }
0x80: {  	_ =	shalt  }
0x81: {  	_ =	shalt  }
0x82: {  	_ =	shalt  }
0x83: {  	_ =	shalt  }
0x84: {  	_ =	shalt  }
0x85: {  	_ =	shalt  }
0x86: {  	_ =	shalt  }
0x87: {  	_ =	shalt  }
.Lfunc_end0:
.L_simem_size_0:
called_computation_lowered:
.L_overlay_start_0:
0x88: {  	s2 =	sld [smem:$0x3FD9]  }
0x89: {  	s3 =	sld [smem:$0x3FFE];
	_ =	sdelay $0x1  }
0x8a: {  	s1 =	srdreg.scid  }
0x8b: {  	s0 =	sand.u32 $0x1, s1  }
0x8c: {  	s17 =	sshll.u32 s0, $0xA;
	s2 =	sadd.s32 s3, s2  }
0x8d: {  	s2 =	sadd.s32 s2, s17  }
0x8e: {  	[smem:$0x3F61] =	sst s2  }
0x8f: {  	_ = 	snop  }
0x90: {  	s2 =	sld [smem:$0x3FD0];
	(tm) =	ssettm $0x1  }
0x91: {  	s18 =	sld [smem:$0x3FFB];
	_ =	sdelay $0x3  }
0x92: {  	_ =	strace s18  }
0x93: {  	s3 =	sld [smem:$0x3FFC];
	_ =	sdelay $0x3  }
0x94: {  	_ =	strace s3  }
0x95: {  	s3 =	sld [smem:$0x3FFD];
	_ =	sdelay $0x3  }
0x96: {  	_ =	strace s3  }
0x97: {  	_ =	strace $0x8FFFFFFF  }
0x98: {  	s19 =	sld [smem:$0x3FDB];
	_ =	sdelay $0x1  }
0x99: {  	s4 =	simm.s32 $_scs_section_size  }
0x9a: {  	s5 =	simm.s32 $_size__tile_overlayer_lowered;
	s6 =	simm.s32 $_tile_overlayer_lowered  }
0x9b: {  	s22 =	simm.s32 $0x1BFF;
	s21 =	sshll.u32 s6, $0x1;
	s3 =	sadd.s32 s4, s19  }
0x9c: {  	s7 =	simm.s32 $0x0;
	s20 =	sshll.u32 s5, $0x1;
	s5 =	sadd.s32 s21, s3  }
0x9d: {  	[timem:s7], [sflag:s22] =	dma.local [hbm:s5], s20  }
0x9e: {  	_ =	swait.ge [sflag:s22], s20  }
0x9f: {  	s4 =	ssub.s32 $0x0, s20;
	[sflag:s22] =	ssyncset.done $0x0  }
0xa0: {  	[sflag:s22] =	ssyncadd.s32 s4;
	_ =	sdelay $0x1  }
0xa1: {  	s23 =	simm.s32 $0x1B8B  }
0xa2: {  	_ =	swait.ge [sflag:s23], $0x1  }
0xa3: {  	[sflag:s23] =	ssyncset.done $0x0  }
0xa4: {  	s25 =	simm.s32 $0x1B8E;
	s24 =	sld [smem:$0x3FFE];
	[sflag:s23] =	ssyncadd.s32 $0xFFFFFFFF  }
0xa5: {  	s26 =	simm.s32 $execute0_lowered;
	[smem:$0x3FD2] =	sst s25  }
0xa6: {  	s5 =	sshll.u32 s26, $0x1;
	_ =	strace $0x80000046;
	[dreg:$0x1] =	wrdreg $0xFFFFFFFF  }
0xa7: {  	s28 =	simm.s32 $_size_execute0_lowered;
	s3 =	sadd.s32 s3, s5;
	[dreg:$0x0] =	wrdreg $0x0  }
0xa8: {  	s5 =	sshll.u32 s28, $0x1;
	[dreg:$0x2] =	wrdreg s3  }
0xa9: {  	[dreg:$0x3] =	wrdreg s5  }
0xaa: {  	[dreg:$0x4] =	wrdreg $0xC0  }
0xab: {  	_ =	task [dreg:s7], $0x5FFFF  }
0xac: {  	[dreg:$0x1] =	wrdreg $0xFFFFFFFF  }
0xad: {  	[dreg:$0x0] =	wrdreg $0x60  }
0xae: {  	[dreg:$0x2] =	wrdreg s24  }
0xaf: {  	[dreg:$0x3] =	wrdreg s2  }
0xb0: {  	[dreg:$0x4] =	wrdreg $0x9  }
0xb1: {  	_ =	task.clear_ibuf [dreg:s7], $0x5FFFF;
	_ =	strace $0x90000046  }
0xb2: {  	s29 =	simm.s32 $0x9;
	_ =	strace $0x80000048  }
0xb3: {  	_ =	swait.ge [sflag:s29], $0x1  }
0xb4: {  	[sflag:s29] =	ssyncadd.s32 $0xFFFFFFFF  }
0xb5: {  	_ =	strace $0x90000048  }
0xb6: {  	_ =	sfence  }
0xb7: {  	s30 =	sld [smem:$0x0];
	_ =	sdelay $0x2  }
0xb8: {  	s31 =	sshll.u32 s1, $0xD;
	s1 =	sshrl.u32 s1, $0x2  }
0xb9: {  	s3 =	sand.u32 $0x4000, s31;
	s1 =	sadd.s32 s1, s30  }
0xba: {  	s0 =	sor.u32 s3, s0;
	s1 =	sshll.u32 s1, $0x11  }
0xbb: {  	s0 =	sor.u32 s1, s0  }
0xbc: {  	s0 =	sadd.s32 $0x8F2B, s0  }
0xbd: {  	[sflag:s0] =	ssyncadd.remote.s32 $0x1  }
0xbe: {  	_ =	sfence.sel $0xFFFF  }
0xbf: {  	[dreg:$0x0] =	wrdreg $0xFFFFFFFF;
	(pc) =	sbr.abs _section_cstart, $3  }
0xc0: {  	[dreg:$0x1] =	wrdreg $0xFFFFFFFF  }
0xc1: {  	_ =	task.clear_ibuf [dreg:s7], $0x2FFFF;
	_ =	strace $0x9FFFFFFF  }
0xc2: {  	(tm) =	ssettm $0x7FFFFFFF  }
0xc3: {  	_ =	shalt  }
tec
execute0_lowered:
.L_overlay_start_1:
0x0: {  	(tag) =	ssettag $0x1  }
0x1: {  	s0 =	rddreg [dreg:$0x0]  }
0x2: {  	s5 =	stileid.u32;
	s2 =	rddreg [dreg:$0x1]  }
0x3: {  	s1 =	srdreg.scid;
	s16 =	simm.s32 $0x1;
	s17 =	simm.s32 $0x1000  }
0x4: {  	s18 =	simm.s32 $0x2000;
	s19 =	simm.s32 $0x6000;
	s28 =	simm.s32 $0x0  }
0x5: {  	s29 =	simm.s32 $0x0;
	s3 =	sshll.u32 s5, $0x1;
	s1 =	sand.u32 $0x1, s1  }
0x6: {  	s5 =	sshll.u32 s5, $0x7;
	s9 =	sadd.s32 $0xF400, s0;
	s6 =	sadd.s32 $0x10C00, s0  }
0x7: {  	s4 =	sand.u32 $0x6, s3;
	s3 =	simm.s32 $0x0;
	s7 =	sand.u32 $0x600, s5  }
0x8: {  	s5 =	sadd.s32 $0x1CC00, s0;
	s4 =	sor.u32 s1, s4;
	[smem:$0x7FF] =	sst s3  }
0x9: {  	s10 =	sadd.s32 s7, s0;
	s1 =	ssub.s32 $0x2, s1;
	s23 =	sadd.s32 s9, s7  }
0xa: {  	s24 =	sor.u32 $0x800, s7;
	s8 =	sshll.u32 s4, $0x6;
	_ =	strace $0x80000047  }
0xb: {  	s13 =	sshrl.u32 s1, $0x1;
	[dreg:$0x3] =	wrdreg s23;
	s14 =	sadd.s32 s9, s24  }
0xc: {  	s25 =	sadd.s32 $0xEA00, s10;
	s4 =	sor.u32 s7, s8;
	[dreg:$0x4] =	wrdreg s14  }
0xd: {  	s1 =	ssub.s32 s1, s13;
	s7 =	sor.u32 $0x1000, s7;
	[dreg:$0x6] =	wrdreg s25  }
0xe: {  	s30 =	sor.u32 s24, s8;
	s24 =	simm.s32 $0xA580;
	s25 =	simm.s32 $0xA600  }
0xf: {  	s12 =	sshrl.u32 s4, $0x3;
	s9 =	sadd.s32 s9, s7;
	s7 =	sor.u32 s7, s8  }
0x10: {  	v0 =	vlaneseq.u32;
	s31 =	sshrl.u32 s30, $0x3;
	s15 =	smax.u32 s1, $0x1;
	s11 =	sadd.s32 s12, s0  }
0x11: {  	v1 =	vadd.s32 $0x1, v0;
	v2 =	vadd.s32 $0x11, v0;
	s0 =	sadd.s32 $0x22C00, s0;
	[dreg:$0x5] =	wrdreg s9;
	s7 =	sshrl.u32 s7, $0x3  }
0x12: {  	v3 =	vadd.s32 $0x21, v0;
	v4 =	vadd.s32 $0x31, v0;
	v5 =	vadd.s32 $0x41, v0;
	s26 =	sadd.s32 $0xF200, s11;
	s12 =	sadd.s32 s0, s12;
	s13 =	sadd.s32 s0, s31  }
0x13: {  	v6 =	vadd.s32 $0x51, v0;
	v7 =	vadd.s32 $0x61, v0;
	v8 =	vadd.s32 $0x71, v0;
	s14 =	sadd.s32 s0, s7;
	[dreg:$0x7] =	wrdreg s26;
	s26 =	simm.s32 $0xA680  }
.LBB2_1:
0x14: {  	s0 =	rddreg [dreg:$0x3]  }
0x15: {  	[tilespmem:s3], [sflag:$0x1] =	stream.linear.gather [hbm4b:s0+s3], $0x1000, $0x38;
	[tilespmem:$0xA700] =	vst v63  }
0x16: {  	_ =	swait.ge [sflag:s16], $0x1000  }
0x17: {  	[sflag:s16] =	ssyncset.done $0x0  }
0x18: {  	s22 =	rddreg [dreg:$0x4];
	[sflag:s16] =	ssyncadd.s32 $0xFFFFF000  }
0x19: {  	[tilespmem:s17], [sflag:$0x1] =	stream.linear.gather [hbm4b:s22+s3], $0x1000, $0x38;
	[tilespmem:$0xA700] =	vst v63  }
0x1a: {  	_ =	swait.ge [sflag:s16], $0x1000  }
0x1b: {  	[sflag:s16] =	ssyncset.done $0x0  }
0x1c: {  	s23 =	rddreg [dreg:$0x5];
	[sflag:s16] =	ssyncadd.s32 $0xFFFFF000  }
0x1d: {  	[tilespmem:s18], [sflag:$0x1] =	stream.linear.gather [hbm4b:s23+s3], $0x1000, $0x38;
	[tilespmem:$0xA700] =	vst v63  }
0x1e: {  	_ =	swait.ge [sflag:s16], $0x1000  }
0x1f: {  	[sflag:s16] =	ssyncset.done $0x0  }
0x20: {  	s30 =	rddreg [dreg:$0x6];
	[sflag:s16] =	ssyncadd.s32 $0xFFFFF000  }
0x21: {  	[tilespmem:s19], [sflag:$0x1] =	stream.linear.gather [hbm4b:s30+s3], $0x1000, $0x38;
	[tilespmem:$0xA700] =	vst v63  }
0x22: {  	_ =	swait.ge [sflag:s16], $0x1000  }
0x23: {  	[sflag:s16] =	ssyncset.done $0x0  }
0x24: {  	s1 =	simm.s32 $0x7000;
	s31 =	rddreg [dreg:$0x7];
	[sflag:s16] =	ssyncadd.s32 $0xFFFFF000  }
0x25: {  	[tilespmem:s1], [sflag:$0x1] =	stream.linear.gather [hbm4b:s31+s3], $0x40, $0x38;
	[tilespmem:$0xA700] =	vst v63  }
0x26: {  	_ =	swait.ge [sflag:s16], $0x40  }
0x27: {  	[sflag:s16] =	ssyncset.done $0x0  }
0x28: {  	s1 =	simm.s32 $0x0;
	[sflag:s16] =	ssyncadd.s32 $0xFFFFFFC0  }
0x29: {  	v10 =	vld [tilespmem:s1+$0x2000]  }
0x2a: {  	v12 =	vld [tilespmem:s1+$0x0]  }
0x2b: {  	v13 =	vld [tilespmem:s1+$0x1000];
	_ =	sdelay $0x2  }
0x2c: {  	s0 =	simm.s32 $0x10;
	v9 =	vshrl.u32 v10, $0x10  }
0x2d: {  	v11 =	vshrl.u32 v12, $0x10;
	v14 =	vand.u32 $0x1, v9;
	v9 =	vld [tilespmem:s0+$0x2000]  }
0x2e: {  	v16 =	vshrl.u32 v13, $0x10;
	v15 =	vand.u32 $0x1, v11;
	v11 =	vld [tilespmem:s0+$0x0];
	v10 =	vadd.s32 v14, v10  }
0x2f: {  	v12 =	vadd.s32 v15, v12;
	v14 =	vand.u32 $0x1, v16;
	v15 =	vadd.s32 $0x7FFF, v10;
	v10 =	vld [tilespmem:s0+$0x1000]  }
0x30: {  	v12 =	vadd.s32 $0x7FFF, v12;
	v13 =	vadd.s32 v14, v13;
	v14 =	vand.u32 $0xFFFF0000, v15  }
0x31: {  	s7 =	simm.s32 $0x80;
	v12 =	vand.u32 $0xFFFF0000, v12;
	v13 =	vadd.s32 $0x7FFF, v13;
	[tilespmem:s1+$0x5000] =	vst v14  }
.LBB2_2:
0x32: {  	s8 =	sshra.s32 s7, $0x2;
	p0 =	sne.s32 s7, $0x3FC0;
	s7 =	sadd.s32 $0x40, s7;
	v18 =	vshrl.u32 v9, $0x10;
	[tilespmem:s1+$0x3000] =	vst v12;
	v16 =	vand.u32 $0xFFFF0000, v13;
	v13 =	vmov v9  }
.Ltmp0:
0x33: {  	v9 =	vld [tilespmem:s8+$0x2000];
	v15 =	vshrl.u32 v11, $0x10;
	v17 =	vand.u32 $0x1, v18;
	[tilespmem:s1+$0x4000] =	vst v16;
	v12 =	vmov v11;
	s1 =	smov.u32 s0;
	s0 =	smov.u32 s8;
	(pc) =	sbr.rel @p0 .LBB2_2-.Ltmp0, $4  }
0x34: {  	v11 =	vld [tilespmem:s0+$0x0];
	v15 =	vand.u32 $0x1, v15;
	v16 =	vshrl.u32 v10, $0x10;
	v13 =	vadd.s32 v17, v13;
	v14 =	vmovc v10  }
0x35: {  	v10 =	vld [tilespmem:s0+$0x1000];
	v12 =	vadd.s32 v15, v12;
	v15 =	vand.u32 $0x1, v16;
	v13 =	vadd.s32 $0x7FFF, v13  }
0x36: {  	v12 =	vadd.s32 $0x7FFF, v12;
	v14 =	vadd.s32 v15, v14;
	v15 =	vand.u32 $0xFFFF0000, v13  }
0x37: {  	v12 =	vand.u32 $0xFFFF0000, v12;
	v13 =	vadd.s32 $0x7FFF, v14;
	[tilespmem:s1+$0x5000] =	vst v15  }
0x38: {  	v14 =	vshrl.u32 v9, $0x10  }
0x39: {  	v13 =	vand.u32 $0xFFFF0000, v13;
	v15 =	vshrl.u32 v11, $0x10;
	v14 =	vand.u32 $0x1, v14  }
0x3a: {  	v15 =	vand.u32 $0x1, v15;
	v9 =	vadd.s32 v14, v9;
	v38 =	vshrl.u32 v10, $0x10  }
0x3b: {  	[tilespmem:s1+$0x3000] =	vst v12;
	v11 =	vadd.s32 v15, v11;
	v39 =	vand.u32 $0x1, v38;
	v9 =	vadd.s32 $0x7FFF, v9  }
0x3c: {  	[tilespmem:s1+$0x4000] =	vst v13;
	v11 =	vadd.s32 $0x7FFF, v11;
	v10 =	vadd.s32 v39, v10;
	v9 =	vand.u32 $0xFFFF0000, v9  }
0x3d: {  	v11 =	vand.u32 $0xFFFF0000, v11;
	v10 =	vadd.s32 $0x7FFF, v10;
	[tilespmem:s0+$0x5000] =	vst v9  }
0x3e: {  	[tilespmem:s0+$0x3000] =	vst v11;
	v9 =	vand.u32 $0xFFFF0000, v10  }
0x3f: {  	[tilespmem:s0+$0x4000] =	vst v9  }
0x40: {  	v9 =	vld [tilespmem:$0x7000];
	_ =	sdelay $0x7  }
0x41: {  	v10 =	vld.idx.msk [tilespmem:v9+s29+$0x0], $0xffff  }
0x42: {  	v11 =	vld.idx.msk [tilespmem:v9+s17+$0x0], $0xffff  }
0x43: {  	v40 =	vld.idx.msk [tilespmem:v9+s18+$0x0], $0xffff;
	_ =	sdelay $0x2  }
0x44: {  	v41 =	vshrl.u32 v10, $0x10  }
0x45: {  	v42 =	vshrl.u32 v11, $0x10;
	v13 =	vand.u32 $0x1, v41  }
0x46: {  	[tilespmem:$0x7080] =	vst v10;
	v44 =	vshrl.u32 v40, $0x10;
	v43 =	vand.u32 $0x1, v42;
	v10 =	vadd.s32 v13, v10  }
0x47: {  	[tilespmem:$0x7100] =	vst v11;
	v45 =	vand.u32 $0x1, v44;
	v11 =	vadd.s32 v43, v11;
	v10 =	vadd.s32 $0x7FFF, v10  }
0x48: {  	[tilespmem:$0x7180] =	vst v40;
	v12 =	vadd.s32 v45, v40;
	v11 =	vadd.s32 $0x7FFF, v11;
	v10 =	vand.u32 $0xFFFF0000, v10  }
0x49: {  	[tilespmem:$0x7200] =	vst v10;
	v10 =	vand.u32 $0xFFFF0000, v11;
	v11 =	vadd.s32 $0x7FFF, v12  }
0x4a: {  	[tilespmem:$0x7280] =	vst v10;
	v10 =	vand.u32 $0xFFFF0000, v11;
	v11 =	vld [tilespmem:$0x7010]  }
0x4b: {  	[tilespmem:$0x7300] =	vst v10  }
0x4c: {  	v9 =	vld.idx.msk [tilespmem:v9+s19+$0x0], $0xffff;
	_ =	sdelay $0x4  }
0x4d: {  	[tilespmem:$0x7380] =	vst v9  }
0x4e: {  	v9 =	vld.idx.msk [tilespmem:v11+s29+$0x0], $0xffff  }
0x4f: {  	v10 =	vld.idx.msk [tilespmem:v11+s17+$0x0], $0xffff  }
0x50: {  	v46 =	vld.idx.msk [tilespmem:v11+s18+$0x0], $0xffff;
	_ =	sdelay $0x2  }
0x51: {  	v47 =	vshrl.u32 v9, $0x10  }
0x52: {  	v48 =	vshrl.u32 v10, $0x10;
	v13 =	vand.u32 $0x1, v47  }
0x53: {  	[tilespmem:$0x7090] =	vst v9;
	v50 =	vshrl.u32 v46, $0x10;
	v49 =	vand.u32 $0x1, v48;
	v9 =	vadd.s32 v13, v9  }
0x54: {  	[tilespmem:$0x7110] =	vst v10;
	v51 =	vand.u32 $0x1, v50;
	v10 =	vadd.s32 v49, v10;
	v9 =	vadd.s32 $0x7FFF, v9  }
0x55: {  	[tilespmem:$0x7190] =	vst v46;
	v12 =	vadd.s32 v51, v46;
	v10 =	vadd.s32 $0x7FFF, v10;
	v9 =	vand.u32 $0xFFFF0000, v9  }
0x56: {  	[tilespmem:$0x7210] =	vst v9;
	v9 =	vand.u32 $0xFFFF0000, v10;
	v10 =	vadd.s32 $0x7FFF, v12  }
0x57: {  	[tilespmem:$0x7290] =	vst v9;
	v9 =	vand.u32 $0xFFFF0000, v10;
	v10 =	vld [tilespmem:$0x7020]  }
0x58: {  	[tilespmem:$0x7310] =	vst v9  }
0x59: {  	v9 =	vld.idx.msk [tilespmem:v11+s19+$0x0], $0xffff;
	_ =	sdelay $0x4  }
0x5a: {  	[tilespmem:$0x7390] =	vst v9  }
0x5b: {  	v9 =	vld.idx.msk [tilespmem:v10+s29+$0x0], $0xffff  }
0x5c: {  	v11 =	vld.idx.msk [tilespmem:v10+s17+$0x0], $0xffff  }
0x5d: {  	v52 =	vld.idx.msk [tilespmem:v10+s18+$0x0], $0xffff;
	_ =	sdelay $0x2  }
0x5e: {  	v53 =	vshrl.u32 v9, $0x10  }
0x5f: {  	v54 =	vshrl.u32 v11, $0x10;
	v13 =	vand.u32 $0x1, v53  }
0x60: {  	[tilespmem:$0x70A0] =	vst v9;
	v56 =	vshrl.u32 v52, $0x10;
	v55 =	vand.u32 $0x1, v54;
	v9 =	vadd.s32 v13, v9  }
0x61: {  	[tilespmem:$0x7120] =	vst v11;
	v57 =	vand.u32 $0x1, v56;
	v11 =	vadd.s32 v55, v11;
	v9 =	vadd.s32 $0x7FFF, v9  }
0x62: {  	[tilespmem:$0x71A0] =	vst v52;
	v12 =	vadd.s32 v57, v52;
	v11 =	vadd.s32 $0x7FFF, v11;
	v9 =	vand.u32 $0xFFFF0000, v9  }
0x63: {  	[tilespmem:$0x7220] =	vst v9;
	v9 =	vand.u32 $0xFFFF0000, v11;
	v11 =	vadd.s32 $0x7FFF, v12  }
0x64: {  	[tilespmem:$0x72A0] =	vst v9;
	v9 =	vand.u32 $0xFFFF0000, v11;
	v11 =	vld [tilespmem:$0x7030]  }
0x65: {  	[tilespmem:$0x7320] =	vst v9  }
0x66: {  	v9 =	vld.idx.msk [tilespmem:v10+s19+$0x0], $0xffff;
	_ =	sdelay $0x4  }
0x67: {  	[tilespmem:$0x73A0] =	vst v9  }
0x68: {  	v9 =	vld.idx.msk [tilespmem:v11+s29+$0x0], $0xffff  }
0x69: {  	v10 =	vld.idx.msk [tilespmem:v11+s17+$0x0], $0xffff  }
0x6a: {  	v58 =	vld.idx.msk [tilespmem:v11+s18+$0x0], $0xffff;
	_ =	sdelay $0x2  }
0x6b: {  	v59 =	vshrl.u32 v9, $0x10  }
0x6c: {  	v60 =	vshrl.u32 v10, $0x10;
	v13 =	vand.u32 $0x1, v59  }
0x6d: {  	[tilespmem:$0x70B0] =	vst v9;
	v62 =	vshrl.u32 v58, $0x10;
	v61 =	vand.u32 $0x1, v60;
	v9 =	vadd.s32 v13, v9  }
0x6e: {  	[tilespmem:$0x7130] =	vst v10;
	v63 =	vand.u32 $0x1, v62;
	v10 =	vadd.s32 v61, v10;
	v9 =	vadd.s32 $0x7FFF, v9  }
0x6f: {  	[tilespmem:$0x71B0] =	vst v58;
	v12 =	vadd.s32 v63, v58;
	v10 =	vadd.s32 $0x7FFF, v10;
	v9 =	vand.u32 $0xFFFF0000, v9  }
0x70: {  	[tilespmem:$0x7230] =	vst v9;
	v9 =	vand.u32 $0xFFFF0000, v10;
	v10 =	vadd.s32 $0x7FFF, v12  }
0x71: {  	[tilespmem:$0x72B0] =	vst v9;
	v9 =	vand.u32 $0xFFFF0000, v10  }
0x72: {  	[tilespmem:$0x7330] =	vst v9  }
0x73: {  	v9 =	vld.idx.msk [tilespmem:v11+s19+$0x0], $0xffff;
	_ =	sdelay $0x4  }
0x74: {  	s22 =	simm.s32 $0x7080;
	[tilespmem:$0x73B0] =	vst v9  }
0x75: {  	[hbm4b:s12+s29] =	stream.linear.scatter [tilespmem:s22], [sflag:$0x1], $0x40, $0x38;
	[tilespmem:$0xA700] =	vst v63  }
0x76: {  	_ =	swait.ge [sflag:s16], $0x40  }
0x77: {  	[sflag:s16] =	ssyncset.done $0x0  }
0x78: {  	s23 =	simm.s32 $0x7100;
	[sflag:s16] =	ssyncadd.s32 $0xFFFFFFC0  }
0x79: {  	[hbm4b:s13+s29] =	stream.linear.scatter [tilespmem:s23], [sflag:$0x1], $0x40, $0x38;
	[tilespmem:$0xA700] =	vst v63  }
0x7a: {  	_ =	swait.ge [sflag:s16], $0x40  }
0x7b: {  	[sflag:s16] =	ssyncset.done $0x0  }
0x7c: {  	s31 =	simm.s32 $0x7180;
	[sflag:s16] =	ssyncadd.s32 $0xFFFFFFC0  }
0x7d: {  	[hbm4b:s14+s29] =	stream.linear.scatter [tilespmem:s31], [sflag:$0x1], $0x40, $0x38;
	[tilespmem:$0xA700] =	vst v63  }
0x7e: {  	_ =	swait.ge [sflag:s16], $0x40  }
0x7f: {  	[sflag:s16] =	ssyncset.done $0x0  }
0x80: {  	s30 =	simm.s32 $0x0;
	[sflag:s16] =	ssyncadd.s32 $0xFFFFFFC0  }
.LBB2_4:
0x81: {  	v9 =	vld.msk [tilespmem:s30+$0x7200 ss:$0x0], $0xffff  }
0x82: {  	v10 =	vld.msk [tilespmem:s30+$0x7280 ss:$0x0], $0xffff;
	s0 =	simm.s32 $0x3000  }
0x83: {  	s1 =	simm.s32 $0x4000;
	v12 =	vld [tilespmem:s0+$0x0]  }
0x84: {  	v13 =	vld [tilespmem:s1+$0x0]  }
0x85: {  	v11 =	vld.msk [tilespmem:s30+$0x7300 ss:$0x0], $0xffff;
	s22 =	simm.s32 $0x5000  }
0x86: {  	v14 =	vld [tilespmem:s22+$0x0];
	_ =	sdelay $0x2  }
0x87: {  	v12 =	vmul.f32 v12, v9;
	v13 =	vmul.f32 v13, v10;
	_ =	sdelay $0x1  }
0x88: {  	v14 =	vmul.f32 v14, v11;
	v13 =	vadd.f32 v13, v12  }
0x89: {  	v12 =	vld.msk [tilespmem:s30+$0x7380 ss:$0x0], $0xffff  }
0x8a: {  	s23 =	simm.s32 $0x6000;
	v13 =	vadd.f32 v14, v13  }
0x8b: {  	v14 =	vld [tilespmem:s23+$0x0]  }
0x8c: {  	v13 =	vadd.f32 v13, v13;
	_ =	sdelay $0x1  }
0x8d: {  	v13 =	vsub.f32 v12, v13;
	_ =	sdelay $0x1  }
0x8e: {  	v13 =	vadd.f32 v13, v14;
	_ =	sdelay $0x1  }
0x8f: {  	vm0 =	vle.f32 v13, $1.599999960e-01  }
0x90: {  	v14 =	vor.u32 s29, v0;
	vm1 =	vle.f32 v13, $9.999999770e-03;
	v15 =	vmpcnt.ones.xlane vm0  }
0x91: {  	vm2 =	vle.f32 v13, $3.999999910e-02;
	[tilespmem:s29+$0x7400] =	vst.msk vm1, v14  }
0x92: {  	[tilespmem:s29+$0x8480] =	vst.msk vm2, v14;
	(v2sf) =	vpush v15, $0x0  }
0x93: {  	s1 =	simm.s32 $0x3010;
	[tilespmem:s29+$0x9500] =	vst.msk vm0, v14  }
0x94: {  	s20 =	simm.s32 $0x4010;
	v13 =	vld [tilespmem:s1+$0x0]  }
0x95: {  	v14 =	vld [tilespmem:s20+$0x0]  }
0x96: {  	s31 =	simm.s32 $0x5010  }
0x97: {  	v15 =	vld [tilespmem:s31+$0x0];
	_ =	sdelay $0x2  }
0x98: {  	v13 =	vmul.f32 v13, v9;
	v14 =	vmul.f32 v14, v10;
	_ =	sdelay $0x1  }
0x99: {  	v13 =	vadd.f32 v14, v13;
	v14 =	vmul.f32 v15, v11;
	_ =	sdelay $0x1  }
0x9a: {  	v13 =	vadd.f32 v14, v13;
	v14 =	vmpcnt.ones.xlane vm2  }
0x9b: {  	v15 =	vmpcnt.ones.xlane vm1  }
0x9c: {  	(v2sf) =	vpush v14, $0x0  }
0x9d: {  	s9 =	spop (v2sf);
	(v2sf) =	vpush v15, $0x0;
	_ =	sdelay $0x8  }
0x9e: {  	s8 =	simm.s32 $0x6010  }
0x9f: {  	v16 =	vadd.f32 v13, v13;
	v13 =	vld [tilespmem:s8+$0x0]  }
0xa0: {  	s7 =	simm.s32 $0x20;
	s21 =	simm.s32 $0x0  }
0xa1: {  	s0 =	simm.s32 $0x10;
	s22 =	simm.s32 $0x0;
	s23 =	simm.s32 $0x0;
	v14 =	vsub.f32 v12, v16  }
.LBB2_5:
0xa2: {  	p0 =	sne.s32 s7, $0xFF0  }
0xa3: {  	s10 =	spop (v2sf);
	s11 =	smov.u32 s7;
	s7 =	sadd.s32 $0x10, s7  }
0xa4: {  	s21 =	sadd.s32 s21, s9;
	v13 =	vadd.f32 v14, v13;
	s22 =	sadd.s32 s22, s10;
	s9 =	spop (v2sf)  }
0xa5: {  	v14 =	vor.u32 s0, v0;
	s0 =	smov.u32 s11;
	s23 =	sadd.s32 s23, s9  }
0xa6: {  	vm0 =	vle.f32 v13, $9.999999770e-03;
	vm1 =	vle.f32 v13, $3.999999910e-02;
	vm2 =	vle.f32 v13, $1.599999960e-01  }
0xa7: {  	[tilespmem:s23+$0x7400] =	vst.msk vm0, v14;
	v13 =	vmpcnt.ones.xlane vm0;
	v15 =	vmpcnt.ones.xlane vm2  }
0xa8: {  	v16 =	vmpcnt.ones.xlane vm1;
	[tilespmem:s22+$0x8480] =	vst.msk vm1, v14  }
0xa9: {  	s1 =	sadd.s32 $0x10, s1;
	[tilespmem:s21+$0x9500] =	vst.msk vm2, v14;
	(v2sf) =	vpush v15, $0x0  }
0xaa: {  	s20 =	sadd.s32 $0x10, s20;
	v14 =	vld [tilespmem:s1+$0x0];
	(v2sf) =	vpush v16, $0x0  }
0xab: {  	v15 =	vld [tilespmem:s20+$0x0];
	(v2sf) =	vpush v13, $0x0  }
0xac: {  	s31 =	sadd.s32 $0x10, s31  }
0xad: {  	v13 =	vld [tilespmem:s31+$0x0];
	_ =	sdelay $0x1  }
0xae: {  	v14 =	vmul.f32 v14, v9  }
0xaf: {  	v15 =	vmul.f32 v15, v10;
	_ =	sdelay $0x1  }
0xb0: {  	v14 =	vadd.f32 v15, v14;
	v13 =	vmul.f32 v13, v11;
	_ =	sdelay $0x1  }
.Ltmp1:
0xb1: {  	s8 =	sadd.s32 $0x10, s8;
	v14 =	vadd.f32 v13, v14;
	(pc) =	sbr.rel @p0 .LBB2_5-.Ltmp1, $3  }
0xb2: {  	v13 =	vld [tilespmem:s8+$0x0]  }
0xb3: {  	v14 =	vadd.f32 v14, v14;
	_ =	sdelay $0x1  }
0xb4: {  	v14 =	vsub.f32 v12, v14;
	s9 =	spop (v2sf)  }
0xb5: {  	_ = 	snop  }
0xb6: {  	v9 =	vadd.f32 v14, v13;
	_ =	sdelay $0x1  }
0xb7: {  	vm0 =	vle.f32 v9, $1.599999960e-01  }
0xb8: {  	vm1 =	vle.f32 v9, $3.999999910e-02;
	v10 =	vmpcnt.ones.xlane vm0  }
0xb9: {  	vm2 =	vle.f32 v9, $9.999999770e-03;
	v9 =	vmpcnt.ones.xlane vm1  }
0xba: {  	(v2sf) =	vpush v10, $0x0;
	v10 =	vmpcnt.ones.xlane vm2  }
0xbb: {  	(v2sf) =	vpush v9, $0x0  }
0xbc: {  	(v2sf) =	vpush v10, $0x0;
	_ =	sdelay $0xa  }
0xbd: {  	s1 =	spop (v2sf)  }
0xbe: {  	s7 =	spop (v2sf)  }
0xbf: {  	s20 =	spop (v2sf)  }
0xc0: {  	s31 =	sadd.s32 s23, s7;
	v9 =	vor.u32 s0, v0;
	s7 =	spop (v2sf)  }
0xc1: {  	s8 =	sadd.s32 s22, s1;
	[tilespmem:s31+$0x7400] =	vst.msk vm2, v9;
	s10 =	spop (v2sf)  }
0xc2: {  	s21 =	sadd.s32 s21, s9;
	[tilespmem:s8+$0x8480] =	vst.msk vm1, v9;
	s0 =	sadd.s32 s31, s10  }
0xc3: {  	[tilespmem:s21+$0x9500] =	vst.msk vm0, v9;
	p0 =	slt.s32 s0, $0x1  }
0xc4: {  	v9 =	vld @!p0 [tilespmem:$0x7400];
	_ =	sdelay $0x4  }
0xc5: {  	(v2sf) =	vpush @!p0 v9, $0x0;
	_ =	sdelay $0xb  }
0xc6: {  	v9 =	vld [tilespmem:$0x7400]  }
0xc7: {  	p1 =	slt.s32 s0, $0x20  }
0xc8: {  	s0 =	simm.s32 @!p1 $0x20  }
0xc9: {  	v10 =	vmov s0;
	s1 =	spop @!p0 (v2sf)  }
0xca: {  	vm14 =	vlt.s32 v10, v1;
	s1 =	simm.s32 @p0 $0xFFF  }
0xcb: {  	v9 =	vsel vm14, s1, v9;
	_ =	sdelay $0x4  }
0xcc: {  	v11 =	vld.idx.msk [tilespmem:v9+s3+$0x0], $0xffff;
	_ =	sdelay $0x4  }
0xcd: {  	[tilespmem:$0xA580] =	vst v11  }
0xce: {  	v11 =	vld.idx.msk [tilespmem:v9+s17+$0x0], $0xffff;
	_ =	sdelay $0x1  }
0xcf: {  	v12 =	vld [tilespmem:$0x7410];
	_ =	sdelay $0x2  }
0xd0: {  	[tilespmem:$0xA600] =	vst v11  }
0xd1: {  	vm15 =	vlt.s32 v10, v2;
	v9 =	vld.idx.msk [tilespmem:v9+s18+$0x0], $0xffff  }
0xd2: {  	v10 =	vsel vm15, s1, v12;
	_ =	sdelay $0x3  }
0xd3: {  	[tilespmem:$0xA680] =	vst v9  }
0xd4: {  	v9 =	vld.idx.msk [tilespmem:v10+s3+$0x0], $0xffff;
	_ =	sdelay $0x4  }
0xd5: {  	[tilespmem:$0xA590] =	vst v9  }
0xd6: {  	v9 =	vld.idx.msk [tilespmem:v10+s17+$0x0], $0xffff;
	_ =	sdelay $0x4  }
0xd7: {  	[tilespmem:$0xA610] =	vst v9  }
0xd8: {  	v9 =	vld.idx.msk [tilespmem:v10+s18+$0x0], $0xffff  }
0xd9: {  	s31 =	sor.u32 s4, s30  }
0xda: {  	s11 =	smul.u32 $0xC, s31  }
0xdb: {  	s22 =	smul.u32 $0x3, s31;
	_ =	sdelay $0x1  }
0xdc: {  	s0 =	sadd.s32 s5, s11;
	s1 =	sadd.s32 $0x1, s22;
	[tilespmem:$0xA690] =	vst v9  }
0xdd: {  	[hbm4b:s0+s3] =	stream.linear.scatter [tilespmem:s24], [sflag:$0x1], $0x20, $0x38;
	[tilespmem:$0xA700] =	vst v63  }
0xde: {  	s23 =	sshll.u32 s1, $0x2;
	_ =	swait.ge [sflag:s16], $0x20  }
0xdf: {  	s0 =	sand.u32 $0x1FFFFFFC, s23;
	[sflag:s16] =	ssyncset.done $0x0  }
0xe0: {  	s10 =	sadd.s32 $0x2, s22;
	s0 =	sadd.s32 s5, s0;
	[sflag:s16] =	ssyncadd.s32 $0xFFFFFFE0  }
0xe1: {  	[hbm4b:s0+s3] =	stream.linear.scatter [tilespmem:s25], [sflag:$0x1], $0x20, $0x38;
	[tilespmem:$0xA700] =	vst v63  }
0xe2: {  	s9 =	sshll.u32 s10, $0x2;
	_ =	swait.ge [sflag:s16], $0x20  }
0xe3: {  	s9 =	sand.u32 $0x1FFFFFFC, s9;
	[sflag:s16] =	ssyncset.done $0x0  }
0xe4: {  	s9 =	sadd.s32 s5, s9;
	[sflag:s16] =	ssyncadd.s32 $0xFFFFFFE0  }
0xe5: {  	[hbm4b:s9+s3] =	stream.linear.scatter [tilespmem:s26], [sflag:$0x1], $0x20, $0x38;
	[tilespmem:$0xA700] =	vst v63  }
0xe6: {  	_ =	swait.ge [sflag:s16], $0x20  }
0xe7: {  	s7 =	sadd.s32 s8, s7;
	[sflag:s16] =	ssyncset.done $0x0  }
0xe8: {  	p0 =	slt.s32 s7, $0x1;
	[sflag:s16] =	ssyncadd.s32 $0xFFFFFFE0  }
0xe9: {  	v9 =	vld @!p0 [tilespmem:$0x8480];
	_ =	sdelay $0x4  }
0xea: {  	(v2sf) =	vpush @!p0 v9, $0x0;
	_ =	sdelay $0xb  }
0xeb: {  	v9 =	vld [tilespmem:$0x8480]  }
0xec: {  	p1 =	slt.s32 s7, $0x40  }
0xed: {  	s7 =	simm.s32 @!p1 $0x40  }
0xee: {  	v10 =	vmov s7;
	s7 =	spop @!p0 (v2sf)  }
0xef: {  	vm4 =	vlt.s32 v10, v1;
	s7 =	simm.s32 @p0 $0xFFF  }
0xf0: {  	v9 =	vsel vm4, s7, v9;
	_ =	sdelay $0x4  }
0xf1: {  	v11 =	vld.idx.msk [tilespmem:v9+s3+$0x0], $0xffff;
	_ =	sdelay $0x4  }
0xf2: {  	[tilespmem:$0xA580] =	vst v11  }
0xf3: {  	v11 =	vld.idx.msk [tilespmem:v9+s17+$0x0], $0xffff;
	_ =	sdelay $0x1  }
0xf4: {  	v54 =	vld [tilespmem:$0x8490];
	_ =	sdelay $0x2  }
0xf5: {  	[tilespmem:$0xA600] =	vst v11  }
0xf6: {  	vm5 =	vlt.s32 v10, v2;
	v9 =	vld.idx.msk [tilespmem:v9+s18+$0x0], $0xffff  }
0xf7: {  	v11 =	vsel vm5, s7, v54;
	_ =	sdelay $0x3  }
0xf8: {  	[tilespmem:$0xA680] =	vst v9  }
0xf9: {  	v9 =	vld.idx.msk [tilespmem:v11+s3+$0x0], $0xffff;
	_ =	sdelay $0x4  }
0xfa: {  	[tilespmem:$0xA590] =	vst v9  }
0xfb: {  	v9 =	vld.idx.msk [tilespmem:v11+s17+$0x0], $0xffff;
	_ =	sdelay $0x1  }
0xfc: {  	v55 =	vld [tilespmem:$0x84A0];
	_ =	sdelay $0x2  }
0xfd: {  	[tilespmem:$0xA610] =	vst v9  }
0xfe: {  	vm6 =	vlt.s32 v10, v3;
	v9 =	vld.idx.msk [tilespmem:v11+s18+$0x0], $0xffff  }
0xff: {  	v11 =	vsel vm6, s7, v55;
	_ =	sdelay $0x3  }
0x100: {  	[tilespmem:$0xA690] =	vst v9  }
0x101: {  	v9 =	vld.idx.msk [tilespmem:v11+s3+$0x0], $0xffff;
	_ =	sdelay $0x4  }
0x102: {  	[tilespmem:$0xA5A0] =	vst v9  }
0x103: {  	v9 =	vld.idx.msk [tilespmem:v11+s17+$0x0], $0xffff;
	_ =	sdelay $0x1  }
0x104: {  	v56 =	vld [tilespmem:$0x84B0];
	_ =	sdelay $0x2  }
0x105: {  	[tilespmem:$0xA620] =	vst v9  }
0x106: {  	vm7 =	vlt.s32 v10, v4;
	v9 =	vld.idx.msk [tilespmem:v11+s18+$0x0], $0xffff  }
0x107: {  	v10 =	vsel vm7, s7, v56;
	_ =	sdelay $0x3  }
0x108: {  	[tilespmem:$0xA6A0] =	vst v9  }
0x109: {  	v9 =	vld.idx.msk [tilespmem:v10+s3+$0x0], $0xffff;
	_ =	sdelay $0x4  }
0x10a: {  	[tilespmem:$0xA5B0] =	vst v9  }
0x10b: {  	v9 =	vld.idx.msk [tilespmem:v10+s17+$0x0], $0xffff;
	_ =	sdelay $0x4  }
0x10c: {  	[tilespmem:$0xA630] =	vst v9  }
0x10d: {  	v9 =	vld.idx.msk [tilespmem:v10+s18+$0x0], $0xffff;
	_ =	sdelay $0x2  }
0x10e: {  	s11 =	smul.u32 $0x18, s31;
	_ =	sdelay $0x1  }
0x10f: {  	s7 =	sadd.s32 s6, s11;
	[tilespmem:$0xA6B0] =	vst v9  }
0x110: {  	[hbm4b:s7+s3] =	stream.linear.scatter [tilespmem:s24], [sflag:$0x1], $0x40, $0x38;
	[tilespmem:$0xA700] =	vst v63  }
0x111: {  	s22 =	sshll.u32 s1, $0x3;
	_ =	swait.ge [sflag:s16], $0x40  }
0x112: {  	s7 =	sand.u32 $0x1FFFFFF8, s22;
	[sflag:s16] =	ssyncset.done $0x0  }
0x113: {  	s7 =	sadd.s32 s6, s7;
	[sflag:s16] =	ssyncadd.s32 $0xFFFFFFC0  }
0x114: {  	[hbm4b:s7+s3] =	stream.linear.scatter [tilespmem:s25], [sflag:$0x1], $0x40, $0x38;
	[tilespmem:$0xA700] =	vst v63  }
0x115: {  	s23 =	sshll.u32 s10, $0x3;
	_ =	swait.ge [sflag:s16], $0x40  }
0x116: {  	s7 =	sand.u32 $0x1FFFFFF8, s23;
	[sflag:s16] =	ssyncset.done $0x0  }
0x117: {  	s7 =	sadd.s32 s6, s7;
	[sflag:s16] =	ssyncadd.s32 $0xFFFFFFC0  }
0x118: {  	[hbm4b:s7+s3] =	stream.linear.scatter [tilespmem:s26], [sflag:$0x1], $0x40, $0x38;
	[tilespmem:$0xA700] =	vst v63  }
0x119: {  	_ =	swait.ge [sflag:s16], $0x40  }
0x11a: {  	s8 =	sadd.s32 s21, s20;
	[sflag:s16] =	ssyncset.done $0x0  }
0x11b: {  	p0 =	slt.s32 s8, $0x1;
	[sflag:s16] =	ssyncadd.s32 $0xFFFFFFC0  }
0x11c: {  	v9 =	vld @!p0 [tilespmem:$0x9500];
	_ =	sdelay $0x4  }
0x11d: {  	(v2sf) =	vpush @!p0 v9, $0x0;
	_ =	sdelay $0xb  }
0x11e: {  	v9 =	vld [tilespmem:$0x9500]  }
0x11f: {  	p1 =	slt.s32 s8, $0x80  }
0x120: {  	s8 =	simm.s32 @!p1 $0x80  }
0x121: {  	v10 =	vmov s8;
	s7 =	spop @!p0 (v2sf)  }
0x122: {  	vm8 =	vlt.s32 v10, v1;
	s7 =	simm.s32 @p0 $0xFFF  }
0x123: {  	v9 =	vsel vm8, s7, v9;
	_ =	sdelay $0x4  }
0x124: {  	v11 =	vld.idx.msk [tilespmem:v9+s3+$0x0], $0xffff;
	_ =	sdelay $0x4  }
0x125: {  	[tilespmem:$0xA580] =	vst v11  }
0x126: {  	v11 =	vld.idx.msk [tilespmem:v9+s17+$0x0], $0xffff;
	_ =	sdelay $0x1  }
0x127: {  	v57 =	vld [tilespmem:$0x9510];
	_ =	sdelay $0x2  }
0x128: {  	[tilespmem:$0xA600] =	vst v11  }
0x129: {  	vm9 =	vlt.s32 v10, v2;
	v9 =	vld.idx.msk [tilespmem:v9+s18+$0x0], $0xffff  }
0x12a: {  	v11 =	vsel vm9, s7, v57;
	_ =	sdelay $0x3  }
0x12b: {  	[tilespmem:$0xA680] =	vst v9  }
0x12c: {  	v9 =	vld.idx.msk [tilespmem:v11+s3+$0x0], $0xffff;
	_ =	sdelay $0x4  }
0x12d: {  	[tilespmem:$0xA590] =	vst v9  }
0x12e: {  	v9 =	vld.idx.msk [tilespmem:v11+s17+$0x0], $0xffff;
	_ =	sdelay $0x1  }
0x12f: {  	v58 =	vld [tilespmem:$0x9520];
	_ =	sdelay $0x2  }
0x130: {  	[tilespmem:$0xA610] =	vst v9  }
0x131: {  	vm10 =	vlt.s32 v10, v3;
	v9 =	vld.idx.msk [tilespmem:v11+s18+$0x0], $0xffff  }
0x132: {  	v11 =	vsel vm10, s7, v58;
	_ =	sdelay $0x3  }
0x133: {  	[tilespmem:$0xA690] =	vst v9  }
0x134: {  	v9 =	vld.idx.msk [tilespmem:v11+s3+$0x0], $0xffff;
	_ =	sdelay $0x4  }
0x135: {  	[tilespmem:$0xA5A0] =	vst v9  }
0x136: {  	v9 =	vld.idx.msk [tilespmem:v11+s17+$0x0], $0xffff;
	_ =	sdelay $0x1  }
0x137: {  	v59 =	vld [tilespmem:$0x9530];
	_ =	sdelay $0x2  }
0x138: {  	[tilespmem:$0xA620] =	vst v9  }
0x139: {  	vm11 =	vlt.s32 v10, v4;
	v9 =	vld.idx.msk [tilespmem:v11+s18+$0x0], $0xffff  }
0x13a: {  	v11 =	vsel vm11, s7, v59;
	_ =	sdelay $0x3  }
0x13b: {  	[tilespmem:$0xA6A0] =	vst v9  }
0x13c: {  	v9 =	vld.idx.msk [tilespmem:v11+s3+$0x0], $0xffff;
	_ =	sdelay $0x4  }
0x13d: {  	[tilespmem:$0xA5B0] =	vst v9  }
0x13e: {  	v9 =	vld.idx.msk [tilespmem:v11+s17+$0x0], $0xffff;
	_ =	sdelay $0x1  }
0x13f: {  	v60 =	vld [tilespmem:$0x9540];
	_ =	sdelay $0x2  }
0x140: {  	[tilespmem:$0xA630] =	vst v9  }
0x141: {  	vm12 =	vlt.s32 v10, v5;
	v9 =	vld.idx.msk [tilespmem:v11+s18+$0x0], $0xffff  }
0x142: {  	v11 =	vsel vm12, s7, v60;
	_ =	sdelay $0x3  }
0x143: {  	[tilespmem:$0xA6B0] =	vst v9  }
0x144: {  	v9 =	vld.idx.msk [tilespmem:v11+s3+$0x0], $0xffff;
	_ =	sdelay $0x4  }
0x145: {  	[tilespmem:$0xA5C0] =	vst v9  }
0x146: {  	v9 =	vld.idx.msk [tilespmem:v11+s17+$0x0], $0xffff;
	_ =	sdelay $0x1  }
0x147: {  	v61 =	vld [tilespmem:$0x9550];
	_ =	sdelay $0x2  }
0x148: {  	[tilespmem:$0xA640] =	vst v9  }
0x149: {  	vm13 =	vlt.s32 v10, v6;
	v9 =	vld.idx.msk [tilespmem:v11+s18+$0x0], $0xffff  }
0x14a: {  	v11 =	vsel vm13, s7, v61;
	_ =	sdelay $0x3  }
0x14b: {  	[tilespmem:$0xA6C0] =	vst v9  }
0x14c: {  	v9 =	vld.idx.msk [tilespmem:v11+s3+$0x0], $0xffff;
	_ =	sdelay $0x4  }
0x14d: {  	[tilespmem:$0xA5D0] =	vst v9  }
0x14e: {  	v9 =	vld.idx.msk [tilespmem:v11+s17+$0x0], $0xffff;
	_ =	sdelay $0x1  }
0x14f: {  	v62 =	vld [tilespmem:$0x9560];
	_ =	sdelay $0x2  }
0x150: {  	[tilespmem:$0xA650] =	vst v9  }
0x151: {  	vm14 =	vlt.s32 v10, v7;
	v9 =	vld.idx.msk [tilespmem:v11+s18+$0x0], $0xffff  }
0x152: {  	v11 =	vsel vm14, s7, v62;
	_ =	sdelay $0x3  }
0x153: {  	[tilespmem:$0xA6D0] =	vst v9  }
0x154: {  	v9 =	vld.idx.msk [tilespmem:v11+s3+$0x0], $0xffff;
	_ =	sdelay $0x4  }
0x155: {  	[tilespmem:$0xA5E0] =	vst v9  }
0x156: {  	v9 =	vld.idx.msk [tilespmem:v11+s17+$0x0], $0xffff;
	_ =	sdelay $0x1  }
0x157: {  	v63 =	vld [tilespmem:$0x9570];
	_ =	sdelay $0x2  }
0x158: {  	[tilespmem:$0xA660] =	vst v9  }
0x159: {  	vm15 =	vlt.s32 v10, v8;
	v9 =	vld.idx.msk [tilespmem:v11+s18+$0x0], $0xffff  }
0x15a: {  	v10 =	vsel vm15, s7, v63;
	_ =	sdelay $0x3  }
0x15b: {  	[tilespmem:$0xA6E0] =	vst v9  }
0x15c: {  	v9 =	vld.idx.msk [tilespmem:v10+s3+$0x0], $0xffff;
	_ =	sdelay $0x4  }
0x15d: {  	[tilespmem:$0xA5F0] =	vst v9  }
0x15e: {  	v9 =	vld.idx.msk [tilespmem:v10+s17+$0x0], $0xffff;
	_ =	sdelay $0x4  }
0x15f: {  	[tilespmem:$0xA670] =	vst v9  }
0x160: {  	v9 =	vld.idx.msk [tilespmem:v10+s18+$0x0], $0xffff;
	_ =	sdelay $0x2  }
0x161: {  	s31 =	smul.u32 $0x30, s31;
	_ =	sdelay $0x1  }
0x162: {  	s7 =	sadd.s32 s2, s31;
	[tilespmem:$0xA6F0] =	vst v9  }
0x163: {  	[hbm4b:s7+s3] =	stream.linear.scatter [tilespmem:s24], [sflag:$0x1], $0x80, $0x38;
	[tilespmem:$0xA700] =	vst v63  }
0x164: {  	s1 =	sshll.u32 s1, $0x4;
	_ =	swait.ge [sflag:s16], $0x80  }
0x165: {  	s1 =	sand.u32 $0x1FFFFFF0, s1;
	[sflag:s16] =	ssyncset.done $0x0  }
0x166: {  	s1 =	sadd.s32 s2, s1;
	[sflag:s16] =	ssyncadd.s32 $0xFFFFFF80  }
0x167: {  	[hbm4b:s1+s3] =	stream.linear.scatter [tilespmem:s25], [sflag:$0x1], $0x80, $0x38;
	[tilespmem:$0xA700] =	vst v63  }
0x168: {  	s30 =	sadd.s32 $0x1, s30;
	s0 =	sshll.u32 s10, $0x4;
	_ =	swait.ge [sflag:s16], $0x80  }
0x169: {  	s0 =	sand.u32 $0x1FFFFFF0, s0;
	p0 =	sne.s32 s30, $0x40;
	[sflag:s16] =	ssyncset.done $0x0  }
.Ltmp2:
0x16a: {  	s0 =	sadd.s32 s2, s0;
	[sflag:s16] =	ssyncadd.s32 $0xFFFFFF80;
	(pc) =	sbr.rel @p0 .LBB2_4-.Ltmp2, $4  }
0x16b: {  	[hbm4b:s0+s3] =	stream.linear.scatter [tilespmem:s26], [sflag:$0x1], $0x80, $0x38;
	[tilespmem:$0xA700] =	vst v63  }
0x16c: {  	_ =	swait.ge [sflag:s16], $0x80  }
0x16d: {  	[sflag:s16] =	ssyncset.done $0x0  }
0x16e: {  	[sflag:s16] =	ssyncadd.s32 $0xFFFFFF80  }
0x16f: {  	s28 =	sadd.s32 $0x1, s28  }
0x170: {  	p0 =	sne.s32 s28, s15  }
.Ltmp3:
0x171: {  	_ = 	snop;
	(pc) =	sbr.rel @p0 .LBB2_1-.Ltmp3, $1  }
0x172: {  	_ =	sdelay $0x3  }
0x173: {  	_ =	sfence.sel $0x180000  }
0x174: {  	[bflag:$0x0] =	sbarrier.arrive $0xFFFF  }
0x175: {  	_ =	strace $0x90000047  }
0x176: {  	s0 =	stileid.u32;
	[bflag:$0x2] =	sbarrier.arrive $0xFFFF  }
0x177: {  	p0 =	sne.s32 s0, $0x0;
	s0 =	rddreg [dreg:$0x2]  }
0x178: {  	s0 =	sadd.s32 @!p0 $0x100000, s0  }
0x179: {  	[sflag:s0] =	ssyncadd.tile.s32 @!p0 $0x1;
	_ =	shalt  }
.Lfunc_end2:
_tile_overlayer_lowered:
.L_overlay_start_2:
0x17a: {  	(tag) =	ssettag $0x2  }
0x17b: {  	s0 =	rddreg [dreg:$0x0];
	s2 =	stileid.u32  }
0x17c: {  	s1 =	rddreg [dreg:$0x1];
	p0 =	sne.s32 s2, $0x0  }
0x17d: {  	s3 =	rddreg [dreg:$0x2];
	[bflag:$0x3] =	sbarrier.arrive $0xFFFF;
	s2 =	simm.s32 @!p0 $0x1C01  }
0x17e: {  	[timem:s3], [sflag:s2] =	dma.local @!p0 [hbm:s0], s1  }
0x17f: {  	s0 =	simm.s32 @!p0 $0x1  }
0x180: {  	_ =	swait.ge @!p0 [sflag:s0], s1  }
0x181: {  	s1 =	ssub.s32 @!p0 $0x0, s1;
	[sflag:s0] =	ssyncset.done @!p0 $0x0  }
0x182: {  	[sflag:s0] =	ssyncadd.s32 @!p0 s1  }
0x183: {  	[bflag:$0x3] =	sbarrier.arrive $0xFFFF  }
0x184: {  	_ =	shalt  }

// kernel: kernel.18.cloned.1.call-start
scs
__scs_entry_jumppad:
0x0: {  	(pc) =	sbr.rel $0x88, $3  }
0x1: {  	(tag) =	ssettag $0x0;
	lr =	simm.s32 $0x1  }
0x2: {  	[smem:$0x3F3A] =	sst lr;
	_ =	strace $0xD0000000  }
0x3: {  	_ = 	snop  }
0x4: {  	_ = 	snop  }
0x5: {  	_ = 	snop  }
0x6: {  	_ = 	snop  }
0x7: {  	_ = 	snop  }
__scs_overlays_trampoline_lowered:
0x8: {  	[smem:$0x3F49] =	sst s0  }
0x9: {  	[smem:$0x3F4A] =	sst s1  }
0xa: {  	[smem:$0x3F4B] =	sst s2  }
0xb: {  	[smem:$0x3F4C] =	sst s3  }
0xc: {  	[smem:$0x3F4D] =	sst s4  }
0xd: {  	[smem:$0x3F4E] =	sst s5  }
0xe: {  	[smem:$0x3F4F] =	sst s6  }
0xf: {  	[smem:$0x3F50] =	sst s7  }
0x10: {  	[smem:$0x3F51] =	sst s8  }
0x11: {  	[smem:$0x3F52] =	sst s9;
	s0 =	simm.s32 @!p0 $0x0  }
0x12: {  	s1 =	sld [smem:$0x3F38];
	s0 =	simm.s32 @p0 $0x1  }
0x13: {  	[smem:$0x3F53] =	sst s0;
	s0 =	simm.s32 @!p1 $0x0  }
0x14: {  	s2 =	sld [smem:$0x3F37];
	s0 =	simm.s32 @p1 $0x1  }
0x15: {  	[smem:$0x3F54] =	sst s0;
	s0 =	simm.s32 @!p2 $0x0  }
0x16: {  	s3 =	sld [smem:$0x3FDB];
	s0 =	simm.s32 @p2 $0x1  }
0x17: {  	s4 =	simm.s32 $0x1BF5;
	[smem:$0x3F56] =	sst s0  }
0x18: {  	s0 =	sld [smem:$0x3F39];
	_ =	swait.ge [sflag:s4], $0x0  }
0x19: {  	s7 =	sld [smem:$0x3F3A]  }
0x1a: {  	s8 =	sadd.s32 $0xFFFFE003, lr  }
0x1b: {  	s9 =	sadd.s32 $0xFFFFFEF7, lr;
	s5 =	simm.s32 $0xFFFFFFFF;
	p2 =	slt.u32 s8, $0xFFFFF086  }
0x1c: {  	p1 =	slt.u32 s9, $0xF7A;
	s5 =	simm.s32 @!p2 $0x0  }
0x1d: {  	s5 =	simm.s32 @p1 $0x1;
	p0 =	seq.s32 s7, s2  }
0x1e: {  	s7 =	smul.u32 @!p0 $0xF7A, s2;
	p2 =	seq.s32 @!p0 s5, $0x0  }
0x1f: {  	s9 =	smul.u32 $0xF7A, s1;
	s8 =	simm.s32 @!p0 $0x1BF5;
	p2 =	por !p2, p0  }
0x20: {  	[sflag:s8] =	ssyncset.s32 @!p0 $0xFFFFF086;
	s6 =	sadd.s32 @!p0 s3, s7;
	s7 =	simm.s32 @!p0 $0x108  }
0x21: {  	s3 =	sadd.s32 s3, s9;
	s6 =	sadd.s32 @!p0 $0x88, s6;
	s7 =	simm.s32 @p2 $0x1082  }
0x22: {  	[simem:s7], [sflag:s8] =	dma.local @!p0 [hbm:s6], $0xF7A  }
0x23: {  	s9 =	sor.u32 $0xD0000000, s2;
	s6 =	simm.s32 $0x108;
	_ =	swait.ge @!p0 [sflag:s8], $0x0  }
0x24: {  	s3 =	sadd.s32 $0x88, s3;
	s6 =	simm.s32 @!p1 $0x1082;
	[sflag:s4] =	ssyncset.s32 $0xFFFFF086  }
0x25: {  	[simem:s6], [sflag:s4] =	dma.local [hbm:s3], $0xF7A  }
0x26: {  	[smem:$0x3F3A] =	sst s1;
	(tag) =	ssettag s2;
	_ =	strace s9  }
0x27: {  	s1 =	sld [smem:$0x3F4A]  }
0x28: {  	s2 =	sld [smem:$0x3F4B]  }
0x29: {  	s4 =	sld [smem:$0x3F4D]  }
0x2a: {  	p0 =	seq.s32 s5, $0x0;
	s5 =	sld [smem:$0x3F4E]  }
0x2b: {  	s6 =	sld [smem:$0x3F4F]  }
0x2c: {  	s7 =	sld [smem:$0x3F50]  }
0x2d: {  	s3 =	simm.s32 $0x108;
	s8 =	sld [smem:$0x3F51]  }
0x2e: {  	s3 =	simm.s32 @!p0 $0x1082;
	s9 =	sld [smem:$0x3F52]  }
0x2f: {  	lr =	sadd.s32 s0, s3;
	s0 =	sld [smem:$0x3F49]  }
0x30: {  	s3 =	sld [smem:$0x3F4C]  }
0x31: {  	[smem:$0x3F55] =	sst s10  }
0x32: {  	s10 =	sld [smem:$0x3F53];
	_ =	sdelay $0x3  }
0x33: {  	p0 =	seq.s32 s10, $0x1;
	s10 =	sld [smem:$0x3F55];
	_ =	sdelay $0x3  }
0x34: {  	[smem:$0x3F55] =	sst s10  }
0x35: {  	s10 =	sld [smem:$0x3F54];
	_ =	sdelay $0x3  }
0x36: {  	p1 =	seq.s32 s10, $0x1;
	s10 =	sld [smem:$0x3F55];
	_ =	sdelay $0x3  }
0x37: {  	[smem:$0x3F55] =	sst s10  }
0x38: {  	s10 =	sld [smem:$0x3F56]  }
0x39: {  	_ = 	snop;
	(pc) =	sbr.ind lr, $3  }
0x3a: {  	_ = 	snop  }
0x3b: {  	_ = 	snop  }
0x3c: {  	p2 =	seq.s32 s10, $0x1;
	s10 =	sld [smem:$0x3F55]  }
0x3d: {  	_ =	shalt  }
0x3e: {  	_ =	shalt  }
0x3f: {  	_ =	shalt  }
0x40: {  	_ =	shalt  }
0x41: {  	_ =	shalt  }
0x42: {  	_ =	shalt  }
0x43: {  	_ =	shalt  }
0x44: {  	_ =	shalt  }
0x45: {  	_ =	shalt  }
0x46: {  	_ =	shalt  }
0x47: {  	_ =	shalt  }
0x48: {  	_ =	shalt  }
0x49: {  	_ =	shalt  }
0x4a: {  	_ =	shalt  }
0x4b: {  	_ =	shalt  }
0x4c: {  	_ =	shalt  }
0x4d: {  	_ =	shalt  }
0x4e: {  	_ =	shalt  }
0x4f: {  	_ =	shalt  }
0x50: {  	_ =	shalt  }
0x51: {  	_ =	shalt  }
0x52: {  	_ =	shalt  }
0x53: {  	_ =	shalt  }
0x54: {  	_ =	shalt  }
0x55: {  	_ =	shalt  }
0x56: {  	_ =	shalt  }
0x57: {  	_ =	shalt  }
0x58: {  	_ =	shalt  }
0x59: {  	_ =	shalt  }
0x5a: {  	_ =	shalt  }
0x5b: {  	_ =	shalt  }
0x5c: {  	_ =	shalt  }
0x5d: {  	_ =	shalt  }
0x5e: {  	_ =	shalt  }
0x5f: {  	_ =	shalt  }
0x60: {  	_ =	shalt  }
0x61: {  	_ =	shalt  }
0x62: {  	_ =	shalt  }
0x63: {  	_ =	shalt  }
0x64: {  	_ =	shalt  }
0x65: {  	_ =	shalt  }
0x66: {  	_ =	shalt  }
0x67: {  	_ =	shalt  }
0x68: {  	_ =	shalt  }
0x69: {  	_ =	shalt  }
0x6a: {  	_ =	shalt  }
0x6b: {  	_ =	shalt  }
0x6c: {  	_ =	shalt  }
0x6d: {  	_ =	shalt  }
0x6e: {  	_ =	shalt  }
0x6f: {  	_ =	shalt  }
0x70: {  	_ =	shalt  }
0x71: {  	_ =	shalt  }
0x72: {  	_ =	shalt  }
0x73: {  	_ =	shalt  }
0x74: {  	_ =	shalt  }
0x75: {  	_ =	shalt  }
0x76: {  	_ =	shalt  }
0x77: {  	_ =	shalt  }
0x78: {  	_ =	shalt  }
0x79: {  	_ =	shalt  }
0x7a: {  	_ =	shalt  }
0x7b: {  	_ =	shalt  }
0x7c: {  	_ =	shalt  }
0x7d: {  	_ =	shalt  }
0x7e: {  	_ =	shalt  }
0x7f: {  	_ =	shalt  }
0x80: {  	_ =	shalt  }
0x81: {  	_ =	shalt  }
0x82: {  	_ =	shalt  }
0x83: {  	_ =	shalt  }
0x84: {  	_ =	shalt  }
0x85: {  	_ =	shalt  }
0x86: {  	_ =	shalt  }
0x87: {  	_ =	shalt  }
.Lfunc_end0:
.L_simem_size_0:
called_computation.1_lowered:
.L_overlay_start_0:
0x88: {  	s2 =	sld [smem:$0x3FD9]  }
0x89: {  	s3 =	sld [smem:$0x3FFE];
	_ =	sdelay $0x1  }
0x8a: {  	s1 =	srdreg.scid  }
0x8b: {  	s0 =	sand.u32 $0x1, s1  }
0x8c: {  	s17 =	sshll.u32 s0, $0xA;
	s2 =	sadd.s32 s3, s2  }
0x8d: {  	s2 =	sadd.s32 s2, s17  }
0x8e: {  	[smem:$0x3F61] =	sst s2  }
0x8f: {  	_ = 	snop  }
0x90: {  	s2 =	sld [smem:$0x3FD0];
	(tm) =	ssettm $0x1  }
0x91: {  	s18 =	sld [smem:$0x3FFB];
	_ =	sdelay $0x3  }
0x92: {  	_ =	strace s18  }
0x93: {  	s3 =	sld [smem:$0x3FFC];
	_ =	sdelay $0x3  }
0x94: {  	_ =	strace s3  }
0x95: {  	s3 =	sld [smem:$0x3FFD];
	_ =	sdelay $0x3  }
0x96: {  	_ =	strace s3  }
0x97: {  	_ =	strace $0x8FFFFFFF  }
0x98: {  	s19 =	sld [smem:$0x3FDB];
	_ =	sdelay $0x1  }
0x99: {  	s4 =	simm.s32 $_scs_section_size  }
0x9a: {  	s5 =	simm.s32 $_size__tile_overlayer_lowered;
	s6 =	simm.s32 $_tile_overlayer_lowered  }
0x9b: {  	s22 =	simm.s32 $0x1BFF;
	s21 =	sshll.u32 s6, $0x1;
	s3 =	sadd.s32 s4, s19  }
0x9c: {  	s7 =	simm.s32 $0x0;
	s20 =	sshll.u32 s5, $0x1;
	s5 =	sadd.s32 s21, s3  }
0x9d: {  	[timem:s7], [sflag:s22] =	dma.local [hbm:s5], s20  }
0x9e: {  	_ =	swait.ge [sflag:s22], s20  }
0x9f: {  	s4 =	ssub.s32 $0x0, s20;
	[sflag:s22] =	ssyncset.done $0x0  }
0xa0: {  	[sflag:s22] =	ssyncadd.s32 s4;
	_ =	sdelay $0x1  }
0xa1: {  	s23 =	simm.s32 $0x1B8B  }
0xa2: {  	_ =	swait.ge [sflag:s23], $0x1  }
0xa3: {  	[sflag:s23] =	ssyncset.done $0x0  }
0xa4: {  	s25 =	simm.s32 $0x1B8E;
	s24 =	sld [smem:$0x3FFE];
	[sflag:s23] =	ssyncadd.s32 $0xFFFFFFFF  }
0xa5: {  	s26 =	simm.s32 $execute0_lowered;
	[smem:$0x3FD2] =	sst s25  }
0xa6: {  	s5 =	sshll.u32 s26, $0x1;
	_ =	strace $0x80000049;
	[dreg:$0x1] =	wrdreg $0xFFFFFFFF  }
0xa7: {  	s28 =	simm.s32 $_size_execute0_lowered;
	s3 =	sadd.s32 s3, s5;
	[dreg:$0x0] =	wrdreg $0x0  }
0xa8: {  	s5 =	sshll.u32 s28, $0x1;
	[dreg:$0x2] =	wrdreg s3  }
0xa9: {  	[dreg:$0x3] =	wrdreg s5  }
0xaa: {  	[dreg:$0x4] =	wrdreg $0xC0  }
0xab: {  	_ =	task [dreg:s7], $0x5FFFF  }
0xac: {  	[dreg:$0x1] =	wrdreg $0xFFFFFFFF  }
0xad: {  	[dreg:$0x0] =	wrdreg $0x60  }
0xae: {  	[dreg:$0x2] =	wrdreg s24  }
0xaf: {  	[dreg:$0x3] =	wrdreg s2  }
0xb0: {  	[dreg:$0x4] =	wrdreg $0x9  }
0xb1: {  	_ =	task.clear_ibuf [dreg:s7], $0x5FFFF;
	_ =	strace $0x90000049  }
0xb2: {  	s29 =	simm.s32 $0x9;
	_ =	strace $0x8000004B  }
0xb3: {  	_ =	swait.ge [sflag:s29], $0x1  }
0xb4: {  	[sflag:s29] =	ssyncadd.s32 $0xFFFFFFFF  }
0xb5: {  	_ =	strace $0x9000004B  }
0xb6: {  	_ =	sfence  }
0xb7: {  	s30 =	sld [smem:$0x0];
	_ =	sdelay $0x2  }
0xb8: {  	s31 =	sshll.u32 s1, $0xD;
	s1 =	sshrl.u32 s1, $0x2  }
0xb9: {  	s3 =	sand.u32 $0x4000, s31;
	s1 =	sadd.s32 s1, s30  }
0xba: {  	s0 =	sor.u32 s3, s0;
	s1 =	sshll.u32 s1, $0x11  }
0xbb: {  	s0 =	sor.u32 s1, s0  }
0xbc: {  	s0 =	sadd.s32 $0x8F2B, s0  }
0xbd: {  	[sflag:s0] =	ssyncadd.remote.s32 $0x1  }
0xbe: {  	_ =	sfence.sel $0xFFFF  }
0xbf: {  	[dreg:$0x0] =	wrdreg $0xFFFFFFFF;
	(pc) =	sbr.abs _section_cstart, $3  }
0xc0: {  	[dreg:$0x1] =	wrdreg $0xFFFFFFFF  }
0xc1: {  	_ =	task.clear_ibuf [dreg:s7], $0x2FFFF;
	_ =	strace $0x9FFFFFFF  }
0xc2: {  	(tm) =	ssettm $0x7FFFFFFF  }
0xc3: {  	_ =	shalt  }
tec
execute0_lowered:
.L_overlay_start_1:
0x0: {  	(tag) =	ssettag $0x1  }
0x1: {  	s0 =	rddreg [dreg:$0x0];
	s5 =	stileid.u32  }
0x2: {  	s2 =	rddreg [dreg:$0x1];
	s1 =	srdreg.scid  }
0x3: {  	s28 =	simm.s32 $0x1200;
	s30 =	simm.s32 $0x10A00;
	s31 =	simm.s32 $0x10E00  }
0x4: {  	s3 =	sshll.u32 s5, $0x1;
	s1 =	sand.u32 $0x1, s1;
	s8 =	sshrl.u32 s5, $0x2  }
0x5: {  	s11 =	sadd.s32 $0x22C00, s0;
	s5 =	sadd.s32 $0x23000, s0;
	s6 =	sadd.s32 $0x1A3000, s0  }
0x6: {  	s4 =	sand.u32 $0x6, s3;
	s3 =	simm.s32 $0x0;
	s19 =	sshll.u32 s8, $0x7  }
0x7: {  	s10 =	sshll.u32 s8, $0x6;
	s15 =	sor.u32 $0x4, s8;
	s16 =	sor.u32 $0x8, s8  }
0x8: {  	s4 =	sor.u32 s1, s4;
	[smem:$0x7FF] =	sst s3;
	s12 =	sadd.s32 s10, s0  }
0x9: {  	s1 =	ssub.s32 $0x2, s1;
	s17 =	sshll.u32 s15, $0x6;
	s18 =	sshll.u32 s16, $0x6  }
0xa: {  	s10 =	sadd.s32 s11, s10;
	s23 =	sshll.u32 s15, $0x7;
	s24 =	sshll.u32 s16, $0x7  }
0xb: {  	s16 =	sshllo.u32 s8, $0x9;
	s9 =	sshll.u32 s4, $0x4;
	_ =	strace $0x8000004A  }
0xc: {  	s7 =	sshrl.u32 s1, $0x1;
	[dreg:$0x3] =	wrdreg s10;
	s20 =	sadd.s32 s11, s17  }
0xd: {  	s21 =	sadd.s32 s11, s18;
	s22 =	sadd.s32 $0xEC00, s12;
	[dreg:$0x4] =	wrdreg s20  }
0xe: {  	s17 =	sadd.s32 $0x100, s2;
	s4 =	sor.u32 s19, s9;
	[dreg:$0x5] =	wrdreg s21  }
0xf: {  	s1 =	ssub.s32 s1, s7;
	s7 =	sshll.u32 s8, $0x9;
	[dreg:$0x6] =	wrdreg s22  }
0x10: {  	s10 =	sor.u32 s23, s9;
	s9 =	sor.u32 s24, s9;
	s19 =	simm.s32 $0x2  }
0x11: {  	s21 =	simm.s32 $0x7200;
	s23 =	simm.s32 $0x12200;
	s13 =	sshrl.u32 s4, $0x3  }
0x12: {  	s24 =	simm.s32 $0x12600;
	s29 =	smax.u32 s1, $0x1;
	s14 =	sadd.s32 s13, s0  }
0x13: {  	s0 =	sadd.s32 $0xEE00, s0;
	[dreg:$0xb] =	wrdreg s29;
	s25 =	sadd.s32 $0xEA00, s14  }
0x14: {  	v0 =	vlaneseq.u32;
	vm0 =	vmmov $0xffff;
	vm1 =	vmmov $0xff;
	s10 =	sshrl.u32 s10, $0x3;
	s26 =	sadd.s32 s0, s13;
	[dreg:$0x7] =	wrdreg s25  }
0x15: {  	v1 =	vadd.s32 $0x1, v0;
	v2 =	vadd.s32 $0x11, v0;
	v3 =	vadd.s32 $0x21, v0;
	s9 =	sshrl.u32 s9, $0x3;
	s10 =	sadd.s32 s0, s10;
	[dreg:$0x8] =	wrdreg s26  }
0x16: {  	v4 =	vadd.s32 $0x31, v0;
	v6 =	vshrl.u32 v0, $0x3;
	v5 =	vand.u32 $0x7, v0;
	s1 =	simm.s32 $0x11600;
	s0 =	sadd.s32 s0, s9;
	[dreg:$0x9] =	wrdreg s10  }
0x17: {  	v7 =	vor.u32 $0x8, v0;
	v8 =	vadd.s32 $0x41, v0;
	v9 =	vadd.s32 $0x51, v0;
	s13 =	simm.s32 $0x1;
	s9 =	simm.s32 $0x0;
	[dreg:$0xa] =	wrdreg s0  }
0x18: {  	v10 =	vadd.s32 $0x61, v0;
	v11 =	vadd.s32 $0x71, v0;
	v6 =	vmul.u32 $0x8, v6;
	s0 =	simm.s32 $0x11A00;
	s25 =	simm.s32 $0x12E00;
	s26 =	simm.s32 $0x0  }
.LBB2_1:
0x19: {  	[dreg:$0xc] =	wrdreg s9  }
0x1a: {  	s8 =	rddreg [dreg:$0x3]  }
0x1b: {  	[tilespmem:s3], [sflag:$0x2] =	stream.linear.gather [hbm4b:s8+s3], $0x200, $0x38;
	[tilespmem:$0x13200] =	vst v63  }
0x1c: {  	_ =	swait.ge [sflag:s19], $0x200  }
0x1d: {  	[sflag:s19] =	ssyncset.done $0x0  }
0x1e: {  	s18 =	simm.s32 $0x200;
	s15 =	rddreg [dreg:$0x4];
	[sflag:s19] =	ssyncadd.s32 $0xFFFFFE00  }
0x1f: {  	[tilespmem:s18], [sflag:$0x2] =	stream.linear.gather [hbm4b:s15+s3], $0x200, $0x38;
	[tilespmem:$0x13200] =	vst v63  }
0x20: {  	_ =	swait.ge [sflag:s19], $0x200  }
0x21: {  	[sflag:s19] =	ssyncset.done $0x0  }
0x22: {  	s10 =	simm.s32 $0x400;
	s20 =	rddreg [dreg:$0x5];
	[sflag:s19] =	ssyncadd.s32 $0xFFFFFE00  }
0x23: {  	[tilespmem:s10], [sflag:$0x2] =	stream.linear.gather [hbm4b:s20+s3], $0x200, $0x38;
	[tilespmem:$0x13200] =	vst v63  }
0x24: {  	_ =	swait.ge [sflag:s19], $0x200  }
0x25: {  	[sflag:s19] =	ssyncset.done $0x0  }
0x26: {  	s11 =	simm.s32 $0x600;
	s22 =	rddreg [dreg:$0x6];
	[sflag:s19] =	ssyncadd.s32 $0xFFFFFE00  }
0x27: {  	[tilespmem:s11], [sflag:$0x2] =	stream.linear.gather [hbm4b:s22+s3], $0x200, $0x38;
	[tilespmem:$0x13200] =	vst v63  }
0x28: {  	_ =	swait.ge [sflag:s19], $0x200  }
0x29: {  	[sflag:s19] =	ssyncset.done $0x0  }
0x2a: {  	s12 =	simm.s32 $0x800;
	s29 =	rddreg [dreg:$0x7];
	[sflag:s19] =	ssyncadd.s32 $0xFFFFFE00  }
0x2b: {  	[tilespmem:s12], [sflag:$0x2] =	stream.linear.gather [hbm4b:s29+s3], $0x10, $0x38;
	[tilespmem:$0x13200] =	vst v63  }
0x2c: {  	_ =	swait.ge [sflag:s19], $0x10  }
0x2d: {  	[sflag:s19] =	ssyncset.done $0x0  }
0x2e: {  	[sflag:s19] =	ssyncadd.s32 $0xFFFFFFF0  }
0x2f: {  	v12 =	vld [tilespmem:$0x800];
	_ =	sdelay $0x7  }
0x30: {  	v13 =	vld.idx.msk [tilespmem:v12+s3+$0x0], $0xffff  }
0x31: {  	v14 =	vld.idx.msk [tilespmem:v12+s18+$0x0], $0xffff  }
0x32: {  	v15 =	vld.idx.msk [tilespmem:v12+s10+$0x0], $0xffff;
	_ =	sdelay $0x2  }
0x33: {  	v16 =	vshrl.u32 v13, $0x10  }
0x34: {  	v17 =	vshrl.u32 v14, $0x10;
	v16 =	vand.u32 $0x1, v16  }
0x35: {  	[tilespmem:$0x880] =	vst v13;
	v62 =	vshrl.u32 v15, $0x10;
	v61 =	vand.u32 $0x1, v17;
	v13 =	vadd.s32 v16, v13  }
0x36: {  	[tilespmem:$0x900] =	vst v14;
	v63 =	vand.u32 $0x1, v62;
	v14 =	vadd.s32 v61, v14;
	v13 =	vadd.s32 $0x7FFF, v13  }
0x37: {  	[tilespmem:$0x980] =	vst v15;
	v15 =	vadd.s32 v63, v15;
	v14 =	vadd.s32 $0x7FFF, v14;
	v13 =	vand.u32 $0xFFFF0000, v13  }
0x38: {  	[tilespmem:$0xA00] =	vst v13;
	v13 =	vand.u32 $0xFFFF0000, v14;
	v14 =	vadd.s32 $0x7FFF, v15  }
0x39: {  	[tilespmem:$0xA80] =	vst v13;
	v13 =	vand.u32 $0xFFFF0000, v14  }
0x3a: {  	[tilespmem:$0xB00] =	vst v13  }
0x3b: {  	v12 =	vld.idx.msk [tilespmem:v12+s11+$0x0], $0xffff;
	_ =	sdelay $0x4  }
0x3c: {  	s15 =	simm.s32 $0x880;
	s14 =	rddreg [dreg:$0x8];
	[tilespmem:$0xB80] =	vst v12  }
0x3d: {  	[hbm4b:s14+s3] =	stream.linear.scatter [tilespmem:s15], [sflag:$0x2], $0x10, $0x38;
	[tilespmem:$0x13200] =	vst v63  }
0x3e: {  	_ =	swait.ge [sflag:s19], $0x10  }
0x3f: {  	[sflag:s19] =	ssyncset.done $0x0  }
0x40: {  	s20 =	simm.s32 $0x900;
	s18 =	rddreg [dreg:$0x9];
	[sflag:s19] =	ssyncadd.s32 $0xFFFFFFF0  }
0x41: {  	[hbm4b:s18+s3] =	stream.linear.scatter [tilespmem:s20], [sflag:$0x2], $0x10, $0x38;
	[tilespmem:$0x13200] =	vst v63  }
0x42: {  	_ =	swait.ge [sflag:s19], $0x10  }
0x43: {  	[sflag:s19] =	ssyncset.done $0x0  }
0x44: {  	s29 =	simm.s32 $0x980;
	s22 =	rddreg [dreg:$0xa];
	[sflag:s19] =	ssyncadd.s32 $0xFFFFFFF0  }
0x45: {  	[hbm4b:s22+s3] =	stream.linear.scatter [tilespmem:s29], [sflag:$0x2], $0x10, $0x38;
	[tilespmem:$0x13200] =	vst v63  }
0x46: {  	_ =	swait.ge [sflag:s19], $0x10  }
0x47: {  	[sflag:s19] =	ssyncset.done $0x0  }
0x48: {  	s8 =	simm.s32 $0x0;
	[sflag:s19] =	ssyncadd.s32 $0xFFFFFFF0  }
0x49: {  	v13 =	vld [tilespmem:s8+$0x0]  }
0x4a: {  	s9 =	simm.s32 $0x40;
	v12 =	vld [tilespmem:s8+$0x200]  }
.LBB2_2:
0x4b: {  	p0 =	sne.s32 s9, $0x7C0;
	v14 =	vld [tilespmem:s8+$0x400];
	_ =	sdelay $0x2  }
0x4c: {  	v15 =	vshrl.u32 v13, $0x10  }
0x4d: {  	v15 =	vand.u32 $0x1, v15;
	v16 =	vshrl.u32 v12, $0x10  }
0x4e: {  	v13 =	vadd.s32 v15, v13;
	v15 =	vand.u32 $0x1, v16;
	v16 =	vshrl.u32 v14, $0x10  }
.Ltmp0:
0x4f: {  	v13 =	vadd.s32 $0x7FFF, v13;
	v12 =	vadd.s32 v15, v12;
	v15 =	vand.u32 $0x1, v16;
	(pc) =	sbr.rel @p0 .LBB2_2-.Ltmp0, $4  }
0x50: {  	v13 =	vand.u32 $0xFFFF0000, v13;
	v12 =	vadd.s32 $0x7FFF, v12;
	v14 =	vadd.s32 v15, v14  }
0x51: {  	s10 =	sshra.s32 s9, $0x2;
	[tilespmem:s8+$0x0] =	vst v13;
	v12 =	vand.u32 $0xFFFF0000, v12;
	v14 =	vadd.s32 $0x7FFF, v14  }
0x52: {  	v13 =	vld [tilespmem:s10+$0x0];
	[tilespmem:s8+$0x200] =	vst v12;
	v14 =	vand.u32 $0xFFFF0000, v14  }
0x53: {  	s9 =	sadd.s32 $0x40, s9;
	v12 =	vld [tilespmem:s10+$0x200];
	[tilespmem:s8+$0x400] =	vst v14;
	s8 =	smov.u32 s10  }
0x54: {  	v14 =	vld [tilespmem:s8+$0x400];
	_ =	sdelay $0x2  }
0x55: {  	v15 =	vshrl.u32 v13, $0x10  }
0x56: {  	v15 =	vand.u32 $0x1, v15;
	v16 =	vshrl.u32 v12, $0x10  }
0x57: {  	v57 =	vadd.s32 v15, v13;
	v58 =	vand.u32 $0x1, v16;
	v59 =	vshrl.u32 v14, $0x10  }
0x58: {  	v13 =	vadd.s32 $0x7FFF, v57;
	v60 =	vadd.s32 v58, v12;
	v61 =	vand.u32 $0x1, v59  }
0x59: {  	v13 =	vand.u32 $0xFFFF0000, v13;
	v12 =	vadd.s32 $0x7FFF, v60;
	v14 =	vadd.s32 v61, v14  }
0x5a: {  	[tilespmem:s8+$0x0] =	vst v13;
	v12 =	vand.u32 $0xFFFF0000, v12;
	v62 =	vadd.s32 $0x7FFF, v14  }
0x5b: {  	[tilespmem:s8+$0x200] =	vst v12;
	v63 =	vand.u32 $0xFFFF0000, v62  }
0x5c: {  	[tilespmem:s8+$0x400] =	vst v63;
	s8 =	simm.s32 $0x0  }
.LBB2_4:
0x5d: {  	v12 =	vld.msk [tilespmem:s8+$0xA00 ss:$0x0], $0xffff  }
0x5e: {  	v13 =	vld.msk [tilespmem:s8+$0xA80 ss:$0x0], $0xffff  }
0x5f: {  	s9 =	simm.s32 $0x200;
	v16 =	vld [tilespmem:s26+$0x0]  }
0x60: {  	v15 =	vld [tilespmem:s9+$0x0]  }
0x61: {  	v14 =	vld.msk [tilespmem:s8+$0xB00 ss:$0x0], $0xffff;
	s9 =	simm.s32 $0x400  }
0x62: {  	v17 =	vld [tilespmem:s9+$0x0];
	_ =	sdelay $0x2  }
0x63: {  	v16 =	vmul.f32 v16, v12;
	v15 =	vmul.f32 v15, v13;
	_ =	sdelay $0x1  }
0x64: {  	v17 =	vmul.f32 v17, v14;
	v16 =	vadd.f32 v15, v16  }
0x65: {  	v15 =	vld.msk [tilespmem:s8+$0xB80 ss:$0x0], $0xffff  }
0x66: {  	s10 =	simm.s32 $0x600;
	v16 =	vadd.f32 v17, v16  }
0x67: {  	v17 =	vld [tilespmem:s10+$0x0]  }
0x68: {  	v16 =	vadd.f32 v16, v16;
	_ =	sdelay $0x1  }
0x69: {  	v16 =	vsub.f32 v15, v16;
	_ =	sdelay $0x1  }
0x6a: {  	v16 =	vadd.f32 v16, v17  }
0x6b: {  	s11 =	sor.u32 s7, s26  }
0x6c: {  	v17 =	vor.u32 s11, v0;
	vm2 =	vle.f32 v16, $1.599999960e-01  }
0x6d: {  	vm3 =	vle.f32 v16, $6.399999860e-01;
	[tilespmem:s26+$0xC00] =	vst.msk vm2, v17;
	v18 =	vmpcnt.ones.xlane vm2  }
0x6e: {  	s22 =	simm.s32 $0x210;
	v19 =	vmpcnt.ones.xlane vm3;
	[tilespmem:s26+$0xE80] =	vst.msk vm3, v17  }
0x6f: {  	s14 =	simm.s32 $0x20;
	s11 =	simm.s32 $0x10;
	v16 =	vld [tilespmem:s22+$0x0];
	(v2sf) =	vpush v18, $0x0  }
0x70: {  	s20 =	simm.s32 $0x0;
	s12 =	simm.s32 $0x0;
	s15 =	simm.s32 $0x10;
	v17 =	vld [tilespmem:s11+$0x0];
	(v2sf) =	vpush v19, $0x0  }
.LBB2_5:
0x71: {  	p0 =	sne.s32 s14, $0x1F0;
	s9 =	sadd.s32 $0x10, s9  }
0x72: {  	v18 =	vld [tilespmem:s9+$0x0];
	_ =	sdelay $0x2  }
0x73: {  	v16 =	vmul.f32 v16, v13;
	v17 =	vmul.f32 v17, v12;
	_ =	sdelay $0x1  }
0x74: {  	v16 =	vadd.f32 v16, v17;
	v17 =	vmul.f32 v18, v14;
	_ =	sdelay $0x1  }
0x75: {  	s10 =	sadd.s32 $0x10, s10;
	v16 =	vadd.f32 v17, v16  }
0x76: {  	v17 =	vld [tilespmem:s10+$0x0]  }
0x77: {  	v16 =	vadd.f32 v16, v16;
	_ =	sdelay $0x1  }
0x78: {  	v16 =	vsub.f32 v15, v16  }
0x79: {  	s18 =	spop (v2sf)  }
0x7a: {  	v16 =	vadd.f32 v16, v17;
	s20 =	sadd.s32 s20, s18;
	s18 =	spop (v2sf)  }
0x7b: {  	s29 =	sor.u32 s7, s11;
	s11 =	smov.u32 s14;
	s12 =	sadd.s32 s12, s18  }
.Ltmp1:
0x7c: {  	v17 =	vor.u32 s29, v0;
	vm2 =	vle.f32 v16, $1.599999960e-01;
	vm3 =	vle.f32 v16, $6.399999860e-01;
	(pc) =	sbr.rel @p0 .LBB2_5-.Ltmp1, $4  }
0x7d: {  	[tilespmem:s20+$0xC00] =	vst.msk vm2, v17;
	v18 =	vmpcnt.ones.xlane vm2;
	v19 =	vmpcnt.ones.xlane vm3  }
0x7e: {  	s22 =	sadd.s32 $0x10, s22;
	[tilespmem:s12+$0xE80] =	vst.msk vm3, v17  }
0x7f: {  	s15 =	sadd.s32 $0x10, s15;
	v16 =	vld [tilespmem:s22+$0x0];
	(v2sf) =	vpush v18, $0x0  }
0x80: {  	s14 =	sadd.s32 $0x10, s14;
	v17 =	vld [tilespmem:s15+$0x0];
	(v2sf) =	vpush v19, $0x0  }
0x81: {  	s9 =	sadd.s32 $0x10, s9  }
0x82: {  	v18 =	vld [tilespmem:s9+$0x0];
	_ =	sdelay $0x2  }
0x83: {  	v13 =	vmul.f32 v16, v13;
	v12 =	vmul.f32 v17, v12;
	_ =	sdelay $0x1  }
0x84: {  	v12 =	vadd.f32 v13, v12;
	v17 =	vmul.f32 v18, v14;
	_ =	sdelay $0x1  }
0x85: {  	s14 =	sadd.s32 $0x10, s10;
	v12 =	vadd.f32 v17, v12  }
0x86: {  	v18 =	vld [tilespmem:s14+$0x0]  }
0x87: {  	v12 =	vadd.f32 v12, v12;
	_ =	sdelay $0x1  }
0x88: {  	v12 =	vsub.f32 v15, v12;
	_ =	sdelay $0x1  }
0x89: {  	v12 =	vadd.f32 v12, v18;
	_ =	sdelay $0x1  }
0x8a: {  	vm2 =	vle.f32 v12, $1.599999960e-01  }
0x8b: {  	v19 =	vmpcnt.ones.xlane vm2;
	_ =	sdelay $0x1  }
0x8c: {  	(v2sf) =	vpush v19, $0x0;
	_ =	sdelay $0xc  }
0x8d: {  	s15 =	spop (v2sf)  }
0x8e: {  	s11 =	sor.u32 s7, s11;
	s18 =	spop (v2sf)  }
0x8f: {  	v20 =	vor.u32 s11, v0;
	s9 =	sadd.s32 s20, s15;
	s20 =	spop (v2sf)  }
0x90: {  	s10 =	sadd.s32 s12, s18;
	vm3 =	vle.f32 v12, $6.399999860e-01;
	[tilespmem:s9+$0xC00] =	vst.msk vm2, v20;
	s9 =	sadd.s32 s9, s20  }
0x91: {  	[tilespmem:s10+$0xE80] =	vst.msk vm3, v20;
	p0 =	slt.s32 s9, $0x1  }
0x92: {  	v12 =	vld @!p0 [tilespmem:$0xC00];
	_ =	sdelay $0x1  }
0x93: {  	v21 =	vmpcnt.ones.xlane vm3;
	_ =	sdelay $0x1  }
0x94: {  	(v2sf) =	vpush v21, $0x0  }
0x95: {  	(v2sf) =	vpush @!p0 v12, $0x0;
	_ =	sdelay $0xb  }
0x96: {  	v22 =	vld [tilespmem:$0xC00]  }
0x97: {  	p1 =	slt.s32 s9, $0x40  }
0x98: {  	s11 =	spop (v2sf);
	s9 =	simm.s32 @!p1 $0x40  }
0x99: {  	v23 =	vmov s9;
	s12 =	spop @!p0 (v2sf)  }
0x9a: {  	vm2 =	vlt.s32 v23, v1;
	s12 =	smov.u32 @p0 s16  }
0x9b: {  	v12 =	vsel vm2, s12, v22  }
0x9c: {  	v24 =	vshrl.u32 v12, $0x3  }
0x9d: {  	v14 =	vmul.u32 $0x18, v24  }
0x9e: {  	v25 =	vld [tilespmem:$0xC10];
	v26 =	vand.u32 $0x7, v12  }
0x9f: {  	v27 =	vld [tilespmem:$0xC20];
	v14 =	vor.u32 v26, v14  }
0xa0: {  	v28 =	vld [tilespmem:$0xC30];
	v29 =	vperm.xlane v14, v5;
	_ =	sdelay $0x1  }
0xa1: {  	vm2 =	vlt.s32 v23, v2;
	v18 =	vadd.s32 v6, v29  }
0xa2: {  	[tilespmem:$0x1100] =	vst v12;
	v30 =	vsel vm2, s12, v25;
	vm2 =	vlt.s32 v23, v3  }
0xa3: {  	[tilespmem:$0x1110] =	vst v30;
	v31 =	vsel vm2, s12, v27;
	vm2 =	vlt.s32 v23, v4;
	v32 =	vperm.xlane v14, v7  }
0xa4: {  	[tilespmem:$0x1120] =	vst v31;
	v33 =	vsel vm2, s12, v28  }
0xa5: {  	[tilespmem:$0x1130] =	vst v33;
	v34 =	vadd.s32 v6, v32  }
0xa6: {  	[tilespmem:s28], [sflag:$0x1] =	stream.indirect_vreg.gather [hbm4b:s2+s3], $0x80, v18, vm0, $0xb8;
	[tilespmem:$0x13200] =	vst v63  }
0xa7: {  	s22 =	simm.s32 $0x1A00  }
0xa8: {  	[tilespmem:s22], [sflag:$0x1] =	stream.indirect_vreg.gather [hbm4b:s17+s3], $0x80, v18, vm1, $0xb8;
	[tilespmem:$0x13200] =	vst v63  }
0xa9: {  	s29 =	simm.s32 $0x1E00  }
0xaa: {  	[tilespmem:s29], [sflag:$0x1] =	stream.indirect_vreg.gather [hbm4b:s2+s3], $0x80, v34, vm0, $0xb8;
	[tilespmem:$0x13200] =	vst v63  }
0xab: {  	s12 =	simm.s32 $0x2600  }
0xac: {  	[tilespmem:s12], [sflag:$0x1] =	stream.indirect_vreg.gather [hbm4b:s17+s3], $0x80, v34, vm1, $0xb8;
	[tilespmem:$0x13200] =	vst v63  }
0xad: {  	v12 =	vld [tilespmem:$0x1110];
	_ =	sdelay $0x4  }
0xae: {  	v35 =	vshrl.u32 v12, $0x3  }
0xaf: {  	v13 =	vmul.u32 $0x18, v35  }
0xb0: {  	v12 =	vand.u32 $0x7, v12  }
0xb1: {  	v12 =	vor.u32 v12, v13  }
0xb2: {  	v13 =	vperm.xlane v12, v5;
	_ =	sdelay $0x1  }
0xb3: {  	v13 =	vadd.s32 v6, v13;
	_ =	sdelay $0x1  }
0xb4: {  	v12 =	vperm.xlane v12, v7;
	_ =	sdelay $0x1  }
0xb5: {  	s14 =	simm.s32 $0x2A00;
	v12 =	vadd.s32 v6, v12  }
0xb6: {  	[tilespmem:s14], [sflag:$0x1] =	stream.indirect_vreg.gather [hbm4b:s2+s3], $0x80, v13, vm0, $0xb8;
	[tilespmem:$0x13200] =	vst v63  }
0xb7: {  	s15 =	simm.s32 $0x3200  }
0xb8: {  	[tilespmem:s15], [sflag:$0x1] =	stream.indirect_vreg.gather [hbm4b:s17+s3], $0x80, v13, vm1, $0xb8;
	[tilespmem:$0x13200] =	vst v63  }
0xb9: {  	s18 =	simm.s32 $0x3600  }
0xba: {  	[tilespmem:s18], [sflag:$0x1] =	stream.indirect_vreg.gather [hbm4b:s2+s3], $0x80, v12, vm0, $0xb8;
	[tilespmem:$0x13200] =	vst v63  }
0xbb: {  	s20 =	simm.s32 $0x3E00  }
0xbc: {  	[tilespmem:s20], [sflag:$0x1] =	stream.indirect_vreg.gather [hbm4b:s17+s3], $0x80, v12, vm1, $0xb8;
	[tilespmem:$0x13200] =	vst v63  }
0xbd: {  	v12 =	vld [tilespmem:$0x1120];
	_ =	sdelay $0x4  }
0xbe: {  	v36 =	vshrl.u32 v12, $0x3  }
0xbf: {  	v13 =	vmul.u32 $0x18, v36  }
0xc0: {  	v12 =	vand.u32 $0x7, v12  }
0xc1: {  	v12 =	vor.u32 v12, v13  }
0xc2: {  	v13 =	vperm.xlane v12, v5;
	_ =	sdelay $0x1  }
0xc3: {  	v13 =	vadd.s32 v6, v13;
	_ =	sdelay $0x1  }
0xc4: {  	v12 =	vperm.xlane v12, v7;
	_ =	sdelay $0x1  }
0xc5: {  	s22 =	simm.s32 $0x4200;
	v12 =	vadd.s32 v6, v12  }
0xc6: {  	[tilespmem:s22], [sflag:$0x1] =	stream.indirect_vreg.gather [hbm4b:s2+s3], $0x80, v13, vm0, $0xb8;
	[tilespmem:$0x13200] =	vst v63  }
0xc7: {  	s29 =	simm.s32 $0x4A00  }
0xc8: {  	[tilespmem:s29], [sflag:$0x1] =	stream.indirect_vreg.gather [hbm4b:s17+s3], $0x80, v13, vm1, $0xb8;
	[tilespmem:$0x13200] =	vst v63  }
0xc9: {  	s12 =	simm.s32 $0x4E00  }
0xca: {  	[tilespmem:s12], [sflag:$0x1] =	stream.indirect_vreg.gather [hbm4b:s2+s3], $0x80, v12, vm0, $0xb8;
	[tilespmem:$0x13200] =	vst v63  }
0xcb: {  	s14 =	simm.s32 $0x5600  }
0xcc: {  	[tilespmem:s14], [sflag:$0x1] =	stream.indirect_vreg.gather [hbm4b:s17+s3], $0x80, v12, vm1, $0xb8;
	[tilespmem:$0x13200] =	vst v63  }
0xcd: {  	v12 =	vld [tilespmem:$0x1130];
	_ =	sdelay $0x4  }
0xce: {  	v37 =	vshrl.u32 v12, $0x3  }
0xcf: {  	v13 =	vmul.u32 $0x18, v37  }
0xd0: {  	v12 =	vand.u32 $0x7, v12  }
0xd1: {  	v12 =	vor.u32 v12, v13  }
0xd2: {  	v13 =	vperm.xlane v12, v5;
	_ =	sdelay $0x1  }
0xd3: {  	v13 =	vadd.s32 v6, v13;
	_ =	sdelay $0x1  }
0xd4: {  	v12 =	vperm.xlane v12, v7;
	_ =	sdelay $0x1  }
0xd5: {  	s15 =	simm.s32 $0x5A00;
	v12 =	vadd.s32 v6, v12  }
0xd6: {  	[tilespmem:s15], [sflag:$0x1] =	stream.indirect_vreg.gather [hbm4b:s2+s3], $0x80, v13, vm0, $0xb8;
	[tilespmem:$0x13200] =	vst v63  }
0xd7: {  	s18 =	simm.s32 $0x6200  }
0xd8: {  	[tilespmem:s18], [sflag:$0x1] =	stream.indirect_vreg.gather [hbm4b:s17+s3], $0x80, v13, vm1, $0xb8;
	[tilespmem:$0x13200] =	vst v63  }
0xd9: {  	s20 =	simm.s32 $0x6600  }
0xda: {  	[tilespmem:s20], [sflag:$0x1] =	stream.indirect_vreg.gather [hbm4b:s2+s3], $0x80, v12, vm0, $0xb8;
	[tilespmem:$0x13200] =	vst v63  }
0xdb: {  	s9 =	sor.u32 s4, s8;
	s22 =	simm.s32 $0x6E00  }
0xdc: {  	[tilespmem:s22], [sflag:$0x1] =	stream.indirect_vreg.gather [hbm4b:s17+s3], $0x80, v12, vm1, $0xb8;
	[tilespmem:$0x13200] =	vst v63  }
0xdd: {  	s29 =	smul.u32 $0xC00, s9;
	_ =	swait.ge [sflag:s13], $0x6000  }
0xde: {  	[sflag:s13] =	ssyncset.done $0x0  }
0xdf: {  	s12 =	sadd.s32 s5, s29;
	[sflag:s13] =	ssyncadd.s32 $0xFFFFA000  }
0xe0: {  	[hbm4b:s12+s3] =	stream.linear.scatter [tilespmem:s28], [sflag:$0x2], $0x6000, $0x38;
	[tilespmem:$0x13200] =	vst v63  }
0xe1: {  	_ =	swait.ge [sflag:s19], $0x6000  }
0xe2: {  	s10 =	sadd.s32 s10, s11;
	[sflag:s19] =	ssyncset.done $0x0  }
0xe3: {  	p0 =	slt.s32 s10, $0x1;
	[sflag:s19] =	ssyncadd.s32 $0xFFFFA000  }
0xe4: {  	v12 =	vld @!p0 [tilespmem:$0xE80];
	_ =	sdelay $0x4  }
0xe5: {  	(v2sf) =	vpush @!p0 v12, $0x0;
	_ =	sdelay $0xb  }
0xe6: {  	v38 =	vld [tilespmem:$0xE80]  }
0xe7: {  	p1 =	slt.s32 s10, $0x80  }
0xe8: {  	s10 =	simm.s32 @!p1 $0x80  }
0xe9: {  	v39 =	vmov s10;
	s10 =	spop @!p0 (v2sf)  }
0xea: {  	vm2 =	vlt.s32 v39, v1;
	v40 =	vld [tilespmem:$0xE90];
	s10 =	smov.u32 @p0 s16  }
0xeb: {  	v41 =	vld [tilespmem:$0xEA0];
	v12 =	vsel vm2, s10, v38  }
0xec: {  	v42 =	vld [tilespmem:$0xEB0];
	v43 =	vshrl.u32 v12, $0x3  }
0xed: {  	v44 =	vld [tilespmem:$0xEC0];
	v17 =	vmul.u32 $0x18, v43  }
0xee: {  	v19 =	vld [tilespmem:$0xED0];
	vm2 =	vlt.s32 v39, v2;
	v20 =	vand.u32 $0x7, v12  }
0xef: {  	v46 =	vld [tilespmem:$0xEE0];
	[tilespmem:$0x1180] =	vst v12;
	v45 =	vsel vm2, s10, v40;
	vm2 =	vlt.s32 v39, v3;
	v17 =	vor.u32 v20, v17  }
0xf0: {  	v48 =	vld [tilespmem:$0xEF0];
	[tilespmem:$0x1190] =	vst v45;
	v47 =	vsel vm2, s10, v41;
	vm2 =	vlt.s32 v39, v4;
	v20 =	vperm.xlane v17, v5  }
0xf1: {  	[tilespmem:$0x11A0] =	vst v47;
	v49 =	vsel vm2, s10, v42;
	vm2 =	vlt.s32 v39, v8  }
0xf2: {  	[tilespmem:$0x11B0] =	vst v49;
	v50 =	vsel vm2, s10, v44;
	vm2 =	vlt.s32 v39, v9;
	v51 =	vadd.s32 v6, v20  }
0xf3: {  	[tilespmem:$0x11C0] =	vst v50;
	v52 =	vsel vm2, s10, v19;
	vm2 =	vlt.s32 v39, v10  }
0xf4: {  	v54 =	vperm.xlane v17, v7;
	[tilespmem:$0x11D0] =	vst v52;
	v53 =	vsel vm2, s10, v46;
	vm2 =	vlt.s32 v39, v11  }
0xf5: {  	v55 =	vsel vm2, s10, v48;
	[tilespmem:$0x11E0] =	vst v53  }
0xf6: {  	v56 =	vadd.s32 v6, v54;
	[tilespmem:$0x11F0] =	vst v55  }
0xf7: {  	[tilespmem:s21], [sflag:$0x1] =	stream.indirect_vreg.gather [hbm4b:s2+s3], $0x80, v51, vm0, $0xb8;
	[tilespmem:$0x13200] =	vst v63  }
0xf8: {  	s11 =	simm.s32 $0x7A00  }
0xf9: {  	[tilespmem:s11], [sflag:$0x1] =	stream.indirect_vreg.gather [hbm4b:s17+s3], $0x80, v51, vm1, $0xb8;
	[tilespmem:$0x13200] =	vst v63  }
0xfa: {  	s12 =	simm.s32 $0x7E00  }
0xfb: {  	[tilespmem:s12], [sflag:$0x1] =	stream.indirect_vreg.gather [hbm4b:s2+s3], $0x80, v56, vm0, $0xb8;
	[tilespmem:$0x13200] =	vst v63  }
0xfc: {  	s14 =	simm.s32 $0x8600  }
0xfd: {  	[tilespmem:s14], [sflag:$0x1] =	stream.indirect_vreg.gather [hbm4b:s17+s3], $0x80, v56, vm1, $0xb8;
	[tilespmem:$0x13200] =	vst v63  }
0xfe: {  	v12 =	vld [tilespmem:$0x1190];
	_ =	sdelay $0x4  }
0xff: {  	v57 =	vshrl.u32 v12, $0x3  }
0x100: {  	v13 =	vmul.u32 $0x18, v57  }
0x101: {  	v12 =	vand.u32 $0x7, v12  }
0x102: {  	v12 =	vor.u32 v12, v13  }
0x103: {  	v13 =	vperm.xlane v12, v5;
	_ =	sdelay $0x1  }
0x104: {  	v13 =	vadd.s32 v6, v13;
	_ =	sdelay $0x1  }
0x105: {  	v12 =	vperm.xlane v12, v7;
	_ =	sdelay $0x1  }
0x106: {  	s15 =	simm.s32 $0x8A00;
	v12 =	vadd.s32 v6, v12  }
0x107: {  	[tilespmem:s15], [sflag:$0x1] =	stream.indirect_vreg.gather [hbm4b:s2+s3], $0x80, v13, vm0, $0xb8;
	[tilespmem:$0x13200] =	vst v63  }
0x108: {  	s18 =	simm.s32 $0x9200  }
0x109: {  	[tilespmem:s18], [sflag:$0x1] =	stream.indirect_vreg.gather [hbm4b:s17+s3], $0x80, v13, vm1, $0xb8;
	[tilespmem:$0x13200] =	vst v63  }
0x10a: {  	s20 =	simm.s32 $0x9600  }
0x10b: {  	[tilespmem:s20], [sflag:$0x1] =	stream.indirect_vreg.gather [hbm4b:s2+s3], $0x80, v12, vm0, $0xb8;
	[tilespmem:$0x13200] =	vst v63  }
0x10c: {  	s22 =	simm.s32 $0x9E00  }
0x10d: {  	[tilespmem:s22], [sflag:$0x1] =	stream.indirect_vreg.gather [hbm4b:s17+s3], $0x80, v12, vm1, $0xb8;
	[tilespmem:$0x13200] =	vst v63  }
0x10e: {  	v12 =	vld [tilespmem:$0x11A0];
	_ =	sdelay $0x4  }
0x10f: {  	v58 =	vshrl.u32 v12, $0x3  }
0x110: {  	v13 =	vmul.u32 $0x18, v58  }
0x111: {  	v12 =	vand.u32 $0x7, v12  }
0x112: {  	v12 =	vor.u32 v12, v13  }
0x113: {  	v13 =	vperm.xlane v12, v5;
	_ =	sdelay $0x1  }
0x114: {  	v13 =	vadd.s32 v6, v13;
	_ =	sdelay $0x1  }
0x115: {  	v12 =	vperm.xlane v12, v7;
	_ =	sdelay $0x1  }
0x116: {  	s29 =	simm.s32 $0xA200;
	v12 =	vadd.s32 v6, v12  }
0x117: {  	[tilespmem:s29], [sflag:$0x1] =	stream.indirect_vreg.gather [hbm4b:s2+s3], $0x80, v13, vm0, $0xb8;
	[tilespmem:$0x13200] =	vst v63  }
0x118: {  	s11 =	simm.s32 $0xAA00  }
0x119: {  	[tilespmem:s11], [sflag:$0x1] =	stream.indirect_vreg.gather [hbm4b:s17+s3], $0x80, v13, vm1, $0xb8;
	[tilespmem:$0x13200] =	vst v63  }
0x11a: {  	s12 =	simm.s32 $0xAE00  }
0x11b: {  	[tilespmem:s12], [sflag:$0x1] =	stream.indirect_vreg.gather [hbm4b:s2+s3], $0x80, v12, vm0, $0xb8;
	[tilespmem:$0x13200] =	vst v63  }
0x11c: {  	s14 =	simm.s32 $0xB600  }
0x11d: {  	[tilespmem:s14], [sflag:$0x1] =	stream.indirect_vreg.gather [hbm4b:s17+s3], $0x80, v12, vm1, $0xb8;
	[tilespmem:$0x13200] =	vst v63  }
0x11e: {  	v12 =	vld [tilespmem:$0x11B0];
	_ =	sdelay $0x4  }
0x11f: {  	v59 =	vshrl.u32 v12, $0x3  }
0x120: {  	v13 =	vmul.u32 $0x18, v59  }
0x121: {  	v12 =	vand.u32 $0x7, v12  }
0x122: {  	v12 =	vor.u32 v12, v13  }
0x123: {  	v13 =	vperm.xlane v12, v5;
	_ =	sdelay $0x1  }
0x124: {  	v13 =	vadd.s32 v6, v13;
	_ =	sdelay $0x1  }
0x125: {  	v12 =	vperm.xlane v12, v7;
	_ =	sdelay $0x1  }
0x126: {  	s15 =	simm.s32 $0xBA00;
	v12 =	vadd.s32 v6, v12  }
0x127: {  	[tilespmem:s15], [sflag:$0x1] =	stream.indirect_vreg.gather [hbm4b:s2+s3], $0x80, v13, vm0, $0xb8;
	[tilespmem:$0x13200] =	vst v63  }
0x128: {  	s18 =	simm.s32 $0xC200  }
0x129: {  	[tilespmem:s18], [sflag:$0x1] =	stream.indirect_vreg.gather [hbm4b:s17+s3], $0x80, v13, vm1, $0xb8;
	[tilespmem:$0x13200] =	vst v63  }
0x12a: {  	s20 =	simm.s32 $0xC600  }
0x12b: {  	[tilespmem:s20], [sflag:$0x1] =	stream.indirect_vreg.gather [hbm4b:s2+s3], $0x80, v12, vm0, $0xb8;
	[tilespmem:$0x13200] =	vst v63  }
0x12c: {  	s22 =	simm.s32 $0xCE00  }
0x12d: {  	[tilespmem:s22], [sflag:$0x1] =	stream.indirect_vreg.gather [hbm4b:s17+s3], $0x80, v12, vm1, $0xb8;
	[tilespmem:$0x13200] =	vst v63  }
0x12e: {  	v12 =	vld [tilespmem:$0x11C0];
	_ =	sdelay $0x4  }
0x12f: {  	v60 =	vshrl.u32 v12, $0x3  }
0x130: {  	v13 =	vmul.u32 $0x18, v60  }
0x131: {  	v12 =	vand.u32 $0x7, v12  }
0x132: {  	v12 =	vor.u32 v12, v13  }
0x133: {  	v13 =	vperm.xlane v12, v5;
	_ =	sdelay $0x1  }
0x134: {  	v13 =	vadd.s32 v6, v13;
	_ =	sdelay $0x1  }
0x135: {  	v12 =	vperm.xlane v12, v7;
	_ =	sdelay $0x1  }
0x136: {  	s29 =	simm.s32 $0xD200;
	v12 =	vadd.s32 v6, v12  }
0x137: {  	[tilespmem:s29], [sflag:$0x1] =	stream.indirect_vreg.gather [hbm4b:s2+s3], $0x80, v13, vm0, $0xb8;
	[tilespmem:$0x13200] =	vst v63  }
0x138: {  	s11 =	simm.s32 $0xDA00  }
0x139: {  	[tilespmem:s11], [sflag:$0x1] =	stream.indirect_vreg.gather [hbm4b:s17+s3], $0x80, v13, vm1, $0xb8;
	[tilespmem:$0x13200] =	vst v63  }
0x13a: {  	s12 =	simm.s32 $0xDE00  }
0x13b: {  	[tilespmem:s12], [sflag:$0x1] =	stream.indirect_vreg.gather [hbm4b:s2+s3], $0x80, v12, vm0, $0xb8;
	[tilespmem:$0x13200] =	vst v63  }
0x13c: {  	s14 =	simm.s32 $0xE600  }
0x13d: {  	[tilespmem:s14], [sflag:$0x1] =	stream.indirect_vreg.gather [hbm4b:s17+s3], $0x80, v12, vm1, $0xb8;
	[tilespmem:$0x13200] =	vst v63  }
0x13e: {  	v12 =	vld [tilespmem:$0x11D0];
	_ =	sdelay $0x4  }
0x13f: {  	v61 =	vshrl.u32 v12, $0x3  }
0x140: {  	v13 =	vmul.u32 $0x18, v61  }
0x141: {  	v12 =	vand.u32 $0x7, v12  }
0x142: {  	v12 =	vor.u32 v12, v13  }
0x143: {  	v13 =	vperm.xlane v12, v5;
	_ =	sdelay $0x1  }
0x144: {  	v13 =	vadd.s32 v6, v13;
	_ =	sdelay $0x1  }
0x145: {  	v12 =	vperm.xlane v12, v7;
	_ =	sdelay $0x1  }
0x146: {  	s15 =	simm.s32 $0xEA00;
	v12 =	vadd.s32 v6, v12  }
0x147: {  	[tilespmem:s15], [sflag:$0x1] =	stream.indirect_vreg.gather [hbm4b:s2+s3], $0x80, v13, vm0, $0xb8;
	[tilespmem:$0x13200] =	vst v63  }
0x148: {  	s18 =	simm.s32 $0xF200  }
0x149: {  	[tilespmem:s18], [sflag:$0x1] =	stream.indirect_vreg.gather [hbm4b:s17+s3], $0x80, v13, vm1, $0xb8;
	[tilespmem:$0x13200] =	vst v63  }
0x14a: {  	s20 =	simm.s32 $0xF600  }
0x14b: {  	[tilespmem:s20], [sflag:$0x1] =	stream.indirect_vreg.gather [hbm4b:s2+s3], $0x80, v12, vm0, $0xb8;
	[tilespmem:$0x13200] =	vst v63  }
0x14c: {  	s22 =	simm.s32 $0xFE00  }
0x14d: {  	[tilespmem:s22], [sflag:$0x1] =	stream.indirect_vreg.gather [hbm4b:s17+s3], $0x80, v12, vm1, $0xb8;
	[tilespmem:$0x13200] =	vst v63  }
0x14e: {  	v12 =	vld [tilespmem:$0x11E0];
	_ =	sdelay $0x4  }
0x14f: {  	v62 =	vshrl.u32 v12, $0x3  }
0x150: {  	v13 =	vmul.u32 $0x18, v62  }
0x151: {  	v12 =	vand.u32 $0x7, v12  }
0x152: {  	v12 =	vor.u32 v12, v13  }
0x153: {  	v13 =	vperm.xlane v12, v5;
	_ =	sdelay $0x1  }
0x154: {  	v13 =	vadd.s32 v6, v13;
	_ =	sdelay $0x1  }
0x155: {  	v12 =	vperm.xlane v12, v7;
	_ =	sdelay $0x1  }
0x156: {  	s29 =	simm.s32 $0x10200;
	v12 =	vadd.s32 v6, v12  }
0x157: {  	[tilespmem:s29], [sflag:$0x1] =	stream.indirect_vreg.gather [hbm4b:s2+s3], $0x80, v13, vm0, $0xb8;
	[tilespmem:$0x13200] =	vst v63  }
0x158: {  	_ = 	snop  }
0x159: {  	[tilespmem:s30], [sflag:$0x1] =	stream.indirect_vreg.gather [hbm4b:s17+s3], $0x80, v13, vm1, $0xb8;
	[tilespmem:$0x13200] =	vst v63  }
0x15a: {  	_ = 	snop  }
0x15b: {  	[tilespmem:s31], [sflag:$0x1] =	stream.indirect_vreg.gather [hbm4b:s2+s3], $0x80, v12, vm0, $0xb8;
	[tilespmem:$0x13200] =	vst v63  }
0x15c: {  	_ = 	snop  }
0x15d: {  	[tilespmem:s1], [sflag:$0x1] =	stream.indirect_vreg.gather [hbm4b:s17+s3], $0x80, v12, vm1, $0xb8;
	[tilespmem:$0x13200] =	vst v63  }
0x15e: {  	v12 =	vld [tilespmem:$0x11F0];
	_ =	sdelay $0x4  }
0x15f: {  	v63 =	vshrl.u32 v12, $0x3  }
0x160: {  	v13 =	vmul.u32 $0x18, v63  }
0x161: {  	v12 =	vand.u32 $0x7, v12  }
0x162: {  	v12 =	vor.u32 v12, v13  }
0x163: {  	v13 =	vperm.xlane v12, v5;
	_ =	sdelay $0x1  }
0x164: {  	v13 =	vadd.s32 v6, v13;
	_ =	sdelay $0x1  }
0x165: {  	v12 =	vperm.xlane v12, v7;
	_ =	sdelay $0x1  }
0x166: {  	v12 =	vadd.s32 v6, v12  }
0x167: {  	[tilespmem:s0], [sflag:$0x1] =	stream.indirect_vreg.gather [hbm4b:s2+s3], $0x80, v13, vm0, $0xb8;
	[tilespmem:$0x13200] =	vst v63  }
0x168: {  	_ = 	snop  }
0x169: {  	[tilespmem:s23], [sflag:$0x1] =	stream.indirect_vreg.gather [hbm4b:s17+s3], $0x80, v13, vm1, $0xb8;
	[tilespmem:$0x13200] =	vst v63  }
0x16a: {  	_ = 	snop  }
0x16b: {  	[tilespmem:s24], [sflag:$0x1] =	stream.indirect_vreg.gather [hbm4b:s2+s3], $0x80, v12, vm0, $0xb8;
	[tilespmem:$0x13200] =	vst v63  }
0x16c: {  	_ = 	snop  }
0x16d: {  	[tilespmem:s25], [sflag:$0x1] =	stream.indirect_vreg.gather [hbm4b:s17+s3], $0x80, v12, vm1, $0xb8;
	[tilespmem:$0x13200] =	vst v63  }
0x16e: {  	s8 =	sadd.s32 $0x1, s8;
	s9 =	smul.u32 $0x1800, s9;
	_ =	swait.ge [sflag:s13], $0xC000  }
0x16f: {  	p0 =	sne.s32 s8, $0x10;
	[sflag:s13] =	ssyncset.done $0x0  }
.Ltmp2:
0x170: {  	s9 =	sadd.s32 s6, s9;
	[sflag:s13] =	ssyncadd.s32 $0xFFFF4000;
	(pc) =	sbr.rel @p0 .LBB2_4-.Ltmp2, $4  }
0x171: {  	[hbm4b:s9+s3] =	stream.linear.scatter [tilespmem:s21], [sflag:$0x2], $0xC000, $0x38;
	[tilespmem:$0x13200] =	vst v63  }
0x172: {  	_ =	swait.ge [sflag:s19], $0xC000  }
0x173: {  	[sflag:s19] =	ssyncset.done $0x0  }
0x174: {  	[sflag:s19] =	ssyncadd.s32 $0xFFFF4000  }
0x175: {  	s9 =	rddreg [dreg:$0xc]  }
0x176: {  	s8 =	rddreg [dreg:$0xb];
	s9 =	sadd.s32 $0x1, s9  }
0x177: {  	p0 =	sne.s32 s9, s8  }
.Ltmp3:
0x178: {  	_ = 	snop;
	(pc) =	sbr.rel @p0 .LBB2_1-.Ltmp3, $1  }
0x179: {  	_ =	sdelay $0x3  }
0x17a: {  	_ =	sfence.sel $0x180000  }
0x17b: {  	[bflag:$0x0] =	sbarrier.arrive $0xFFFF  }
0x17c: {  	_ =	strace $0x9000004A  }
0x17d: {  	s0 =	stileid.u32;
	[bflag:$0x2] =	sbarrier.arrive $0xFFFF  }
0x17e: {  	p0 =	sne.s32 s0, $0x0;
	s0 =	rddreg [dreg:$0x2]  }
0x17f: {  	s0 =	sadd.s32 @!p0 $0x100000, s0  }
0x180: {  	[sflag:s0] =	ssyncadd.tile.s32 @!p0 $0x1;
	_ =	shalt  }
.Lfunc_end2:
_tile_overlayer_lowered:
.L_overlay_start_2:
0x181: {  	(tag) =	ssettag $0x2  }
0x182: {  	s0 =	rddreg [dreg:$0x0];
	s2 =	stileid.u32  }
0x183: {  	s1 =	rddreg [dreg:$0x1];
	p0 =	sne.s32 s2, $0x0  }
0x184: {  	s3 =	rddreg [dreg:$0x2];
	[bflag:$0x3] =	sbarrier.arrive $0xFFFF;
	s2 =	simm.s32 @!p0 $0x1C02  }
0x185: {  	[timem:s3], [sflag:s2] =	dma.local @!p0 [hbm:s0], s1  }
0x186: {  	s0 =	simm.s32 @!p0 $0x2  }
0x187: {  	_ =	swait.ge @!p0 [sflag:s0], s1  }
0x188: {  	s1 =	ssub.s32 @!p0 $0x0, s1;
	[sflag:s0] =	ssyncset.done @!p0 $0x0  }
0x189: {  	[sflag:s0] =	ssyncadd.s32 @!p0 s1  }
0x18a: {  	[bflag:$0x3] =	sbarrier.arrive $0xFFFF  }
0x18b: {  	_ =	shalt  }

</sc_bundles>
